<compile_context>
chip_gen: v7x
topology: tpu7x:2x2x1
jax: 0.10.2.dev20260603
libtpu: 0.0.44.dev20260713+nightly
codegen_flags: <defaults>
</compile_context>

<pallas_src>
import functools
import numpy as np
import jax
import jax.numpy as jnp
from jax import lax
from jax.experimental import pallas as pl
from jax.experimental.pallas import tpu as pltpu
from jax.experimental.pallas import tpu_sc as plsc

_N = 10000
_E = 320000
_D = 128
_H = 8
_C = 8
_HC = _H * _C
_NC = 2
_NS = 16
_NW = _NC * _NS
_ET = _E // _NW
_CH = 80
_ITERS = _ET // _CH
_STRIPE = 632
_NP = _STRIPE * _NS
_BLK = 400
_F32 = jnp.float32


def _elu(v):
    return jnp.where(v > 0, v, jnp.exp(v) - 1.0)


def _tc_pre_body(x_ref, w_ref, a_ref, t1_ref, t2_ref, xsb_ref):
    xs = jnp.dot(x_ref[...], w_ref[...], preferred_element_type=_F32)
    t12 = jnp.dot(xs, a_ref[...], preferred_element_type=_F32)
    t1_ref[...] = t12[:, :16]
    t2_ref[...] = t12[:, 16:]
    xsb_ref[...] = xs.astype(jnp.bfloat16)


def _tc_pre(x, W, A):
    grid = _N // _BLK
    return pl.pallas_call(
        _tc_pre_body,
        grid=(grid,),
        in_specs=[
            pl.BlockSpec((_BLK, _D), lambda i: (i, 0)),
            pl.BlockSpec((_D, _HC), lambda i: (0, 0)),
            pl.BlockSpec((_HC, 32), lambda i: (0, 0)),
        ],
        out_specs=[
            pl.BlockSpec((_BLK, 16), lambda i: (i, 0)),
            pl.BlockSpec((_BLK, 16), lambda i: (i, 0)),
            pl.BlockSpec((_BLK, _HC), lambda i: (i, 0)),
        ],
        out_shape=[
            jax.ShapeDtypeStruct((_N, 16), _F32),
            jax.ShapeDtypeStruct((_N, 16), _F32),
            jax.ShapeDtypeStruct((_N, _HC), jnp.bfloat16),
        ],
    )(x, W, A)


def _tc_post_body(dp_ref, ap_ref, b_ref, mw_ref, mb_ref,
                  r_ref, m_ref, out_ref, dent_ref):
    den = dp_ref[0] + dp_ref[1]
    agg = ap_ref[0] + ap_ref[1]
    dent_ref[...] = 1.0 / (den + 1e-16)
    den64 = jnp.dot(den, r_ref[...], preferred_element_type=_F32) + 1e-16
    agn = agg / den64
    m = jnp.dot(agn, m_ref[...], preferred_element_type=_F32) + b_ref[...]
    m = _elu(m)
    h2 = jnp.dot(m, mw_ref[...], preferred_element_type=_F32) + mb_ref[...]
    out_ref[...] = _elu(h2)


def _tc_post(dp, ap, bias2, mlp_W, mlp_b2, R16, M):
    grid = _N // _BLK
    return pl.pallas_call(
        _tc_post_body,
        grid=(grid,),
        in_specs=[
            pl.BlockSpec((2, _BLK, 16), lambda i: (0, i, 0)),
            pl.BlockSpec((2, _BLK, _HC), lambda i: (0, i, 0)),
            pl.BlockSpec((1, _C), lambda i: (0, 0)),
            pl.BlockSpec((_C, 16), lambda i: (0, 0)),
            pl.BlockSpec((1, 16), lambda i: (0, 0)),
            pl.BlockSpec((16, _HC), lambda i: (0, 0)),
            pl.BlockSpec((_HC, _C), lambda i: (0, 0)),
        ],
        out_specs=[
            pl.BlockSpec((_BLK, 16), lambda i: (i, 0)),
            pl.BlockSpec((_BLK, 16), lambda i: (i, 0)),
        ],
        out_shape=[
            jax.ShapeDtypeStruct((_N, 16), _F32),
            jax.ShapeDtypeStruct((_N, 16), _F32),
        ],
    )(dp, ap, bias2, mlp_W, mlp_b2, R16, M)


def _sc1_body(src3_h, dst3_h, t1_h, t2_h, xsb_h, ex_h, denp_h, aggp_h,
              isrc, idst, buf_s0, buf_d0, bx0, buf_s1, buf_d1, bx1,
              exb0, msgb0, exb1, msgb1, den_sh, agg_sh,
              sa0, sb0, sx0, sa1, sb1, sx1):
    c = lax.axis_index("c")
    s = lax.axis_index("s")
    wid = c * _NS + s
    rbase = pl.multiple_of(s * _STRIPE, 8)
    ebase = wid * _ET

    lane = lax.iota(jnp.int32, 16)
    pks = [4 * k2 + (lane >> 2) for k2 in range(2)]
    zero16 = jnp.zeros((16,), _F32)

    slots = (
        (buf_s0, buf_d0, bx0, exb0, msgb0, sa0, sb0, sx0),
        (buf_s1, buf_d1, bx1, exb1, msgb1, sa1, sb1, sx1),
    )

    def zbody(j, carry):
        exb0[j, :] = zero16
        for k in range(4):
            msgb0[j, pl.ds(16 * k, 16)] = zero16
        return carry

    lax.fori_loop(0, _CH, zbody, 0)
    for off in range(0, _STRIPE, _CH):
        n = min(_CH, _STRIPE - off)
        ro = pl.multiple_of(rbase + off, 8)
        pltpu.sync_copy(msgb0.at[pl.ds(0, n)], agg_sh.at[pl.ds(ro, n)])
        pltpu.sync_copy(exb0.at[pl.ds(0, n)], den_sh.at[pl.ds(ro, n)])
    plsc.subcore_barrier()

    pltpu.sync_copy(src3_h.at[wid], isrc)
    pltpu.sync_copy(dst3_h.at[wid], idst)

    def fire(i, sl):
        b_s, b_d, b_x, _, _, s1, s2, s3 = sl
        pltpu.async_copy(t1_h.at[isrc.at[i]], b_s, s1)
        pltpu.async_copy(t2_h.at[idst.at[i]], b_d, s2)
        pltpu.async_copy(xsb_h.at[isrc.at[i]], b_x, s3)

    def drain(i, sl):
        b_s, b_d, b_x, _, _, s1, s2, s3 = sl
        pltpu.make_async_copy(t1_h.at[isrc.at[i]], b_s, s1).wait()
        pltpu.make_async_copy(t2_h.at[idst.at[i]], b_d, s2).wait()
        pltpu.make_async_copy(xsb_h.at[isrc.at[i]], b_x, s3).wait()

    def compute(i, sl):
        b_s, b_d, b_x, exb, msgb, _, _, _ = sl

        def jbody(j, jcarry):
            al = b_s[j, :] + b_d[j, :]
            al = jnp.where(al > 0, al, al * 0.2)
            ev = jnp.exp(al)
            exb[j, :] = ev
            jv = jnp.full((16,), j, jnp.int32)
            for k2 in range(2):
                xq = b_x[j, pl.ds(32 * k2, 32)]
                ae, bo = plsc.unpack(xq, format=plsc.PackFormat.INTERLEAVED)
                mlt = plsc.load_gather(exb, [jv, pks[k2]])
                msgb[j, pl.ds(32 * k2, 16)] = ae * mlt
                msgb[j, pl.ds(32 * k2 + 16, 16)] = bo * mlt
            return jcarry

        lax.fori_loop(0, _CH, jbody, 0, unroll=8)
        eb = pl.multiple_of(ebase + i * _CH, 8)
        pltpu.sync_copy(exb, ex_h.at[pl.ds(eb, _CH)])
        pltpu.sync_copy(exb, den_sh.at[idst.at[i]], add=True)
        pltpu.sync_copy(msgb, agg_sh.at[idst.at[i]], add=True)

    fire(0, slots[0])

    def gbody(g, carry):
        i0 = 2 * g
        drain(i0, slots[0])
        fire(i0 + 1, slots[1])
        compute(i0, slots[0])
        drain(i0 + 1, slots[1])
        fire(i0 + 2, slots[0])
        compute(i0 + 1, slots[1])
        return carry

    lax.fori_loop(0, (_ITERS - 1) // 2, gbody, 0)
    drain(_ITERS - 1, slots[0])
    compute(_ITERS - 1, slots[0])
    plsc.subcore_barrier()

    for off in range(0, _STRIPE, _CH):
        n = min(_CH, _STRIPE - off)
        ro = pl.multiple_of(rbase + off, 8)
        pltpu.sync_copy(den_sh.at[pl.ds(ro, n)],
                        denp_h.at[c].at[pl.ds(ro, n)])
        pltpu.sync_copy(agg_sh.at[pl.ds(ro, n)],
                        aggp_h.at[c].at[pl.ds(ro, n)])


def _sc1(src3, dst3, t1_tab, t2_tab, xsb_tab):
    mesh = plsc.VectorSubcoreMesh(core_axis_name="c", subcore_axis_name="s", num_cores=_NC, num_subcores=_NS)
    f = pl.kernel(
        _sc1_body,
        out_type=[
            jax.ShapeDtypeStruct((_E, 16), _F32),
            jax.ShapeDtypeStruct((_NC, _NP, 16), _F32),
            jax.ShapeDtypeStruct((_NC, _NP, _HC), _F32),
        ],
        mesh=mesh,
        scratch_types=[
            pltpu.VMEM((_ITERS, _CH), jnp.int32),
            pltpu.VMEM((_ITERS, _CH), jnp.int32),
            pltpu.VMEM((_CH, 16), _F32),
            pltpu.VMEM((_CH, 16), _F32),
            pltpu.VMEM((_CH, _HC), jnp.bfloat16),
            pltpu.VMEM((_CH, 16), _F32),
            pltpu.VMEM((_CH, 16), _F32),
            pltpu.VMEM((_CH, _HC), jnp.bfloat16),
            pltpu.VMEM((_CH, 16), _F32),
            pltpu.VMEM((_CH, _HC), _F32),
            pltpu.VMEM((_CH, 16), _F32),
            pltpu.VMEM((_CH, _HC), _F32),
            pltpu.VMEM_SHARED((_NP, 16), _F32),
            pltpu.VMEM_SHARED((_NP, _HC), _F32),
            pltpu.SemaphoreType.DMA,
            pltpu.SemaphoreType.DMA,
            pltpu.SemaphoreType.DMA,
            pltpu.SemaphoreType.DMA,
            pltpu.SemaphoreType.DMA,
            pltpu.SemaphoreType.DMA,
        ],
        compiler_params=pltpu.CompilerParams(needs_layout_passes=False, use_tc_tiling_on_sc=False),
    )
    return f(src3, dst3, t1_tab, t2_tab, xsb_tab)


def _sc2_body(dst3_h, ex_h, den_h, at_h, idst,
              exb0, dnb0, atb0, exb1, dnb1, atb1, se0, sd0, se1, sd1):
    c = lax.axis_index("c")
    s = lax.axis_index("s")
    wid = c * _NS + s
    ebase = wid * _ET

    pltpu.sync_copy(dst3_h.at[wid], idst)

    slots = ((exb0, dnb0, atb0, se0, sd0), (exb1, dnb1, atb1, se1, sd1))

    def fire(i, sl):
        exb, dnb, _, s1, s2 = sl
        eb = pl.multiple_of(ebase + i * _CH, 8)
        pltpu.async_copy(ex_h.at[pl.ds(eb, _CH)], exb, s1)
        pltpu.async_copy(den_h.at[idst.at[i]], dnb, s2)

    def drain(i, sl):
        exb, dnb, _, s1, s2 = sl
        eb = pl.multiple_of(ebase + i * _CH, 8)
        pltpu.make_async_copy(ex_h.at[pl.ds(eb, _CH)], exb, s1).wait()
        pltpu.make_async_copy(den_h.at[idst.at[i]], dnb, s2).wait()

    def compute(i, sl):
        exb, dnb, atb, _, _ = sl

        def jbody(j, jcarry):
            atb[j, :] = exb[j, :] * dnb[j, :]
            return jcarry

        lax.fori_loop(0, _CH, jbody, 0, unroll=8)
        eb = pl.multiple_of(ebase + i * _CH, 8)
        pltpu.sync_copy(atb.at[:, pl.ds(0, _H)], at_h.at[pl.ds(eb, _CH)])

    fire(0, slots[0])

    def gbody(g, carry):
        i0 = 2 * g
        drain(i0, slots[0])
        fire(i0 + 1, slots[1])
        compute(i0, slots[0])
        drain(i0 + 1, slots[1])
        fire(i0 + 2, slots[0])
        compute(i0 + 1, slots[1])
        return carry

    lax.fori_loop(0, (_ITERS - 1) // 2, gbody, 0)
    drain(_ITERS - 1, slots[0])
    compute(_ITERS - 1, slots[0])


def _sc2(dst3, ex_h, dent):
    mesh = plsc.VectorSubcoreMesh(core_axis_name="c", subcore_axis_name="s", num_cores=_NC, num_subcores=_NS)
    f = pl.kernel(
        _sc2_body,
        out_type=[jax.ShapeDtypeStruct((_E, _H), _F32)],
        mesh=mesh,
        scratch_types=[
            pltpu.VMEM((_ITERS, _CH), jnp.int32),
            pltpu.VMEM((_CH, 16), _F32),
            pltpu.VMEM((_CH, 16), _F32),
            pltpu.VMEM((_CH, 16), _F32),
            pltpu.VMEM((_CH, 16), _F32),
            pltpu.VMEM((_CH, 16), _F32),
            pltpu.VMEM((_CH, 16), _F32),
            pltpu.SemaphoreType.DMA,
            pltpu.SemaphoreType.DMA,
            pltpu.SemaphoreType.DMA,
            pltpu.SemaphoreType.DMA,
        ],
        compiler_params=pltpu.CompilerParams(needs_layout_passes=False, use_tc_tiling_on_sc=False),
    )
    return f(dst3, ex_h, dent)[0]


def kernel(x, edge_index, W, att_src, att_dst, bias, mlp_W, mlp_b):
    ei = edge_index.T
    src3 = ei[0].astype(jnp.int32).reshape(_NW, _ITERS, _CH)
    dst3 = ei[1].astype(jnp.int32).reshape(_NW, _ITERS, _CH)

    eye8 = jnp.eye(_C, dtype=_F32)
    a_src = (att_src[:, :, None] * eye8[:, None, :]).reshape(_HC, _H)
    a_dst = (att_dst[:, :, None] * eye8[:, None, :]).reshape(_HC, _H)
    A = jnp.concatenate([a_src, a_dst, a_dst, a_src], axis=1)
    ecols = np.empty(_HC, np.int64)
    for k2 in range(2):
        for r in range(32):
            ecols[32 * k2 + r] = 32 * k2 + (2 * r if r < 16 else
                                            2 * (r - 16) + 1)
    h_of = ecols // _C
    ch_of = ecols % _C
    r16p = np.zeros((16, _HC), np.float32)
    r16p[h_of, np.arange(_HC)] = 1.0
    mp = np.zeros((_HC, _C), np.float32)
    mp[np.arange(_HC), ch_of] = 1.0 / _H
    R16 = jnp.asarray(r16p)
    M = jnp.asarray(mp)

    t1_tab, t2_tab, xsb_tab = _tc_pre(x, W, A)
    ex_h, denp, aggp = _sc1(src3, dst3, t1_tab, t2_tab, xsb_tab)
    out, dent = _tc_post(denp, aggp, bias.reshape(1, _C), mlp_W,
                         mlp_b.reshape(1, 16), R16, M)
    attn = _sc2(dst3, ex_h, dent)
    return out, (ei, attn)

# --- scband reference (transcript-rebuilt; emitter-appended) ---
"""Pipeline reference for scband-dscom-pyg-13426067767847 (READ-ONLY COPY).

The authoritative reference and input builder live on the scoring server;
editing this copy changes nothing except your own understanding.
"""

import jax, jax.numpy as jnp
import numpy as np

N_NODES = 10000
N_EDGES = 320000
D_FEAT = 128
HEADS = 8
HIDDEN = 8
NUM_OUT = 16


def setup_inputs(seed: int = 0) -> dict:
    key = jax.random.key(seed)
    ks = jax.random.split(key, 8)
    x = jax.random.normal(ks[0], (N_NODES, D_FEAT), dtype=jnp.float32)
    edge_index = jax.random.randint(ks[1], (N_EDGES, 2), 0, N_NODES, dtype=jnp.int64)
    # GATConv params: shared linear for src/dst, attention vectors, bias (concat=False)
    W = jax.random.normal(ks[2], (D_FEAT, HEADS * HIDDEN), dtype=jnp.float32) * (1.0 / np.sqrt(D_FEAT))
    att_src = jax.random.normal(ks[3], (HEADS, HIDDEN), dtype=jnp.float32) * 0.1
    att_dst = jax.random.normal(ks[4], (HEADS, HIDDEN), dtype=jnp.float32) * 0.1
    bias = jnp.zeros((HIDDEN,), dtype=jnp.float32)
    mlp_W = jax.random.normal(ks[5], (HIDDEN, NUM_OUT), dtype=jnp.float32) * (1.0 / np.sqrt(HIDDEN))
    mlp_b = jnp.zeros((NUM_OUT,), dtype=jnp.float32)
    return {"x": x, "edge_index": edge_index, "W": W, "att_src": att_src,
            "att_dst": att_dst, "bias": bias, "mlp_W": mlp_W, "mlp_b": mlp_b}


def reference(x, edge_index, W, att_src, att_dst, bias, mlp_W, mlp_b):
    # eval mode: dropout disabled
    ei = edge_index.T  # forward does edge_index.t() -> [2, E]
    src, dst = ei[0], ei[1]
    N = x.shape[0]
    xs = (x @ W).reshape(N, HEADS, HIDDEN)
    a_src = (xs * att_src[None]).sum(-1)  # [N, H]
    a_dst = (xs * att_dst[None]).sum(-1)  # [N, H]
    alpha = a_src[src] + a_dst[dst]       # [E, H]
    alpha = jax.nn.leaky_relu(alpha, negative_slope=0.2)
    amax = jax.ops.segment_max(alpha, dst, num_segments=N)
    amax = jnp.where(jnp.isfinite(amax), amax, 0.0)
    ex = jnp.exp(alpha - amax[dst])
    denom = jax.ops.segment_sum(ex, dst, num_segments=N)
    attn = ex / (denom[dst] + 1e-16)      # softmax over incoming edges per dst
    msg = xs[src] * attn[:, :, None]      # [E, H, C]
    agg = jax.ops.segment_sum(msg, dst, num_segments=N)  # [N, H, C]
    out = agg.mean(axis=1) + bias         # concat=False -> mean over heads
    out = jax.nn.elu(out)
    out = out @ mlp_W + mlp_b
    out = jax.nn.elu(out)
    return out, (ei, attn)

if __name__ == "__main__":
    import jax
    _d = setup_inputs()
    print(jax.jit(kernel)(*tuple(_d.values())))

</pallas_src>

<mosaic_0001>
#map = affine_map<(d0, d1) -> (0, 0, 0)>
#map1 = affine_map<(d0, d1) -> (0, 0)>
module attributes {stable_mosaic.version = 14 : i64} {
  func.func @_sc2_body(%arg0: i32, %arg1: i32, %arg2: memref<32x125x80xi32, #tpu.memory_space<hbm>>, %arg3: memref<320000x16xf32, #tpu.memory_space<hbm>>, %arg4: memref<10000x16xf32, #tpu.memory_space<hbm>>, %arg5: memref<320000x8xf32, #tpu.memory_space<hbm>>, %arg6: memref<125x80xi32, #tpu.memory_space<vmem>>, %arg7: memref<80x16xf32, #tpu.memory_space<vmem>>, %arg8: memref<80x16xf32, #tpu.memory_space<vmem>>, %arg9: memref<80x16xf32, #tpu.memory_space<vmem>>, %arg10: memref<80x16xf32, #tpu.memory_space<vmem>>, %arg11: memref<80x16xf32, #tpu.memory_space<vmem>>, %arg12: memref<80x16xf32, #tpu.memory_space<vmem>>, %arg13: memref<!tpu.dma_semaphore, #tpu.memory_space<semaphore_mem>>, %arg14: memref<!tpu.dma_semaphore, #tpu.memory_space<semaphore_mem>>, %arg15: memref<!tpu.dma_semaphore, #tpu.memory_space<semaphore_mem>>, %arg16: memref<!tpu.dma_semaphore, #tpu.memory_space<semaphore_mem>>) attributes {dimension_semantics = [#tpu.dimension_semantics<core_parallel>, #tpu.dimension_semantics<subcore_parallel>], iteration_bounds = array<i64: 2, 16>, scalar_prefetch = 0 : i64, scratch_operands = 11 : i64, tpu.core_type = #tpu.core_type<sc_vector_subcore>, window_params = [{transform_indices = #map}, {transform_indices = #map1}, {transform_indices = #map1}, {transform_indices = #map1}]} {
    %mul3A = arith.constant 16 : i32
    %mul3A_0 = arith.muli %arg0, %mul3A : i32
    %add3A = arith.addi %mul3A_0, %arg1 : i32
    %mul3A_1 = arith.constant 10000 : i32
    %mul3A_2 = arith.muli %add3A, %mul3A_1 : i32
    "tpu.region"() ({
      %run_scoped3A = tpu.sem_alloc : memref<!tpu.dma_semaphore, #tpu.memory_space<semaphore_mem>>
      %dma_start3A_42 = arith.constant 0 : i32
      %dma_start3A_43 = arith.constant 0 : i32
      %dma_start3A_44 = tpu.memref_slice %arg2[%add3A, %dma_start3A_42, %dma_start3A_43] : memref<32x125x80xi32, #tpu.memory_space<hbm>> -> memref<1x125x80xi32, #tpu.memory_space<hbm>>
      %dma_start3A_45 = tpu.memref_squeeze %dma_start3A_44 : memref<1x125x80xi32, #tpu.memory_space<hbm>> -> memref<125x80xi32, #tpu.memory_space<hbm>>
      %dma_start3A_46 = arith.constant 0 : i32
      %dma_start3A_47 = arith.constant 0 : i32
      %dma_start3A_48 = tpu.memref_slice %arg2[%add3A, %dma_start3A_46, %dma_start3A_47] : memref<32x125x80xi32, #tpu.memory_space<hbm>> -> memref<1x125x80xi32, #tpu.memory_space<hbm>>
      %dma_start3A_49 = tpu.memref_squeeze %dma_start3A_48 : memref<1x125x80xi32, #tpu.memory_space<hbm>> -> memref<125x80xi32, #tpu.memory_space<hbm>>
      tpu.enqueue_dma source(%dma_start3A_49 : memref<125x80xi32, #tpu.memory_space<hbm>>) target(%arg6 : memref<125x80xi32, #tpu.memory_space<vmem>>) target_semaphore(%run_scoped3A : memref<!tpu.dma_semaphore, #tpu.memory_space<semaphore_mem>>)
      %dma_wait3A_50 = arith.constant 0 : i32
      %dma_wait3A_51 = arith.constant 0 : i32
      %dma_wait3A_52 = tpu.memref_slice %arg2[%add3A, %dma_wait3A_50, %dma_wait3A_51] : memref<32x125x80xi32, #tpu.memory_space<hbm>> -> memref<1x125x80xi32, #tpu.memory_space<hbm>>
      %dma_wait3A_53 = tpu.memref_squeeze %dma_wait3A_52 : memref<1x125x80xi32, #tpu.memory_space<hbm>> -> memref<125x80xi32, #tpu.memory_space<hbm>>
      %dma_wait3A_54 = arith.constant 0 : i32
      %dma_wait3A_55 = arith.constant 0 : i32
      %dma_wait3A_56 = tpu.memref_slice %arg2[%add3A, %dma_wait3A_54, %dma_wait3A_55] : memref<32x125x80xi32, #tpu.memory_space<hbm>> -> memref<1x125x80xi32, #tpu.memory_space<hbm>>
      %dma_wait3A_57 = tpu.memref_squeeze %dma_wait3A_56 : memref<1x125x80xi32, #tpu.memory_space<hbm>> -> memref<125x80xi32, #tpu.memory_space<hbm>>
      tpu.wait_dma2 semaphore(%run_scoped3A : memref<!tpu.dma_semaphore, #tpu.memory_space<semaphore_mem>>) src(%dma_wait3A_57 : memref<125x80xi32, #tpu.memory_space<hbm>>) dst(%arg6 : memref<125x80xi32, #tpu.memory_space<vmem>>)
      tpu.yield
    }) : () -> ()
    %add3A_3 = arith.constant 0 : i32
    %add3A_4 = arith.addi %mul3A_2, %add3A_3 : i32
    %multiple_of3A = tpu.assume_multiple %add3A_4, 8 : i32
    %dma_start3A = arith.constant 0 : i32
    %dma_start3A_5 = tpu.memref_slice %arg3[%multiple_of3A, %dma_start3A] : memref<320000x16xf32, #tpu.memory_space<hbm>> -> memref<80x16xf32, #tpu.memory_space<hbm>>
    %dma_start3A_6 = arith.constant 0 : i32
    %dma_start3A_7 = tpu.memref_slice %arg3[%multiple_of3A, %dma_start3A_6] : memref<320000x16xf32, #tpu.memory_space<hbm>> -> memref<80x16xf32, #tpu.memory_space<hbm>>
    tpu.enqueue_dma source(%dma_start3A_7 : memref<80x16xf32, #tpu.memory_space<hbm>>) target(%arg7 : memref<80x16xf32, #tpu.memory_space<vmem>>) target_semaphore(%arg13 : memref<!tpu.dma_semaphore, #tpu.memory_space<semaphore_mem>>)
    %dma_start3A_8 = arith.constant 0 : i32
    %dma_start3A_9 = arith.constant 0 : i32
    %dma_start3A_10 = tpu.memref_slice %arg6[%dma_start3A_8, %dma_start3A_9] : memref<125x80xi32, #tpu.memory_space<vmem>> -> memref<1x80xi32, #tpu.memory_space<vmem>>
    %dma_start3A_11 = tpu.memref_squeeze %dma_start3A_10 : memref<1x80xi32, #tpu.memory_space<vmem>> -> memref<80xi32, #tpu.memory_space<vmem>>
    %dma_start3A_12 = arith.constant 0 : i32
    %dma_start3A_13 = arith.constant 0 : i32
    %dma_start3A_14 = tpu.memref_slice %arg4[%dma_start3A_12, %dma_start3A_13] : memref<10000x16xf32, #tpu.memory_space<hbm>> -> memref<10000x16xf32, #tpu.memory_space<hbm>>
    tpu.enqueue_indirect_dma source(%dma_start3A_14 : memref<10000x16xf32, #tpu.memory_space<hbm>>) target(%arg8 : memref<80x16xf32, #tpu.memory_space<vmem>>) offsets(%dma_start3A_11 : memref<80xi32, #tpu.memory_space<vmem>>) semaphore(%arg14 : memref<!tpu.dma_semaphore, #tpu.memory_space<semaphore_mem>>)
    %scan3A = arith.constant 0 : i32
    %scan3A_15 = arith.constant 0 : i32
    %scan3A_16 = arith.constant 62 : i32
    %scan3A_17 = arith.addi %scan3A_15, %scan3A_16 : i32
    %scan3A_18 = arith.constant 1 : i32
    scf.for %scan3A_42 = %scan3A_15 to %scan3A_17 step %scan3A_18  : i32 {
      %mul3A_43 = arith.constant 2 : i32
      %mul3A_44 = arith.muli %mul3A_43, %scan3A_42 : i32
      %mul3A_45 = arith.constant 80 : i32
      %mul3A_46 = arith.muli %mul3A_44, %mul3A_45 : i32
      %add3A_47 = arith.addi %mul3A_2, %mul3A_46 : i32
      %multiple_of3A_48 = tpu.assume_multiple %add3A_47, 8 : i32
      %dma_wait3A_49 = arith.constant 0 : i32
      %dma_wait3A_50 = tpu.memref_slice %arg3[%multiple_of3A_48, %dma_wait3A_49] : memref<320000x16xf32, #tpu.memory_space<hbm>> -> memref<80x16xf32, #tpu.memory_space<hbm>>
      %dma_wait3A_51 = arith.constant 0 : i32
      %dma_wait3A_52 = tpu.memref_slice %arg3[%multiple_of3A_48, %dma_wait3A_51] : memref<320000x16xf32, #tpu.memory_space<hbm>> -> memref<80x16xf32, #tpu.memory_space<hbm>>
      tpu.wait_dma2 semaphore(%arg13 : memref<!tpu.dma_semaphore, #tpu.memory_space<semaphore_mem>>) src(%dma_wait3A_52 : memref<80x16xf32, #tpu.memory_space<hbm>>) dst(%arg7 : memref<80x16xf32, #tpu.memory_space<vmem>>)
      %dma_wait3A_53 = arith.constant 0 : i32
      %dma_wait3A_54 = tpu.memref_slice %arg6[%mul3A_44, %dma_wait3A_53] : memref<125x80xi32, #tpu.memory_space<vmem>> -> memref<1x80xi32, #tpu.memory_space<vmem>>
      %dma_wait3A_55 = tpu.memref_squeeze %dma_wait3A_54 : memref<1x80xi32, #tpu.memory_space<vmem>> -> memref<80xi32, #tpu.memory_space<vmem>>
      %dma_wait3A_56 = arith.constant 0 : i32
      %dma_wait3A_57 = arith.constant 0 : i32
      %dma_wait3A_58 = tpu.memref_slice %arg4[%dma_wait3A_56, %dma_wait3A_57] : memref<10000x16xf32, #tpu.memory_space<hbm>> -> memref<10000x16xf32, #tpu.memory_space<hbm>>
      tpu.wait_indirect_dma semaphore(%arg14 : memref<!tpu.dma_semaphore, #tpu.memory_space<semaphore_mem>>) src(%dma_wait3A_58 : memref<10000x16xf32, #tpu.memory_space<hbm>>) dst(%arg8 : memref<80x16xf32, #tpu.memory_space<vmem>>)
      %add3A_59 = arith.constant 1 : i32
      %add3A_60 = arith.addi %mul3A_44, %add3A_59 : i32
      %mul3A_61 = arith.constant 80 : i32
      %mul3A_62 = arith.muli %add3A_60, %mul3A_61 : i32
      %add3A_63 = arith.addi %mul3A_2, %mul3A_62 : i32
      %multiple_of3A_64 = tpu.assume_multiple %add3A_63, 8 : i32
      %dma_start3A_65 = arith.constant 0 : i32
      %dma_start3A_66 = tpu.memref_slice %arg3[%multiple_of3A_64, %dma_start3A_65] : memref<320000x16xf32, #tpu.memory_space<hbm>> -> memref<80x16xf32, #tpu.memory_space<hbm>>
      %dma_start3A_67 = arith.constant 0 : i32
      %dma_start3A_68 = tpu.memref_slice %arg3[%multiple_of3A_64, %dma_start3A_67] : memref<320000x16xf32, #tpu.memory_space<hbm>> -> memref<80x16xf32, #tpu.memory_space<hbm>>
      tpu.enqueue_dma source(%dma_start3A_68 : memref<80x16xf32, #tpu.memory_space<hbm>>) target(%arg10 : memref<80x16xf32, #tpu.memory_space<vmem>>) target_semaphore(%arg15 : memref<!tpu.dma_semaphore, #tpu.memory_space<semaphore_mem>>)
      %dma_start3A_69 = arith.constant 0 : i32
      %dma_start3A_70 = tpu.memref_slice %arg6[%add3A_60, %dma_start3A_69] : memref<125x80xi32, #tpu.memory_space<vmem>> -> memref<1x80xi32, #tpu.memory_space<vmem>>
      %dma_start3A_71 = tpu.memref_squeeze %dma_start3A_70 : memref<1x80xi32, #tpu.memory_space<vmem>> -> memref<80xi32, #tpu.memory_space<vmem>>
      %dma_start3A_72 = arith.constant 0 : i32
      %dma_start3A_73 = arith.constant 0 : i32
      %dma_start3A_74 = tpu.memref_slice %arg4[%dma_start3A_72, %dma_start3A_73] : memref<10000x16xf32, #tpu.memory_space<hbm>> -> memref<10000x16xf32, #tpu.memory_space<hbm>>
      tpu.enqueue_indirect_dma source(%dma_start3A_74 : memref<10000x16xf32, #tpu.memory_space<hbm>>) target(%arg11 : memref<80x16xf32, #tpu.memory_space<vmem>>) offsets(%dma_start3A_71 : memref<80xi32, #tpu.memory_space<vmem>>) semaphore(%arg16 : memref<!tpu.dma_semaphore, #tpu.memory_space<semaphore_mem>>)
      %scan3A_75 = arith.constant 0 : i32
      %scan3A_76 = arith.constant 0 : i32
      %scan3A_77 = arith.constant 80 : i32
      %scan3A_78 = arith.addi %scan3A_76, %scan3A_77 : i32
      %scan3A_79 = arith.constant 8 : i32
      scf.for %scan3A_129 = %scan3A_76 to %scan3A_78 step %scan3A_79  : i32 {
        %get3A = arith.index_cast %scan3A_129 : i32 to index
        %get3A_130 = arith.constant 0 : index
        %get3A_131 = tpu.vector_load %arg7[%get3A, %get3A_130] {strides = array<i32>} : memref<80x16xf32, #tpu.memory_space<vmem>>, vector<16xf32>,
        %get3A_132 = arith.index_cast %scan3A_129 : i32 to index
        %get3A_133 = arith.constant 0 : index
        %get3A_134 = tpu.vector_load %arg8[%get3A_132, %get3A_133] {strides = array<i32>} : memref<80x16xf32, #tpu.memory_space<vmem>>, vector<16xf32>,
        %mul3A_135 = arith.mulf %get3A_131, %get3A_134 : vector<16xf32>
        %swap3A = arith.index_cast %scan3A_129 : i32 to index
        %swap3A_136 = arith.constant 0 : index
        %swap3A_137 = tpu.vector_load %arg9[%swap3A, %swap3A_136] {strides = array<i32>} : memref<80x16xf32, #tpu.memory_space<vmem>>, vector<16xf32>,
        tpu.vector_store %arg9[%swap3A, %swap3A_136], %mul3A_135 {strides = array<i32>} : memref<80x16xf32, #tpu.memory_space<vmem>>, vector<16xf32>,
        %scan3A_138 = arith.constant 1 : i32
        %scan3A_139 = arith.addi %scan3A_129, %scan3A_138 : i32
        %get3A_140 = arith.index_cast %scan3A_139 : i32 to index
        %get3A_141 = arith.constant 0 : index
        %get3A_142 = tpu.vector_load %arg7[%get3A_140, %get3A_141] {strides = array<i32>} : memref<80x16xf32, #tpu.memory_space<vmem>>, vector<16xf32>,
        %get3A_143 = arith.index_cast %scan3A_139 : i32 to index
        %get3A_144 = arith.constant 0 : index
        %get3A_145 = tpu.vector_load %arg8[%get3A_143, %get3A_144] {strides = array<i32>} : memref<80x16xf32, #tpu.memory_space<vmem>>, vector<16xf32>,
        %mul3A_146 = arith.mulf %get3A_142, %get3A_145 : vector<16xf32>
        %swap3A_147 = arith.index_cast %scan3A_139 : i32 to index
        %swap3A_148 = arith.constant 0 : index
        %swap3A_149 = tpu.vector_load %arg9[%swap3A_147, %swap3A_148] {strides = array<i32>} : memref<80x16xf32, #tpu.memory_space<vmem>>, vector<16xf32>,
        tpu.vector_store %arg9[%swap3A_147, %swap3A_148], %mul3A_146 {strides = array<i32>} : memref<80x16xf32, #tpu.memory_space<vmem>>, vector<16xf32>,
        %scan3A_150 = arith.constant 2 : i32
        %scan3A_151 = arith.addi %scan3A_129, %scan3A_150 : i32
        %get3A_152 = arith.index_cast %scan3A_151 : i32 to index
        %get3A_153 = arith.constant 0 : index
        %get3A_154 = tpu.vector_load %arg7[%get3A_152, %get3A_153] {strides = array<i32>} : memref<80x16xf32, #tpu.memory_space<vmem>>, vector<16xf32>,
        %get3A_155 = arith.index_cast %scan3A_151 : i32 to index
        %get3A_156 = arith.constant 0 : index
        %get3A_157 = tpu.vector_load %arg8[%get3A_155, %get3A_156] {strides = array<i32>} : memref<80x16xf32, #tpu.memory_space<vmem>>, vector<16xf32>,
        %mul3A_158 = arith.mulf %get3A_154, %get3A_157 : vector<16xf32>
        %swap3A_159 = arith.index_cast %scan3A_151 : i32 to index
        %swap3A_160 = arith.constant 0 : index
        %swap3A_161 = tpu.vector_load %arg9[%swap3A_159, %swap3A_160] {strides = array<i32>} : memref<80x16xf32, #tpu.memory_space<vmem>>, vector<16xf32>,
        tpu.vector_store %arg9[%swap3A_159, %swap3A_160], %mul3A_158 {strides = array<i32>} : memref<80x16xf32, #tpu.memory_space<vmem>>, vector<16xf32>,
        %scan3A_162 = arith.constant 3 : i32
        %scan3A_163 = arith.addi %scan3A_129, %scan3A_162 : i32
        %get3A_164 = arith.index_cast %scan3A_163 : i32 to index
        %get3A_165 = arith.constant 0 : index
        %get3A_166 = tpu.vector_load %arg7[%get3A_164, %get3A_165] {strides = array<i32>} : memref<80x16xf32, #tpu.memory_space<vmem>>, vector<16xf32>,
        %get3A_167 = arith.index_cast %scan3A_163 : i32 to index
        %get3A_168 = arith.constant 0 : index
        %get3A_169 = tpu.vector_load %arg8[%get3A_167, %get3A_168] {strides = array<i32>} : memref<80x16xf32, #tpu.memory_space<vmem>>, vector<16xf32>,
        %mul3A_170 = arith.mulf %get3A_166, %get3A_169 : vector<16xf32>
        %swap3A_171 = arith.index_cast %scan3A_163 : i32 to index
        %swap3A_172 = arith.constant 0 : index
        %swap3A_173 = tpu.vector_load %arg9[%swap3A_171, %swap3A_172] {strides = array<i32>} : memref<80x16xf32, #tpu.memory_space<vmem>>, vector<16xf32>,
        tpu.vector_store %arg9[%swap3A_171, %swap3A_172], %mul3A_170 {strides = array<i32>} : memref<80x16xf32, #tpu.memory_space<vmem>>, vector<16xf32>,
        %scan3A_174 = arith.constant 4 : i32
        %scan3A_175 = arith.addi %scan3A_129, %scan3A_174 : i32
        %get3A_176 = arith.index_cast %scan3A_175 : i32 to index
        %get3A_177 = arith.constant 0 : index
        %get3A_178 = tpu.vector_load %arg7[%get3A_176, %get3A_177] {strides = array<i32>} : memref<80x16xf32, #tpu.memory_space<vmem>>, vector<16xf32>,
        %get3A_179 = arith.index_cast %scan3A_175 : i32 to index
        %get3A_180 = arith.constant 0 : index
        %get3A_181 = tpu.vector_load %arg8[%get3A_179, %get3A_180] {strides = array<i32>} : memref<80x16xf32, #tpu.memory_space<vmem>>, vector<16xf32>,
        %mul3A_182 = arith.mulf %get3A_178, %get3A_181 : vector<16xf32>
        %swap3A_183 = arith.index_cast %scan3A_175 : i32 to index
        %swap3A_184 = arith.constant 0 : index
        %swap3A_185 = tpu.vector_load %arg9[%swap3A_183, %swap3A_184] {strides = array<i32>} : memref<80x16xf32, #tpu.memory_space<vmem>>, vector<16xf32>,
        tpu.vector_store %arg9[%swap3A_183, %swap3A_184], %mul3A_182 {strides = array<i32>} : memref<80x16xf32, #tpu.memory_space<vmem>>, vector<16xf32>,
        %scan3A_186 = arith.constant 5 : i32
        %scan3A_187 = arith.addi %scan3A_129, %scan3A_186 : i32
        %get3A_188 = arith.index_cast %scan3A_187 : i32 to index
        %get3A_189 = arith.constant 0 : index
        %get3A_190 = tpu.vector_load %arg7[%get3A_188, %get3A_189] {strides = array<i32>} : memref<80x16xf32, #tpu.memory_space<vmem>>, vector<16xf32>,
        %get3A_191 = arith.index_cast %scan3A_187 : i32 to index
        %get3A_192 = arith.constant 0 : index
        %get3A_193 = tpu.vector_load %arg8[%get3A_191, %get3A_192] {strides = array<i32>} : memref<80x16xf32, #tpu.memory_space<vmem>>, vector<16xf32>,
        %mul3A_194 = arith.mulf %get3A_190, %get3A_193 : vector<16xf32>
        %swap3A_195 = arith.index_cast %scan3A_187 : i32 to index
        %swap3A_196 = arith.constant 0 : index
        %swap3A_197 = tpu.vector_load %arg9[%swap3A_195, %swap3A_196] {strides = array<i32>} : memref<80x16xf32, #tpu.memory_space<vmem>>, vector<16xf32>,
        tpu.vector_store %arg9[%swap3A_195, %swap3A_196], %mul3A_194 {strides = array<i32>} : memref<80x16xf32, #tpu.memory_space<vmem>>, vector<16xf32>,
        %scan3A_198 = arith.constant 6 : i32
        %scan3A_199 = arith.addi %scan3A_129, %scan3A_198 : i32
        %get3A_200 = arith.index_cast %scan3A_199 : i32 to index
        %get3A_201 = arith.constant 0 : index
        %get3A_202 = tpu.vector_load %arg7[%get3A_200, %get3A_201] {strides = array<i32>} : memref<80x16xf32, #tpu.memory_space<vmem>>, vector<16xf32>,
        %get3A_203 = arith.index_cast %scan3A_199 : i32 to index
        %get3A_204 = arith.constant 0 : index
        %get3A_205 = tpu.vector_load %arg8[%get3A_203, %get3A_204] {strides = array<i32>} : memref<80x16xf32, #tpu.memory_space<vmem>>, vector<16xf32>,
        %mul3A_206 = arith.mulf %get3A_202, %get3A_205 : vector<16xf32>
        %swap3A_207 = arith.index_cast %scan3A_199 : i32 to index
        %swap3A_208 = arith.constant 0 : index
        %swap3A_209 = tpu.vector_load %arg9[%swap3A_207, %swap3A_208] {strides = array<i32>} : memref<80x16xf32, #tpu.memory_space<vmem>>, vector<16xf32>,
        tpu.vector_store %arg9[%swap3A_207, %swap3A_208], %mul3A_206 {strides = array<i32>} : memref<80x16xf32, #tpu.memory_space<vmem>>, vector<16xf32>,
        %scan3A_210 = arith.constant 7 : i32
        %scan3A_211 = arith.addi %scan3A_129, %scan3A_210 : i32
        %get3A_212 = arith.index_cast %scan3A_211 : i32 to index
        %get3A_213 = arith.constant 0 : index
        %get3A_214 = tpu.vector_load %arg7[%get3A_212, %get3A_213] {strides = array<i32>} : memref<80x16xf32, #tpu.memory_space<vmem>>, vector<16xf32>,
        %get3A_215 = arith.index_cast %scan3A_211 : i32 to index
        %get3A_216 = arith.constant 0 : index
        %get3A_217 = tpu.vector_load %arg8[%get3A_215, %get3A_216] {strides = array<i32>} : memref<80x16xf32, #tpu.memory_space<vmem>>, vector<16xf32>,
        %mul3A_218 = arith.mulf %get3A_214, %get3A_217 : vector<16xf32>
        %swap3A_219 = arith.index_cast %scan3A_211 : i32 to index
        %swap3A_220 = arith.constant 0 : index
        %swap3A_221 = tpu.vector_load %arg9[%swap3A_219, %swap3A_220] {strides = array<i32>} : memref<80x16xf32, #tpu.memory_space<vmem>>, vector<16xf32>,
        tpu.vector_store %arg9[%swap3A_219, %swap3A_220], %mul3A_218 {strides = array<i32>} : memref<80x16xf32, #tpu.memory_space<vmem>>, vector<16xf32>,
      }
      %scan3A_80 = arith.constant 80 : i32
      %mul3A_81 = arith.constant 80 : i32
      %mul3A_82 = arith.muli %mul3A_44, %mul3A_81 : i32
      %add3A_83 = arith.addi %mul3A_2, %mul3A_82 : i32
      %multiple_of3A_84 = tpu.assume_multiple %add3A_83, 8 : i32
      "tpu.region"() ({
        %run_scoped3A = tpu.sem_alloc : memref<!tpu.dma_semaphore, #tpu.memory_space<semaphore_mem>>
        %dma_start3A_129 = arith.constant 0 : i32
        %dma_start3A_130 = arith.constant 0 : i32
        %dma_start3A_131 = tpu.memref_slice %arg9[%dma_start3A_129, %dma_start3A_130] : memref<80x16xf32, #tpu.memory_space<vmem>> -> memref<80x8xf32, #tpu.memory_space<vmem>>
        %dma_start3A_132 = arith.constant 0 : i32
        %dma_start3A_133 = tpu.memref_slice %arg5[%multiple_of3A_84, %dma_start3A_132] : memref<320000x8xf32, #tpu.memory_space<hbm>> -> memref<80x8xf32, #tpu.memory_space<hbm>>
        %dma_start3A_134 = arith.constant 0 : i32
        %dma_start3A_135 = tpu.memref_slice %arg5[%multiple_of3A_84, %dma_start3A_134] : memref<320000x8xf32, #tpu.memory_space<hbm>> -> memref<80x8xf32, #tpu.memory_space<hbm>>
        %dma_start3A_136 = arith.constant 0 : i32
        %dma_start3A_137 = arith.constant 0 : i32
        %dma_start3A_138 = tpu.memref_slice %arg9[%dma_start3A_136, %dma_start3A_137] : memref<80x16xf32, #tpu.memory_space<vmem>> -> memref<80x8xf32, #tpu.memory_space<vmem>>
        tpu.enqueue_dma source(%dma_start3A_138 : memref<80x8xf32, #tpu.memory_space<vmem>>) target(%dma_start3A_135 : memref<80x8xf32, #tpu.memory_space<hbm>>) target_semaphore(%run_scoped3A : memref<!tpu.dma_semaphore, #tpu.memory_space<semaphore_mem>>)
        %dma_wait3A_139 = arith.constant 0 : i32
        %dma_wait3A_140 = arith.constant 0 : i32
        %dma_wait3A_141 = tpu.memref_slice %arg9[%dma_wait3A_139, %dma_wait3A_140] : memref<80x16xf32, #tpu.memory_space<vmem>> -> memref<80x8xf32, #tpu.memory_space<vmem>>
        %dma_wait3A_142 = arith.constant 0 : i32
        %dma_wait3A_143 = tpu.memref_slice %arg5[%multiple_of3A_84, %dma_wait3A_142] : memref<320000x8xf32, #tpu.memory_space<hbm>> -> memref<80x8xf32, #tpu.memory_space<hbm>>
        %dma_wait3A_144 = arith.constant 0 : i32
        %dma_wait3A_145 = tpu.memref_slice %arg5[%multiple_of3A_84, %dma_wait3A_144] : memref<320000x8xf32, #tpu.memory_space<hbm>> -> memref<80x8xf32, #tpu.memory_space<hbm>>
        %dma_wait3A_146 = arith.constant 0 : i32
        %dma_wait3A_147 = arith.constant 0 : i32
        %dma_wait3A_148 = tpu.memref_slice %arg9[%dma_wait3A_146, %dma_wait3A_147] : memref<80x16xf32, #tpu.memory_space<vmem>> -> memref<80x8xf32, #tpu.memory_space<vmem>>
        tpu.wait_dma2 semaphore(%run_scoped3A : memref<!tpu.dma_semaphore, #tpu.memory_space<semaphore_mem>>) src(%dma_wait3A_148 : memref<80x8xf32, #tpu.memory_space<vmem>>) dst(%dma_wait3A_145 : memref<80x8xf32, #tpu.memory_space<hbm>>)
        tpu.yield
      }) : () -> ()
      %add3A_85 = arith.constant 1 : i32
      %add3A_86 = arith.addi %mul3A_44, %add3A_85 : i32
      %mul3A_87 = arith.constant 80 : i32
      %mul3A_88 = arith.muli %add3A_86, %mul3A_87 : i32
      %add3A_89 = arith.addi %mul3A_2, %mul3A_88 : i32
      %multiple_of3A_90 = tpu.assume_multiple %add3A_89, 8 : i32
      %dma_wait3A_91 = arith.constant 0 : i32
      %dma_wait3A_92 = tpu.memref_slice %arg3[%multiple_of3A_90, %dma_wait3A_91] : memref<320000x16xf32, #tpu.memory_space<hbm>> -> memref<80x16xf32, #tpu.memory_space<hbm>>
      %dma_wait3A_93 = arith.constant 0 : i32
      %dma_wait3A_94 = tpu.memref_slice %arg3[%multiple_of3A_90, %dma_wait3A_93] : memref<320000x16xf32, #tpu.memory_space<hbm>> -> memref<80x16xf32, #tpu.memory_space<hbm>>
      tpu.wait_dma2 semaphore(%arg15 : memref<!tpu.dma_semaphore, #tpu.memory_space<semaphore_mem>>) src(%dma_wait3A_94 : memref<80x16xf32, #tpu.memory_space<hbm>>) dst(%arg10 : memref<80x16xf32, #tpu.memory_space<vmem>>)
      %dma_wait3A_95 = arith.constant 0 : i32
      %dma_wait3A_96 = tpu.memref_slice %arg6[%add3A_86, %dma_wait3A_95] : memref<125x80xi32, #tpu.memory_space<vmem>> -> memref<1x80xi32, #tpu.memory_space<vmem>>
      %dma_wait3A_97 = tpu.memref_squeeze %dma_wait3A_96 : memref<1x80xi32, #tpu.memory_space<vmem>> -> memref<80xi32, #tpu.memory_space<vmem>>
      %dma_wait3A_98 = arith.constant 0 : i32
      %dma_wait3A_99 = arith.constant 0 : i32
      %dma_wait3A_100 = tpu.memref_slice %arg4[%dma_wait3A_98, %dma_wait3A_99] : memref<10000x16xf32, #tpu.memory_space<hbm>> -> memref<10000x16xf32, #tpu.memory_space<hbm>>
      tpu.wait_indirect_dma semaphore(%arg16 : memref<!tpu.dma_semaphore, #tpu.memory_space<semaphore_mem>>) src(%dma_wait3A_100 : memref<10000x16xf32, #tpu.memory_space<hbm>>) dst(%arg11 : memref<80x16xf32, #tpu.memory_space<vmem>>)
      %add3A_101 = arith.constant 2 : i32
      %add3A_102 = arith.addi %mul3A_44, %add3A_101 : i32
      %mul3A_103 = arith.constant 80 : i32
      %mul3A_104 = arith.muli %add3A_102, %mul3A_103 : i32
      %add3A_105 = arith.addi %mul3A_2, %mul3A_104 : i32
      %multiple_of3A_106 = tpu.assume_multiple %add3A_105, 8 : i32
      %dma_start3A_107 = arith.constant 0 : i32
      %dma_start3A_108 = tpu.memref_slice %arg3[%multiple_of3A_106, %dma_start3A_107] : memref<320000x16xf32, #tpu.memory_space<hbm>> -> memref<80x16xf32, #tpu.memory_space<hbm>>
      %dma_start3A_109 = arith.constant 0 : i32
      %dma_start3A_110 = tpu.memref_slice %arg3[%multiple_of3A_106, %dma_start3A_109] : memref<320000x16xf32, #tpu.memory_space<hbm>> -> memref<80x16xf32, #tpu.memory_space<hbm>>
      tpu.enqueue_dma source(%dma_start3A_110 : memref<80x16xf32, #tpu.memory_space<hbm>>) target(%arg7 : memref<80x16xf32, #tpu.memory_space<vmem>>) target_semaphore(%arg13 : memref<!tpu.dma_semaphore, #tpu.memory_space<semaphore_mem>>)
      %dma_start3A_111 = arith.constant 0 : i32
      %dma_start3A_112 = tpu.memref_slice %arg6[%add3A_102, %dma_start3A_111] : memref<125x80xi32, #tpu.memory_space<vmem>> -> memref<1x80xi32, #tpu.memory_space<vmem>>
      %dma_start3A_113 = tpu.memref_squeeze %dma_start3A_112 : memref<1x80xi32, #tpu.memory_space<vmem>> -> memref<80xi32, #tpu.memory_space<vmem>>
      %dma_start3A_114 = arith.constant 0 : i32
      %dma_start3A_115 = arith.constant 0 : i32
      %dma_start3A_116 = tpu.memref_slice %arg4[%dma_start3A_114, %dma_start3A_115] : memref<10000x16xf32, #tpu.memory_space<hbm>> -> memref<10000x16xf32, #tpu.memory_space<hbm>>
      tpu.enqueue_indirect_dma source(%dma_start3A_116 : memref<10000x16xf32, #tpu.memory_space<hbm>>) target(%arg8 : memref<80x16xf32, #tpu.memory_space<vmem>>) offsets(%dma_start3A_113 : memref<80xi32, #tpu.memory_space<vmem>>) semaphore(%arg14 : memref<!tpu.dma_semaphore, #tpu.memory_space<semaphore_mem>>)
      %add3A_117 = arith.constant 1 : i32
      %add3A_118 = arith.addi %mul3A_44, %add3A_117 : i32
      %scan3A_119 = arith.constant 0 : i32
      %scan3A_120 = arith.constant 0 : i32
      %scan3A_121 = arith.constant 80 : i32
      %scan3A_122 = arith.addi %scan3A_120, %scan3A_121 : i32
      %scan3A_123 = arith.constant 8 : i32
      scf.for %scan3A_129 = %scan3A_120 to %scan3A_122 step %scan3A_123  : i32 {
        %get3A = arith.index_cast %scan3A_129 : i32 to index
        %get3A_130 = arith.constant 0 : index
        %get3A_131 = tpu.vector_load %arg10[%get3A, %get3A_130] {strides = array<i32>} : memref<80x16xf32, #tpu.memory_space<vmem>>, vector<16xf32>,
        %get3A_132 = arith.index_cast %scan3A_129 : i32 to index
        %get3A_133 = arith.constant 0 : index
        %get3A_134 = tpu.vector_load %arg11[%get3A_132, %get3A_133] {strides = array<i32>} : memref<80x16xf32, #tpu.memory_space<vmem>>, vector<16xf32>,
        %mul3A_135 = arith.mulf %get3A_131, %get3A_134 : vector<16xf32>
        %swap3A = arith.index_cast %scan3A_129 : i32 to index
        %swap3A_136 = arith.constant 0 : index
        %swap3A_137 = tpu.vector_load %arg12[%swap3A, %swap3A_136] {strides = array<i32>} : memref<80x16xf32, #tpu.memory_space<vmem>>, vector<16xf32>,
        tpu.vector_store %arg12[%swap3A, %swap3A_136], %mul3A_135 {strides = array<i32>} : memref<80x16xf32, #tpu.memory_space<vmem>>, vector<16xf32>,
        %scan3A_138 = arith.constant 1 : i32
        %scan3A_139 = arith.addi %scan3A_129, %scan3A_138 : i32
        %get3A_140 = arith.index_cast %scan3A_139 : i32 to index
        %get3A_141 = arith.constant 0 : index
        %get3A_142 = tpu.vector_load %arg10[%get3A_140, %get3A_141] {strides = array<i32>} : memref<80x16xf32, #tpu.memory_space<vmem>>, vector<16xf32>,
        %get3A_143 = arith.index_cast %scan3A_139 : i32 to index
        %get3A_144 = arith.constant 0 : index
        %get3A_145 = tpu.vector_load %arg11[%get3A_143, %get3A_144] {strides = array<i32>} : memref<80x16xf32, #tpu.memory_space<vmem>>, vector<16xf32>,
        %mul3A_146 = arith.mulf %get3A_142, %get3A_145 : vector<16xf32>
        %swap3A_147 = arith.index_cast %scan3A_139 : i32 to index
        %swap3A_148 = arith.constant 0 : index
        %swap3A_149 = tpu.vector_load %arg12[%swap3A_147, %swap3A_148] {strides = array<i32>} : memref<80x16xf32, #tpu.memory_space<vmem>>, vector<16xf32>,
        tpu.vector_store %arg12[%swap3A_147, %swap3A_148], %mul3A_146 {strides = array<i32>} : memref<80x16xf32, #tpu.memory_space<vmem>>, vector<16xf32>,
        %scan3A_150 = arith.constant 2 : i32
        %scan3A_151 = arith.addi %scan3A_129, %scan3A_150 : i32
        %get3A_152 = arith.index_cast %scan3A_151 : i32 to index
        %get3A_153 = arith.constant 0 : index
        %get3A_154 = tpu.vector_load %arg10[%get3A_152, %get3A_153] {strides = array<i32>} : memref<80x16xf32, #tpu.memory_space<vmem>>, vector<16xf32>,
        %get3A_155 = arith.index_cast %scan3A_151 : i32 to index
        %get3A_156 = arith.constant 0 : index
        %get3A_157 = tpu.vector_load %arg11[%get3A_155, %get3A_156] {strides = array<i32>} : memref<80x16xf32, #tpu.memory_space<vmem>>, vector<16xf32>,
        %mul3A_158 = arith.mulf %get3A_154, %get3A_157 : vector<16xf32>
        %swap3A_159 = arith.index_cast %scan3A_151 : i32 to index
        %swap3A_160 = arith.constant 0 : index
        %swap3A_161 = tpu.vector_load %arg12[%swap3A_159, %swap3A_160] {strides = array<i32>} : memref<80x16xf32, #tpu.memory_space<vmem>>, vector<16xf32>,
        tpu.vector_store %arg12[%swap3A_159, %swap3A_160], %mul3A_158 {strides = array<i32>} : memref<80x16xf32, #tpu.memory_space<vmem>>, vector<16xf32>,
        %scan3A_162 = arith.constant 3 : i32
        %scan3A_163 = arith.addi %scan3A_129, %scan3A_162 : i32
        %get3A_164 = arith.index_cast %scan3A_163 : i32 to index
        %get3A_165 = arith.constant 0 : index
        %get3A_166 = tpu.vector_load %arg10[%get3A_164, %get3A_165] {strides = array<i32>} : memref<80x16xf32, #tpu.memory_space<vmem>>, vector<16xf32>,
        %get3A_167 = arith.index_cast %scan3A_163 : i32 to index
        %get3A_168 = arith.constant 0 : index
        %get3A_169 = tpu.vector_load %arg11[%get3A_167, %get3A_168] {strides = array<i32>} : memref<80x16xf32, #tpu.memory_space<vmem>>, vector<16xf32>,
        %mul3A_170 = arith.mulf %get3A_166, %get3A_169 : vector<16xf32>
        %swap3A_171 = arith.index_cast %scan3A_163 : i32 to index
        %swap3A_172 = arith.constant 0 : index
        %swap3A_173 = tpu.vector_load %arg12[%swap3A_171, %swap3A_172] {strides = array<i32>} : memref<80x16xf32, #tpu.memory_space<vmem>>, vector<16xf32>,
        tpu.vector_store %arg12[%swap3A_171, %swap3A_172], %mul3A_170 {strides = array<i32>} : memref<80x16xf32, #tpu.memory_space<vmem>>, vector<16xf32>,
        %scan3A_174 = arith.constant 4 : i32
        %scan3A_175 = arith.addi %scan3A_129, %scan3A_174 : i32
        %get3A_176 = arith.index_cast %scan3A_175 : i32 to index
        %get3A_177 = arith.constant 0 : index
        %get3A_178 = tpu.vector_load %arg10[%get3A_176, %get3A_177] {strides = array<i32>} : memref<80x16xf32, #tpu.memory_space<vmem>>, vector<16xf32>,
        %get3A_179 = arith.index_cast %scan3A_175 : i32 to index
        %get3A_180 = arith.constant 0 : index
        %get3A_181 = tpu.vector_load %arg11[%get3A_179, %get3A_180] {strides = array<i32>} : memref<80x16xf32, #tpu.memory_space<vmem>>, vector<16xf32>,
        %mul3A_182 = arith.mulf %get3A_178, %get3A_181 : vector<16xf32>
        %swap3A_183 = arith.index_cast %scan3A_175 : i32 to index
        %swap3A_184 = arith.constant 0 : index
        %swap3A_185 = tpu.vector_load %arg12[%swap3A_183, %swap3A_184] {strides = array<i32>} : memref<80x16xf32, #tpu.memory_space<vmem>>, vector<16xf32>,
        tpu.vector_store %arg12[%swap3A_183, %swap3A_184], %mul3A_182 {strides = array<i32>} : memref<80x16xf32, #tpu.memory_space<vmem>>, vector<16xf32>,
        %scan3A_186 = arith.constant 5 : i32
        %scan3A_187 = arith.addi %scan3A_129, %scan3A_186 : i32
        %get3A_188 = arith.index_cast %scan3A_187 : i32 to index
        %get3A_189 = arith.constant 0 : index
        %get3A_190 = tpu.vector_load %arg10[%get3A_188, %get3A_189] {strides = array<i32>} : memref<80x16xf32, #tpu.memory_space<vmem>>, vector<16xf32>,
        %get3A_191 = arith.index_cast %scan3A_187 : i32 to index
        %get3A_192 = arith.constant 0 : index
        %get3A_193 = tpu.vector_load %arg11[%get3A_191, %get3A_192] {strides = array<i32>} : memref<80x16xf32, #tpu.memory_space<vmem>>, vector<16xf32>,
        %mul3A_194 = arith.mulf %get3A_190, %get3A_193 : vector<16xf32>
        %swap3A_195 = arith.index_cast %scan3A_187 : i32 to index
        %swap3A_196 = arith.constant 0 : index
        %swap3A_197 = tpu.vector_load %arg12[%swap3A_195, %swap3A_196] {strides = array<i32>} : memref<80x16xf32, #tpu.memory_space<vmem>>, vector<16xf32>,
        tpu.vector_store %arg12[%swap3A_195, %swap3A_196], %mul3A_194 {strides = array<i32>} : memref<80x16xf32, #tpu.memory_space<vmem>>, vector<16xf32>,
        %scan3A_198 = arith.constant 6 : i32
        %scan3A_199 = arith.addi %scan3A_129, %scan3A_198 : i32
        %get3A_200 = arith.index_cast %scan3A_199 : i32 to index
        %get3A_201 = arith.constant 0 : index
        %get3A_202 = tpu.vector_load %arg10[%get3A_200, %get3A_201] {strides = array<i32>} : memref<80x16xf32, #tpu.memory_space<vmem>>, vector<16xf32>,
        %get3A_203 = arith.index_cast %scan3A_199 : i32 to index
        %get3A_204 = arith.constant 0 : index
        %get3A_205 = tpu.vector_load %arg11[%get3A_203, %get3A_204] {strides = array<i32>} : memref<80x16xf32, #tpu.memory_space<vmem>>, vector<16xf32>,
        %mul3A_206 = arith.mulf %get3A_202, %get3A_205 : vector<16xf32>
        %swap3A_207 = arith.index_cast %scan3A_199 : i32 to index
        %swap3A_208 = arith.constant 0 : index
        %swap3A_209 = tpu.vector_load %arg12[%swap3A_207, %swap3A_208] {strides = array<i32>} : memref<80x16xf32, #tpu.memory_space<vmem>>, vector<16xf32>,
        tpu.vector_store %arg12[%swap3A_207, %swap3A_208], %mul3A_206 {strides = array<i32>} : memref<80x16xf32, #tpu.memory_space<vmem>>, vector<16xf32>,
        %scan3A_210 = arith.constant 7 : i32
        %scan3A_211 = arith.addi %scan3A_129, %scan3A_210 : i32
        %get3A_212 = arith.index_cast %scan3A_211 : i32 to index
        %get3A_213 = arith.constant 0 : index
        %get3A_214 = tpu.vector_load %arg10[%get3A_212, %get3A_213] {strides = array<i32>} : memref<80x16xf32, #tpu.memory_space<vmem>>, vector<16xf32>,
        %get3A_215 = arith.index_cast %scan3A_211 : i32 to index
        %get3A_216 = arith.constant 0 : index
        %get3A_217 = tpu.vector_load %arg11[%get3A_215, %get3A_216] {strides = array<i32>} : memref<80x16xf32, #tpu.memory_space<vmem>>, vector<16xf32>,
        %mul3A_218 = arith.mulf %get3A_214, %get3A_217 : vector<16xf32>
        %swap3A_219 = arith.index_cast %scan3A_211 : i32 to index
        %swap3A_220 = arith.constant 0 : index
        %swap3A_221 = tpu.vector_load %arg12[%swap3A_219, %swap3A_220] {strides = array<i32>} : memref<80x16xf32, #tpu.memory_space<vmem>>, vector<16xf32>,
        tpu.vector_store %arg12[%swap3A_219, %swap3A_220], %mul3A_218 {strides = array<i32>} : memref<80x16xf32, #tpu.memory_space<vmem>>, vector<16xf32>,
      }
      %scan3A_124 = arith.constant 80 : i32
      %mul3A_125 = arith.constant 80 : i32
      %mul3A_126 = arith.muli %add3A_118, %mul3A_125 : i32
      %add3A_127 = arith.addi %mul3A_2, %mul3A_126 : i32
      %multiple_of3A_128 = tpu.assume_multiple %add3A_127, 8 : i32
      "tpu.region"() ({
        %run_scoped3A = tpu.sem_alloc : memref<!tpu.dma_semaphore, #tpu.memory_space<semaphore_mem>>
        %dma_start3A_129 = arith.constant 0 : i32
        %dma_start3A_130 = arith.constant 0 : i32
        %dma_start3A_131 = tpu.memref_slice %arg12[%dma_start3A_129, %dma_start3A_130] : memref<80x16xf32, #tpu.memory_space<vmem>> -> memref<80x8xf32, #tpu.memory_space<vmem>>
        %dma_start3A_132 = arith.constant 0 : i32
        %dma_start3A_133 = tpu.memref_slice %arg5[%multiple_of3A_128, %dma_start3A_132] : memref<320000x8xf32, #tpu.memory_space<hbm>> -> memref<80x8xf32, #tpu.memory_space<hbm>>
        %dma_start3A_134 = arith.constant 0 : i32
        %dma_start3A_135 = tpu.memref_slice %arg5[%multiple_of3A_128, %dma_start3A_134] : memref<320000x8xf32, #tpu.memory_space<hbm>> -> memref<80x8xf32, #tpu.memory_space<hbm>>
        %dma_start3A_136 = arith.constant 0 : i32
        %dma_start3A_137 = arith.constant 0 : i32
        %dma_start3A_138 = tpu.memref_slice %arg12[%dma_start3A_136, %dma_start3A_137] : memref<80x16xf32, #tpu.memory_space<vmem>> -> memref<80x8xf32, #tpu.memory_space<vmem>>
        tpu.enqueue_dma source(%dma_start3A_138 : memref<80x8xf32, #tpu.memory_space<vmem>>) target(%dma_start3A_135 : memref<80x8xf32, #tpu.memory_space<hbm>>) target_semaphore(%run_scoped3A : memref<!tpu.dma_semaphore, #tpu.memory_space<semaphore_mem>>)
        %dma_wait3A_139 = arith.constant 0 : i32
        %dma_wait3A_140 = arith.constant 0 : i32
        %dma_wait3A_141 = tpu.memref_slice %arg12[%dma_wait3A_139, %dma_wait3A_140] : memref<80x16xf32, #tpu.memory_space<vmem>> -> memref<80x8xf32, #tpu.memory_space<vmem>>
        %dma_wait3A_142 = arith.constant 0 : i32
        %dma_wait3A_143 = tpu.memref_slice %arg5[%multiple_of3A_128, %dma_wait3A_142] : memref<320000x8xf32, #tpu.memory_space<hbm>> -> memref<80x8xf32, #tpu.memory_space<hbm>>
        %dma_wait3A_144 = arith.constant 0 : i32
        %dma_wait3A_145 = tpu.memref_slice %arg5[%multiple_of3A_128, %dma_wait3A_144] : memref<320000x8xf32, #tpu.memory_space<hbm>> -> memref<80x8xf32, #tpu.memory_space<hbm>>
        %dma_wait3A_146 = arith.constant 0 : i32
        %dma_wait3A_147 = arith.constant 0 : i32
        %dma_wait3A_148 = tpu.memref_slice %arg12[%dma_wait3A_146, %dma_wait3A_147] : memref<80x16xf32, #tpu.memory_space<vmem>> -> memref<80x8xf32, #tpu.memory_space<vmem>>
        tpu.wait_dma2 semaphore(%run_scoped3A : memref<!tpu.dma_semaphore, #tpu.memory_space<semaphore_mem>>) src(%dma_wait3A_148 : memref<80x8xf32, #tpu.memory_space<vmem>>) dst(%dma_wait3A_145 : memref<80x8xf32, #tpu.memory_space<hbm>>)
        tpu.yield
      }) : () -> ()
    }
    %scan3A_19 = arith.constant 62 : i32
    %add3A_20 = arith.constant 9920 : i32
    %add3A_21 = arith.addi %mul3A_2, %add3A_20 : i32
    %multiple_of3A_22 = tpu.assume_multiple %add3A_21, 8 : i32
    %dma_wait3A = arith.constant 0 : i32
    %dma_wait3A_23 = tpu.memref_slice %arg3[%multiple_of3A_22, %dma_wait3A] : memref<320000x16xf32, #tpu.memory_space<hbm>> -> memref<80x16xf32, #tpu.memory_space<hbm>>
    %dma_wait3A_24 = arith.constant 0 : i32
    %dma_wait3A_25 = tpu.memref_slice %arg3[%multiple_of3A_22, %dma_wait3A_24] : memref<320000x16xf32, #tpu.memory_space<hbm>> -> memref<80x16xf32, #tpu.memory_space<hbm>>
    tpu.wait_dma2 semaphore(%arg13 : memref<!tpu.dma_semaphore, #tpu.memory_space<semaphore_mem>>) src(%dma_wait3A_25 : memref<80x16xf32, #tpu.memory_space<hbm>>) dst(%arg7 : memref<80x16xf32, #tpu.memory_space<vmem>>)
    %dma_wait3A_26 = arith.constant 124 : i32
    %dma_wait3A_27 = arith.constant 0 : i32
    %dma_wait3A_28 = tpu.memref_slice %arg6[%dma_wait3A_26, %dma_wait3A_27] : memref<125x80xi32, #tpu.memory_space<vmem>> -> memref<1x80xi32, #tpu.memory_space<vmem>>
    %dma_wait3A_29 = tpu.memref_squeeze %dma_wait3A_28 : memref<1x80xi32, #tpu.memory_space<vmem>> -> memref<80xi32, #tpu.memory_space<vmem>>
    %dma_wait3A_30 = arith.constant 0 : i32
    %dma_wait3A_31 = arith.constant 0 : i32
    %dma_wait3A_32 = tpu.memref_slice %arg4[%dma_wait3A_30, %dma_wait3A_31] : memref<10000x16xf32, #tpu.memory_space<hbm>> -> memref<10000x16xf32, #tpu.memory_space<hbm>>
    tpu.wait_indirect_dma semaphore(%arg14 : memref<!tpu.dma_semaphore, #tpu.memory_space<semaphore_mem>>) src(%dma_wait3A_32 : memref<10000x16xf32, #tpu.memory_space<hbm>>) dst(%arg8 : memref<80x16xf32, #tpu.memory_space<vmem>>)
    %scan3A_33 = arith.constant 0 : i32
    %scan3A_34 = arith.constant 0 : i32
    %scan3A_35 = arith.constant 80 : i32
    %scan3A_36 = arith.addi %scan3A_34, %scan3A_35 : i32
    %scan3A_37 = arith.constant 8 : i32
    scf.for %scan3A_42 = %scan3A_34 to %scan3A_36 step %scan3A_37  : i32 {
      %get3A = arith.index_cast %scan3A_42 : i32 to index
      %get3A_43 = arith.constant 0 : index
      %get3A_44 = tpu.vector_load %arg7[%get3A, %get3A_43] {strides = array<i32>} : memref<80x16xf32, #tpu.memory_space<vmem>>, vector<16xf32>,
      %get3A_45 = arith.index_cast %scan3A_42 : i32 to index
      %get3A_46 = arith.constant 0 : index
      %get3A_47 = tpu.vector_load %arg8[%get3A_45, %get3A_46] {strides = array<i32>} : memref<80x16xf32, #tpu.memory_space<vmem>>, vector<16xf32>,
      %mul3A_48 = arith.mulf %get3A_44, %get3A_47 : vector<16xf32>
      %swap3A = arith.index_cast %scan3A_42 : i32 to index
      %swap3A_49 = arith.constant 0 : index
      %swap3A_50 = tpu.vector_load %arg9[%swap3A, %swap3A_49] {strides = array<i32>} : memref<80x16xf32, #tpu.memory_space<vmem>>, vector<16xf32>,
      tpu.vector_store %arg9[%swap3A, %swap3A_49], %mul3A_48 {strides = array<i32>} : memref<80x16xf32, #tpu.memory_space<vmem>>, vector<16xf32>,
      %scan3A_51 = arith.constant 1 : i32
      %scan3A_52 = arith.addi %scan3A_42, %scan3A_51 : i32
      %get3A_53 = arith.index_cast %scan3A_52 : i32 to index
      %get3A_54 = arith.constant 0 : index
      %get3A_55 = tpu.vector_load %arg7[%get3A_53, %get3A_54] {strides = array<i32>} : memref<80x16xf32, #tpu.memory_space<vmem>>, vector<16xf32>,
      %get3A_56 = arith.index_cast %scan3A_52 : i32 to index
      %get3A_57 = arith.constant 0 : index
      %get3A_58 = tpu.vector_load %arg8[%get3A_56, %get3A_57] {strides = array<i32>} : memref<80x16xf32, #tpu.memory_space<vmem>>, vector<16xf32>,
      %mul3A_59 = arith.mulf %get3A_55, %get3A_58 : vector<16xf32>
      %swap3A_60 = arith.index_cast %scan3A_52 : i32 to index
      %swap3A_61 = arith.constant 0 : index
      %swap3A_62 = tpu.vector_load %arg9[%swap3A_60, %swap3A_61] {strides = array<i32>} : memref<80x16xf32, #tpu.memory_space<vmem>>, vector<16xf32>,
      tpu.vector_store %arg9[%swap3A_60, %swap3A_61], %mul3A_59 {strides = array<i32>} : memref<80x16xf32, #tpu.memory_space<vmem>>, vector<16xf32>,
      %scan3A_63 = arith.constant 2 : i32
      %scan3A_64 = arith.addi %scan3A_42, %scan3A_63 : i32
      %get3A_65 = arith.index_cast %scan3A_64 : i32 to index
      %get3A_66 = arith.constant 0 : index
      %get3A_67 = tpu.vector_load %arg7[%get3A_65, %get3A_66] {strides = array<i32>} : memref<80x16xf32, #tpu.memory_space<vmem>>, vector<16xf32>,
      %get3A_68 = arith.index_cast %scan3A_64 : i32 to index
      %get3A_69 = arith.constant 0 : index
      %get3A_70 = tpu.vector_load %arg8[%get3A_68, %get3A_69] {strides = array<i32>} : memref<80x16xf32, #tpu.memory_space<vmem>>, vector<16xf32>,
      %mul3A_71 = arith.mulf %get3A_67, %get3A_70 : vector<16xf32>
      %swap3A_72 = arith.index_cast %scan3A_64 : i32 to index
      %swap3A_73 = arith.constant 0 : index
      %swap3A_74 = tpu.vector_load %arg9[%swap3A_72, %swap3A_73] {strides = array<i32>} : memref<80x16xf32, #tpu.memory_space<vmem>>, vector<16xf32>,
      tpu.vector_store %arg9[%swap3A_72, %swap3A_73], %mul3A_71 {strides = array<i32>} : memref<80x16xf32, #tpu.memory_space<vmem>>, vector<16xf32>,
      %scan3A_75 = arith.constant 3 : i32
      %scan3A_76 = arith.addi %scan3A_42, %scan3A_75 : i32
      %get3A_77 = arith.index_cast %scan3A_76 : i32 to index
      %get3A_78 = arith.constant 0 : index
      %get3A_79 = tpu.vector_load %arg7[%get3A_77, %get3A_78] {strides = array<i32>} : memref<80x16xf32, #tpu.memory_space<vmem>>, vector<16xf32>,
      %get3A_80 = arith.index_cast %scan3A_76 : i32 to index
      %get3A_81 = arith.constant 0 : index
      %get3A_82 = tpu.vector_load %arg8[%get3A_80, %get3A_81] {strides = array<i32>} : memref<80x16xf32, #tpu.memory_space<vmem>>, vector<16xf32>,
      %mul3A_83 = arith.mulf %get3A_79, %get3A_82 : vector<16xf32>
      %swap3A_84 = arith.index_cast %scan3A_76 : i32 to index
      %swap3A_85 = arith.constant 0 : index
      %swap3A_86 = tpu.vector_load %arg9[%swap3A_84, %swap3A_85] {strides = array<i32>} : memref<80x16xf32, #tpu.memory_space<vmem>>, vector<16xf32>,
      tpu.vector_store %arg9[%swap3A_84, %swap3A_85], %mul3A_83 {strides = array<i32>} : memref<80x16xf32, #tpu.memory_space<vmem>>, vector<16xf32>,
      %scan3A_87 = arith.constant 4 : i32
      %scan3A_88 = arith.addi %scan3A_42, %scan3A_87 : i32
      %get3A_89 = arith.index_cast %scan3A_88 : i32 to index
      %get3A_90 = arith.constant 0 : index
      %get3A_91 = tpu.vector_load %arg7[%get3A_89, %get3A_90] {strides = array<i32>} : memref<80x16xf32, #tpu.memory_space<vmem>>, vector<16xf32>,
      %get3A_92 = arith.index_cast %scan3A_88 : i32 to index
      %get3A_93 = arith.constant 0 : index
      %get3A_94 = tpu.vector_load %arg8[%get3A_92, %get3A_93] {strides = array<i32>} : memref<80x16xf32, #tpu.memory_space<vmem>>, vector<16xf32>,
      %mul3A_95 = arith.mulf %get3A_91, %get3A_94 : vector<16xf32>
      %swap3A_96 = arith.index_cast %scan3A_88 : i32 to index
      %swap3A_97 = arith.constant 0 : index
      %swap3A_98 = tpu.vector_load %arg9[%swap3A_96, %swap3A_97] {strides = array<i32>} : memref<80x16xf32, #tpu.memory_space<vmem>>, vector<16xf32>,
      tpu.vector_store %arg9[%swap3A_96, %swap3A_97], %mul3A_95 {strides = array<i32>} : memref<80x16xf32, #tpu.memory_space<vmem>>, vector<16xf32>,
      %scan3A_99 = arith.constant 5 : i32
      %scan3A_100 = arith.addi %scan3A_42, %scan3A_99 : i32
      %get3A_101 = arith.index_cast %scan3A_100 : i32 to index
      %get3A_102 = arith.constant 0 : index
      %get3A_103 = tpu.vector_load %arg7[%get3A_101, %get3A_102] {strides = array<i32>} : memref<80x16xf32, #tpu.memory_space<vmem>>, vector<16xf32>,
      %get3A_104 = arith.index_cast %scan3A_100 : i32 to index
      %get3A_105 = arith.constant 0 : index
      %get3A_106 = tpu.vector_load %arg8[%get3A_104, %get3A_105] {strides = array<i32>} : memref<80x16xf32, #tpu.memory_space<vmem>>, vector<16xf32>,
      %mul3A_107 = arith.mulf %get3A_103, %get3A_106 : vector<16xf32>
      %swap3A_108 = arith.index_cast %scan3A_100 : i32 to index
      %swap3A_109 = arith.constant 0 : index
      %swap3A_110 = tpu.vector_load %arg9[%swap3A_108, %swap3A_109] {strides = array<i32>} : memref<80x16xf32, #tpu.memory_space<vmem>>, vector<16xf32>,
      tpu.vector_store %arg9[%swap3A_108, %swap3A_109], %mul3A_107 {strides = array<i32>} : memref<80x16xf32, #tpu.memory_space<vmem>>, vector<16xf32>,
      %scan3A_111 = arith.constant 6 : i32
      %scan3A_112 = arith.addi %scan3A_42, %scan3A_111 : i32
      %get3A_113 = arith.index_cast %scan3A_112 : i32 to index
      %get3A_114 = arith.constant 0 : index
      %get3A_115 = tpu.vector_load %arg7[%get3A_113, %get3A_114] {strides = array<i32>} : memref<80x16xf32, #tpu.memory_space<vmem>>, vector<16xf32>,
      %get3A_116 = arith.index_cast %scan3A_112 : i32 to index
      %get3A_117 = arith.constant 0 : index
      %get3A_118 = tpu.vector_load %arg8[%get3A_116, %get3A_117] {strides = array<i32>} : memref<80x16xf32, #tpu.memory_space<vmem>>, vector<16xf32>,
      %mul3A_119 = arith.mulf %get3A_115, %get3A_118 : vector<16xf32>
      %swap3A_120 = arith.index_cast %scan3A_112 : i32 to index
      %swap3A_121 = arith.constant 0 : index
      %swap3A_122 = tpu.vector_load %arg9[%swap3A_120, %swap3A_121] {strides = array<i32>} : memref<80x16xf32, #tpu.memory_space<vmem>>, vector<16xf32>,
      tpu.vector_store %arg9[%swap3A_120, %swap3A_121], %mul3A_119 {strides = array<i32>} : memref<80x16xf32, #tpu.memory_space<vmem>>, vector<16xf32>,
      %scan3A_123 = arith.constant 7 : i32
      %scan3A_124 = arith.addi %scan3A_42, %scan3A_123 : i32
      %get3A_125 = arith.index_cast %scan3A_124 : i32 to index
      %get3A_126 = arith.constant 0 : index
      %get3A_127 = tpu.vector_load %arg7[%get3A_125, %get3A_126] {strides = array<i32>} : memref<80x16xf32, #tpu.memory_space<vmem>>, vector<16xf32>,
      %get3A_128 = arith.index_cast %scan3A_124 : i32 to index
      %get3A_129 = arith.constant 0 : index
      %get3A_130 = tpu.vector_load %arg8[%get3A_128, %get3A_129] {strides = array<i32>} : memref<80x16xf32, #tpu.memory_space<vmem>>, vector<16xf32>,
      %mul3A_131 = arith.mulf %get3A_127, %get3A_130 : vector<16xf32>
      %swap3A_132 = arith.index_cast %scan3A_124 : i32 to index
      %swap3A_133 = arith.constant 0 : index
      %swap3A_134 = tpu.vector_load %arg9[%swap3A_132, %swap3A_133] {strides = array<i32>} : memref<80x16xf32, #tpu.memory_space<vmem>>, vector<16xf32>,
      tpu.vector_store %arg9[%swap3A_132, %swap3A_133], %mul3A_131 {strides = array<i32>} : memref<80x16xf32, #tpu.memory_space<vmem>>, vector<16xf32>,
    }
    %scan3A_38 = arith.constant 80 : i32
    %add3A_39 = arith.constant 9920 : i32
    %add3A_40 = arith.addi %mul3A_2, %add3A_39 : i32
    %multiple_of3A_41 = tpu.assume_multiple %add3A_40, 8 : i32
    "tpu.region"() ({
      %run_scoped3A = tpu.sem_alloc : memref<!tpu.dma_semaphore, #tpu.memory_space<semaphore_mem>>
      %dma_start3A_42 = arith.constant 0 : i32
      %dma_start3A_43 = arith.constant 0 : i32
      %dma_start3A_44 = tpu.memref_slice %arg9[%dma_start3A_42, %dma_start3A_43] : memref<80x16xf32, #tpu.memory_space<vmem>> -> memref<80x8xf32, #tpu.memory_space<vmem>>
      %dma_start3A_45 = arith.constant 0 : i32
      %dma_start3A_46 = tpu.memref_slice %arg5[%multiple_of3A_41, %dma_start3A_45] : memref<320000x8xf32, #tpu.memory_space<hbm>> -> memref<80x8xf32, #tpu.memory_space<hbm>>
      %dma_start3A_47 = arith.constant 0 : i32
      %dma_start3A_48 = tpu.memref_slice %arg5[%multiple_of3A_41, %dma_start3A_47] : memref<320000x8xf32, #tpu.memory_space<hbm>> -> memref<80x8xf32, #tpu.memory_space<hbm>>
      %dma_start3A_49 = arith.constant 0 : i32
      %dma_start3A_50 = arith.constant 0 : i32
      %dma_start3A_51 = tpu.memref_slice %arg9[%dma_start3A_49, %dma_start3A_50] : memref<80x16xf32, #tpu.memory_space<vmem>> -> memref<80x8xf32, #tpu.memory_space<vmem>>
      tpu.enqueue_dma source(%dma_start3A_51 : memref<80x8xf32, #tpu.memory_space<vmem>>) target(%dma_start3A_48 : memref<80x8xf32, #tpu.memory_space<hbm>>) target_semaphore(%run_scoped3A : memref<!tpu.dma_semaphore, #tpu.memory_space<semaphore_mem>>)
      %dma_wait3A_52 = arith.constant 0 : i32
      %dma_wait3A_53 = arith.constant 0 : i32
      %dma_wait3A_54 = tpu.memref_slice %arg9[%dma_wait3A_52, %dma_wait3A_53] : memref<80x16xf32, #tpu.memory_space<vmem>> -> memref<80x8xf32, #tpu.memory_space<vmem>>
      %dma_wait3A_55 = arith.constant 0 : i32
      %dma_wait3A_56 = tpu.memref_slice %arg5[%multiple_of3A_41, %dma_wait3A_55] : memref<320000x8xf32, #tpu.memory_space<hbm>> -> memref<80x8xf32, #tpu.memory_space<hbm>>
      %dma_wait3A_57 = arith.constant 0 : i32
      %dma_wait3A_58 = tpu.memref_slice %arg5[%multiple_of3A_41, %dma_wait3A_57] : memref<320000x8xf32, #tpu.memory_space<hbm>> -> memref<80x8xf32, #tpu.memory_space<hbm>>
      %dma_wait3A_59 = arith.constant 0 : i32
      %dma_wait3A_60 = arith.constant 0 : i32
      %dma_wait3A_61 = tpu.memref_slice %arg9[%dma_wait3A_59, %dma_wait3A_60] : memref<80x16xf32, #tpu.memory_space<vmem>> -> memref<80x8xf32, #tpu.memory_space<vmem>>
      tpu.wait_dma2 semaphore(%run_scoped3A : memref<!tpu.dma_semaphore, #tpu.memory_space<semaphore_mem>>) src(%dma_wait3A_61 : memref<80x8xf32, #tpu.memory_space<vmem>>) dst(%dma_wait3A_58 : memref<80x8xf32, #tpu.memory_space<hbm>>)
      tpu.yield
    }) : () -> ()
    return
  }
}

#map = affine_map<(d0, d1) -> (0, 0, 0)>
#map1 = affine_map<(d0, d1) -> (0, 0)>
module attributes {stable_mosaic.version = 14 : i64} {
  func.func @_sc1_body(%arg0: i32, %arg1: i32, %arg2: memref<32x125x80xi32, #tpu.memory_space<hbm>>, %arg3: memref<32x125x80xi32, #tpu.memory_space<hbm>>, %arg4: memref<10000x16xf32, #tpu.memory_space<hbm>>, %arg5: memref<10000x16xf32, #tpu.memory_space<hbm>>, %arg6: memref<10000x64xbf16, #tpu.memory_space<hbm>>, %arg7: memref<320000x16xf32, #tpu.memory_space<hbm>>, %arg8: memref<2x10112x16xf32, #tpu.memory_space<hbm>>, %arg9: memref<2x10112x64xf32, #tpu.memory_space<hbm>>, %arg10: memref<125x80xi32, #tpu.memory_space<vmem>>, %arg11: memref<125x80xi32, #tpu.memory_space<vmem>>, %arg12: memref<80x16xf32, #tpu.memory_space<vmem>>, %arg13: memref<80x16xf32, #tpu.memory_space<vmem>>, %arg14: memref<80x64xbf16, #tpu.memory_space<vmem>>, %arg15: memref<80x16xf32, #tpu.memory_space<vmem>>, %arg16: memref<80x16xf32, #tpu.memory_space<vmem>>, %arg17: memref<80x64xbf16, #tpu.memory_space<vmem>>, %arg18: memref<80x16xf32, #tpu.memory_space<vmem>>, %arg19: memref<80x64xf32, #tpu.memory_space<vmem>>, %arg20: memref<80x16xf32, #tpu.memory_space<vmem>>, %arg21: memref<80x64xf32, #tpu.memory_space<vmem>>, %arg22: memref<10112x16xf32, #tpu.memory_space<vmem_shared>>, %arg23: memref<10112x64xf32, #tpu.memory_space<vmem_shared>>, %arg24: memref<!tpu.dma_semaphore, #tpu.memory_space<semaphore_mem>>, %arg25: memref<!tpu.dma_semaphore, #tpu.memory_space<semaphore_mem>>, %arg26: memref<!tpu.dma_semaphore, #tpu.memory_space<semaphore_mem>>, %arg27: memref<!tpu.dma_semaphore, #tpu.memory_space<semaphore_mem>>, %arg28: memref<!tpu.dma_semaphore, #tpu.memory_space<semaphore_mem>>, %arg29: memref<!tpu.dma_semaphore, #tpu.memory_space<semaphore_mem>>) attributes {dimension_semantics = [#tpu.dimension_semantics<core_parallel>, #tpu.dimension_semantics<subcore_parallel>], iteration_bounds = array<i64: 2, 16>, scalar_prefetch = 0 : i64, scratch_operands = 20 : i64, tpu.core_type = #tpu.core_type<sc_vector_subcore>, window_params = [{transform_indices = #map}, {transform_indices = #map}, {transform_indices = #map1}, {transform_indices = #map1}, {transform_indices = #map1}, {transform_indices = #map1}, {transform_indices = #map}, {transform_indices = #map}]} {
    %mul3A = arith.constant 16 : i32
    %mul3A_0 = arith.muli %arg0, %mul3A : i32
    %add3A = arith.addi %mul3A_0, %arg1 : i32
    %mul3A_1 = arith.constant 632 : i32
    %mul3A_2 = arith.muli %arg1, %mul3A_1 : i32
    %multiple_of3A = tpu.assume_multiple %mul3A_2, 8 : i32
    %mul3A_3 = arith.constant 10000 : i32
    %mul3A_4 = arith.muli %add3A, %mul3A_3 : i32
    %iota3A = tpu.iota {dimensions = array<i32: 0>} : vector<16xi32>
    %shift_right_arithmetic3A = arith.constant 2 : i32
    %shift_right_arithmetic3A_5 = vector.broadcast %shift_right_arithmetic3A : i32 to vector<16xi32>
    %shift_right_arithmetic3A_6 = arith.shrsi %iota3A, %shift_right_arithmetic3A_5 : vector<16xi32>
    %add3A_7 = arith.constant 0 : i32
    %add3A_8 = vector.broadcast %add3A_7 : i32 to vector<16xi32>
    %add3A_9 = arith.addi %add3A_8, %shift_right_arithmetic3A_6 : vector<16xi32>
    %shift_right_arithmetic3A_10 = arith.constant 2 : i32
    %shift_right_arithmetic3A_11 = vector.broadcast %shift_right_arithmetic3A_10 : i32 to vector<16xi32>
    %shift_right_arithmetic3A_12 = arith.shrsi %iota3A, %shift_right_arithmetic3A_11 : vector<16xi32>
    %add3A_13 = arith.constant 4 : i32
    %add3A_14 = vector.broadcast %add3A_13 : i32 to vector<16xi32>
    %add3A_15 = arith.addi %add3A_14, %shift_right_arithmetic3A_12 : vector<16xi32>
    %broadcast_in_dim3A = arith.constant 0.000000e+00 : f32
    %broadcast_in_dim3A_16 = vector.broadcast %broadcast_in_dim3A : f32 to vector<16xf32>
    %scan3A = arith.constant 0 : i32
    %scan3A_17 = arith.constant 0 : i32
    %scan3A_18 = arith.constant 80 : i32
    %scan3A_19 = arith.addi %scan3A_17, %scan3A_18 : i32
    %scan3A_20 = arith.constant 1 : i32
    scf.for %scan3A_127 = %scan3A_17 to %scan3A_19 step %scan3A_20  : i32 {
      %swap3A = arith.index_cast %scan3A_127 : i32 to index
      %swap3A_128 = arith.constant 0 : index
      %swap3A_129 = tpu.vector_load %arg18[%swap3A, %swap3A_128] {strides = array<i32>} : memref<80x16xf32, #tpu.memory_space<vmem>>, vector<16xf32>,
      tpu.vector_store %arg18[%swap3A, %swap3A_128], %broadcast_in_dim3A_16 {strides = array<i32>} : memref<80x16xf32, #tpu.memory_space<vmem>>, vector<16xf32>,
      %swap3A_130 = arith.index_cast %scan3A_127 : i32 to index
      %swap3A_131 = arith.constant 0 : index
      %swap3A_132 = tpu.vector_load %arg19[%swap3A_130, %swap3A_131] {strides = array<i32>} : memref<80x64xf32, #tpu.memory_space<vmem>>, vector<16xf32>,
      tpu.vector_store %arg19[%swap3A_130, %swap3A_131], %broadcast_in_dim3A_16 {strides = array<i32>} : memref<80x64xf32, #tpu.memory_space<vmem>>, vector<16xf32>,
      %swap3A_133 = arith.index_cast %scan3A_127 : i32 to index
      %swap3A_134 = arith.constant 16 : index
      %swap3A_135 = tpu.vector_load %arg19[%swap3A_133, %swap3A_134] {strides = array<i32>} : memref<80x64xf32, #tpu.memory_space<vmem>>, vector<16xf32>,
      tpu.vector_store %arg19[%swap3A_133, %swap3A_134], %broadcast_in_dim3A_16 {strides = array<i32>} : memref<80x64xf32, #tpu.memory_space<vmem>>, vector<16xf32>,
      %swap3A_136 = arith.index_cast %scan3A_127 : i32 to index
      %swap3A_137 = arith.constant 32 : index
      %swap3A_138 = tpu.vector_load %arg19[%swap3A_136, %swap3A_137] {strides = array<i32>} : memref<80x64xf32, #tpu.memory_space<vmem>>, vector<16xf32>,
      tpu.vector_store %arg19[%swap3A_136, %swap3A_137], %broadcast_in_dim3A_16 {strides = array<i32>} : memref<80x64xf32, #tpu.memory_space<vmem>>, vector<16xf32>,
      %swap3A_139 = arith.index_cast %scan3A_127 : i32 to index
      %swap3A_140 = arith.constant 48 : index
      %swap3A_141 = tpu.vector_load %arg19[%swap3A_139, %swap3A_140] {strides = array<i32>} : memref<80x64xf32, #tpu.memory_space<vmem>>, vector<16xf32>,
      tpu.vector_store %arg19[%swap3A_139, %swap3A_140], %broadcast_in_dim3A_16 {strides = array<i32>} : memref<80x64xf32, #tpu.memory_space<vmem>>, vector<16xf32>,
    }
    %scan3A_21 = arith.constant 80 : i32
    %add3A_22 = arith.constant 0 : i32
    %add3A_23 = arith.addi %multiple_of3A, %add3A_22 : i32
    %multiple_of3A_24 = tpu.assume_multiple %add3A_23, 8 : i32
    "tpu.region"() ({
      %run_scoped3A_127 = tpu.sem_alloc : memref<!tpu.dma_semaphore, #tpu.memory_space<semaphore_mem>>
      %dma_start3A_128 = arith.constant 0 : i32
      %dma_start3A_129 = arith.constant 0 : i32
      %dma_start3A_130 = tpu.memref_slice %arg19[%dma_start3A_128, %dma_start3A_129] : memref<80x64xf32, #tpu.memory_space<vmem>> -> memref<80x64xf32, #tpu.memory_space<vmem>>
      %dma_start3A_131 = arith.constant 0 : i32
      %dma_start3A_132 = tpu.memref_slice %arg23[%multiple_of3A_24, %dma_start3A_131] : memref<10112x64xf32, #tpu.memory_space<vmem_shared>> -> memref<80x64xf32, #tpu.memory_space<vmem_shared>>
      %dma_start3A_133 = arith.constant 0 : i32
      %dma_start3A_134 = tpu.memref_slice %arg23[%multiple_of3A_24, %dma_start3A_133] : memref<10112x64xf32, #tpu.memory_space<vmem_shared>> -> memref<80x64xf32, #tpu.memory_space<vmem_shared>>
      %dma_start3A_135 = arith.constant 0 : i32
      %dma_start3A_136 = arith.constant 0 : i32
      %dma_start3A_137 = tpu.memref_slice %arg19[%dma_start3A_135, %dma_start3A_136] : memref<80x64xf32, #tpu.memory_space<vmem>> -> memref<80x64xf32, #tpu.memory_space<vmem>>
      tpu.enqueue_dma source(%dma_start3A_137 : memref<80x64xf32, #tpu.memory_space<vmem>>) target(%dma_start3A_134 : memref<80x64xf32, #tpu.memory_space<vmem_shared>>) target_semaphore(%run_scoped3A_127 : memref<!tpu.dma_semaphore, #tpu.memory_space<semaphore_mem>>)
      %dma_wait3A_138 = arith.constant 0 : i32
      %dma_wait3A_139 = arith.constant 0 : i32
      %dma_wait3A_140 = tpu.memref_slice %arg19[%dma_wait3A_138, %dma_wait3A_139] : memref<80x64xf32, #tpu.memory_space<vmem>> -> memref<80x64xf32, #tpu.memory_space<vmem>>
      %dma_wait3A_141 = arith.constant 0 : i32
      %dma_wait3A_142 = tpu.memref_slice %arg23[%multiple_of3A_24, %dma_wait3A_141] : memref<10112x64xf32, #tpu.memory_space<vmem_shared>> -> memref<80x64xf32, #tpu.memory_space<vmem_shared>>
      %dma_wait3A_143 = arith.constant 0 : i32
      %dma_wait3A_144 = tpu.memref_slice %arg23[%multiple_of3A_24, %dma_wait3A_143] : memref<10112x64xf32, #tpu.memory_space<vmem_shared>> -> memref<80x64xf32, #tpu.memory_space<vmem_shared>>
      %dma_wait3A_145 = arith.constant 0 : i32
      %dma_wait3A_146 = arith.constant 0 : i32
      %dma_wait3A_147 = tpu.memref_slice %arg19[%dma_wait3A_145, %dma_wait3A_146] : memref<80x64xf32, #tpu.memory_space<vmem>> -> memref<80x64xf32, #tpu.memory_space<vmem>>
      tpu.wait_dma2 semaphore(%run_scoped3A_127 : memref<!tpu.dma_semaphore, #tpu.memory_space<semaphore_mem>>) src(%dma_wait3A_147 : memref<80x64xf32, #tpu.memory_space<vmem>>) dst(%dma_wait3A_144 : memref<80x64xf32, #tpu.memory_space<vmem_shared>>)
      tpu.yield
    }) : () -> ()
    "tpu.region"() ({
      %run_scoped3A_127 = tpu.sem_alloc : memref<!tpu.dma_semaphore, #tpu.memory_space<semaphore_mem>>
      %dma_start3A_128 = arith.constant 0 : i32
      %dma_start3A_129 = arith.constant 0 : i32
      %dma_start3A_130 = tpu.memref_slice %arg18[%dma_start3A_128, %dma_start3A_129] : memref<80x16xf32, #tpu.memory_space<vmem>> -> memref<80x16xf32, #tpu.memory_space<vmem>>
      %dma_start3A_131 = arith.constant 0 : i32
      %dma_start3A_132 = tpu.memref_slice %arg22[%multiple_of3A_24, %dma_start3A_131] : memref<10112x16xf32, #tpu.memory_space<vmem_shared>> -> memref<80x16xf32, #tpu.memory_space<vmem_shared>>
      %dma_start3A_133 = arith.constant 0 : i32
      %dma_start3A_134 = tpu.memref_slice %arg22[%multiple_of3A_24, %dma_start3A_133] : memref<10112x16xf32, #tpu.memory_space<vmem_shared>> -> memref<80x16xf32, #tpu.memory_space<vmem_shared>>
      %dma_start3A_135 = arith.constant 0 : i32
      %dma_start3A_136 = arith.constant 0 : i32
      %dma_start3A_137 = tpu.memref_slice %arg18[%dma_start3A_135, %dma_start3A_136] : memref<80x16xf32, #tpu.memory_space<vmem>> -> memref<80x16xf32, #tpu.memory_space<vmem>>
      tpu.enqueue_dma source(%dma_start3A_137 : memref<80x16xf32, #tpu.memory_space<vmem>>) target(%dma_start3A_134 : memref<80x16xf32, #tpu.memory_space<vmem_shared>>) target_semaphore(%run_scoped3A_127 : memref<!tpu.dma_semaphore, #tpu.memory_space<semaphore_mem>>)
      %dma_wait3A_138 = arith.constant 0 : i32
      %dma_wait3A_139 = arith.constant 0 : i32
      %dma_wait3A_140 = tpu.memref_slice %arg18[%dma_wait3A_138, %dma_wait3A_139] : memref<80x16xf32, #tpu.memory_space<vmem>> -> memref<80x16xf32, #tpu.memory_space<vmem>>
      %dma_wait3A_141 = arith.constant 0 : i32
      %dma_wait3A_142 = tpu.memref_slice %arg22[%multiple_of3A_24, %dma_wait3A_141] : memref<10112x16xf32, #tpu.memory_space<vmem_shared>> -> memref<80x16xf32, #tpu.memory_space<vmem_shared>>
      %dma_wait3A_143 = arith.constant 0 : i32
      %dma_wait3A_144 = tpu.memref_slice %arg22[%multiple_of3A_24, %dma_wait3A_143] : memref<10112x16xf32, #tpu.memory_space<vmem_shared>> -> memref<80x16xf32, #tpu.memory_space<vmem_shared>>
      %dma_wait3A_145 = arith.constant 0 : i32
      %dma_wait3A_146 = arith.constant 0 : i32
      %dma_wait3A_147 = tpu.memref_slice %arg18[%dma_wait3A_145, %dma_wait3A_146] : memref<80x16xf32, #tpu.memory_space<vmem>> -> memref<80x16xf32, #tpu.memory_space<vmem>>
      tpu.wait_dma2 semaphore(%run_scoped3A_127 : memref<!tpu.dma_semaphore, #tpu.memory_space<semaphore_mem>>) src(%dma_wait3A_147 : memref<80x16xf32, #tpu.memory_space<vmem>>) dst(%dma_wait3A_144 : memref<80x16xf32, #tpu.memory_space<vmem_shared>>)
      tpu.yield
    }) : () -> ()
    %add3A_25 = arith.constant 80 : i32
    %add3A_26 = arith.addi %multiple_of3A, %add3A_25 : i32
    %multiple_of3A_27 = tpu.assume_multiple %add3A_26, 8 : i32
    "tpu.region"() ({
      %run_scoped3A_127 = tpu.sem_alloc : memref<!tpu.dma_semaphore, #tpu.memory_space<semaphore_mem>>
      %dma_start3A_128 = arith.constant 0 : i32
      %dma_start3A_129 = arith.constant 0 : i32
      %dma_start3A_130 = tpu.memref_slice %arg19[%dma_start3A_128, %dma_start3A_129] : memref<80x64xf32, #tpu.memory_space<vmem>> -> memref<80x64xf32, #tpu.memory_space<vmem>>
      %dma_start3A_131 = arith.constant 0 : i32
      %dma_start3A_132 = tpu.memref_slice %arg23[%multiple_of3A_27, %dma_start3A_131] : memref<10112x64xf32, #tpu.memory_space<vmem_shared>> -> memref<80x64xf32, #tpu.memory_space<vmem_shared>>
      %dma_start3A_133 = arith.constant 0 : i32
      %dma_start3A_134 = tpu.memref_slice %arg23[%multiple_of3A_27, %dma_start3A_133] : memref<10112x64xf32, #tpu.memory_space<vmem_shared>> -> memref<80x64xf32, #tpu.memory_space<vmem_shared>>
      %dma_start3A_135 = arith.constant 0 : i32
      %dma_start3A_136 = arith.constant 0 : i32
      %dma_start3A_137 = tpu.memref_slice %arg19[%dma_start3A_135, %dma_start3A_136] : memref<80x64xf32, #tpu.memory_space<vmem>> -> memref<80x64xf32, #tpu.memory_space<vmem>>
      tpu.enqueue_dma source(%dma_start3A_137 : memref<80x64xf32, #tpu.memory_space<vmem>>) target(%dma_start3A_134 : memref<80x64xf32, #tpu.memory_space<vmem_shared>>) target_semaphore(%run_scoped3A_127 : memref<!tpu.dma_semaphore, #tpu.memory_space<semaphore_mem>>)
      %dma_wait3A_138 = arith.constant 0 : i32
      %dma_wait3A_139 = arith.constant 0 : i32
      %dma_wait3A_140 = tpu.memref_slice %arg19[%dma_wait3A_138, %dma_wait3A_139] : memref<80x64xf32, #tpu.memory_space<vmem>> -> memref<80x64xf32, #tpu.memory_space<vmem>>
      %dma_wait3A_141 = arith.constant 0 : i32
      %dma_wait3A_142 = tpu.memref_slice %arg23[%multiple_of3A_27, %dma_wait3A_141] : memref<10112x64xf32, #tpu.memory_space<vmem_shared>> -> memref<80x64xf32, #tpu.memory_space<vmem_shared>>
      %dma_wait3A_143 = arith.constant 0 : i32
      %dma_wait3A_144 = tpu.memref_slice %arg23[%multiple_of3A_27, %dma_wait3A_143] : memref<10112x64xf32, #tpu.memory_space<vmem_shared>> -> memref<80x64xf32, #tpu.memory_space<vmem_shared>>
      %dma_wait3A_145 = arith.constant 0 : i32
      %dma_wait3A_146 = arith.constant 0 : i32
      %dma_wait3A_147 = tpu.memref_slice %arg19[%dma_wait3A_145, %dma_wait3A_146] : memref<80x64xf32, #tpu.memory_space<vmem>> -> memref<80x64xf32, #tpu.memory_space<vmem>>
      tpu.wait_dma2 semaphore(%run_scoped3A_127 : memref<!tpu.dma_semaphore, #tpu.memory_space<semaphore_mem>>) src(%dma_wait3A_147 : memref<80x64xf32, #tpu.memory_space<vmem>>) dst(%dma_wait3A_144 : memref<80x64xf32, #tpu.memory_space<vmem_shared>>)
      tpu.yield
    }) : () -> ()
    "tpu.region"() ({
      %run_scoped3A_127 = tpu.sem_alloc : memref<!tpu.dma_semaphore, #tpu.memory_space<semaphore_mem>>
      %dma_start3A_128 = arith.constant 0 : i32
      %dma_start3A_129 = arith.constant 0 : i32
      %dma_start3A_130 = tpu.memref_slice %arg18[%dma_start3A_128, %dma_start3A_129] : memref<80x16xf32, #tpu.memory_space<vmem>> -> memref<80x16xf32, #tpu.memory_space<vmem>>
      %dma_start3A_131 = arith.constant 0 : i32
      %dma_start3A_132 = tpu.memref_slice %arg22[%multiple_of3A_27, %dma_start3A_131] : memref<10112x16xf32, #tpu.memory_space<vmem_shared>> -> memref<80x16xf32, #tpu.memory_space<vmem_shared>>
      %dma_start3A_133 = arith.constant 0 : i32
      %dma_start3A_134 = tpu.memref_slice %arg22[%multiple_of3A_27, %dma_start3A_133] : memref<10112x16xf32, #tpu.memory_space<vmem_shared>> -> memref<80x16xf32, #tpu.memory_space<vmem_shared>>
      %dma_start3A_135 = arith.constant 0 : i32
      %dma_start3A_136 = arith.constant 0 : i32
      %dma_start3A_137 = tpu.memref_slice %arg18[%dma_start3A_135, %dma_start3A_136] : memref<80x16xf32, #tpu.memory_space<vmem>> -> memref<80x16xf32, #tpu.memory_space<vmem>>
      tpu.enqueue_dma source(%dma_start3A_137 : memref<80x16xf32, #tpu.memory_space<vmem>>) target(%dma_start3A_134 : memref<80x16xf32, #tpu.memory_space<vmem_shared>>) target_semaphore(%run_scoped3A_127 : memref<!tpu.dma_semaphore, #tpu.memory_space<semaphore_mem>>)
      %dma_wait3A_138 = arith.constant 0 : i32
      %dma_wait3A_139 = arith.constant 0 : i32
      %dma_wait3A_140 = tpu.memref_slice %arg18[%dma_wait3A_138, %dma_wait3A_139] : memref<80x16xf32, #tpu.memory_space<vmem>> -> memref<80x16xf32, #tpu.memory_space<vmem>>
      %dma_wait3A_141 = arith.constant 0 : i32
      %dma_wait3A_142 = tpu.memref_slice %arg22[%multiple_of3A_27, %dma_wait3A_141] : memref<10112x16xf32, #tpu.memory_space<vmem_shared>> -> memref<80x16xf32, #tpu.memory_space<vmem_shared>>
      %dma_wait3A_143 = arith.constant 0 : i32
      %dma_wait3A_144 = tpu.memref_slice %arg22[%multiple_of3A_27, %dma_wait3A_143] : memref<10112x16xf32, #tpu.memory_space<vmem_shared>> -> memref<80x16xf32, #tpu.memory_space<vmem_shared>>
      %dma_wait3A_145 = arith.constant 0 : i32
      %dma_wait3A_146 = arith.constant 0 : i32
      %dma_wait3A_147 = tpu.memref_slice %arg18[%dma_wait3A_145, %dma_wait3A_146] : memref<80x16xf32, #tpu.memory_space<vmem>> -> memref<80x16xf32, #tpu.memory_space<vmem>>
      tpu.wait_dma2 semaphore(%run_scoped3A_127 : memref<!tpu.dma_semaphore, #tpu.memory_space<semaphore_mem>>) src(%dma_wait3A_147 : memref<80x16xf32, #tpu.memory_space<vmem>>) dst(%dma_wait3A_144 : memref<80x16xf32, #tpu.memory_space<vmem_shared>>)
      tpu.yield
    }) : () -> ()
    %add3A_28 = arith.constant 160 : i32
    %add3A_29 = arith.addi %multiple_of3A, %add3A_28 : i32
    %multiple_of3A_30 = tpu.assume_multiple %add3A_29, 8 : i32
    "tpu.region"() ({
      %run_scoped3A_127 = tpu.sem_alloc : memref<!tpu.dma_semaphore, #tpu.memory_space<semaphore_mem>>
      %dma_start3A_128 = arith.constant 0 : i32
      %dma_start3A_129 = arith.constant 0 : i32
      %dma_start3A_130 = tpu.memref_slice %arg19[%dma_start3A_128, %dma_start3A_129] : memref<80x64xf32, #tpu.memory_space<vmem>> -> memref<80x64xf32, #tpu.memory_space<vmem>>
      %dma_start3A_131 = arith.constant 0 : i32
      %dma_start3A_132 = tpu.memref_slice %arg23[%multiple_of3A_30, %dma_start3A_131] : memref<10112x64xf32, #tpu.memory_space<vmem_shared>> -> memref<80x64xf32, #tpu.memory_space<vmem_shared>>
      %dma_start3A_133 = arith.constant 0 : i32
      %dma_start3A_134 = tpu.memref_slice %arg23[%multiple_of3A_30, %dma_start3A_133] : memref<10112x64xf32, #tpu.memory_space<vmem_shared>> -> memref<80x64xf32, #tpu.memory_space<vmem_shared>>
      %dma_start3A_135 = arith.constant 0 : i32
      %dma_start3A_136 = arith.constant 0 : i32
      %dma_start3A_137 = tpu.memref_slice %arg19[%dma_start3A_135, %dma_start3A_136] : memref<80x64xf32, #tpu.memory_space<vmem>> -> memref<80x64xf32, #tpu.memory_space<vmem>>
      tpu.enqueue_dma source(%dma_start3A_137 : memref<80x64xf32, #tpu.memory_space<vmem>>) target(%dma_start3A_134 : memref<80x64xf32, #tpu.memory_space<vmem_shared>>) target_semaphore(%run_scoped3A_127 : memref<!tpu.dma_semaphore, #tpu.memory_space<semaphore_mem>>)
      %dma_wait3A_138 = arith.constant 0 : i32
      %dma_wait3A_139 = arith.constant 0 : i32
      %dma_wait3A_140 = tpu.memref_slice %arg19[%dma_wait3A_138, %dma_wait3A_139] : memref<80x64xf32, #tpu.memory_space<vmem>> -> memref<80x64xf32, #tpu.memory_space<vmem>>
      %dma_wait3A_141 = arith.constant 0 : i32
      %dma_wait3A_142 = tpu.memref_slice %arg23[%multiple_of3A_30, %dma_wait3A_141] : memref<10112x64xf32, #tpu.memory_space<vmem_shared>> -> memref<80x64xf32, #tpu.memory_space<vmem_shared>>
      %dma_wait3A_143 = arith.constant 0 : i32
      %dma_wait3A_144 = tpu.memref_slice %arg23[%multiple_of3A_30, %dma_wait3A_143] : memref<10112x64xf32, #tpu.memory_space<vmem_shared>> -> memref<80x64xf32, #tpu.memory_space<vmem_shared>>
      %dma_wait3A_145 = arith.constant 0 : i32
      %dma_wait3A_146 = arith.constant 0 : i32
      %dma_wait3A_147 = tpu.memref_slice %arg19[%dma_wait3A_145, %dma_wait3A_146] : memref<80x64xf32, #tpu.memory_space<vmem>> -> memref<80x64xf32, #tpu.memory_space<vmem>>
      tpu.wait_dma2 semaphore(%run_scoped3A_127 : memref<!tpu.dma_semaphore, #tpu.memory_space<semaphore_mem>>) src(%dma_wait3A_147 : memref<80x64xf32, #tpu.memory_space<vmem>>) dst(%dma_wait3A_144 : memref<80x64xf32, #tpu.memory_space<vmem_shared>>)
      tpu.yield
    }) : () -> ()
    "tpu.region"() ({
      %run_scoped3A_127 = tpu.sem_alloc : memref<!tpu.dma_semaphore, #tpu.memory_space<semaphore_mem>>
      %dma_start3A_128 = arith.constant 0 : i32
      %dma_start3A_129 = arith.constant 0 : i32
      %dma_start3A_130 = tpu.memref_slice %arg18[%dma_start3A_128, %dma_start3A_129] : memref<80x16xf32, #tpu.memory_space<vmem>> -> memref<80x16xf32, #tpu.memory_space<vmem>>
      %dma_start3A_131 = arith.constant 0 : i32
      %dma_start3A_132 = tpu.memref_slice %arg22[%multiple_of3A_30, %dma_start3A_131] : memref<10112x16xf32, #tpu.memory_space<vmem_shared>> -> memref<80x16xf32, #tpu.memory_space<vmem_shared>>
      %dma_start3A_133 = arith.constant 0 : i32
      %dma_start3A_134 = tpu.memref_slice %arg22[%multiple_of3A_30, %dma_start3A_133] : memref<10112x16xf32, #tpu.memory_space<vmem_shared>> -> memref<80x16xf32, #tpu.memory_space<vmem_shared>>
      %dma_start3A_135 = arith.constant 0 : i32
      %dma_start3A_136 = arith.constant 0 : i32
      %dma_start3A_137 = tpu.memref_slice %arg18[%dma_start3A_135, %dma_start3A_136] : memref<80x16xf32, #tpu.memory_space<vmem>> -> memref<80x16xf32, #tpu.memory_space<vmem>>
      tpu.enqueue_dma source(%dma_start3A_137 : memref<80x16xf32, #tpu.memory_space<vmem>>) target(%dma_start3A_134 : memref<80x16xf32, #tpu.memory_space<vmem_shared>>) target_semaphore(%run_scoped3A_127 : memref<!tpu.dma_semaphore, #tpu.memory_space<semaphore_mem>>)
      %dma_wait3A_138 = arith.constant 0 : i32
      %dma_wait3A_139 = arith.constant 0 : i32
      %dma_wait3A_140 = tpu.memref_slice %arg18[%dma_wait3A_138, %dma_wait3A_139] : memref<80x16xf32, #tpu.memory_space<vmem>> -> memref<80x16xf32, #tpu.memory_space<vmem>>
      %dma_wait3A_141 = arith.constant 0 : i32
      %dma_wait3A_142 = tpu.memref_slice %arg22[%multiple_of3A_30, %dma_wait3A_141] : memref<10112x16xf32, #tpu.memory_space<vmem_shared>> -> memref<80x16xf32, #tpu.memory_space<vmem_shared>>
      %dma_wait3A_143 = arith.constant 0 : i32
      %dma_wait3A_144 = tpu.memref_slice %arg22[%multiple_of3A_30, %dma_wait3A_143] : memref<10112x16xf32, #tpu.memory_space<vmem_shared>> -> memref<80x16xf32, #tpu.memory_space<vmem_shared>>
      %dma_wait3A_145 = arith.constant 0 : i32
      %dma_wait3A_146 = arith.constant 0 : i32
      %dma_wait3A_147 = tpu.memref_slice %arg18[%dma_wait3A_145, %dma_wait3A_146] : memref<80x16xf32, #tpu.memory_space<vmem>> -> memref<80x16xf32, #tpu.memory_space<vmem>>
      tpu.wait_dma2 semaphore(%run_scoped3A_127 : memref<!tpu.dma_semaphore, #tpu.memory_space<semaphore_mem>>) src(%dma_wait3A_147 : memref<80x16xf32, #tpu.memory_space<vmem>>) dst(%dma_wait3A_144 : memref<80x16xf32, #tpu.memory_space<vmem_shared>>)
      tpu.yield
    }) : () -> ()
    %add3A_31 = arith.constant 240 : i32
    %add3A_32 = arith.addi %multiple_of3A, %add3A_31 : i32
    %multiple_of3A_33 = tpu.assume_multiple %add3A_32, 8 : i32
    "tpu.region"() ({
      %run_scoped3A_127 = tpu.sem_alloc : memref<!tpu.dma_semaphore, #tpu.memory_space<semaphore_mem>>
      %dma_start3A_128 = arith.constant 0 : i32
      %dma_start3A_129 = arith.constant 0 : i32
      %dma_start3A_130 = tpu.memref_slice %arg19[%dma_start3A_128, %dma_start3A_129] : memref<80x64xf32, #tpu.memory_space<vmem>> -> memref<80x64xf32, #tpu.memory_space<vmem>>
      %dma_start3A_131 = arith.constant 0 : i32
      %dma_start3A_132 = tpu.memref_slice %arg23[%multiple_of3A_33, %dma_start3A_131] : memref<10112x64xf32, #tpu.memory_space<vmem_shared>> -> memref<80x64xf32, #tpu.memory_space<vmem_shared>>
      %dma_start3A_133 = arith.constant 0 : i32
      %dma_start3A_134 = tpu.memref_slice %arg23[%multiple_of3A_33, %dma_start3A_133] : memref<10112x64xf32, #tpu.memory_space<vmem_shared>> -> memref<80x64xf32, #tpu.memory_space<vmem_shared>>
      %dma_start3A_135 = arith.constant 0 : i32
      %dma_start3A_136 = arith.constant 0 : i32
      %dma_start3A_137 = tpu.memref_slice %arg19[%dma_start3A_135, %dma_start3A_136] : memref<80x64xf32, #tpu.memory_space<vmem>> -> memref<80x64xf32, #tpu.memory_space<vmem>>
      tpu.enqueue_dma source(%dma_start3A_137 : memref<80x64xf32, #tpu.memory_space<vmem>>) target(%dma_start3A_134 : memref<80x64xf32, #tpu.memory_space<vmem_shared>>) target_semaphore(%run_scoped3A_127 : memref<!tpu.dma_semaphore, #tpu.memory_space<semaphore_mem>>)
      %dma_wait3A_138 = arith.constant 0 : i32
      %dma_wait3A_139 = arith.constant 0 : i32
      %dma_wait3A_140 = tpu.memref_slice %arg19[%dma_wait3A_138, %dma_wait3A_139] : memref<80x64xf32, #tpu.memory_space<vmem>> -> memref<80x64xf32, #tpu.memory_space<vmem>>
      %dma_wait3A_141 = arith.constant 0 : i32
      %dma_wait3A_142 = tpu.memref_slice %arg23[%multiple_of3A_33, %dma_wait3A_141] : memref<10112x64xf32, #tpu.memory_space<vmem_shared>> -> memref<80x64xf32, #tpu.memory_space<vmem_shared>>
      %dma_wait3A_143 = arith.constant 0 : i32
      %dma_wait3A_144 = tpu.memref_slice %arg23[%multiple_of3A_33, %dma_wait3A_143] : memref<10112x64xf32, #tpu.memory_space<vmem_shared>> -> memref<80x64xf32, #tpu.memory_space<vmem_shared>>
      %dma_wait3A_145 = arith.constant 0 : i32
      %dma_wait3A_146 = arith.constant 0 : i32
      %dma_wait3A_147 = tpu.memref_slice %arg19[%dma_wait3A_145, %dma_wait3A_146] : memref<80x64xf32, #tpu.memory_space<vmem>> -> memref<80x64xf32, #tpu.memory_space<vmem>>
      tpu.wait_dma2 semaphore(%run_scoped3A_127 : memref<!tpu.dma_semaphore, #tpu.memory_space<semaphore_mem>>) src(%dma_wait3A_147 : memref<80x64xf32, #tpu.memory_space<vmem>>) dst(%dma_wait3A_144 : memref<80x64xf32, #tpu.memory_space<vmem_shared>>)
      tpu.yield
    }) : () -> ()
    "tpu.region"() ({
      %run_scoped3A_127 = tpu.sem_alloc : memref<!tpu.dma_semaphore, #tpu.memory_space<semaphore_mem>>
      %dma_start3A_128 = arith.constant 0 : i32
      %dma_start3A_129 = arith.constant 0 : i32
      %dma_start3A_130 = tpu.memref_slice %arg18[%dma_start3A_128, %dma_start3A_129] : memref<80x16xf32, #tpu.memory_space<vmem>> -> memref<80x16xf32, #tpu.memory_space<vmem>>
      %dma_start3A_131 = arith.constant 0 : i32
      %dma_start3A_132 = tpu.memref_slice %arg22[%multiple_of3A_33, %dma_start3A_131] : memref<10112x16xf32, #tpu.memory_space<vmem_shared>> -> memref<80x16xf32, #tpu.memory_space<vmem_shared>>
      %dma_start3A_133 = arith.constant 0 : i32
      %dma_start3A_134 = tpu.memref_slice %arg22[%multiple_of3A_33, %dma_start3A_133] : memref<10112x16xf32, #tpu.memory_space<vmem_shared>> -> memref<80x16xf32, #tpu.memory_space<vmem_shared>>
      %dma_start3A_135 = arith.constant 0 : i32
      %dma_start3A_136 = arith.constant 0 : i32
      %dma_start3A_137 = tpu.memref_slice %arg18[%dma_start3A_135, %dma_start3A_136] : memref<80x16xf32, #tpu.memory_space<vmem>> -> memref<80x16xf32, #tpu.memory_space<vmem>>
      tpu.enqueue_dma source(%dma_start3A_137 : memref<80x16xf32, #tpu.memory_space<vmem>>) target(%dma_start3A_134 : memref<80x16xf32, #tpu.memory_space<vmem_shared>>) target_semaphore(%run_scoped3A_127 : memref<!tpu.dma_semaphore, #tpu.memory_space<semaphore_mem>>)
      %dma_wait3A_138 = arith.constant 0 : i32
      %dma_wait3A_139 = arith.constant 0 : i32
      %dma_wait3A_140 = tpu.memref_slice %arg18[%dma_wait3A_138, %dma_wait3A_139] : memref<80x16xf32, #tpu.memory_space<vmem>> -> memref<80x16xf32, #tpu.memory_space<vmem>>
      %dma_wait3A_141 = arith.constant 0 : i32
      %dma_wait3A_142 = tpu.memref_slice %arg22[%multiple_of3A_33, %dma_wait3A_141] : memref<10112x16xf32, #tpu.memory_space<vmem_shared>> -> memref<80x16xf32, #tpu.memory_space<vmem_shared>>
      %dma_wait3A_143 = arith.constant 0 : i32
      %dma_wait3A_144 = tpu.memref_slice %arg22[%multiple_of3A_33, %dma_wait3A_143] : memref<10112x16xf32, #tpu.memory_space<vmem_shared>> -> memref<80x16xf32, #tpu.memory_space<vmem_shared>>
      %dma_wait3A_145 = arith.constant 0 : i32
      %dma_wait3A_146 = arith.constant 0 : i32
      %dma_wait3A_147 = tpu.memref_slice %arg18[%dma_wait3A_145, %dma_wait3A_146] : memref<80x16xf32, #tpu.memory_space<vmem>> -> memref<80x16xf32, #tpu.memory_space<vmem>>
      tpu.wait_dma2 semaphore(%run_scoped3A_127 : memref<!tpu.dma_semaphore, #tpu.memory_space<semaphore_mem>>) src(%dma_wait3A_147 : memref<80x16xf32, #tpu.memory_space<vmem>>) dst(%dma_wait3A_144 : memref<80x16xf32, #tpu.memory_space<vmem_shared>>)
      tpu.yield
    }) : () -> ()
    %add3A_34 = arith.constant 320 : i32
    %add3A_35 = arith.addi %multiple_of3A, %add3A_34 : i32
    %multiple_of3A_36 = tpu.assume_multiple %add3A_35, 8 : i32
    "tpu.region"() ({
      %run_scoped3A_127 = tpu.sem_alloc : memref<!tpu.dma_semaphore, #tpu.memory_space<semaphore_mem>>
      %dma_start3A_128 = arith.constant 0 : i32
      %dma_start3A_129 = arith.constant 0 : i32
      %dma_start3A_130 = tpu.memref_slice %arg19[%dma_start3A_128, %dma_start3A_129] : memref<80x64xf32, #tpu.memory_space<vmem>> -> memref<80x64xf32, #tpu.memory_space<vmem>>
      %dma_start3A_131 = arith.constant 0 : i32
      %dma_start3A_132 = tpu.memref_slice %arg23[%multiple_of3A_36, %dma_start3A_131] : memref<10112x64xf32, #tpu.memory_space<vmem_shared>> -> memref<80x64xf32, #tpu.memory_space<vmem_shared>>
      %dma_start3A_133 = arith.constant 0 : i32
      %dma_start3A_134 = tpu.memref_slice %arg23[%multiple_of3A_36, %dma_start3A_133] : memref<10112x64xf32, #tpu.memory_space<vmem_shared>> -> memref<80x64xf32, #tpu.memory_space<vmem_shared>>
      %dma_start3A_135 = arith.constant 0 : i32
      %dma_start3A_136 = arith.constant 0 : i32
      %dma_start3A_137 = tpu.memref_slice %arg19[%dma_start3A_135, %dma_start3A_136] : memref<80x64xf32, #tpu.memory_space<vmem>> -> memref<80x64xf32, #tpu.memory_space<vmem>>
      tpu.enqueue_dma source(%dma_start3A_137 : memref<80x64xf32, #tpu.memory_space<vmem>>) target(%dma_start3A_134 : memref<80x64xf32, #tpu.memory_space<vmem_shared>>) target_semaphore(%run_scoped3A_127 : memref<!tpu.dma_semaphore, #tpu.memory_space<semaphore_mem>>)
      %dma_wait3A_138 = arith.constant 0 : i32
      %dma_wait3A_139 = arith.constant 0 : i32
      %dma_wait3A_140 = tpu.memref_slice %arg19[%dma_wait3A_138, %dma_wait3A_139] : memref<80x64xf32, #tpu.memory_space<vmem>> -> memref<80x64xf32, #tpu.memory_space<vmem>>
      %dma_wait3A_141 = arith.constant 0 : i32
      %dma_wait3A_142 = tpu.memref_slice %arg23[%multiple_of3A_36, %dma_wait3A_141] : memref<10112x64xf32, #tpu.memory_space<vmem_shared>> -> memref<80x64xf32, #tpu.memory_space<vmem_shared>>
      %dma_wait3A_143 = arith.constant 0 : i32
      %dma_wait3A_144 = tpu.memref_slice %arg23[%multiple_of3A_36, %dma_wait3A_143] : memref<10112x64xf32, #tpu.memory_space<vmem_shared>> -> memref<80x64xf32, #tpu.memory_space<vmem_shared>>
      %dma_wait3A_145 = arith.constant 0 : i32
      %dma_wait3A_146 = arith.constant 0 : i32
      %dma_wait3A_147 = tpu.memref_slice %arg19[%dma_wait3A_145, %dma_wait3A_146] : memref<80x64xf32, #tpu.memory_space<vmem>> -> memref<80x64xf32, #tpu.memory_space<vmem>>
      tpu.wait_dma2 semaphore(%run_scoped3A_127 : memref<!tpu.dma_semaphore, #tpu.memory_space<semaphore_mem>>) src(%dma_wait3A_147 : memref<80x64xf32, #tpu.memory_space<vmem>>) dst(%dma_wait3A_144 : memref<80x64xf32, #tpu.memory_space<vmem_shared>>)
      tpu.yield
    }) : () -> ()
    "tpu.region"() ({
      %run_scoped3A_127 = tpu.sem_alloc : memref<!tpu.dma_semaphore, #tpu.memory_space<semaphore_mem>>
      %dma_start3A_128 = arith.constant 0 : i32
      %dma_start3A_129 = arith.constant 0 : i32
      %dma_start3A_130 = tpu.memref_slice %arg18[%dma_start3A_128, %dma_start3A_129] : memref<80x16xf32, #tpu.memory_space<vmem>> -> memref<80x16xf32, #tpu.memory_space<vmem>>
      %dma_start3A_131 = arith.constant 0 : i32
      %dma_start3A_132 = tpu.memref_slice %arg22[%multiple_of3A_36, %dma_start3A_131] : memref<10112x16xf32, #tpu.memory_space<vmem_shared>> -> memref<80x16xf32, #tpu.memory_space<vmem_shared>>
      %dma_start3A_133 = arith.constant 0 : i32
      %dma_start3A_134 = tpu.memref_slice %arg22[%multiple_of3A_36, %dma_start3A_133] : memref<10112x16xf32, #tpu.memory_space<vmem_shared>> -> memref<80x16xf32, #tpu.memory_space<vmem_shared>>
      %dma_start3A_135 = arith.constant 0 : i32
      %dma_start3A_136 = arith.constant 0 : i32
      %dma_start3A_137 = tpu.memref_slice %arg18[%dma_start3A_135, %dma_start3A_136] : memref<80x16xf32, #tpu.memory_space<vmem>> -> memref<80x16xf32, #tpu.memory_space<vmem>>
      tpu.enqueue_dma source(%dma_start3A_137 : memref<80x16xf32, #tpu.memory_space<vmem>>) target(%dma_start3A_134 : memref<80x16xf32, #tpu.memory_space<vmem_shared>>) target_semaphore(%run_scoped3A_127 : memref<!tpu.dma_semaphore, #tpu.memory_space<semaphore_mem>>)
      %dma_wait3A_138 = arith.constant 0 : i32
      %dma_wait3A_139 = arith.constant 0 : i32
      %dma_wait3A_140 = tpu.memref_slice %arg18[%dma_wait3A_138, %dma_wait3A_139] : memref<80x16xf32, #tpu.memory_space<vmem>> -> memref<80x16xf32, #tpu.memory_space<vmem>>
      %dma_wait3A_141 = arith.constant 0 : i32
      %dma_wait3A_142 = tpu.memref_slice %arg22[%multiple_of3A_36, %dma_wait3A_141] : memref<10112x16xf32, #tpu.memory_space<vmem_shared>> -> memref<80x16xf32, #tpu.memory_space<vmem_shared>>
      %dma_wait3A_143 = arith.constant 0 : i32
      %dma_wait3A_144 = tpu.memref_slice %arg22[%multiple_of3A_36, %dma_wait3A_143] : memref<10112x16xf32, #tpu.memory_space<vmem_shared>> -> memref<80x16xf32, #tpu.memory_space<vmem_shared>>
      %dma_wait3A_145 = arith.constant 0 : i32
      %dma_wait3A_146 = arith.constant 0 : i32
      %dma_wait3A_147 = tpu.memref_slice %arg18[%dma_wait3A_145, %dma_wait3A_146] : memref<80x16xf32, #tpu.memory_space<vmem>> -> memref<80x16xf32, #tpu.memory_space<vmem>>
      tpu.wait_dma2 semaphore(%run_scoped3A_127 : memref<!tpu.dma_semaphore, #tpu.memory_space<semaphore_mem>>) src(%dma_wait3A_147 : memref<80x16xf32, #tpu.memory_space<vmem>>) dst(%dma_wait3A_144 : memref<80x16xf32, #tpu.memory_space<vmem_shared>>)
      tpu.yield
    }) : () -> ()
    %add3A_37 = arith.constant 400 : i32
    %add3A_38 = arith.addi %multiple_of3A, %add3A_37 : i32
    %multiple_of3A_39 = tpu.assume_multiple %add3A_38, 8 : i32
    "tpu.region"() ({
      %run_scoped3A_127 = tpu.sem_alloc : memref<!tpu.dma_semaphore, #tpu.memory_space<semaphore_mem>>
      %dma_start3A_128 = arith.constant 0 : i32
      %dma_start3A_129 = arith.constant 0 : i32
      %dma_start3A_130 = tpu.memref_slice %arg19[%dma_start3A_128, %dma_start3A_129] : memref<80x64xf32, #tpu.memory_space<vmem>> -> memref<80x64xf32, #tpu.memory_space<vmem>>
      %dma_start3A_131 = arith.constant 0 : i32
      %dma_start3A_132 = tpu.memref_slice %arg23[%multiple_of3A_39, %dma_start3A_131] : memref<10112x64xf32, #tpu.memory_space<vmem_shared>> -> memref<80x64xf32, #tpu.memory_space<vmem_shared>>
      %dma_start3A_133 = arith.constant 0 : i32
      %dma_start3A_134 = tpu.memref_slice %arg23[%multiple_of3A_39, %dma_start3A_133] : memref<10112x64xf32, #tpu.memory_space<vmem_shared>> -> memref<80x64xf32, #tpu.memory_space<vmem_shared>>
      %dma_start3A_135 = arith.constant 0 : i32
      %dma_start3A_136 = arith.constant 0 : i32
      %dma_start3A_137 = tpu.memref_slice %arg19[%dma_start3A_135, %dma_start3A_136] : memref<80x64xf32, #tpu.memory_space<vmem>> -> memref<80x64xf32, #tpu.memory_space<vmem>>
      tpu.enqueue_dma source(%dma_start3A_137 : memref<80x64xf32, #tpu.memory_space<vmem>>) target(%dma_start3A_134 : memref<80x64xf32, #tpu.memory_space<vmem_shared>>) target_semaphore(%run_scoped3A_127 : memref<!tpu.dma_semaphore, #tpu.memory_space<semaphore_mem>>)
      %dma_wait3A_138 = arith.constant 0 : i32
      %dma_wait3A_139 = arith.constant 0 : i32
      %dma_wait3A_140 = tpu.memref_slice %arg19[%dma_wait3A_138, %dma_wait3A_139] : memref<80x64xf32, #tpu.memory_space<vmem>> -> memref<80x64xf32, #tpu.memory_space<vmem>>
      %dma_wait3A_141 = arith.constant 0 : i32
      %dma_wait3A_142 = tpu.memref_slice %arg23[%multiple_of3A_39, %dma_wait3A_141] : memref<10112x64xf32, #tpu.memory_space<vmem_shared>> -> memref<80x64xf32, #tpu.memory_space<vmem_shared>>
      %dma_wait3A_143 = arith.constant 0 : i32
      %dma_wait3A_144 = tpu.memref_slice %arg23[%multiple_of3A_39, %dma_wait3A_143] : memref<10112x64xf32, #tpu.memory_space<vmem_shared>> -> memref<80x64xf32, #tpu.memory_space<vmem_shared>>
      %dma_wait3A_145 = arith.constant 0 : i32
      %dma_wait3A_146 = arith.constant 0 : i32
      %dma_wait3A_147 = tpu.memref_slice %arg19[%dma_wait3A_145, %dma_wait3A_146] : memref<80x64xf32, #tpu.memory_space<vmem>> -> memref<80x64xf32, #tpu.memory_space<vmem>>
      tpu.wait_dma2 semaphore(%run_scoped3A_127 : memref<!tpu.dma_semaphore, #tpu.memory_space<semaphore_mem>>) src(%dma_wait3A_147 : memref<80x64xf32, #tpu.memory_space<vmem>>) dst(%dma_wait3A_144 : memref<80x64xf32, #tpu.memory_space<vmem_shared>>)
      tpu.yield
    }) : () -> ()
    "tpu.region"() ({
      %run_scoped3A_127 = tpu.sem_alloc : memref<!tpu.dma_semaphore, #tpu.memory_space<semaphore_mem>>
      %dma_start3A_128 = arith.constant 0 : i32
      %dma_start3A_129 = arith.constant 0 : i32
      %dma_start3A_130 = tpu.memref_slice %arg18[%dma_start3A_128, %dma_start3A_129] : memref<80x16xf32, #tpu.memory_space<vmem>> -> memref<80x16xf32, #tpu.memory_space<vmem>>
      %dma_start3A_131 = arith.constant 0 : i32
      %dma_start3A_132 = tpu.memref_slice %arg22[%multiple_of3A_39, %dma_start3A_131] : memref<10112x16xf32, #tpu.memory_space<vmem_shared>> -> memref<80x16xf32, #tpu.memory_space<vmem_shared>>
      %dma_start3A_133 = arith.constant 0 : i32
      %dma_start3A_134 = tpu.memref_slice %arg22[%multiple_of3A_39, %dma_start3A_133] : memref<10112x16xf32, #tpu.memory_space<vmem_shared>> -> memref<80x16xf32, #tpu.memory_space<vmem_shared>>
      %dma_start3A_135 = arith.constant 0 : i32
      %dma_start3A_136 = arith.constant 0 : i32
      %dma_start3A_137 = tpu.memref_slice %arg18[%dma_start3A_135, %dma_start3A_136] : memref<80x16xf32, #tpu.memory_space<vmem>> -> memref<80x16xf32, #tpu.memory_space<vmem>>
      tpu.enqueue_dma source(%dma_start3A_137 : memref<80x16xf32, #tpu.memory_space<vmem>>) target(%dma_start3A_134 : memref<80x16xf32, #tpu.memory_space<vmem_shared>>) target_semaphore(%run_scoped3A_127 : memref<!tpu.dma_semaphore, #tpu.memory_space<semaphore_mem>>)
      %dma_wait3A_138 = arith.constant 0 : i32
      %dma_wait3A_139 = arith.constant 0 : i32
      %dma_wait3A_140 = tpu.memref_slice %arg18[%dma_wait3A_138, %dma_wait3A_139] : memref<80x16xf32, #tpu.memory_space<vmem>> -> memref<80x16xf32, #tpu.memory_space<vmem>>
      %dma_wait3A_141 = arith.constant 0 : i32
      %dma_wait3A_142 = tpu.memref_slice %arg22[%multiple_of3A_39, %dma_wait3A_141] : memref<10112x16xf32, #tpu.memory_space<vmem_shared>> -> memref<80x16xf32, #tpu.memory_space<vmem_shared>>
      %dma_wait3A_143 = arith.constant 0 : i32
      %dma_wait3A_144 = tpu.memref_slice %arg22[%multiple_of3A_39, %dma_wait3A_143] : memref<10112x16xf32, #tpu.memory_space<vmem_shared>> -> memref<80x16xf32, #tpu.memory_space<vmem_shared>>
      %dma_wait3A_145 = arith.constant 0 : i32
      %dma_wait3A_146 = arith.constant 0 : i32
      %dma_wait3A_147 = tpu.memref_slice %arg18[%dma_wait3A_145, %dma_wait3A_146] : memref<80x16xf32, #tpu.memory_space<vmem>> -> memref<80x16xf32, #tpu.memory_space<vmem>>
      tpu.wait_dma2 semaphore(%run_scoped3A_127 : memref<!tpu.dma_semaphore, #tpu.memory_space<semaphore_mem>>) src(%dma_wait3A_147 : memref<80x16xf32, #tpu.memory_space<vmem>>) dst(%dma_wait3A_144 : memref<80x16xf32, #tpu.memory_space<vmem_shared>>)
      tpu.yield
    }) : () -> ()
    %add3A_40 = arith.constant 480 : i32
    %add3A_41 = arith.addi %multiple_of3A, %add3A_40 : i32
    %multiple_of3A_42 = tpu.assume_multiple %add3A_41, 8 : i32
    "tpu.region"() ({
      %run_scoped3A_127 = tpu.sem_alloc : memref<!tpu.dma_semaphore, #tpu.memory_space<semaphore_mem>>
      %dma_start3A_128 = arith.constant 0 : i32
      %dma_start3A_129 = arith.constant 0 : i32
      %dma_start3A_130 = tpu.memref_slice %arg19[%dma_start3A_128, %dma_start3A_129] : memref<80x64xf32, #tpu.memory_space<vmem>> -> memref<80x64xf32, #tpu.memory_space<vmem>>
      %dma_start3A_131 = arith.constant 0 : i32
      %dma_start3A_132 = tpu.memref_slice %arg23[%multiple_of3A_42, %dma_start3A_131] : memref<10112x64xf32, #tpu.memory_space<vmem_shared>> -> memref<80x64xf32, #tpu.memory_space<vmem_shared>>
      %dma_start3A_133 = arith.constant 0 : i32
      %dma_start3A_134 = tpu.memref_slice %arg23[%multiple_of3A_42, %dma_start3A_133] : memref<10112x64xf32, #tpu.memory_space<vmem_shared>> -> memref<80x64xf32, #tpu.memory_space<vmem_shared>>
      %dma_start3A_135 = arith.constant 0 : i32
      %dma_start3A_136 = arith.constant 0 : i32
      %dma_start3A_137 = tpu.memref_slice %arg19[%dma_start3A_135, %dma_start3A_136] : memref<80x64xf32, #tpu.memory_space<vmem>> -> memref<80x64xf32, #tpu.memory_space<vmem>>
      tpu.enqueue_dma source(%dma_start3A_137 : memref<80x64xf32, #tpu.memory_space<vmem>>) target(%dma_start3A_134 : memref<80x64xf32, #tpu.memory_space<vmem_shared>>) target_semaphore(%run_scoped3A_127 : memref<!tpu.dma_semaphore, #tpu.memory_space<semaphore_mem>>)
      %dma_wait3A_138 = arith.constant 0 : i32
      %dma_wait3A_139 = arith.constant 0 : i32
      %dma_wait3A_140 = tpu.memref_slice %arg19[%dma_wait3A_138, %dma_wait3A_139] : memref<80x64xf32, #tpu.memory_space<vmem>> -> memref<80x64xf32, #tpu.memory_space<vmem>>
      %dma_wait3A_141 = arith.constant 0 : i32
      %dma_wait3A_142 = tpu.memref_slice %arg23[%multiple_of3A_42, %dma_wait3A_141] : memref<10112x64xf32, #tpu.memory_space<vmem_shared>> -> memref<80x64xf32, #tpu.memory_space<vmem_shared>>
      %dma_wait3A_143 = arith.constant 0 : i32
      %dma_wait3A_144 = tpu.memref_slice %arg23[%multiple_of3A_42, %dma_wait3A_143] : memref<10112x64xf32, #tpu.memory_space<vmem_shared>> -> memref<80x64xf32, #tpu.memory_space<vmem_shared>>
      %dma_wait3A_145 = arith.constant 0 : i32
      %dma_wait3A_146 = arith.constant 0 : i32
      %dma_wait3A_147 = tpu.memref_slice %arg19[%dma_wait3A_145, %dma_wait3A_146] : memref<80x64xf32, #tpu.memory_space<vmem>> -> memref<80x64xf32, #tpu.memory_space<vmem>>
      tpu.wait_dma2 semaphore(%run_scoped3A_127 : memref<!tpu.dma_semaphore, #tpu.memory_space<semaphore_mem>>) src(%dma_wait3A_147 : memref<80x64xf32, #tpu.memory_space<vmem>>) dst(%dma_wait3A_144 : memref<80x64xf32, #tpu.memory_space<vmem_shared>>)
      tpu.yield
    }) : () -> ()
    "tpu.region"() ({
      %run_scoped3A_127 = tpu.sem_alloc : memref<!tpu.dma_semaphore, #tpu.memory_space<semaphore_mem>>
      %dma_start3A_128 = arith.constant 0 : i32
      %dma_start3A_129 = arith.constant 0 : i32
      %dma_start3A_130 = tpu.memref_slice %arg18[%dma_start3A_128, %dma_start3A_129] : memref<80x16xf32, #tpu.memory_space<vmem>> -> memref<80x16xf32, #tpu.memory_space<vmem>>
      %dma_start3A_131 = arith.constant 0 : i32
      %dma_start3A_132 = tpu.memref_slice %arg22[%multiple_of3A_42, %dma_start3A_131] : memref<10112x16xf32, #tpu.memory_space<vmem_shared>> -> memref<80x16xf32, #tpu.memory_space<vmem_shared>>
      %dma_start3A_133 = arith.constant 0 : i32
      %dma_start3A_134 = tpu.memref_slice %arg22[%multiple_of3A_42, %dma_start3A_133] : memref<10112x16xf32, #tpu.memory_space<vmem_shared>> -> memref<80x16xf32, #tpu.memory_space<vmem_shared>>
      %dma_start3A_135 = arith.constant 0 : i32
      %dma_start3A_136 = arith.constant 0 : i32
      %dma_start3A_137 = tpu.memref_slice %arg18[%dma_start3A_135, %dma_start3A_136] : memref<80x16xf32, #tpu.memory_space<vmem>> -> memref<80x16xf32, #tpu.memory_space<vmem>>
      tpu.enqueue_dma source(%dma_start3A_137 : memref<80x16xf32, #tpu.memory_space<vmem>>) target(%dma_start3A_134 : memref<80x16xf32, #tpu.memory_space<vmem_shared>>) target_semaphore(%run_scoped3A_127 : memref<!tpu.dma_semaphore, #tpu.memory_space<semaphore_mem>>)
      %dma_wait3A_138 = arith.constant 0 : i32
      %dma_wait3A_139 = arith.constant 0 : i32
      %dma_wait3A_140 = tpu.memref_slice %arg18[%dma_wait3A_138, %dma_wait3A_139] : memref<80x16xf32, #tpu.memory_space<vmem>> -> memref<80x16xf32, #tpu.memory_space<vmem>>
      %dma_wait3A_141 = arith.constant 0 : i32
      %dma_wait3A_142 = tpu.memref_slice %arg22[%multiple_of3A_42, %dma_wait3A_141] : memref<10112x16xf32, #tpu.memory_space<vmem_shared>> -> memref<80x16xf32, #tpu.memory_space<vmem_shared>>
      %dma_wait3A_143 = arith.constant 0 : i32
      %dma_wait3A_144 = tpu.memref_slice %arg22[%multiple_of3A_42, %dma_wait3A_143] : memref<10112x16xf32, #tpu.memory_space<vmem_shared>> -> memref<80x16xf32, #tpu.memory_space<vmem_shared>>
      %dma_wait3A_145 = arith.constant 0 : i32
      %dma_wait3A_146 = arith.constant 0 : i32
      %dma_wait3A_147 = tpu.memref_slice %arg18[%dma_wait3A_145, %dma_wait3A_146] : memref<80x16xf32, #tpu.memory_space<vmem>> -> memref<80x16xf32, #tpu.memory_space<vmem>>
      tpu.wait_dma2 semaphore(%run_scoped3A_127 : memref<!tpu.dma_semaphore, #tpu.memory_space<semaphore_mem>>) src(%dma_wait3A_147 : memref<80x16xf32, #tpu.memory_space<vmem>>) dst(%dma_wait3A_144 : memref<80x16xf32, #tpu.memory_space<vmem_shared>>)
      tpu.yield
    }) : () -> ()
    %add3A_43 = arith.constant 560 : i32
    %add3A_44 = arith.addi %multiple_of3A, %add3A_43 : i32
    %multiple_of3A_45 = tpu.assume_multiple %add3A_44, 8 : i32
    "tpu.region"() ({
      %run_scoped3A_127 = tpu.sem_alloc : memref<!tpu.dma_semaphore, #tpu.memory_space<semaphore_mem>>
      %dma_start3A_128 = arith.constant 0 : i32
      %dma_start3A_129 = arith.constant 0 : i32
      %dma_start3A_130 = tpu.memref_slice %arg19[%dma_start3A_128, %dma_start3A_129] : memref<80x64xf32, #tpu.memory_space<vmem>> -> memref<72x64xf32, #tpu.memory_space<vmem>>
      %dma_start3A_131 = arith.constant 0 : i32
      %dma_start3A_132 = tpu.memref_slice %arg23[%multiple_of3A_45, %dma_start3A_131] : memref<10112x64xf32, #tpu.memory_space<vmem_shared>> -> memref<72x64xf32, #tpu.memory_space<vmem_shared>>
      %dma_start3A_133 = arith.constant 0 : i32
      %dma_start3A_134 = tpu.memref_slice %arg23[%multiple_of3A_45, %dma_start3A_133] : memref<10112x64xf32, #tpu.memory_space<vmem_shared>> -> memref<72x64xf32, #tpu.memory_space<vmem_shared>>
      %dma_start3A_135 = arith.constant 0 : i32
      %dma_start3A_136 = arith.constant 0 : i32
      %dma_start3A_137 = tpu.memref_slice %arg19[%dma_start3A_135, %dma_start3A_136] : memref<80x64xf32, #tpu.memory_space<vmem>> -> memref<72x64xf32, #tpu.memory_space<vmem>>
      tpu.enqueue_dma source(%dma_start3A_137 : memref<72x64xf32, #tpu.memory_space<vmem>>) target(%dma_start3A_134 : memref<72x64xf32, #tpu.memory_space<vmem_shared>>) target_semaphore(%run_scoped3A_127 : memref<!tpu.dma_semaphore, #tpu.memory_space<semaphore_mem>>)
      %dma_wait3A_138 = arith.constant 0 : i32
      %dma_wait3A_139 = arith.constant 0 : i32
      %dma_wait3A_140 = tpu.memref_slice %arg19[%dma_wait3A_138, %dma_wait3A_139] : memref<80x64xf32, #tpu.memory_space<vmem>> -> memref<72x64xf32, #tpu.memory_space<vmem>>
      %dma_wait3A_141 = arith.constant 0 : i32
      %dma_wait3A_142 = tpu.memref_slice %arg23[%multiple_of3A_45, %dma_wait3A_141] : memref<10112x64xf32, #tpu.memory_space<vmem_shared>> -> memref<72x64xf32, #tpu.memory_space<vmem_shared>>
      %dma_wait3A_143 = arith.constant 0 : i32
      %dma_wait3A_144 = tpu.memref_slice %arg23[%multiple_of3A_45, %dma_wait3A_143] : memref<10112x64xf32, #tpu.memory_space<vmem_shared>> -> memref<72x64xf32, #tpu.memory_space<vmem_shared>>
      %dma_wait3A_145 = arith.constant 0 : i32
      %dma_wait3A_146 = arith.constant 0 : i32
      %dma_wait3A_147 = tpu.memref_slice %arg19[%dma_wait3A_145, %dma_wait3A_146] : memref<80x64xf32, #tpu.memory_space<vmem>> -> memref<72x64xf32, #tpu.memory_space<vmem>>
      tpu.wait_dma2 semaphore(%run_scoped3A_127 : memref<!tpu.dma_semaphore, #tpu.memory_space<semaphore_mem>>) src(%dma_wait3A_147 : memref<72x64xf32, #tpu.memory_space<vmem>>) dst(%dma_wait3A_144 : memref<72x64xf32, #tpu.memory_space<vmem_shared>>)
      tpu.yield
    }) : () -> ()
    "tpu.region"() ({
      %run_scoped3A_127 = tpu.sem_alloc : memref<!tpu.dma_semaphore, #tpu.memory_space<semaphore_mem>>
      %dma_start3A_128 = arith.constant 0 : i32
      %dma_start3A_129 = arith.constant 0 : i32
      %dma_start3A_130 = tpu.memref_slice %arg18[%dma_start3A_128, %dma_start3A_129] : memref<80x16xf32, #tpu.memory_space<vmem>> -> memref<72x16xf32, #tpu.memory_space<vmem>>
      %dma_start3A_131 = arith.constant 0 : i32
      %dma_start3A_132 = tpu.memref_slice %arg22[%multiple_of3A_45, %dma_start3A_131] : memref<10112x16xf32, #tpu.memory_space<vmem_shared>> -> memref<72x16xf32, #tpu.memory_space<vmem_shared>>
      %dma_start3A_133 = arith.constant 0 : i32
      %dma_start3A_134 = tpu.memref_slice %arg22[%multiple_of3A_45, %dma_start3A_133] : memref<10112x16xf32, #tpu.memory_space<vmem_shared>> -> memref<72x16xf32, #tpu.memory_space<vmem_shared>>
      %dma_start3A_135 = arith.constant 0 : i32
      %dma_start3A_136 = arith.constant 0 : i32
      %dma_start3A_137 = tpu.memref_slice %arg18[%dma_start3A_135, %dma_start3A_136] : memref<80x16xf32, #tpu.memory_space<vmem>> -> memref<72x16xf32, #tpu.memory_space<vmem>>
      tpu.enqueue_dma source(%dma_start3A_137 : memref<72x16xf32, #tpu.memory_space<vmem>>) target(%dma_start3A_134 : memref<72x16xf32, #tpu.memory_space<vmem_shared>>) target_semaphore(%run_scoped3A_127 : memref<!tpu.dma_semaphore, #tpu.memory_space<semaphore_mem>>)
      %dma_wait3A_138 = arith.constant 0 : i32
      %dma_wait3A_139 = arith.constant 0 : i32
      %dma_wait3A_140 = tpu.memref_slice %arg18[%dma_wait3A_138, %dma_wait3A_139] : memref<80x16xf32, #tpu.memory_space<vmem>> -> memref<72x16xf32, #tpu.memory_space<vmem>>
      %dma_wait3A_141 = arith.constant 0 : i32
      %dma_wait3A_142 = tpu.memref_slice %arg22[%multiple_of3A_45, %dma_wait3A_141] : memref<10112x16xf32, #tpu.memory_space<vmem_shared>> -> memref<72x16xf32, #tpu.memory_space<vmem_shared>>
      %dma_wait3A_143 = arith.constant 0 : i32
      %dma_wait3A_144 = tpu.memref_slice %arg22[%multiple_of3A_45, %dma_wait3A_143] : memref<10112x16xf32, #tpu.memory_space<vmem_shared>> -> memref<72x16xf32, #tpu.memory_space<vmem_shared>>
      %dma_wait3A_145 = arith.constant 0 : i32
      %dma_wait3A_146 = arith.constant 0 : i32
      %dma_wait3A_147 = tpu.memref_slice %arg18[%dma_wait3A_145, %dma_wait3A_146] : memref<80x16xf32, #tpu.memory_space<vmem>> -> memref<72x16xf32, #tpu.memory_space<vmem>>
      tpu.wait_dma2 semaphore(%run_scoped3A_127 : memref<!tpu.dma_semaphore, #tpu.memory_space<semaphore_mem>>) src(%dma_wait3A_147 : memref<72x16xf32, #tpu.memory_space<vmem>>) dst(%dma_wait3A_144 : memref<72x16xf32, #tpu.memory_space<vmem_shared>>)
      tpu.yield
    }) : () -> ()
    %barrier3A = arith.constant 0 : index
    tpu.barrier barrier_id(%barrier3A)
    "tpu.region"() ({
      %run_scoped3A_127 = tpu.sem_alloc : memref<!tpu.dma_semaphore, #tpu.memory_space<semaphore_mem>>
      %dma_start3A_128 = arith.constant 0 : i32
      %dma_start3A_129 = arith.constant 0 : i32
      %dma_start3A_130 = tpu.memref_slice %arg2[%add3A, %dma_start3A_128, %dma_start3A_129] : memref<32x125x80xi32, #tpu.memory_space<hbm>> -> memref<1x125x80xi32, #tpu.memory_space<hbm>>
      %dma_start3A_131 = tpu.memref_squeeze %dma_start3A_130 : memref<1x125x80xi32, #tpu.memory_space<hbm>> -> memref<125x80xi32, #tpu.memory_space<hbm>>
      %dma_start3A_132 = arith.constant 0 : i32
      %dma_start3A_133 = arith.constant 0 : i32
      %dma_start3A_134 = tpu.memref_slice %arg2[%add3A, %dma_start3A_132, %dma_start3A_133] : memref<32x125x80xi32, #tpu.memory_space<hbm>> -> memref<1x125x80xi32, #tpu.memory_space<hbm>>
      %dma_start3A_135 = tpu.memref_squeeze %dma_start3A_134 : memref<1x125x80xi32, #tpu.memory_space<hbm>> -> memref<125x80xi32, #tpu.memory_space<hbm>>
      tpu.enqueue_dma source(%dma_start3A_135 : memref<125x80xi32, #tpu.memory_space<hbm>>) target(%arg10 : memref<125x80xi32, #tpu.memory_space<vmem>>) target_semaphore(%run_scoped3A_127 : memref<!tpu.dma_semaphore, #tpu.memory_space<semaphore_mem>>)
      %dma_wait3A_136 = arith.constant 0 : i32
      %dma_wait3A_137 = arith.constant 0 : i32
      %dma_wait3A_138 = tpu.memref_slice %arg2[%add3A, %dma_wait3A_136, %dma_wait3A_137] : memref<32x125x80xi32, #tpu.memory_space<hbm>> -> memref<1x125x80xi32, #tpu.memory_space<hbm>>
      %dma_wait3A_139 = tpu.memref_squeeze %dma_wait3A_138 : memref<1x125x80xi32, #tpu.memory_space<hbm>> -> memref<125x80xi32, #tpu.memory_space<hbm>>
      %dma_wait3A_140 = arith.constant 0 : i32
      %dma_wait3A_141 = arith.constant 0 : i32
      %dma_wait3A_142 = tpu.memref_slice %arg2[%add3A, %dma_wait3A_140, %dma_wait3A_141] : memref<32x125x80xi32, #tpu.memory_space<hbm>> -> memref<1x125x80xi32, #tpu.memory_space<hbm>>
      %dma_wait3A_143 = tpu.memref_squeeze %dma_wait3A_142 : memref<1x125x80xi32, #tpu.memory_space<hbm>> -> memref<125x80xi32, #tpu.memory_space<hbm>>
      tpu.wait_dma2 semaphore(%run_scoped3A_127 : memref<!tpu.dma_semaphore, #tpu.memory_space<semaphore_mem>>) src(%dma_wait3A_143 : memref<125x80xi32, #tpu.memory_space<hbm>>) dst(%arg10 : memref<125x80xi32, #tpu.memory_space<vmem>>)
      tpu.yield
    }) : () -> ()
    "tpu.region"() ({
      %run_scoped3A_127 = tpu.sem_alloc : memref<!tpu.dma_semaphore, #tpu.memory_space<semaphore_mem>>
      %dma_start3A_128 = arith.constant 0 : i32
      %dma_start3A_129 = arith.constant 0 : i32
      %dma_start3A_130 = tpu.memref_slice %arg3[%add3A, %dma_start3A_128, %dma_start3A_129] : memref<32x125x80xi32, #tpu.memory_space<hbm>> -> memref<1x125x80xi32, #tpu.memory_space<hbm>>
      %dma_start3A_131 = tpu.memref_squeeze %dma_start3A_130 : memref<1x125x80xi32, #tpu.memory_space<hbm>> -> memref<125x80xi32, #tpu.memory_space<hbm>>
      %dma_start3A_132 = arith.constant 0 : i32
      %dma_start3A_133 = arith.constant 0 : i32
      %dma_start3A_134 = tpu.memref_slice %arg3[%add3A, %dma_start3A_132, %dma_start3A_133] : memref<32x125x80xi32, #tpu.memory_space<hbm>> -> memref<1x125x80xi32, #tpu.memory_space<hbm>>
      %dma_start3A_135 = tpu.memref_squeeze %dma_start3A_134 : memref<1x125x80xi32, #tpu.memory_space<hbm>> -> memref<125x80xi32, #tpu.memory_space<hbm>>
      tpu.enqueue_dma source(%dma_start3A_135 : memref<125x80xi32, #tpu.memory_space<hbm>>) target(%arg11 : memref<125x80xi32, #tpu.memory_space<vmem>>) target_semaphore(%run_scoped3A_127 : memref<!tpu.dma_semaphore, #tpu.memory_space<semaphore_mem>>)
      %dma_wait3A_136 = arith.constant 0 : i32
      %dma_wait3A_137 = arith.constant 0 : i32
      %dma_wait3A_138 = tpu.memref_slice %arg3[%add3A, %dma_wait3A_136, %dma_wait3A_137] : memref<32x125x80xi32, #tpu.memory_space<hbm>> -> memref<1x125x80xi32, #tpu.memory_space<hbm>>
      %dma_wait3A_139 = tpu.memref_squeeze %dma_wait3A_138 : memref<1x125x80xi32, #tpu.memory_space<hbm>> -> memref<125x80xi32, #tpu.memory_space<hbm>>
      %dma_wait3A_140 = arith.constant 0 : i32
      %dma_wait3A_141 = arith.constant 0 : i32
      %dma_wait3A_142 = tpu.memref_slice %arg3[%add3A, %dma_wait3A_140, %dma_wait3A_141] : memref<32x125x80xi32, #tpu.memory_space<hbm>> -> memref<1x125x80xi32, #tpu.memory_space<hbm>>
      %dma_wait3A_143 = tpu.memref_squeeze %dma_wait3A_142 : memref<1x125x80xi32, #tpu.memory_space<hbm>> -> memref<125x80xi32, #tpu.memory_space<hbm>>
      tpu.wait_dma2 semaphore(%run_scoped3A_127 : memref<!tpu.dma_semaphore, #tpu.memory_space<semaphore_mem>>) src(%dma_wait3A_143 : memref<125x80xi32, #tpu.memory_space<hbm>>) dst(%arg11 : memref<125x80xi32, #tpu.memory_space<vmem>>)
      tpu.yield
    }) : () -> ()
    %dma_start3A = arith.constant 0 : i32
    %dma_start3A_46 = arith.constant 0 : i32
    %dma_start3A_47 = tpu.memref_slice %arg10[%dma_start3A, %dma_start3A_46] : memref<125x80xi32, #tpu.memory_space<vmem>> -> memref<1x80xi32, #tpu.memory_space<vmem>>
    %dma_start3A_48 = tpu.memref_squeeze %dma_start3A_47 : memref<1x80xi32, #tpu.memory_space<vmem>> -> memref<80xi32, #tpu.memory_space<vmem>>
    %dma_start3A_49 = arith.constant 0 : i32
    %dma_start3A_50 = arith.constant 0 : i32
    %dma_start3A_51 = tpu.memref_slice %arg4[%dma_start3A_49, %dma_start3A_50] : memref<10000x16xf32, #tpu.memory_space<hbm>> -> memref<10000x16xf32, #tpu.memory_space<hbm>>
    tpu.enqueue_indirect_dma source(%dma_start3A_51 : memref<10000x16xf32, #tpu.memory_space<hbm>>) target(%arg12 : memref<80x16xf32, #tpu.memory_space<vmem>>) offsets(%dma_start3A_48 : memref<80xi32, #tpu.memory_space<vmem>>) semaphore(%arg24 : memref<!tpu.dma_semaphore, #tpu.memory_space<semaphore_mem>>)
    %dma_start3A_52 = arith.constant 0 : i32
    %dma_start3A_53 = arith.constant 0 : i32
    %dma_start3A_54 = tpu.memref_slice %arg11[%dma_start3A_52, %dma_start3A_53] : memref<125x80xi32, #tpu.memory_space<vmem>> -> memref<1x80xi32, #tpu.memory_space<vmem>>
    %dma_start3A_55 = tpu.memref_squeeze %dma_start3A_54 : memref<1x80xi32, #tpu.memory_space<vmem>> -> memref<80xi32, #tpu.memory_space<vmem>>
    %dma_start3A_56 = arith.constant 0 : i32
    %dma_start3A_57 = arith.constant 0 : i32
    %dma_start3A_58 = tpu.memref_slice %arg5[%dma_start3A_56, %dma_start3A_57] : memref<10000x16xf32, #tpu.memory_space<hbm>> -> memref<10000x16xf32, #tpu.memory_space<hbm>>
    tpu.enqueue_indirect_dma source(%dma_start3A_58 : memref<10000x16xf32, #tpu.memory_space<hbm>>) target(%arg13 : memref<80x16xf32, #tpu.memory_space<vmem>>) offsets(%dma_start3A_55 : memref<80xi32, #tpu.memory_space<vmem>>) semaphore(%arg25 : memref<!tpu.dma_semaphore, #tpu.memory_space<semaphore_mem>>)
    %dma_start3A_59 = arith.constant 0 : i32
    %dma_start3A_60 = arith.constant 0 : i32
    %dma_start3A_61 = tpu.memref_slice %arg10[%dma_start3A_59, %dma_start3A_60] : memref<125x80xi32, #tpu.memory_space<vmem>> -> memref<1x80xi32, #tpu.memory_space<vmem>>
    %dma_start3A_62 = tpu.memref_squeeze %dma_start3A_61 : memref<1x80xi32, #tpu.memory_space<vmem>> -> memref<80xi32, #tpu.memory_space<vmem>>
    %dma_start3A_63 = arith.constant 0 : i32
    %dma_start3A_64 = arith.constant 0 : i32
    %dma_start3A_65 = tpu.memref_slice %arg6[%dma_start3A_63, %dma_start3A_64] : memref<10000x64xbf16, #tpu.memory_space<hbm>> -> memref<10000x64xbf16, #tpu.memory_space<hbm>>
    tpu.enqueue_indirect_dma source(%dma_start3A_65 : memref<10000x64xbf16, #tpu.memory_space<hbm>>) target(%arg14 : memref<80x64xbf16, #tpu.memory_space<vmem>>) offsets(%dma_start3A_62 : memref<80xi32, #tpu.memory_space<vmem>>) semaphore(%arg26 : memref<!tpu.dma_semaphore, #tpu.memory_space<semaphore_mem>>)
    %scan3A_66 = arith.constant 0 : i32
    %scan3A_67 = arith.constant 0 : i32
    %scan3A_68 = arith.constant 62 : i32
    %scan3A_69 = arith.addi %scan3A_67, %scan3A_68 : i32
    %scan3A_70 = arith.constant 1 : i32
    scf.for %scan3A_127 = %scan3A_67 to %scan3A_69 step %scan3A_70  : i32 {
      %mul3A_128 = arith.constant 2 : i32
      %mul3A_129 = arith.muli %mul3A_128, %scan3A_127 : i32
      %dma_wait3A_130 = arith.constant 0 : i32
      %dma_wait3A_131 = tpu.memref_slice %arg10[%mul3A_129, %dma_wait3A_130] : memref<125x80xi32, #tpu.memory_space<vmem>> -> memref<1x80xi32, #tpu.memory_space<vmem>>
      %dma_wait3A_132 = tpu.memref_squeeze %dma_wait3A_131 : memref<1x80xi32, #tpu.memory_space<vmem>> -> memref<80xi32, #tpu.memory_space<vmem>>
      %dma_wait3A_133 = arith.constant 0 : i32
      %dma_wait3A_134 = arith.constant 0 : i32
      %dma_wait3A_135 = tpu.memref_slice %arg4[%dma_wait3A_133, %dma_wait3A_134] : memref<10000x16xf32, #tpu.memory_space<hbm>> -> memref<10000x16xf32, #tpu.memory_space<hbm>>
      tpu.wait_indirect_dma semaphore(%arg24 : memref<!tpu.dma_semaphore, #tpu.memory_space<semaphore_mem>>) src(%dma_wait3A_135 : memref<10000x16xf32, #tpu.memory_space<hbm>>) dst(%arg12 : memref<80x16xf32, #tpu.memory_space<vmem>>)
      %dma_wait3A_136 = arith.constant 0 : i32
      %dma_wait3A_137 = tpu.memref_slice %arg11[%mul3A_129, %dma_wait3A_136] : memref<125x80xi32, #tpu.memory_space<vmem>> -> memref<1x80xi32, #tpu.memory_space<vmem>>
      %dma_wait3A_138 = tpu.memref_squeeze %dma_wait3A_137 : memref<1x80xi32, #tpu.memory_space<vmem>> -> memref<80xi32, #tpu.memory_space<vmem>>
      %dma_wait3A_139 = arith.constant 0 : i32
      %dma_wait3A_140 = arith.constant 0 : i32
      %dma_wait3A_141 = tpu.memref_slice %arg5[%dma_wait3A_139, %dma_wait3A_140] : memref<10000x16xf32, #tpu.memory_space<hbm>> -> memref<10000x16xf32, #tpu.memory_space<hbm>>
      tpu.wait_indirect_dma semaphore(%arg25 : memref<!tpu.dma_semaphore, #tpu.memory_space<semaphore_mem>>) src(%dma_wait3A_141 : memref<10000x16xf32, #tpu.memory_space<hbm>>) dst(%arg13 : memref<80x16xf32, #tpu.memory_space<vmem>>)
      %dma_wait3A_142 = arith.constant 0 : i32
      %dma_wait3A_143 = tpu.memref_slice %arg10[%mul3A_129, %dma_wait3A_142] : memref<125x80xi32, #tpu.memory_space<vmem>> -> memref<1x80xi32, #tpu.memory_space<vmem>>
      %dma_wait3A_144 = tpu.memref_squeeze %dma_wait3A_143 : memref<1x80xi32, #tpu.memory_space<vmem>> -> memref<80xi32, #tpu.memory_space<vmem>>
      %dma_wait3A_145 = arith.constant 0 : i32
      %dma_wait3A_146 = arith.constant 0 : i32
      %dma_wait3A_147 = tpu.memref_slice %arg6[%dma_wait3A_145, %dma_wait3A_146] : memref<10000x64xbf16, #tpu.memory_space<hbm>> -> memref<10000x64xbf16, #tpu.memory_space<hbm>>
      tpu.wait_indirect_dma semaphore(%arg26 : memref<!tpu.dma_semaphore, #tpu.memory_space<semaphore_mem>>) src(%dma_wait3A_147 : memref<10000x64xbf16, #tpu.memory_space<hbm>>) dst(%arg14 : memref<80x64xbf16, #tpu.memory_space<vmem>>)
      %add3A_148 = arith.constant 1 : i32
      %add3A_149 = arith.addi %mul3A_129, %add3A_148 : i32
      %dma_start3A_150 = arith.constant 0 : i32
      %dma_start3A_151 = tpu.memref_slice %arg10[%add3A_149, %dma_start3A_150] : memref<125x80xi32, #tpu.memory_space<vmem>> -> memref<1x80xi32, #tpu.memory_space<vmem>>
      %dma_start3A_152 = tpu.memref_squeeze %dma_start3A_151 : memref<1x80xi32, #tpu.memory_space<vmem>> -> memref<80xi32, #tpu.memory_space<vmem>>
      %dma_start3A_153 = arith.constant 0 : i32
      %dma_start3A_154 = arith.constant 0 : i32
      %dma_start3A_155 = tpu.memref_slice %arg4[%dma_start3A_153, %dma_start3A_154] : memref<10000x16xf32, #tpu.memory_space<hbm>> -> memref<10000x16xf32, #tpu.memory_space<hbm>>
      tpu.enqueue_indirect_dma source(%dma_start3A_155 : memref<10000x16xf32, #tpu.memory_space<hbm>>) target(%arg15 : memref<80x16xf32, #tpu.memory_space<vmem>>) offsets(%dma_start3A_152 : memref<80xi32, #tpu.memory_space<vmem>>) semaphore(%arg27 : memref<!tpu.dma_semaphore, #tpu.memory_space<semaphore_mem>>)
      %dma_start3A_156 = arith.constant 0 : i32
      %dma_start3A_157 = tpu.memref_slice %arg11[%add3A_149, %dma_start3A_156] : memref<125x80xi32, #tpu.memory_space<vmem>> -> memref<1x80xi32, #tpu.memory_space<vmem>>
      %dma_start3A_158 = tpu.memref_squeeze %dma_start3A_157 : memref<1x80xi32, #tpu.memory_space<vmem>> -> memref<80xi32, #tpu.memory_space<vmem>>
      %dma_start3A_159 = arith.constant 0 : i32
      %dma_start3A_160 = arith.constant 0 : i32
      %dma_start3A_161 = tpu.memref_slice %arg5[%dma_start3A_159, %dma_start3A_160] : memref<10000x16xf32, #tpu.memory_space<hbm>> -> memref<10000x16xf32, #tpu.memory_space<hbm>>
      tpu.enqueue_indirect_dma source(%dma_start3A_161 : memref<10000x16xf32, #tpu.memory_space<hbm>>) target(%arg16 : memref<80x16xf32, #tpu.memory_space<vmem>>) offsets(%dma_start3A_158 : memref<80xi32, #tpu.memory_space<vmem>>) semaphore(%arg28 : memref<!tpu.dma_semaphore, #tpu.memory_space<semaphore_mem>>)
      %dma_start3A_162 = arith.constant 0 : i32
      %dma_start3A_163 = tpu.memref_slice %arg10[%add3A_149, %dma_start3A_162] : memref<125x80xi32, #tpu.memory_space<vmem>> -> memref<1x80xi32, #tpu.memory_space<vmem>>
      %dma_start3A_164 = tpu.memref_squeeze %dma_start3A_163 : memref<1x80xi32, #tpu.memory_space<vmem>> -> memref<80xi32, #tpu.memory_space<vmem>>
      %dma_start3A_165 = arith.constant 0 : i32
      %dma_start3A_166 = arith.constant 0 : i32
      %dma_start3A_167 = tpu.memref_slice %arg6[%dma_start3A_165, %dma_start3A_166] : memref<10000x64xbf16, #tpu.memory_space<hbm>> -> memref<10000x64xbf16, #tpu.memory_space<hbm>>
      tpu.enqueue_indirect_dma source(%dma_start3A_167 : memref<10000x64xbf16, #tpu.memory_space<hbm>>) target(%arg17 : memref<80x64xbf16, #tpu.memory_space<vmem>>) offsets(%dma_start3A_164 : memref<80xi32, #tpu.memory_space<vmem>>) semaphore(%arg29 : memref<!tpu.dma_semaphore, #tpu.memory_space<semaphore_mem>>)
      %scan3A_168 = arith.constant 0 : i32
      %scan3A_169 = arith.constant 0 : i32
      %scan3A_170 = arith.constant 80 : i32
      %scan3A_171 = arith.addi %scan3A_169, %scan3A_170 : i32
      %scan3A_172 = arith.constant 8 : i32
      scf.for %scan3A_230 = %scan3A_169 to %scan3A_171 step %scan3A_172  : i32 {
        %get3A = arith.index_cast %scan3A_230 : i32 to index
        %get3A_231 = arith.constant 0 : index
        %get3A_232 = tpu.vector_load %arg12[%get3A, %get3A_231] {strides = array<i32>} : memref<80x16xf32, #tpu.memory_space<vmem>>, vector<16xf32>,
        %get3A_233 = arith.index_cast %scan3A_230 : i32 to index
        %get3A_234 = arith.constant 0 : index
        %get3A_235 = tpu.vector_load %arg13[%get3A_233, %get3A_234] {strides = array<i32>} : memref<80x16xf32, #tpu.memory_space<vmem>>, vector<16xf32>,
        %add3A_236 = arith.addf %get3A_232, %get3A_235 : vector<16xf32>
        %gt3A = arith.constant 0.000000e+00 : f32
        %gt3A_237 = vector.broadcast %gt3A : f32 to vector<16xf32>
        %gt3A_238 = arith.cmpf ogt, %add3A_236, %gt3A_237 : vector<16xf32>
        %mul3A_239 = arith.constant 2.000000e-01 : f32
        %mul3A_240 = vector.broadcast %mul3A_239 : f32 to vector<16xf32>
        %mul3A_241 = arith.mulf %add3A_236, %mul3A_240 : vector<16xf32>
        %select_n3A = arith.select %gt3A_238, %add3A_236, %mul3A_241 : vector<16xi1>, vector<16xf32>
        %exp3A = math.exp %select_n3A : vector<16xf32>
        %swap3A = arith.index_cast %scan3A_230 : i32 to index
        %swap3A_242 = arith.constant 0 : index
        %swap3A_243 = tpu.vector_load %arg18[%swap3A, %swap3A_242] {strides = array<i32>} : memref<80x16xf32, #tpu.memory_space<vmem>>, vector<16xf32>,
        tpu.vector_store %arg18[%swap3A, %swap3A_242], %exp3A {strides = array<i32>} : memref<80x16xf32, #tpu.memory_space<vmem>>, vector<16xf32>,
        %broadcast_in_dim3A_244 = vector.broadcast %scan3A_230 : i32 to vector<16xi32>
        %get3A_245 = arith.index_cast %scan3A_230 : i32 to index
        %get3A_246 = arith.constant 0 : index
        %get3A_247 = tpu.vector_load %arg14[%get3A_245, %get3A_246] {strides = array<i32>} : memref<80x64xbf16, #tpu.memory_space<vmem>>, vector<32xbf16>,
        %unpack3A = tpu.unpack_subelements %get3A_247, 0 {pack_format = #tpu.pack_format<interleaved>} : vector<32xbf16> -> vector<16xf32>
        %unpack3A_248 = tpu.unpack_subelements %get3A_247, 1 {pack_format = #tpu.pack_format<interleaved>} : vector<32xbf16> -> vector<16xf32>
        %gather3A = tpu.vector_load_idx %arg18[%broadcast_in_dim3A_244, %add3A_9] : memref<80x16xf32, #tpu.memory_space<vmem>>[vector<16xi32>, vector<16xi32>], vector<16xf32>,
        %mul3A_249 = arith.mulf %unpack3A, %gather3A : vector<16xf32>
        %swap3A_250 = arith.index_cast %scan3A_230 : i32 to index
        %swap3A_251 = arith.constant 0 : index
        %swap3A_252 = tpu.vector_load %arg19[%swap3A_250, %swap3A_251] {strides = array<i32>} : memref<80x64xf32, #tpu.memory_space<vmem>>, vector<16xf32>,
        tpu.vector_store %arg19[%swap3A_250, %swap3A_251], %mul3A_249 {strides = array<i32>} : memref<80x64xf32, #tpu.memory_space<vmem>>, vector<16xf32>,
        %mul3A_253 = arith.mulf %unpack3A_248, %gather3A : vector<16xf32>
        %swap3A_254 = arith.index_cast %scan3A_230 : i32 to index
        %swap3A_255 = arith.constant 16 : index
        %swap3A_256 = tpu.vector_load %arg19[%swap3A_254, %swap3A_255] {strides = array<i32>} : memref<80x64xf32, #tpu.memory_space<vmem>>, vector<16xf32>,
        tpu.vector_store %arg19[%swap3A_254, %swap3A_255], %mul3A_253 {strides = array<i32>} : memref<80x64xf32, #tpu.memory_space<vmem>>, vector<16xf32>,
        %get3A_257 = arith.index_cast %scan3A_230 : i32 to index
        %get3A_258 = arith.constant 32 : index
        %get3A_259 = tpu.vector_load %arg14[%get3A_257, %get3A_258] {strides = array<i32>} : memref<80x64xbf16, #tpu.memory_space<vmem>>, vector<32xbf16>,
        %unpack3A_260 = tpu.unpack_subelements %get3A_259, 0 {pack_format = #tpu.pack_format<interleaved>} : vector<32xbf16> -> vector<16xf32>
        %unpack3A_261 = tpu.unpack_subelements %get3A_259, 1 {pack_format = #tpu.pack_format<interleaved>} : vector<32xbf16> -> vector<16xf32>
        %gather3A_262 = tpu.vector_load_idx %arg18[%broadcast_in_dim3A_244, %add3A_15] : memref<80x16xf32, #tpu.memory_space<vmem>>[vector<16xi32>, vector<16xi32>], vector<16xf32>,
        %mul3A_263 = arith.mulf %unpack3A_260, %gather3A_262 : vector<16xf32>
        %swap3A_264 = arith.index_cast %scan3A_230 : i32 to index
        %swap3A_265 = arith.constant 32 : index
        %swap3A_266 = tpu.vector_load %arg19[%swap3A_264, %swap3A_265] {strides = array<i32>} : memref<80x64xf32, #tpu.memory_space<vmem>>, vector<16xf32>,
        tpu.vector_store %arg19[%swap3A_264, %swap3A_265], %mul3A_263 {strides = array<i32>} : memref<80x64xf32, #tpu.memory_space<vmem>>, vector<16xf32>,
        %mul3A_267 = arith.mulf %unpack3A_261, %gather3A_262 : vector<16xf32>
        %swap3A_268 = arith.index_cast %scan3A_230 : i32 to index
        %swap3A_269 = arith.constant 48 : index
        %swap3A_270 = tpu.vector_load %arg19[%swap3A_268, %swap3A_269] {strides = array<i32>} : memref<80x64xf32, #tpu.memory_space<vmem>>, vector<16xf32>,
        tpu.vector_store %arg19[%swap3A_268, %swap3A_269], %mul3A_267 {strides = array<i32>} : memref<80x64xf32, #tpu.memory_space<vmem>>, vector<16xf32>,
        %scan3A_271 = arith.constant 1 : i32
        %scan3A_272 = arith.addi %scan3A_230, %scan3A_271 : i32
        %get3A_273 = arith.index_cast %scan3A_272 : i32 to index
        %get3A_274 = arith.constant 0 : index
        %get3A_275 = tpu.vector_load %arg12[%get3A_273, %get3A_274] {strides = array<i32>} : memref<80x16xf32, #tpu.memory_space<vmem>>, vector<16xf32>,
        %get3A_276 = arith.index_cast %scan3A_272 : i32 to index
        %get3A_277 = arith.constant 0 : index
        %get3A_278 = tpu.vector_load %arg13[%get3A_276, %get3A_277] {strides = array<i32>} : memref<80x16xf32, #tpu.memory_space<vmem>>, vector<16xf32>,
        %add3A_279 = arith.addf %get3A_275, %get3A_278 : vector<16xf32>
        %gt3A_280 = arith.constant 0.000000e+00 : f32
        %gt3A_281 = vector.broadcast %gt3A_280 : f32 to vector<16xf32>
        %gt3A_282 = arith.cmpf ogt, %add3A_279, %gt3A_281 : vector<16xf32>
        %mul3A_283 = arith.constant 2.000000e-01 : f32
        %mul3A_284 = vector.broadcast %mul3A_283 : f32 to vector<16xf32>
        %mul3A_285 = arith.mulf %add3A_279, %mul3A_284 : vector<16xf32>
        %select_n3A_286 = arith.select %gt3A_282, %add3A_279, %mul3A_285 : vector<16xi1>, vector<16xf32>
        %exp3A_287 = math.exp %select_n3A_286 : vector<16xf32>
        %swap3A_288 = arith.index_cast %scan3A_272 : i32 to index
        %swap3A_289 = arith.constant 0 : index
        %swap3A_290 = tpu.vector_load %arg18[%swap3A_288, %swap3A_289] {strides = array<i32>} : memref<80x16xf32, #tpu.memory_space<vmem>>, vector<16xf32>,
        tpu.vector_store %arg18[%swap3A_288, %swap3A_289], %exp3A_287 {strides = array<i32>} : memref<80x16xf32, #tpu.memory_space<vmem>>, vector<16xf32>,
        %broadcast_in_dim3A_291 = vector.broadcast %scan3A_272 : i32 to vector<16xi32>
        %get3A_292 = arith.index_cast %scan3A_272 : i32 to index
        %get3A_293 = arith.constant 0 : index
        %get3A_294 = tpu.vector_load %arg14[%get3A_292, %get3A_293] {strides = array<i32>} : memref<80x64xbf16, #tpu.memory_space<vmem>>, vector<32xbf16>,
        %unpack3A_295 = tpu.unpack_subelements %get3A_294, 0 {pack_format = #tpu.pack_format<interleaved>} : vector<32xbf16> -> vector<16xf32>
        %unpack3A_296 = tpu.unpack_subelements %get3A_294, 1 {pack_format = #tpu.pack_format<interleaved>} : vector<32xbf16> -> vector<16xf32>
        %gather3A_297 = tpu.vector_load_idx %arg18[%broadcast_in_dim3A_291, %add3A_9] : memref<80x16xf32, #tpu.memory_space<vmem>>[vector<16xi32>, vector<16xi32>], vector<16xf32>,
        %mul3A_298 = arith.mulf %unpack3A_295, %gather3A_297 : vector<16xf32>
        %swap3A_299 = arith.index_cast %scan3A_272 : i32 to index
        %swap3A_300 = arith.constant 0 : index
        %swap3A_301 = tpu.vector_load %arg19[%swap3A_299, %swap3A_300] {strides = array<i32>} : memref<80x64xf32, #tpu.memory_space<vmem>>, vector<16xf32>,
        tpu.vector_store %arg19[%swap3A_299, %swap3A_300], %mul3A_298 {strides = array<i32>} : memref<80x64xf32, #tpu.memory_space<vmem>>, vector<16xf32>,
        %mul3A_302 = arith.mulf %unpack3A_296, %gather3A_297 : vector<16xf32>
        %swap3A_303 = arith.index_cast %scan3A_272 : i32 to index
        %swap3A_304 = arith.constant 16 : index
        %swap3A_305 = tpu.vector_load %arg19[%swap3A_303, %swap3A_304] {strides = array<i32>} : memref<80x64xf32, #tpu.memory_space<vmem>>, vector<16xf32>,
        tpu.vector_store %arg19[%swap3A_303, %swap3A_304], %mul3A_302 {strides = array<i32>} : memref<80x64xf32, #tpu.memory_space<vmem>>, vector<16xf32>,
        %get3A_306 = arith.index_cast %scan3A_272 : i32 to index
        %get3A_307 = arith.constant 32 : index
        %get3A_308 = tpu.vector_load %arg14[%get3A_306, %get3A_307] {strides = array<i32>} : memref<80x64xbf16, #tpu.memory_space<vmem>>, vector<32xbf16>,
        %unpack3A_309 = tpu.unpack_subelements %get3A_308, 0 {pack_format = #tpu.pack_format<interleaved>} : vector<32xbf16> -> vector<16xf32>
        %unpack3A_310 = tpu.unpack_subelements %get3A_308, 1 {pack_format = #tpu.pack_format<interleaved>} : vector<32xbf16> -> vector<16xf32>
        %gather3A_311 = tpu.vector_load_idx %arg18[%broadcast_in_dim3A_291, %add3A_15] : memref<80x16xf32, #tpu.memory_space<vmem>>[vector<16xi32>, vector<16xi32>], vector<16xf32>,
        %mul3A_312 = arith.mulf %unpack3A_309, %gather3A_311 : vector<16xf32>
        %swap3A_313 = arith.index_cast %scan3A_272 : i32 to index
        %swap3A_314 = arith.constant 32 : index
        %swap3A_315 = tpu.vector_load %arg19[%swap3A_313, %swap3A_314] {strides = array<i32>} : memref<80x64xf32, #tpu.memory_space<vmem>>, vector<16xf32>,
        tpu.vector_store %arg19[%swap3A_313, %swap3A_314], %mul3A_312 {strides = array<i32>} : memref<80x64xf32, #tpu.memory_space<vmem>>, vector<16xf32>,
        %mul3A_316 = arith.mulf %unpack3A_310, %gather3A_311 : vector<16xf32>
        %swap3A_317 = arith.index_cast %scan3A_272 : i32 to index
        %swap3A_318 = arith.constant 48 : index
        %swap3A_319 = tpu.vector_load %arg19[%swap3A_317, %swap3A_318] {strides = array<i32>} : memref<80x64xf32, #tpu.memory_space<vmem>>, vector<16xf32>,
        tpu.vector_store %arg19[%swap3A_317, %swap3A_318], %mul3A_316 {strides = array<i32>} : memref<80x64xf32, #tpu.memory_space<vmem>>, vector<16xf32>,
        %scan3A_320 = arith.constant 2 : i32
        %scan3A_321 = arith.addi %scan3A_230, %scan3A_320 : i32
        %get3A_322 = arith.index_cast %scan3A_321 : i32 to index
        %get3A_323 = arith.constant 0 : index
        %get3A_324 = tpu.vector_load %arg12[%get3A_322, %get3A_323] {strides = array<i32>} : memref<80x16xf32, #tpu.memory_space<vmem>>, vector<16xf32>,
        %get3A_325 = arith.index_cast %scan3A_321 : i32 to index
        %get3A_326 = arith.constant 0 : index
        %get3A_327 = tpu.vector_load %arg13[%get3A_325, %get3A_326] {strides = array<i32>} : memref<80x16xf32, #tpu.memory_space<vmem>>, vector<16xf32>,
        %add3A_328 = arith.addf %get3A_324, %get3A_327 : vector<16xf32>
        %gt3A_329 = arith.constant 0.000000e+00 : f32
        %gt3A_330 = vector.broadcast %gt3A_329 : f32 to vector<16xf32>
        %gt3A_331 = arith.cmpf ogt, %add3A_328, %gt3A_330 : vector<16xf32>
        %mul3A_332 = arith.constant 2.000000e-01 : f32
        %mul3A_333 = vector.broadcast %mul3A_332 : f32 to vector<16xf32>
        %mul3A_334 = arith.mulf %add3A_328, %mul3A_333 : vector<16xf32>
        %select_n3A_335 = arith.select %gt3A_331, %add3A_328, %mul3A_334 : vector<16xi1>, vector<16xf32>
        %exp3A_336 = math.exp %select_n3A_335 : vector<16xf32>
        %swap3A_337 = arith.index_cast %scan3A_321 : i32 to index
        %swap3A_338 = arith.constant 0 : index
        %swap3A_339 = tpu.vector_load %arg18[%swap3A_337, %swap3A_338] {strides = array<i32>} : memref<80x16xf32, #tpu.memory_space<vmem>>, vector<16xf32>,
        tpu.vector_store %arg18[%swap3A_337, %swap3A_338], %exp3A_336 {strides = array<i32>} : memref<80x16xf32, #tpu.memory_space<vmem>>, vector<16xf32>,
        %broadcast_in_dim3A_340 = vector.broadcast %scan3A_321 : i32 to vector<16xi32>
        %get3A_341 = arith.index_cast %scan3A_321 : i32 to index
        %get3A_342 = arith.constant 0 : index
        %get3A_343 = tpu.vector_load %arg14[%get3A_341, %get3A_342] {strides = array<i32>} : memref<80x64xbf16, #tpu.memory_space<vmem>>, vector<32xbf16>,
        %unpack3A_344 = tpu.unpack_subelements %get3A_343, 0 {pack_format = #tpu.pack_format<interleaved>} : vector<32xbf16> -> vector<16xf32>
        %unpack3A_345 = tpu.unpack_subelements %get3A_343, 1 {pack_format = #tpu.pack_format<interleaved>} : vector<32xbf16> -> vector<16xf32>
        %gather3A_346 = tpu.vector_load_idx %arg18[%broadcast_in_dim3A_340, %add3A_9] : memref<80x16xf32, #tpu.memory_space<vmem>>[vector<16xi32>, vector<16xi32>], vector<16xf32>,
        %mul3A_347 = arith.mulf %unpack3A_344, %gather3A_346 : vector<16xf32>
        %swap3A_348 = arith.index_cast %scan3A_321 : i32 to index
        %swap3A_349 = arith.constant 0 : index
        %swap3A_350 = tpu.vector_load %arg19[%swap3A_348, %swap3A_349] {strides = array<i32>} : memref<80x64xf32, #tpu.memory_space<vmem>>, vector<16xf32>,
        tpu.vector_store %arg19[%swap3A_348, %swap3A_349], %mul3A_347 {strides = array<i32>} : memref<80x64xf32, #tpu.memory_space<vmem>>, vector<16xf32>,
        %mul3A_351 = arith.mulf %unpack3A_345, %gather3A_346 : vector<16xf32>
        %swap3A_352 = arith.index_cast %scan3A_321 : i32 to index
        %swap3A_353 = arith.constant 16 : index
        %swap3A_354 = tpu.vector_load %arg19[%swap3A_352, %swap3A_353] {strides = array<i32>} : memref<80x64xf32, #tpu.memory_space<vmem>>, vector<16xf32>,
        tpu.vector_store %arg19[%swap3A_352, %swap3A_353], %mul3A_351 {strides = array<i32>} : memref<80x64xf32, #tpu.memory_space<vmem>>, vector<16xf32>,
        %get3A_355 = arith.index_cast %scan3A_321 : i32 to index
        %get3A_356 = arith.constant 32 : index
        %get3A_357 = tpu.vector_load %arg14[%get3A_355, %get3A_356] {strides = array<i32>} : memref<80x64xbf16, #tpu.memory_space<vmem>>, vector<32xbf16>,
        %unpack3A_358 = tpu.unpack_subelements %get3A_357, 0 {pack_format = #tpu.pack_format<interleaved>} : vector<32xbf16> -> vector<16xf32>
        %unpack3A_359 = tpu.unpack_subelements %get3A_357, 1 {pack_format = #tpu.pack_format<interleaved>} : vector<32xbf16> -> vector<16xf32>
        %gather3A_360 = tpu.vector_load_idx %arg18[%broadcast_in_dim3A_340, %add3A_15] : memref<80x16xf32, #tpu.memory_space<vmem>>[vector<16xi32>, vector<16xi32>], vector<16xf32>,
        %mul3A_361 = arith.mulf %unpack3A_358, %gather3A_360 : vector<16xf32>
        %swap3A_362 = arith.index_cast %scan3A_321 : i32 to index
        %swap3A_363 = arith.constant 32 : index
        %swap3A_364 = tpu.vector_load %arg19[%swap3A_362, %swap3A_363] {strides = array<i32>} : memref<80x64xf32, #tpu.memory_space<vmem>>, vector<16xf32>,
        tpu.vector_store %arg19[%swap3A_362, %swap3A_363], %mul3A_361 {strides = array<i32>} : memref<80x64xf32, #tpu.memory_space<vmem>>, vector<16xf32>,
        %mul3A_365 = arith.mulf %unpack3A_359, %gather3A_360 : vector<16xf32>
        %swap3A_366 = arith.index_cast %scan3A_321 : i32 to index
        %swap3A_367 = arith.constant 48 : index
        %swap3A_368 = tpu.vector_load %arg19[%swap3A_366, %swap3A_367] {strides = array<i32>} : memref<80x64xf32, #tpu.memory_space<vmem>>, vector<16xf32>,
        tpu.vector_store %arg19[%swap3A_366, %swap3A_367], %mul3A_365 {strides = array<i32>} : memref<80x64xf32, #tpu.memory_space<vmem>>, vector<16xf32>,
        %scan3A_369 = arith.constant 3 : i32
        %scan3A_370 = arith.addi %scan3A_230, %scan3A_369 : i32
        %get3A_371 = arith.index_cast %scan3A_370 : i32 to index
        %get3A_372 = arith.constant 0 : index
        %get3A_373 = tpu.vector_load %arg12[%get3A_371, %get3A_372] {strides = array<i32>} : memref<80x16xf32, #tpu.memory_space<vmem>>, vector<16xf32>,
        %get3A_374 = arith.index_cast %scan3A_370 : i32 to index
        %get3A_375 = arith.constant 0 : index
        %get3A_376 = tpu.vector_load %arg13[%get3A_374, %get3A_375] {strides = array<i32>} : memref<80x16xf32, #tpu.memory_space<vmem>>, vector<16xf32>,
        %add3A_377 = arith.addf %get3A_373, %get3A_376 : vector<16xf32>
        %gt3A_378 = arith.constant 0.000000e+00 : f32
        %gt3A_379 = vector.broadcast %gt3A_378 : f32 to vector<16xf32>
        %gt3A_380 = arith.cmpf ogt, %add3A_377, %gt3A_379 : vector<16xf32>
        %mul3A_381 = arith.constant 2.000000e-01 : f32
        %mul3A_382 = vector.broadcast %mul3A_381 : f32 to vector<16xf32>
        %mul3A_383 = arith.mulf %add3A_377, %mul3A_382 : vector<16xf32>
        %select_n3A_384 = arith.select %gt3A_380, %add3A_377, %mul3A_383 : vector<16xi1>, vector<16xf32>
        %exp3A_385 = math.exp %select_n3A_384 : vector<16xf32>
        %swap3A_386 = arith.index_cast %scan3A_370 : i32 to index
        %swap3A_387 = arith.constant 0 : index
        %swap3A_388 = tpu.vector_load %arg18[%swap3A_386, %swap3A_387] {strides = array<i32>} : memref<80x16xf32, #tpu.memory_space<vmem>>, vector<16xf32>,
        tpu.vector_store %arg18[%swap3A_386, %swap3A_387], %exp3A_385 {strides = array<i32>} : memref<80x16xf32, #tpu.memory_space<vmem>>, vector<16xf32>,
        %broadcast_in_dim3A_389 = vector.broadcast %scan3A_370 : i32 to vector<16xi32>
        %get3A_390 = arith.index_cast %scan3A_370 : i32 to index
        %get3A_391 = arith.constant 0 : index
        %get3A_392 = tpu.vector_load %arg14[%get3A_390, %get3A_391] {strides = array<i32>} : memref<80x64xbf16, #tpu.memory_space<vmem>>, vector<32xbf16>,
        %unpack3A_393 = tpu.unpack_subelements %get3A_392, 0 {pack_format = #tpu.pack_format<interleaved>} : vector<32xbf16> -> vector<16xf32>
        %unpack3A_394 = tpu.unpack_subelements %get3A_392, 1 {pack_format = #tpu.pack_format<interleaved>} : vector<32xbf16> -> vector<16xf32>
        %gather3A_395 = tpu.vector_load_idx %arg18[%broadcast_in_dim3A_389, %add3A_9] : memref<80x16xf32, #tpu.memory_space<vmem>>[vector<16xi32>, vector<16xi32>], vector<16xf32>,
        %mul3A_396 = arith.mulf %unpack3A_393, %gather3A_395 : vector<16xf32>
        %swap3A_397 = arith.index_cast %scan3A_370 : i32 to index
        %swap3A_398 = arith.constant 0 : index
        %swap3A_399 = tpu.vector_load %arg19[%swap3A_397, %swap3A_398] {strides = array<i32>} : memref<80x64xf32, #tpu.memory_space<vmem>>, vector<16xf32>,
        tpu.vector_store %arg19[%swap3A_397, %swap3A_398], %mul3A_396 {strides = array<i32>} : memref<80x64xf32, #tpu.memory_space<vmem>>, vector<16xf32>,
        %mul3A_400 = arith.mulf %unpack3A_394, %gather3A_395 : vector<16xf32>
        %swap3A_401 = arith.index_cast %scan3A_370 : i32 to index
        %swap3A_402 = arith.constant 16 : index
        %swap3A_403 = tpu.vector_load %arg19[%swap3A_401, %swap3A_402] {strides = array<i32>} : memref<80x64xf32, #tpu.memory_space<vmem>>, vector<16xf32>,
        tpu.vector_store %arg19[%swap3A_401, %swap3A_402], %mul3A_400 {strides = array<i32>} : memref<80x64xf32, #tpu.memory_space<vmem>>, vector<16xf32>,
        %get3A_404 = arith.index_cast %scan3A_370 : i32 to index
        %get3A_405 = arith.constant 32 : index
        %get3A_406 = tpu.vector_load %arg14[%get3A_404, %get3A_405] {strides = array<i32>} : memref<80x64xbf16, #tpu.memory_space<vmem>>, vector<32xbf16>,
        %unpack3A_407 = tpu.unpack_subelements %get3A_406, 0 {pack_format = #tpu.pack_format<interleaved>} : vector<32xbf16> -> vector<16xf32>
        %unpack3A_408 = tpu.unpack_subelements %get3A_406, 1 {pack_format = #tpu.pack_format<interleaved>} : vector<32xbf16> -> vector<16xf32>
        %gather3A_409 = tpu.vector_load_idx %arg18[%broadcast_in_dim3A_389, %add3A_15] : memref<80x16xf32, #tpu.memory_space<vmem>>[vector<16xi32>, vector<16xi32>], vector<16xf32>,
        %mul3A_410 = arith.mulf %unpack3A_407, %gather3A_409 : vector<16xf32>
        %swap3A_411 = arith.index_cast %scan3A_370 : i32 to index
        %swap3A_412 = arith.constant 32 : index
        %swap3A_413 = tpu.vector_load %arg19[%swap3A_411, %swap3A_412] {strides = array<i32>} : memref<80x64xf32, #tpu.memory_space<vmem>>, vector<16xf32>,
        tpu.vector_store %arg19[%swap3A_411, %swap3A_412], %mul3A_410 {strides = array<i32>} : memref<80x64xf32, #tpu.memory_space<vmem>>, vector<16xf32>,
        %mul3A_414 = arith.mulf %unpack3A_408, %gather3A_409 : vector<16xf32>
        %swap3A_415 = arith.index_cast %scan3A_370 : i32 to index
        %swap3A_416 = arith.constant 48 : index
        %swap3A_417 = tpu.vector_load %arg19[%swap3A_415, %swap3A_416] {strides = array<i32>} : memref<80x64xf32, #tpu.memory_space<vmem>>, vector<16xf32>,
        tpu.vector_store %arg19[%swap3A_415, %swap3A_416], %mul3A_414 {strides = array<i32>} : memref<80x64xf32, #tpu.memory_space<vmem>>, vector<16xf32>,
        %scan3A_418 = arith.constant 4 : i32
        %scan3A_419 = arith.addi %scan3A_230, %scan3A_418 : i32
        %get3A_420 = arith.index_cast %scan3A_419 : i32 to index
        %get3A_421 = arith.constant 0 : index
        %get3A_422 = tpu.vector_load %arg12[%get3A_420, %get3A_421] {strides = array<i32>} : memref<80x16xf32, #tpu.memory_space<vmem>>, vector<16xf32>,
        %get3A_423 = arith.index_cast %scan3A_419 : i32 to index
        %get3A_424 = arith.constant 0 : index
        %get3A_425 = tpu.vector_load %arg13[%get3A_423, %get3A_424] {strides = array<i32>} : memref<80x16xf32, #tpu.memory_space<vmem>>, vector<16xf32>,
        %add3A_426 = arith.addf %get3A_422, %get3A_425 : vector<16xf32>
        %gt3A_427 = arith.constant 0.000000e+00 : f32
        %gt3A_428 = vector.broadcast %gt3A_427 : f32 to vector<16xf32>
        %gt3A_429 = arith.cmpf ogt, %add3A_426, %gt3A_428 : vector<16xf32>
        %mul3A_430 = arith.constant 2.000000e-01 : f32
        %mul3A_431 = vector.broadcast %mul3A_430 : f32 to vector<16xf32>
        %mul3A_432 = arith.mulf %add3A_426, %mul3A_431 : vector<16xf32>
        %select_n3A_433 = arith.select %gt3A_429, %add3A_426, %mul3A_432 : vector<16xi1>, vector<16xf32>
        %exp3A_434 = math.exp %select_n3A_433 : vector<16xf32>
        %swap3A_435 = arith.index_cast %scan3A_419 : i32 to index
        %swap3A_436 = arith.constant 0 : index
        %swap3A_437 = tpu.vector_load %arg18[%swap3A_435, %swap3A_436] {strides = array<i32>} : memref<80x16xf32, #tpu.memory_space<vmem>>, vector<16xf32>,
        tpu.vector_store %arg18[%swap3A_435, %swap3A_436], %exp3A_434 {strides = array<i32>} : memref<80x16xf32, #tpu.memory_space<vmem>>, vector<16xf32>,
        %broadcast_in_dim3A_438 = vector.broadcast %scan3A_419 : i32 to vector<16xi32>
        %get3A_439 = arith.index_cast %scan3A_419 : i32 to index
        %get3A_440 = arith.constant 0 : index
        %get3A_441 = tpu.vector_load %arg14[%get3A_439, %get3A_440] {strides = array<i32>} : memref<80x64xbf16, #tpu.memory_space<vmem>>, vector<32xbf16>,
        %unpack3A_442 = tpu.unpack_subelements %get3A_441, 0 {pack_format = #tpu.pack_format<interleaved>} : vector<32xbf16> -> vector<16xf32>
        %unpack3A_443 = tpu.unpack_subelements %get3A_441, 1 {pack_format = #tpu.pack_format<interleaved>} : vector<32xbf16> -> vector<16xf32>
        %gather3A_444 = tpu.vector_load_idx %arg18[%broadcast_in_dim3A_438, %add3A_9] : memref<80x16xf32, #tpu.memory_space<vmem>>[vector<16xi32>, vector<16xi32>], vector<16xf32>,
        %mul3A_445 = arith.mulf %unpack3A_442, %gather3A_444 : vector<16xf32>
        %swap3A_446 = arith.index_cast %scan3A_419 : i32 to index
        %swap3A_447 = arith.constant 0 : index
        %swap3A_448 = tpu.vector_load %arg19[%swap3A_446, %swap3A_447] {strides = array<i32>} : memref<80x64xf32, #tpu.memory_space<vmem>>, vector<16xf32>,
        tpu.vector_store %arg19[%swap3A_446, %swap3A_447], %mul3A_445 {strides = array<i32>} : memref<80x64xf32, #tpu.memory_space<vmem>>, vector<16xf32>,
        %mul3A_449 = arith.mulf %unpack3A_443, %gather3A_444 : vector<16xf32>
        %swap3A_450 = arith.index_cast %scan3A_419 : i32 to index
        %swap3A_451 = arith.constant 16 : index
        %swap3A_452 = tpu.vector_load %arg19[%swap3A_450, %swap3A_451] {strides = array<i32>} : memref<80x64xf32, #tpu.memory_space<vmem>>, vector<16xf32>,
        tpu.vector_store %arg19[%swap3A_450, %swap3A_451], %mul3A_449 {strides = array<i32>} : memref<80x64xf32, #tpu.memory_space<vmem>>, vector<16xf32>,
        %get3A_453 = arith.index_cast %scan3A_419 : i32 to index
        %get3A_454 = arith.constant 32 : index
        %get3A_455 = tpu.vector_load %arg14[%get3A_453, %get3A_454] {strides = array<i32>} : memref<80x64xbf16, #tpu.memory_space<vmem>>, vector<32xbf16>,
        %unpack3A_456 = tpu.unpack_subelements %get3A_455, 0 {pack_format = #tpu.pack_format<interleaved>} : vector<32xbf16> -> vector<16xf32>
        %unpack3A_457 = tpu.unpack_subelements %get3A_455, 1 {pack_format = #tpu.pack_format<interleaved>} : vector<32xbf16> -> vector<16xf32>
        %gather3A_458 = tpu.vector_load_idx %arg18[%broadcast_in_dim3A_438, %add3A_15] : memref<80x16xf32, #tpu.memory_space<vmem>>[vector<16xi32>, vector<16xi32>], vector<16xf32>,
        %mul3A_459 = arith.mulf %unpack3A_456, %gather3A_458 : vector<16xf32>
        %swap3A_460 = arith.index_cast %scan3A_419 : i32 to index
        %swap3A_461 = arith.constant 32 : index
        %swap3A_462 = tpu.vector_load %arg19[%swap3A_460, %swap3A_461] {strides = array<i32>} : memref<80x64xf32, #tpu.memory_space<vmem>>, vector<16xf32>,
        tpu.vector_store %arg19[%swap3A_460, %swap3A_461], %mul3A_459 {strides = array<i32>} : memref<80x64xf32, #tpu.memory_space<vmem>>, vector<16xf32>,
        %mul3A_463 = arith.mulf %unpack3A_457, %gather3A_458 : vector<16xf32>
        %swap3A_464 = arith.index_cast %scan3A_419 : i32 to index
        %swap3A_465 = arith.constant 48 : index
        %swap3A_466 = tpu.vector_load %arg19[%swap3A_464, %swap3A_465] {strides = array<i32>} : memref<80x64xf32, #tpu.memory_space<vmem>>, vector<16xf32>,
        tpu.vector_store %arg19[%swap3A_464, %swap3A_465], %mul3A_463 {strides = array<i32>} : memref<80x64xf32, #tpu.memory_space<vmem>>, vector<16xf32>,
        %scan3A_467 = arith.constant 5 : i32
        %scan3A_468 = arith.addi %scan3A_230, %scan3A_467 : i32
        %get3A_469 = arith.index_cast %scan3A_468 : i32 to index
        %get3A_470 = arith.constant 0 : index
        %get3A_471 = tpu.vector_load %arg12[%get3A_469, %get3A_470] {strides = array<i32>} : memref<80x16xf32, #tpu.memory_space<vmem>>, vector<16xf32>,
        %get3A_472 = arith.index_cast %scan3A_468 : i32 to index
        %get3A_473 = arith.constant 0 : index
        %get3A_474 = tpu.vector_load %arg13[%get3A_472, %get3A_473] {strides = array<i32>} : memref<80x16xf32, #tpu.memory_space<vmem>>, vector<16xf32>,
        %add3A_475 = arith.addf %get3A_471, %get3A_474 : vector<16xf32>
        %gt3A_476 = arith.constant 0.000000e+00 : f32
        %gt3A_477 = vector.broadcast %gt3A_476 : f32 to vector<16xf32>
        %gt3A_478 = arith.cmpf ogt, %add3A_475, %gt3A_477 : vector<16xf32>
        %mul3A_479 = arith.constant 2.000000e-01 : f32
        %mul3A_480 = vector.broadcast %mul3A_479 : f32 to vector<16xf32>
        %mul3A_481 = arith.mulf %add3A_475, %mul3A_480 : vector<16xf32>
        %select_n3A_482 = arith.select %gt3A_478, %add3A_475, %mul3A_481 : vector<16xi1>, vector<16xf32>
        %exp3A_483 = math.exp %select_n3A_482 : vector<16xf32>
        %swap3A_484 = arith.index_cast %scan3A_468 : i32 to index
        %swap3A_485 = arith.constant 0 : index
        %swap3A_486 = tpu.vector_load %arg18[%swap3A_484, %swap3A_485] {strides = array<i32>} : memref<80x16xf32, #tpu.memory_space<vmem>>, vector<16xf32>,
        tpu.vector_store %arg18[%swap3A_484, %swap3A_485], %exp3A_483 {strides = array<i32>} : memref<80x16xf32, #tpu.memory_space<vmem>>, vector<16xf32>,
        %broadcast_in_dim3A_487 = vector.broadcast %scan3A_468 : i32 to vector<16xi32>
        %get3A_488 = arith.index_cast %scan3A_468 : i32 to index
        %get3A_489 = arith.constant 0 : index
        %get3A_490 = tpu.vector_load %arg14[%get3A_488, %get3A_489] {strides = array<i32>} : memref<80x64xbf16, #tpu.memory_space<vmem>>, vector<32xbf16>,
        %unpack3A_491 = tpu.unpack_subelements %get3A_490, 0 {pack_format = #tpu.pack_format<interleaved>} : vector<32xbf16> -> vector<16xf32>
        %unpack3A_492 = tpu.unpack_subelements %get3A_490, 1 {pack_format = #tpu.pack_format<interleaved>} : vector<32xbf16> -> vector<16xf32>
        %gather3A_493 = tpu.vector_load_idx %arg18[%broadcast_in_dim3A_487, %add3A_9] : memref<80x16xf32, #tpu.memory_space<vmem>>[vector<16xi32>, vector<16xi32>], vector<16xf32>,
        %mul3A_494 = arith.mulf %unpack3A_491, %gather3A_493 : vector<16xf32>
        %swap3A_495 = arith.index_cast %scan3A_468 : i32 to index
        %swap3A_496 = arith.constant 0 : index
        %swap3A_497 = tpu.vector_load %arg19[%swap3A_495, %swap3A_496] {strides = array<i32>} : memref<80x64xf32, #tpu.memory_space<vmem>>, vector<16xf32>,
        tpu.vector_store %arg19[%swap3A_495, %swap3A_496], %mul3A_494 {strides = array<i32>} : memref<80x64xf32, #tpu.memory_space<vmem>>, vector<16xf32>,
        %mul3A_498 = arith.mulf %unpack3A_492, %gather3A_493 : vector<16xf32>
        %swap3A_499 = arith.index_cast %scan3A_468 : i32 to index
        %swap3A_500 = arith.constant 16 : index
        %swap3A_501 = tpu.vector_load %arg19[%swap3A_499, %swap3A_500] {strides = array<i32>} : memref<80x64xf32, #tpu.memory_space<vmem>>, vector<16xf32>,
        tpu.vector_store %arg19[%swap3A_499, %swap3A_500], %mul3A_498 {strides = array<i32>} : memref<80x64xf32, #tpu.memory_space<vmem>>, vector<16xf32>,
        %get3A_502 = arith.index_cast %scan3A_468 : i32 to index
        %get3A_503 = arith.constant 32 : index
        %get3A_504 = tpu.vector_load %arg14[%get3A_502, %get3A_503] {strides = array<i32>} : memref<80x64xbf16, #tpu.memory_space<vmem>>, vector<32xbf16>,
        %unpack3A_505 = tpu.unpack_subelements %get3A_504, 0 {pack_format = #tpu.pack_format<interleaved>} : vector<32xbf16> -> vector<16xf32>
        %unpack3A_506 = tpu.unpack_subelements %get3A_504, 1 {pack_format = #tpu.pack_format<interleaved>} : vector<32xbf16> -> vector<16xf32>
        %gather3A_507 = tpu.vector_load_idx %arg18[%broadcast_in_dim3A_487, %add3A_15] : memref<80x16xf32, #tpu.memory_space<vmem>>[vector<16xi32>, vector<16xi32>], vector<16xf32>,
        %mul3A_508 = arith.mulf %unpack3A_505, %gather3A_507 : vector<16xf32>
        %swap3A_509 = arith.index_cast %scan3A_468 : i32 to index
        %swap3A_510 = arith.constant 32 : index
        %swap3A_511 = tpu.vector_load %arg19[%swap3A_509, %swap3A_510] {strides = array<i32>} : memref<80x64xf32, #tpu.memory_space<vmem>>, vector<16xf32>,
        tpu.vector_store %arg19[%swap3A_509, %swap3A_510], %mul3A_508 {strides = array<i32>} : memref<80x64xf32, #tpu.memory_space<vmem>>, vector<16xf32>,
        %mul3A_512 = arith.mulf %unpack3A_506, %gather3A_507 : vector<16xf32>
        %swap3A_513 = arith.index_cast %scan3A_468 : i32 to index
        %swap3A_514 = arith.constant 48 : index
        %swap3A_515 = tpu.vector_load %arg19[%swap3A_513, %swap3A_514] {strides = array<i32>} : memref<80x64xf32, #tpu.memory_space<vmem>>, vector<16xf32>,
        tpu.vector_store %arg19[%swap3A_513, %swap3A_514], %mul3A_512 {strides = array<i32>} : memref<80x64xf32, #tpu.memory_space<vmem>>, vector<16xf32>,
        %scan3A_516 = arith.constant 6 : i32
        %scan3A_517 = arith.addi %scan3A_230, %scan3A_516 : i32
        %get3A_518 = arith.index_cast %scan3A_517 : i32 to index
        %get3A_519 = arith.constant 0 : index
        %get3A_520 = tpu.vector_load %arg12[%get3A_518, %get3A_519] {strides = array<i32>} : memref<80x16xf32, #tpu.memory_space<vmem>>, vector<16xf32>,
        %get3A_521 = arith.index_cast %scan3A_517 : i32 to index
        %get3A_522 = arith.constant 0 : index
        %get3A_523 = tpu.vector_load %arg13[%get3A_521, %get3A_522] {strides = array<i32>} : memref<80x16xf32, #tpu.memory_space<vmem>>, vector<16xf32>,
        %add3A_524 = arith.addf %get3A_520, %get3A_523 : vector<16xf32>
        %gt3A_525 = arith.constant 0.000000e+00 : f32
        %gt3A_526 = vector.broadcast %gt3A_525 : f32 to vector<16xf32>
        %gt3A_527 = arith.cmpf ogt, %add3A_524, %gt3A_526 : vector<16xf32>
        %mul3A_528 = arith.constant 2.000000e-01 : f32
        %mul3A_529 = vector.broadcast %mul3A_528 : f32 to vector<16xf32>
        %mul3A_530 = arith.mulf %add3A_524, %mul3A_529 : vector<16xf32>
        %select_n3A_531 = arith.select %gt3A_527, %add3A_524, %mul3A_530 : vector<16xi1>, vector<16xf32>
        %exp3A_532 = math.exp %select_n3A_531 : vector<16xf32>
        %swap3A_533 = arith.index_cast %scan3A_517 : i32 to index
        %swap3A_534 = arith.constant 0 : index
        %swap3A_535 = tpu.vector_load %arg18[%swap3A_533, %swap3A_534] {strides = array<i32>} : memref<80x16xf32, #tpu.memory_space<vmem>>, vector<16xf32>,
        tpu.vector_store %arg18[%swap3A_533, %swap3A_534], %exp3A_532 {strides = array<i32>} : memref<80x16xf32, #tpu.memory_space<vmem>>, vector<16xf32>,
        %broadcast_in_dim3A_536 = vector.broadcast %scan3A_517 : i32 to vector<16xi32>
        %get3A_537 = arith.index_cast %scan3A_517 : i32 to index
        %get3A_538 = arith.constant 0 : index
        %get3A_539 = tpu.vector_load %arg14[%get3A_537, %get3A_538] {strides = array<i32>} : memref<80x64xbf16, #tpu.memory_space<vmem>>, vector<32xbf16>,
        %unpack3A_540 = tpu.unpack_subelements %get3A_539, 0 {pack_format = #tpu.pack_format<interleaved>} : vector<32xbf16> -> vector<16xf32>
        %unpack3A_541 = tpu.unpack_subelements %get3A_539, 1 {pack_format = #tpu.pack_format<interleaved>} : vector<32xbf16> -> vector<16xf32>
        %gather3A_542 = tpu.vector_load_idx %arg18[%broadcast_in_dim3A_536, %add3A_9] : memref<80x16xf32, #tpu.memory_space<vmem>>[vector<16xi32>, vector<16xi32>], vector<16xf32>,
        %mul3A_543 = arith.mulf %unpack3A_540, %gather3A_542 : vector<16xf32>
        %swap3A_544 = arith.index_cast %scan3A_517 : i32 to index
        %swap3A_545 = arith.constant 0 : index
        %swap3A_546 = tpu.vector_load %arg19[%swap3A_544, %swap3A_545] {strides = array<i32>} : memref<80x64xf32, #tpu.memory_space<vmem>>, vector<16xf32>,
        tpu.vector_store %arg19[%swap3A_544, %swap3A_545], %mul3A_543 {strides = array<i32>} : memref<80x64xf32, #tpu.memory_space<vmem>>, vector<16xf32>,
        %mul3A_547 = arith.mulf %unpack3A_541, %gather3A_542 : vector<16xf32>
        %swap3A_548 = arith.index_cast %scan3A_517 : i32 to index
        %swap3A_549 = arith.constant 16 : index
        %swap3A_550 = tpu.vector_load %arg19[%swap3A_548, %swap3A_549] {strides = array<i32>} : memref<80x64xf32, #tpu.memory_space<vmem>>, vector<16xf32>,
        tpu.vector_store %arg19[%swap3A_548, %swap3A_549], %mul3A_547 {strides = array<i32>} : memref<80x64xf32, #tpu.memory_space<vmem>>, vector<16xf32>,
        %get3A_551 = arith.index_cast %scan3A_517 : i32 to index
        %get3A_552 = arith.constant 32 : index
        %get3A_553 = tpu.vector_load %arg14[%get3A_551, %get3A_552] {strides = array<i32>} : memref<80x64xbf16, #tpu.memory_space<vmem>>, vector<32xbf16>,
        %unpack3A_554 = tpu.unpack_subelements %get3A_553, 0 {pack_format = #tpu.pack_format<interleaved>} : vector<32xbf16> -> vector<16xf32>
        %unpack3A_555 = tpu.unpack_subelements %get3A_553, 1 {pack_format = #tpu.pack_format<interleaved>} : vector<32xbf16> -> vector<16xf32>
        %gather3A_556 = tpu.vector_load_idx %arg18[%broadcast_in_dim3A_536, %add3A_15] : memref<80x16xf32, #tpu.memory_space<vmem>>[vector<16xi32>, vector<16xi32>], vector<16xf32>,
        %mul3A_557 = arith.mulf %unpack3A_554, %gather3A_556 : vector<16xf32>
        %swap3A_558 = arith.index_cast %scan3A_517 : i32 to index
        %swap3A_559 = arith.constant 32 : index
        %swap3A_560 = tpu.vector_load %arg19[%swap3A_558, %swap3A_559] {strides = array<i32>} : memref<80x64xf32, #tpu.memory_space<vmem>>, vector<16xf32>,
        tpu.vector_store %arg19[%swap3A_558, %swap3A_559], %mul3A_557 {strides = array<i32>} : memref<80x64xf32, #tpu.memory_space<vmem>>, vector<16xf32>,
        %mul3A_561 = arith.mulf %unpack3A_555, %gather3A_556 : vector<16xf32>
        %swap3A_562 = arith.index_cast %scan3A_517 : i32 to index
        %swap3A_563 = arith.constant 48 : index
        %swap3A_564 = tpu.vector_load %arg19[%swap3A_562, %swap3A_563] {strides = array<i32>} : memref<80x64xf32, #tpu.memory_space<vmem>>, vector<16xf32>,
        tpu.vector_store %arg19[%swap3A_562, %swap3A_563], %mul3A_561 {strides = array<i32>} : memref<80x64xf32, #tpu.memory_space<vmem>>, vector<16xf32>,
        %scan3A_565 = arith.constant 7 : i32
        %scan3A_566 = arith.addi %scan3A_230, %scan3A_565 : i32
        %get3A_567 = arith.index_cast %scan3A_566 : i32 to index
        %get3A_568 = arith.constant 0 : index
        %get3A_569 = tpu.vector_load %arg12[%get3A_567, %get3A_568] {strides = array<i32>} : memref<80x16xf32, #tpu.memory_space<vmem>>, vector<16xf32>,
        %get3A_570 = arith.index_cast %scan3A_566 : i32 to index
        %get3A_571 = arith.constant 0 : index
        %get3A_572 = tpu.vector_load %arg13[%get3A_570, %get3A_571] {strides = array<i32>} : memref<80x16xf32, #tpu.memory_space<vmem>>, vector<16xf32>,
        %add3A_573 = arith.addf %get3A_569, %get3A_572 : vector<16xf32>
        %gt3A_574 = arith.constant 0.000000e+00 : f32
        %gt3A_575 = vector.broadcast %gt3A_574 : f32 to vector<16xf32>
        %gt3A_576 = arith.cmpf ogt, %add3A_573, %gt3A_575 : vector<16xf32>
        %mul3A_577 = arith.constant 2.000000e-01 : f32
        %mul3A_578 = vector.broadcast %mul3A_577 : f32 to vector<16xf32>
        %mul3A_579 = arith.mulf %add3A_573, %mul3A_578 : vector<16xf32>
        %select_n3A_580 = arith.select %gt3A_576, %add3A_573, %mul3A_579 : vector<16xi1>, vector<16xf32>
        %exp3A_581 = math.exp %select_n3A_580 : vector<16xf32>
        %swap3A_582 = arith.index_cast %scan3A_566 : i32 to index
        %swap3A_583 = arith.constant 0 : index
        %swap3A_584 = tpu.vector_load %arg18[%swap3A_582, %swap3A_583] {strides = array<i32>} : memref<80x16xf32, #tpu.memory_space<vmem>>, vector<16xf32>,
        tpu.vector_store %arg18[%swap3A_582, %swap3A_583], %exp3A_581 {strides = array<i32>} : memref<80x16xf32, #tpu.memory_space<vmem>>, vector<16xf32>,
        %broadcast_in_dim3A_585 = vector.broadcast %scan3A_566 : i32 to vector<16xi32>
        %get3A_586 = arith.index_cast %scan3A_566 : i32 to index
        %get3A_587 = arith.constant 0 : index
        %get3A_588 = tpu.vector_load %arg14[%get3A_586, %get3A_587] {strides = array<i32>} : memref<80x64xbf16, #tpu.memory_space<vmem>>, vector<32xbf16>,
        %unpack3A_589 = tpu.unpack_subelements %get3A_588, 0 {pack_format = #tpu.pack_format<interleaved>} : vector<32xbf16> -> vector<16xf32>
        %unpack3A_590 = tpu.unpack_subelements %get3A_588, 1 {pack_format = #tpu.pack_format<interleaved>} : vector<32xbf16> -> vector<16xf32>
        %gather3A_591 = tpu.vector_load_idx %arg18[%broadcast_in_dim3A_585, %add3A_9] : memref<80x16xf32, #tpu.memory_space<vmem>>[vector<16xi32>, vector<16xi32>], vector<16xf32>,
        %mul3A_592 = arith.mulf %unpack3A_589, %gather3A_591 : vector<16xf32>
        %swap3A_593 = arith.index_cast %scan3A_566 : i32 to index
        %swap3A_594 = arith.constant 0 : index
        %swap3A_595 = tpu.vector_load %arg19[%swap3A_593, %swap3A_594] {strides = array<i32>} : memref<80x64xf32, #tpu.memory_space<vmem>>, vector<16xf32>,
        tpu.vector_store %arg19[%swap3A_593, %swap3A_594], %mul3A_592 {strides = array<i32>} : memref<80x64xf32, #tpu.memory_space<vmem>>, vector<16xf32>,
        %mul3A_596 = arith.mulf %unpack3A_590, %gather3A_591 : vector<16xf32>
        %swap3A_597 = arith.index_cast %scan3A_566 : i32 to index
        %swap3A_598 = arith.constant 16 : index
        %swap3A_599 = tpu.vector_load %arg19[%swap3A_597, %swap3A_598] {strides = array<i32>} : memref<80x64xf32, #tpu.memory_space<vmem>>, vector<16xf32>,
        tpu.vector_store %arg19[%swap3A_597, %swap3A_598], %mul3A_596 {strides = array<i32>} : memref<80x64xf32, #tpu.memory_space<vmem>>, vector<16xf32>,
        %get3A_600 = arith.index_cast %scan3A_566 : i32 to index
        %get3A_601 = arith.constant 32 : index
        %get3A_602 = tpu.vector_load %arg14[%get3A_600, %get3A_601] {strides = array<i32>} : memref<80x64xbf16, #tpu.memory_space<vmem>>, vector<32xbf16>,
        %unpack3A_603 = tpu.unpack_subelements %get3A_602, 0 {pack_format = #tpu.pack_format<interleaved>} : vector<32xbf16> -> vector<16xf32>
        %unpack3A_604 = tpu.unpack_subelements %get3A_602, 1 {pack_format = #tpu.pack_format<interleaved>} : vector<32xbf16> -> vector<16xf32>
        %gather3A_605 = tpu.vector_load_idx %arg18[%broadcast_in_dim3A_585, %add3A_15] : memref<80x16xf32, #tpu.memory_space<vmem>>[vector<16xi32>, vector<16xi32>], vector<16xf32>,
        %mul3A_606 = arith.mulf %unpack3A_603, %gather3A_605 : vector<16xf32>
        %swap3A_607 = arith.index_cast %scan3A_566 : i32 to index
        %swap3A_608 = arith.constant 32 : index
        %swap3A_609 = tpu.vector_load %arg19[%swap3A_607, %swap3A_608] {strides = array<i32>} : memref<80x64xf32, #tpu.memory_space<vmem>>, vector<16xf32>,
        tpu.vector_store %arg19[%swap3A_607, %swap3A_608], %mul3A_606 {strides = array<i32>} : memref<80x64xf32, #tpu.memory_space<vmem>>, vector<16xf32>,
        %mul3A_610 = arith.mulf %unpack3A_604, %gather3A_605 : vector<16xf32>
        %swap3A_611 = arith.index_cast %scan3A_566 : i32 to index
        %swap3A_612 = arith.constant 48 : index
        %swap3A_613 = tpu.vector_load %arg19[%swap3A_611, %swap3A_612] {strides = array<i32>} : memref<80x64xf32, #tpu.memory_space<vmem>>, vector<16xf32>,
        tpu.vector_store %arg19[%swap3A_611, %swap3A_612], %mul3A_610 {strides = array<i32>} : memref<80x64xf32, #tpu.memory_space<vmem>>, vector<16xf32>,
      }
      %scan3A_173 = arith.constant 80 : i32
      %mul3A_174 = arith.constant 80 : i32
      %mul3A_175 = arith.muli %mul3A_129, %mul3A_174 : i32
      %add3A_176 = arith.addi %mul3A_4, %mul3A_175 : i32
      %multiple_of3A_177 = tpu.assume_multiple %add3A_176, 8 : i32
      "tpu.region"() ({
        %run_scoped3A_230 = tpu.sem_alloc : memref<!tpu.dma_semaphore, #tpu.memory_space<semaphore_mem>>
        %dma_start3A_231 = arith.constant 0 : i32
        %dma_start3A_232 = tpu.memref_slice %arg7[%multiple_of3A_177, %dma_start3A_231] : memref<320000x16xf32, #tpu.memory_space<hbm>> -> memref<80x16xf32, #tpu.memory_space<hbm>>
        %dma_start3A_233 = arith.constant 0 : i32
        %dma_start3A_234 = tpu.memref_slice %arg7[%multiple_of3A_177, %dma_start3A_233] : memref<320000x16xf32, #tpu.memory_space<hbm>> -> memref<80x16xf32, #tpu.memory_space<hbm>>
        tpu.enqueue_dma source(%arg18 : memref<80x16xf32, #tpu.memory_space<vmem>>) target(%dma_start3A_234 : memref<80x16xf32, #tpu.memory_space<hbm>>) target_semaphore(%run_scoped3A_230 : memref<!tpu.dma_semaphore, #tpu.memory_space<semaphore_mem>>)
        %dma_wait3A_235 = arith.constant 0 : i32
        %dma_wait3A_236 = tpu.memref_slice %arg7[%multiple_of3A_177, %dma_wait3A_235] : memref<320000x16xf32, #tpu.memory_space<hbm>> -> memref<80x16xf32, #tpu.memory_space<hbm>>
        %dma_wait3A_237 = arith.constant 0 : i32
        %dma_wait3A_238 = tpu.memref_slice %arg7[%multiple_of3A_177, %dma_wait3A_237] : memref<320000x16xf32, #tpu.memory_space<hbm>> -> memref<80x16xf32, #tpu.memory_space<hbm>>
        tpu.wait_dma2 semaphore(%run_scoped3A_230 : memref<!tpu.dma_semaphore, #tpu.memory_space<semaphore_mem>>) src(%arg18 : memref<80x16xf32, #tpu.memory_space<vmem>>) dst(%dma_wait3A_238 : memref<80x16xf32, #tpu.memory_space<hbm>>)
        tpu.yield
      }) : () -> ()
      "tpu.region"() ({
        %run_scoped3A_230 = tpu.sem_alloc : memref<!tpu.dma_semaphore, #tpu.memory_space<semaphore_mem>>
        %dma_start3A_231 = arith.constant 0 : i32
        %dma_start3A_232 = tpu.memref_slice %arg11[%mul3A_129, %dma_start3A_231] : memref<125x80xi32, #tpu.memory_space<vmem>> -> memref<1x80xi32, #tpu.memory_space<vmem>>
        %dma_start3A_233 = tpu.memref_squeeze %dma_start3A_232 : memref<1x80xi32, #tpu.memory_space<vmem>> -> memref<80xi32, #tpu.memory_space<vmem>>
        %dma_start3A_234 = arith.constant 0 : i32
        %dma_start3A_235 = arith.constant 0 : i32
        %dma_start3A_236 = tpu.memref_slice %arg22[%dma_start3A_234, %dma_start3A_235] : memref<10112x16xf32, #tpu.memory_space<vmem_shared>> -> memref<10112x16xf32, #tpu.memory_space<vmem_shared>>
        tpu.enqueue_indirect_dma source(%arg18 : memref<80x16xf32, #tpu.memory_space<vmem>>) target(%dma_start3A_236 : memref<10112x16xf32, #tpu.memory_space<vmem_shared>>) offsets(%dma_start3A_233 : memref<80xi32, #tpu.memory_space<vmem>>) semaphore(%run_scoped3A_230 : memref<!tpu.dma_semaphore, #tpu.memory_space<semaphore_mem>>) {add = true}
        %dma_wait3A_237 = arith.constant 0 : i32
        %dma_wait3A_238 = tpu.memref_slice %arg11[%mul3A_129, %dma_wait3A_237] : memref<125x80xi32, #tpu.memory_space<vmem>> -> memref<1x80xi32, #tpu.memory_space<vmem>>
        %dma_wait3A_239 = tpu.memref_squeeze %dma_wait3A_238 : memref<1x80xi32, #tpu.memory_space<vmem>> -> memref<80xi32, #tpu.memory_space<vmem>>
        %dma_wait3A_240 = arith.constant 0 : i32
        %dma_wait3A_241 = arith.constant 0 : i32
        %dma_wait3A_242 = tpu.memref_slice %arg22[%dma_wait3A_240, %dma_wait3A_241] : memref<10112x16xf32, #tpu.memory_space<vmem_shared>> -> memref<10112x16xf32, #tpu.memory_space<vmem_shared>>
        tpu.wait_indirect_dma semaphore(%run_scoped3A_230 : memref<!tpu.dma_semaphore, #tpu.memory_space<semaphore_mem>>) src(%arg18 : memref<80x16xf32, #tpu.memory_space<vmem>>) dst(%dma_wait3A_242 : memref<10112x16xf32, #tpu.memory_space<vmem_shared>>)
        tpu.yield
      }) : () -> ()
      "tpu.region"() ({
        %run_scoped3A_230 = tpu.sem_alloc : memref<!tpu.dma_semaphore, #tpu.memory_space<semaphore_mem>>
        %dma_start3A_231 = arith.constant 0 : i32
        %dma_start3A_232 = tpu.memref_slice %arg11[%mul3A_129, %dma_start3A_231] : memref<125x80xi32, #tpu.memory_space<vmem>> -> memref<1x80xi32, #tpu.memory_space<vmem>>
        %dma_start3A_233 = tpu.memref_squeeze %dma_start3A_232 : memref<1x80xi32, #tpu.memory_space<vmem>> -> memref<80xi32, #tpu.memory_space<vmem>>
        %dma_start3A_234 = arith.constant 0 : i32
        %dma_start3A_235 = arith.constant 0 : i32
        %dma_start3A_236 = tpu.memref_slice %arg23[%dma_start3A_234, %dma_start3A_235] : memref<10112x64xf32, #tpu.memory_space<vmem_shared>> -> memref<10112x64xf32, #tpu.memory_space<vmem_shared>>
        tpu.enqueue_indirect_dma source(%arg19 : memref<80x64xf32, #tpu.memory_space<vmem>>) target(%dma_start3A_236 : memref<10112x64xf32, #tpu.memory_space<vmem_shared>>) offsets(%dma_start3A_233 : memref<80xi32, #tpu.memory_space<vmem>>) semaphore(%run_scoped3A_230 : memref<!tpu.dma_semaphore, #tpu.memory_space<semaphore_mem>>) {add = true}
        %dma_wait3A_237 = arith.constant 0 : i32
        %dma_wait3A_238 = tpu.memref_slice %arg11[%mul3A_129, %dma_wait3A_237] : memref<125x80xi32, #tpu.memory_space<vmem>> -> memref<1x80xi32, #tpu.memory_space<vmem>>
        %dma_wait3A_239 = tpu.memref_squeeze %dma_wait3A_238 : memref<1x80xi32, #tpu.memory_space<vmem>> -> memref<80xi32, #tpu.memory_space<vmem>>
        %dma_wait3A_240 = arith.constant 0 : i32
        %dma_wait3A_241 = arith.constant 0 : i32
        %dma_wait3A_242 = tpu.memref_slice %arg23[%dma_wait3A_240, %dma_wait3A_241] : memref<10112x64xf32, #tpu.memory_space<vmem_shared>> -> memref<10112x64xf32, #tpu.memory_space<vmem_shared>>
        tpu.wait_indirect_dma semaphore(%run_scoped3A_230 : memref<!tpu.dma_semaphore, #tpu.memory_space<semaphore_mem>>) src(%arg19 : memref<80x64xf32, #tpu.memory_space<vmem>>) dst(%dma_wait3A_242 : memref<10112x64xf32, #tpu.memory_space<vmem_shared>>)
        tpu.yield
      }) : () -> ()
      %add3A_178 = arith.constant 1 : i32
      %add3A_179 = arith.addi %mul3A_129, %add3A_178 : i32
      %dma_wait3A_180 = arith.constant 0 : i32
      %dma_wait3A_181 = tpu.memref_slice %arg10[%add3A_179, %dma_wait3A_180] : memref<125x80xi32, #tpu.memory_space<vmem>> -> memref<1x80xi32, #tpu.memory_space<vmem>>
      %dma_wait3A_182 = tpu.memref_squeeze %dma_wait3A_181 : memref<1x80xi32, #tpu.memory_space<vmem>> -> memref<80xi32, #tpu.memory_space<vmem>>
      %dma_wait3A_183 = arith.constant 0 : i32
      %dma_wait3A_184 = arith.constant 0 : i32
      %dma_wait3A_185 = tpu.memref_slice %arg4[%dma_wait3A_183, %dma_wait3A_184] : memref<10000x16xf32, #tpu.memory_space<hbm>> -> memref<10000x16xf32, #tpu.memory_space<hbm>>
      tpu.wait_indirect_dma semaphore(%arg27 : memref<!tpu.dma_semaphore, #tpu.memory_space<semaphore_mem>>) src(%dma_wait3A_185 : memref<10000x16xf32, #tpu.memory_space<hbm>>) dst(%arg15 : memref<80x16xf32, #tpu.memory_space<vmem>>)
      %dma_wait3A_186 = arith.constant 0 : i32
      %dma_wait3A_187 = tpu.memref_slice %arg11[%add3A_179, %dma_wait3A_186] : memref<125x80xi32, #tpu.memory_space<vmem>> -> memref<1x80xi32, #tpu.memory_space<vmem>>
      %dma_wait3A_188 = tpu.memref_squeeze %dma_wait3A_187 : memref<1x80xi32, #tpu.memory_space<vmem>> -> memref<80xi32, #tpu.memory_space<vmem>>
      %dma_wait3A_189 = arith.constant 0 : i32
      %dma_wait3A_190 = arith.constant 0 : i32
      %dma_wait3A_191 = tpu.memref_slice %arg5[%dma_wait3A_189, %dma_wait3A_190] : memref<10000x16xf32, #tpu.memory_space<hbm>> -> memref<10000x16xf32, #tpu.memory_space<hbm>>
      tpu.wait_indirect_dma semaphore(%arg28 : memref<!tpu.dma_semaphore, #tpu.memory_space<semaphore_mem>>) src(%dma_wait3A_191 : memref<10000x16xf32, #tpu.memory_space<hbm>>) dst(%arg16 : memref<80x16xf32, #tpu.memory_space<vmem>>)
      %dma_wait3A_192 = arith.constant 0 : i32
      %dma_wait3A_193 = tpu.memref_slice %arg10[%add3A_179, %dma_wait3A_192] : memref<125x80xi32, #tpu.memory_space<vmem>> -> memref<1x80xi32, #tpu.memory_space<vmem>>
      %dma_wait3A_194 = tpu.memref_squeeze %dma_wait3A_193 : memref<1x80xi32, #tpu.memory_space<vmem>> -> memref<80xi32, #tpu.memory_space<vmem>>
      %dma_wait3A_195 = arith.constant 0 : i32
      %dma_wait3A_196 = arith.constant 0 : i32
      %dma_wait3A_197 = tpu.memref_slice %arg6[%dma_wait3A_195, %dma_wait3A_196] : memref<10000x64xbf16, #tpu.memory_space<hbm>> -> memref<10000x64xbf16, #tpu.memory_space<hbm>>
      tpu.wait_indirect_dma semaphore(%arg29 : memref<!tpu.dma_semaphore, #tpu.memory_space<semaphore_mem>>) src(%dma_wait3A_197 : memref<10000x64xbf16, #tpu.memory_space<hbm>>) dst(%arg17 : memref<80x64xbf16, #tpu.memory_space<vmem>>)
      %add3A_198 = arith.constant 2 : i32
      %add3A_199 = arith.addi %mul3A_129, %add3A_198 : i32
      %dma_start3A_200 = arith.constant 0 : i32
      %dma_start3A_201 = tpu.memref_slice %arg10[%add3A_199, %dma_start3A_200] : memref<125x80xi32, #tpu.memory_space<vmem>> -> memref<1x80xi32, #tpu.memory_space<vmem>>
      %dma_start3A_202 = tpu.memref_squeeze %dma_start3A_201 : memref<1x80xi32, #tpu.memory_space<vmem>> -> memref<80xi32, #tpu.memory_space<vmem>>
      %dma_start3A_203 = arith.constant 0 : i32
      %dma_start3A_204 = arith.constant 0 : i32
      %dma_start3A_205 = tpu.memref_slice %arg4[%dma_start3A_203, %dma_start3A_204] : memref<10000x16xf32, #tpu.memory_space<hbm>> -> memref<10000x16xf32, #tpu.memory_space<hbm>>
      tpu.enqueue_indirect_dma source(%dma_start3A_205 : memref<10000x16xf32, #tpu.memory_space<hbm>>) target(%arg12 : memref<80x16xf32, #tpu.memory_space<vmem>>) offsets(%dma_start3A_202 : memref<80xi32, #tpu.memory_space<vmem>>) semaphore(%arg24 : memref<!tpu.dma_semaphore, #tpu.memory_space<semaphore_mem>>)
      %dma_start3A_206 = arith.constant 0 : i32
      %dma_start3A_207 = tpu.memref_slice %arg11[%add3A_199, %dma_start3A_206] : memref<125x80xi32, #tpu.memory_space<vmem>> -> memref<1x80xi32, #tpu.memory_space<vmem>>
      %dma_start3A_208 = tpu.memref_squeeze %dma_start3A_207 : memref<1x80xi32, #tpu.memory_space<vmem>> -> memref<80xi32, #tpu.memory_space<vmem>>
      %dma_start3A_209 = arith.constant 0 : i32
      %dma_start3A_210 = arith.constant 0 : i32
      %dma_start3A_211 = tpu.memref_slice %arg5[%dma_start3A_209, %dma_start3A_210] : memref<10000x16xf32, #tpu.memory_space<hbm>> -> memref<10000x16xf32, #tpu.memory_space<hbm>>
      tpu.enqueue_indirect_dma source(%dma_start3A_211 : memref<10000x16xf32, #tpu.memory_space<hbm>>) target(%arg13 : memref<80x16xf32, #tpu.memory_space<vmem>>) offsets(%dma_start3A_208 : memref<80xi32, #tpu.memory_space<vmem>>) semaphore(%arg25 : memref<!tpu.dma_semaphore, #tpu.memory_space<semaphore_mem>>)
      %dma_start3A_212 = arith.constant 0 : i32
      %dma_start3A_213 = tpu.memref_slice %arg10[%add3A_199, %dma_start3A_212] : memref<125x80xi32, #tpu.memory_space<vmem>> -> memref<1x80xi32, #tpu.memory_space<vmem>>
      %dma_start3A_214 = tpu.memref_squeeze %dma_start3A_213 : memref<1x80xi32, #tpu.memory_space<vmem>> -> memref<80xi32, #tpu.memory_space<vmem>>
      %dma_start3A_215 = arith.constant 0 : i32
      %dma_start3A_216 = arith.constant 0 : i32
      %dma_start3A_217 = tpu.memref_slice %arg6[%dma_start3A_215, %dma_start3A_216] : memref<10000x64xbf16, #tpu.memory_space<hbm>> -> memref<10000x64xbf16, #tpu.memory_space<hbm>>
      tpu.enqueue_indirect_dma source(%dma_start3A_217 : memref<10000x64xbf16, #tpu.memory_space<hbm>>) target(%arg14 : memref<80x64xbf16, #tpu.memory_space<vmem>>) offsets(%dma_start3A_214 : memref<80xi32, #tpu.memory_space<vmem>>) semaphore(%arg26 : memref<!tpu.dma_semaphore, #tpu.memory_space<semaphore_mem>>)
      %add3A_218 = arith.constant 1 : i32
      %add3A_219 = arith.addi %mul3A_129, %add3A_218 : i32
      %scan3A_220 = arith.constant 0 : i32
      %scan3A_221 = arith.constant 0 : i32
      %scan3A_222 = arith.constant 80 : i32
      %scan3A_223 = arith.addi %scan3A_221, %scan3A_222 : i32
      %scan3A_224 = arith.constant 8 : i32
      scf.for %scan3A_230 = %scan3A_221 to %scan3A_223 step %scan3A_224  : i32 {
        %get3A = arith.index_cast %scan3A_230 : i32 to index
        %get3A_231 = arith.constant 0 : index
        %get3A_232 = tpu.vector_load %arg15[%get3A, %get3A_231] {strides = array<i32>} : memref<80x16xf32, #tpu.memory_space<vmem>>, vector<16xf32>,
        %get3A_233 = arith.index_cast %scan3A_230 : i32 to index
        %get3A_234 = arith.constant 0 : index
        %get3A_235 = tpu.vector_load %arg16[%get3A_233, %get3A_234] {strides = array<i32>} : memref<80x16xf32, #tpu.memory_space<vmem>>, vector<16xf32>,
        %add3A_236 = arith.addf %get3A_232, %get3A_235 : vector<16xf32>
        %gt3A = arith.constant 0.000000e+00 : f32
        %gt3A_237 = vector.broadcast %gt3A : f32 to vector<16xf32>
        %gt3A_238 = arith.cmpf ogt, %add3A_236, %gt3A_237 : vector<16xf32>
        %mul3A_239 = arith.constant 2.000000e-01 : f32
        %mul3A_240 = vector.broadcast %mul3A_239 : f32 to vector<16xf32>
        %mul3A_241 = arith.mulf %add3A_236, %mul3A_240 : vector<16xf32>
        %select_n3A = arith.select %gt3A_238, %add3A_236, %mul3A_241 : vector<16xi1>, vector<16xf32>
        %exp3A = math.exp %select_n3A : vector<16xf32>
        %swap3A = arith.index_cast %scan3A_230 : i32 to index
        %swap3A_242 = arith.constant 0 : index
        %swap3A_243 = tpu.vector_load %arg20[%swap3A, %swap3A_242] {strides = array<i32>} : memref<80x16xf32, #tpu.memory_space<vmem>>, vector<16xf32>,
        tpu.vector_store %arg20[%swap3A, %swap3A_242], %exp3A {strides = array<i32>} : memref<80x16xf32, #tpu.memory_space<vmem>>, vector<16xf32>,
        %broadcast_in_dim3A_244 = vector.broadcast %scan3A_230 : i32 to vector<16xi32>
        %get3A_245 = arith.index_cast %scan3A_230 : i32 to index
        %get3A_246 = arith.constant 0 : index
        %get3A_247 = tpu.vector_load %arg17[%get3A_245, %get3A_246] {strides = array<i32>} : memref<80x64xbf16, #tpu.memory_space<vmem>>, vector<32xbf16>,
        %unpack3A = tpu.unpack_subelements %get3A_247, 0 {pack_format = #tpu.pack_format<interleaved>} : vector<32xbf16> -> vector<16xf32>
        %unpack3A_248 = tpu.unpack_subelements %get3A_247, 1 {pack_format = #tpu.pack_format<interleaved>} : vector<32xbf16> -> vector<16xf32>
        %gather3A = tpu.vector_load_idx %arg20[%broadcast_in_dim3A_244, %add3A_9] : memref<80x16xf32, #tpu.memory_space<vmem>>[vector<16xi32>, vector<16xi32>], vector<16xf32>,
        %mul3A_249 = arith.mulf %unpack3A, %gather3A : vector<16xf32>
        %swap3A_250 = arith.index_cast %scan3A_230 : i32 to index
        %swap3A_251 = arith.constant 0 : index
        %swap3A_252 = tpu.vector_load %arg21[%swap3A_250, %swap3A_251] {strides = array<i32>} : memref<80x64xf32, #tpu.memory_space<vmem>>, vector<16xf32>,
        tpu.vector_store %arg21[%swap3A_250, %swap3A_251], %mul3A_249 {strides = array<i32>} : memref<80x64xf32, #tpu.memory_space<vmem>>, vector<16xf32>,
        %mul3A_253 = arith.mulf %unpack3A_248, %gather3A : vector<16xf32>
        %swap3A_254 = arith.index_cast %scan3A_230 : i32 to index
        %swap3A_255 = arith.constant 16 : index
        %swap3A_256 = tpu.vector_load %arg21[%swap3A_254, %swap3A_255] {strides = array<i32>} : memref<80x64xf32, #tpu.memory_space<vmem>>, vector<16xf32>,
        tpu.vector_store %arg21[%swap3A_254, %swap3A_255], %mul3A_253 {strides = array<i32>} : memref<80x64xf32, #tpu.memory_space<vmem>>, vector<16xf32>,
        %get3A_257 = arith.index_cast %scan3A_230 : i32 to index
        %get3A_258 = arith.constant 32 : index
        %get3A_259 = tpu.vector_load %arg17[%get3A_257, %get3A_258] {strides = array<i32>} : memref<80x64xbf16, #tpu.memory_space<vmem>>, vector<32xbf16>,
        %unpack3A_260 = tpu.unpack_subelements %get3A_259, 0 {pack_format = #tpu.pack_format<interleaved>} : vector<32xbf16> -> vector<16xf32>
        %unpack3A_261 = tpu.unpack_subelements %get3A_259, 1 {pack_format = #tpu.pack_format<interleaved>} : vector<32xbf16> -> vector<16xf32>
        %gather3A_262 = tpu.vector_load_idx %arg20[%broadcast_in_dim3A_244, %add3A_15] : memref<80x16xf32, #tpu.memory_space<vmem>>[vector<16xi32>, vector<16xi32>], vector<16xf32>,
        %mul3A_263 = arith.mulf %unpack3A_260, %gather3A_262 : vector<16xf32>
        %swap3A_264 = arith.index_cast %scan3A_230 : i32 to index
        %swap3A_265 = arith.constant 32 : index
        %swap3A_266 = tpu.vector_load %arg21[%swap3A_264, %swap3A_265] {strides = array<i32>} : memref<80x64xf32, #tpu.memory_space<vmem>>, vector<16xf32>,
        tpu.vector_store %arg21[%swap3A_264, %swap3A_265], %mul3A_263 {strides = array<i32>} : memref<80x64xf32, #tpu.memory_space<vmem>>, vector<16xf32>,
        %mul3A_267 = arith.mulf %unpack3A_261, %gather3A_262 : vector<16xf32>
        %swap3A_268 = arith.index_cast %scan3A_230 : i32 to index
        %swap3A_269 = arith.constant 48 : index
        %swap3A_270 = tpu.vector_load %arg21[%swap3A_268, %swap3A_269] {strides = array<i32>} : memref<80x64xf32, #tpu.memory_space<vmem>>, vector<16xf32>,
        tpu.vector_store %arg21[%swap3A_268, %swap3A_269], %mul3A_267 {strides = array<i32>} : memref<80x64xf32, #tpu.memory_space<vmem>>, vector<16xf32>,
        %scan3A_271 = arith.constant 1 : i32
        %scan3A_272 = arith.addi %scan3A_230, %scan3A_271 : i32
        %get3A_273 = arith.index_cast %scan3A_272 : i32 to index
        %get3A_274 = arith.constant 0 : index
        %get3A_275 = tpu.vector_load %arg15[%get3A_273, %get3A_274] {strides = array<i32>} : memref<80x16xf32, #tpu.memory_space<vmem>>, vector<16xf32>,
        %get3A_276 = arith.index_cast %scan3A_272 : i32 to index
        %get3A_277 = arith.constant 0 : index
        %get3A_278 = tpu.vector_load %arg16[%get3A_276, %get3A_277] {strides = array<i32>} : memref<80x16xf32, #tpu.memory_space<vmem>>, vector<16xf32>,
        %add3A_279 = arith.addf %get3A_275, %get3A_278 : vector<16xf32>
        %gt3A_280 = arith.constant 0.000000e+00 : f32
        %gt3A_281 = vector.broadcast %gt3A_280 : f32 to vector<16xf32>
        %gt3A_282 = arith.cmpf ogt, %add3A_279, %gt3A_281 : vector<16xf32>
        %mul3A_283 = arith.constant 2.000000e-01 : f32
        %mul3A_284 = vector.broadcast %mul3A_283 : f32 to vector<16xf32>
        %mul3A_285 = arith.mulf %add3A_279, %mul3A_284 : vector<16xf32>
        %select_n3A_286 = arith.select %gt3A_282, %add3A_279, %mul3A_285 : vector<16xi1>, vector<16xf32>
        %exp3A_287 = math.exp %select_n3A_286 : vector<16xf32>
        %swap3A_288 = arith.index_cast %scan3A_272 : i32 to index
        %swap3A_289 = arith.constant 0 : index
        %swap3A_290 = tpu.vector_load %arg20[%swap3A_288, %swap3A_289] {strides = array<i32>} : memref<80x16xf32, #tpu.memory_space<vmem>>, vector<16xf32>,
        tpu.vector_store %arg20[%swap3A_288, %swap3A_289], %exp3A_287 {strides = array<i32>} : memref<80x16xf32, #tpu.memory_space<vmem>>, vector<16xf32>,
        %broadcast_in_dim3A_291 = vector.broadcast %scan3A_272 : i32 to vector<16xi32>
        %get3A_292 = arith.index_cast %scan3A_272 : i32 to index
        %get3A_293 = arith.constant 0 : index
        %get3A_294 = tpu.vector_load %arg17[%get3A_292, %get3A_293] {strides = array<i32>} : memref<80x64xbf16, #tpu.memory_space<vmem>>, vector<32xbf16>,
        %unpack3A_295 = tpu.unpack_subelements %get3A_294, 0 {pack_format = #tpu.pack_format<interleaved>} : vector<32xbf16> -> vector<16xf32>
        %unpack3A_296 = tpu.unpack_subelements %get3A_294, 1 {pack_format = #tpu.pack_format<interleaved>} : vector<32xbf16> -> vector<16xf32>
        %gather3A_297 = tpu.vector_load_idx %arg20[%broadcast_in_dim3A_291, %add3A_9] : memref<80x16xf32, #tpu.memory_space<vmem>>[vector<16xi32>, vector<16xi32>], vector<16xf32>,
        %mul3A_298 = arith.mulf %unpack3A_295, %gather3A_297 : vector<16xf32>
        %swap3A_299 = arith.index_cast %scan3A_272 : i32 to index
        %swap3A_300 = arith.constant 0 : index
        %swap3A_301 = tpu.vector_load %arg21[%swap3A_299, %swap3A_300] {strides = array<i32>} : memref<80x64xf32, #tpu.memory_space<vmem>>, vector<16xf32>,
        tpu.vector_store %arg21[%swap3A_299, %swap3A_300], %mul3A_298 {strides = array<i32>} : memref<80x64xf32, #tpu.memory_space<vmem>>, vector<16xf32>,
        %mul3A_302 = arith.mulf %unpack3A_296, %gather3A_297 : vector<16xf32>
        %swap3A_303 = arith.index_cast %scan3A_272 : i32 to index
        %swap3A_304 = arith.constant 16 : index
        %swap3A_305 = tpu.vector_load %arg21[%swap3A_303, %swap3A_304] {strides = array<i32>} : memref<80x64xf32, #tpu.memory_space<vmem>>, vector<16xf32>,
        tpu.vector_store %arg21[%swap3A_303, %swap3A_304], %mul3A_302 {strides = array<i32>} : memref<80x64xf32, #tpu.memory_space<vmem>>, vector<16xf32>,
        %get3A_306 = arith.index_cast %scan3A_272 : i32 to index
        %get3A_307 = arith.constant 32 : index
        %get3A_308 = tpu.vector_load %arg17[%get3A_306, %get3A_307] {strides = array<i32>} : memref<80x64xbf16, #tpu.memory_space<vmem>>, vector<32xbf16>,
        %unpack3A_309 = tpu.unpack_subelements %get3A_308, 0 {pack_format = #tpu.pack_format<interleaved>} : vector<32xbf16> -> vector<16xf32>
        %unpack3A_310 = tpu.unpack_subelements %get3A_308, 1 {pack_format = #tpu.pack_format<interleaved>} : vector<32xbf16> -> vector<16xf32>
        %gather3A_311 = tpu.vector_load_idx %arg20[%broadcast_in_dim3A_291, %add3A_15] : memref<80x16xf32, #tpu.memory_space<vmem>>[vector<16xi32>, vector<16xi32>], vector<16xf32>,
        %mul3A_312 = arith.mulf %unpack3A_309, %gather3A_311 : vector<16xf32>
        %swap3A_313 = arith.index_cast %scan3A_272 : i32 to index
        %swap3A_314 = arith.constant 32 : index
        %swap3A_315 = tpu.vector_load %arg21[%swap3A_313, %swap3A_314] {strides = array<i32>} : memref<80x64xf32, #tpu.memory_space<vmem>>, vector<16xf32>,
        tpu.vector_store %arg21[%swap3A_313, %swap3A_314], %mul3A_312 {strides = array<i32>} : memref<80x64xf32, #tpu.memory_space<vmem>>, vector<16xf32>,
        %mul3A_316 = arith.mulf %unpack3A_310, %gather3A_311 : vector<16xf32>
        %swap3A_317 = arith.index_cast %scan3A_272 : i32 to index
        %swap3A_318 = arith.constant 48 : index
        %swap3A_319 = tpu.vector_load %arg21[%swap3A_317, %swap3A_318] {strides = array<i32>} : memref<80x64xf32, #tpu.memory_space<vmem>>, vector<16xf32>,
        tpu.vector_store %arg21[%swap3A_317, %swap3A_318], %mul3A_316 {strides = array<i32>} : memref<80x64xf32, #tpu.memory_space<vmem>>, vector<16xf32>,
        %scan3A_320 = arith.constant 2 : i32
        %scan3A_321 = arith.addi %scan3A_230, %scan3A_320 : i32
        %get3A_322 = arith.index_cast %scan3A_321 : i32 to index
        %get3A_323 = arith.constant 0 : index
        %get3A_324 = tpu.vector_load %arg15[%get3A_322, %get3A_323] {strides = array<i32>} : memref<80x16xf32, #tpu.memory_space<vmem>>, vector<16xf32>,
        %get3A_325 = arith.index_cast %scan3A_321 : i32 to index
        %get3A_326 = arith.constant 0 : index
        %get3A_327 = tpu.vector_load %arg16[%get3A_325, %get3A_326] {strides = array<i32>} : memref<80x16xf32, #tpu.memory_space<vmem>>, vector<16xf32>,
        %add3A_328 = arith.addf %get3A_324, %get3A_327 : vector<16xf32>
        %gt3A_329 = arith.constant 0.000000e+00 : f32
        %gt3A_330 = vector.broadcast %gt3A_329 : f32 to vector<16xf32>
        %gt3A_331 = arith.cmpf ogt, %add3A_328, %gt3A_330 : vector<16xf32>
        %mul3A_332 = arith.constant 2.000000e-01 : f32
        %mul3A_333 = vector.broadcast %mul3A_332 : f32 to vector<16xf32>
        %mul3A_334 = arith.mulf %add3A_328, %mul3A_333 : vector<16xf32>
        %select_n3A_335 = arith.select %gt3A_331, %add3A_328, %mul3A_334 : vector<16xi1>, vector<16xf32>
        %exp3A_336 = math.exp %select_n3A_335 : vector<16xf32>
        %swap3A_337 = arith.index_cast %scan3A_321 : i32 to index
        %swap3A_338 = arith.constant 0 : index
        %swap3A_339 = tpu.vector_load %arg20[%swap3A_337, %swap3A_338] {strides = array<i32>} : memref<80x16xf32, #tpu.memory_space<vmem>>, vector<16xf32>,
        tpu.vector_store %arg20[%swap3A_337, %swap3A_338], %exp3A_336 {strides = array<i32>} : memref<80x16xf32, #tpu.memory_space<vmem>>, vector<16xf32>,
        %broadcast_in_dim3A_340 = vector.broadcast %scan3A_321 : i32 to vector<16xi32>
        %get3A_341 = arith.index_cast %scan3A_321 : i32 to index
        %get3A_342 = arith.constant 0 : index
        %get3A_343 = tpu.vector_load %arg17[%get3A_341, %get3A_342] {strides = array<i32>} : memref<80x64xbf16, #tpu.memory_space<vmem>>, vector<32xbf16>,
        %unpack3A_344 = tpu.unpack_subelements %get3A_343, 0 {pack_format = #tpu.pack_format<interleaved>} : vector<32xbf16> -> vector<16xf32>
        %unpack3A_345 = tpu.unpack_subelements %get3A_343, 1 {pack_format = #tpu.pack_format<interleaved>} : vector<32xbf16> -> vector<16xf32>
        %gather3A_346 = tpu.vector_load_idx %arg20[%broadcast_in_dim3A_340, %add3A_9] : memref<80x16xf32, #tpu.memory_space<vmem>>[vector<16xi32>, vector<16xi32>], vector<16xf32>,
        %mul3A_347 = arith.mulf %unpack3A_344, %gather3A_346 : vector<16xf32>
        %swap3A_348 = arith.index_cast %scan3A_321 : i32 to index
        %swap3A_349 = arith.constant 0 : index
        %swap3A_350 = tpu.vector_load %arg21[%swap3A_348, %swap3A_349] {strides = array<i32>} : memref<80x64xf32, #tpu.memory_space<vmem>>, vector<16xf32>,
        tpu.vector_store %arg21[%swap3A_348, %swap3A_349], %mul3A_347 {strides = array<i32>} : memref<80x64xf32, #tpu.memory_space<vmem>>, vector<16xf32>,
        %mul3A_351 = arith.mulf %unpack3A_345, %gather3A_346 : vector<16xf32>
        %swap3A_352 = arith.index_cast %scan3A_321 : i32 to index
        %swap3A_353 = arith.constant 16 : index
        %swap3A_354 = tpu.vector_load %arg21[%swap3A_352, %swap3A_353] {strides = array<i32>} : memref<80x64xf32, #tpu.memory_space<vmem>>, vector<16xf32>,
        tpu.vector_store %arg21[%swap3A_352, %swap3A_353], %mul3A_351 {strides = array<i32>} : memref<80x64xf32, #tpu.memory_space<vmem>>, vector<16xf32>,
        %get3A_355 = arith.index_cast %scan3A_321 : i32 to index
        %get3A_356 = arith.constant 32 : index
        %get3A_357 = tpu.vector_load %arg17[%get3A_355, %get3A_356] {strides = array<i32>} : memref<80x64xbf16, #tpu.memory_space<vmem>>, vector<32xbf16>,
        %unpack3A_358 = tpu.unpack_subelements %get3A_357, 0 {pack_format = #tpu.pack_format<interleaved>} : vector<32xbf16> -> vector<16xf32>
        %unpack3A_359 = tpu.unpack_subelements %get3A_357, 1 {pack_format = #tpu.pack_format<interleaved>} : vector<32xbf16> -> vector<16xf32>
        %gather3A_360 = tpu.vector_load_idx %arg20[%broadcast_in_dim3A_340, %add3A_15] : memref<80x16xf32, #tpu.memory_space<vmem>>[vector<16xi32>, vector<16xi32>], vector<16xf32>,
        %mul3A_361 = arith.mulf %unpack3A_358, %gather3A_360 : vector<16xf32>
        %swap3A_362 = arith.index_cast %scan3A_321 : i32 to index
        %swap3A_363 = arith.constant 32 : index
        %swap3A_364 = tpu.vector_load %arg21[%swap3A_362, %swap3A_363] {strides = array<i32>} : memref<80x64xf32, #tpu.memory_space<vmem>>, vector<16xf32>,
        tpu.vector_store %arg21[%swap3A_362, %swap3A_363], %mul3A_361 {strides = array<i32>} : memref<80x64xf32, #tpu.memory_space<vmem>>, vector<16xf32>,
        %mul3A_365 = arith.mulf %unpack3A_359, %gather3A_360 : vector<16xf32>
        %swap3A_366 = arith.index_cast %scan3A_321 : i32 to index
        %swap3A_367 = arith.constant 48 : index
        %swap3A_368 = tpu.vector_load %arg21[%swap3A_366, %swap3A_367] {strides = array<i32>} : memref<80x64xf32, #tpu.memory_space<vmem>>, vector<16xf32>,
        tpu.vector_store %arg21[%swap3A_366, %swap3A_367], %mul3A_365 {strides = array<i32>} : memref<80x64xf32, #tpu.memory_space<vmem>>, vector<16xf32>,
        %scan3A_369 = arith.constant 3 : i32
        %scan3A_370 = arith.addi %scan3A_230, %scan3A_369 : i32
        %get3A_371 = arith.index_cast %scan3A_370 : i32 to index
        %get3A_372 = arith.constant 0 : index
        %get3A_373 = tpu.vector_load %arg15[%get3A_371, %get3A_372] {strides = array<i32>} : memref<80x16xf32, #tpu.memory_space<vmem>>, vector<16xf32>,
        %get3A_374 = arith.index_cast %scan3A_370 : i32 to index
        %get3A_375 = arith.constant 0 : index
        %get3A_376 = tpu.vector_load %arg16[%get3A_374, %get3A_375] {strides = array<i32>} : memref<80x16xf32, #tpu.memory_space<vmem>>, vector<16xf32>,
        %add3A_377 = arith.addf %get3A_373, %get3A_376 : vector<16xf32>
        %gt3A_378 = arith.constant 0.000000e+00 : f32
        %gt3A_379 = vector.broadcast %gt3A_378 : f32 to vector<16xf32>
        %gt3A_380 = arith.cmpf ogt, %add3A_377, %gt3A_379 : vector<16xf32>
        %mul3A_381 = arith.constant 2.000000e-01 : f32
        %mul3A_382 = vector.broadcast %mul3A_381 : f32 to vector<16xf32>
        %mul3A_383 = arith.mulf %add3A_377, %mul3A_382 : vector<16xf32>
        %select_n3A_384 = arith.select %gt3A_380, %add3A_377, %mul3A_383 : vector<16xi1>, vector<16xf32>
        %exp3A_385 = math.exp %select_n3A_384 : vector<16xf32>
        %swap3A_386 = arith.index_cast %scan3A_370 : i32 to index
        %swap3A_387 = arith.constant 0 : index
        %swap3A_388 = tpu.vector_load %arg20[%swap3A_386, %swap3A_387] {strides = array<i32>} : memref<80x16xf32, #tpu.memory_space<vmem>>, vector<16xf32>,
        tpu.vector_store %arg20[%swap3A_386, %swap3A_387], %exp3A_385 {strides = array<i32>} : memref<80x16xf32, #tpu.memory_space<vmem>>, vector<16xf32>,
        %broadcast_in_dim3A_389 = vector.broadcast %scan3A_370 : i32 to vector<16xi32>
        %get3A_390 = arith.index_cast %scan3A_370 : i32 to index
        %get3A_391 = arith.constant 0 : index
        %get3A_392 = tpu.vector_load %arg17[%get3A_390, %get3A_391] {strides = array<i32>} : memref<80x64xbf16, #tpu.memory_space<vmem>>, vector<32xbf16>,
        %unpack3A_393 = tpu.unpack_subelements %get3A_392, 0 {pack_format = #tpu.pack_format<interleaved>} : vector<32xbf16> -> vector<16xf32>
        %unpack3A_394 = tpu.unpack_subelements %get3A_392, 1 {pack_format = #tpu.pack_format<interleaved>} : vector<32xbf16> -> vector<16xf32>
        %gather3A_395 = tpu.vector_load_idx %arg20[%broadcast_in_dim3A_389, %add3A_9] : memref<80x16xf32, #tpu.memory_space<vmem>>[vector<16xi32>, vector<16xi32>], vector<16xf32>,
        %mul3A_396 = arith.mulf %unpack3A_393, %gather3A_395 : vector<16xf32>
        %swap3A_397 = arith.index_cast %scan3A_370 : i32 to index
        %swap3A_398 = arith.constant 0 : index
        %swap3A_399 = tpu.vector_load %arg21[%swap3A_397, %swap3A_398] {strides = array<i32>} : memref<80x64xf32, #tpu.memory_space<vmem>>, vector<16xf32>,
        tpu.vector_store %arg21[%swap3A_397, %swap3A_398], %mul3A_396 {strides = array<i32>} : memref<80x64xf32, #tpu.memory_space<vmem>>, vector<16xf32>,
        %mul3A_400 = arith.mulf %unpack3A_394, %gather3A_395 : vector<16xf32>
        %swap3A_401 = arith.index_cast %scan3A_370 : i32 to index
        %swap3A_402 = arith.constant 16 : index
        %swap3A_403 = tpu.vector_load %arg21[%swap3A_401, %swap3A_402] {strides = array<i32>} : memref<80x64xf32, #tpu.memory_space<vmem>>, vector<16xf32>,
        tpu.vector_store %arg21[%swap3A_401, %swap3A_402], %mul3A_400 {strides = array<i32>} : memref<80x64xf32, #tpu.memory_space<vmem>>, vector<16xf32>,
        %get3A_404 = arith.index_cast %scan3A_370 : i32 to index
        %get3A_405 = arith.constant 32 : index
        %get3A_406 = tpu.vector_load %arg17[%get3A_404, %get3A_405] {strides = array<i32>} : memref<80x64xbf16, #tpu.memory_space<vmem>>, vector<32xbf16>,
        %unpack3A_407 = tpu.unpack_subelements %get3A_406, 0 {pack_format = #tpu.pack_format<interleaved>} : vector<32xbf16> -> vector<16xf32>
        %unpack3A_408 = tpu.unpack_subelements %get3A_406, 1 {pack_format = #tpu.pack_format<interleaved>} : vector<32xbf16> -> vector<16xf32>
        %gather3A_409 = tpu.vector_load_idx %arg20[%broadcast_in_dim3A_389, %add3A_15] : memref<80x16xf32, #tpu.memory_space<vmem>>[vector<16xi32>, vector<16xi32>], vector<16xf32>,
        %mul3A_410 = arith.mulf %unpack3A_407, %gather3A_409 : vector<16xf32>
        %swap3A_411 = arith.index_cast %scan3A_370 : i32 to index
        %swap3A_412 = arith.constant 32 : index
        %swap3A_413 = tpu.vector_load %arg21[%swap3A_411, %swap3A_412] {strides = array<i32>} : memref<80x64xf32, #tpu.memory_space<vmem>>, vector<16xf32>,
        tpu.vector_store %arg21[%swap3A_411, %swap3A_412], %mul3A_410 {strides = array<i32>} : memref<80x64xf32, #tpu.memory_space<vmem>>, vector<16xf32>,
        %mul3A_414 = arith.mulf %unpack3A_408, %gather3A_409 : vector<16xf32>
        %swap3A_415 = arith.index_cast %scan3A_370 : i32 to index
        %swap3A_416 = arith.constant 48 : index
        %swap3A_417 = tpu.vector_load %arg21[%swap3A_415, %swap3A_416] {strides = array<i32>} : memref<80x64xf32, #tpu.memory_space<vmem>>, vector<16xf32>,
        tpu.vector_store %arg21[%swap3A_415, %swap3A_416], %mul3A_414 {strides = array<i32>} : memref<80x64xf32, #tpu.memory_space<vmem>>, vector<16xf32>,
        %scan3A_418 = arith.constant 4 : i32
        %scan3A_419 = arith.addi %scan3A_230, %scan3A_418 : i32
        %get3A_420 = arith.index_cast %scan3A_419 : i32 to index
        %get3A_421 = arith.constant 0 : index
        %get3A_422 = tpu.vector_load %arg15[%get3A_420, %get3A_421] {strides = array<i32>} : memref<80x16xf32, #tpu.memory_space<vmem>>, vector<16xf32>,
        %get3A_423 = arith.index_cast %scan3A_419 : i32 to index
        %get3A_424 = arith.constant 0 : index
        %get3A_425 = tpu.vector_load %arg16[%get3A_423, %get3A_424] {strides = array<i32>} : memref<80x16xf32, #tpu.memory_space<vmem>>, vector<16xf32>,
        %add3A_426 = arith.addf %get3A_422, %get3A_425 : vector<16xf32>
        %gt3A_427 = arith.constant 0.000000e+00 : f32
        %gt3A_428 = vector.broadcast %gt3A_427 : f32 to vector<16xf32>
        %gt3A_429 = arith.cmpf ogt, %add3A_426, %gt3A_428 : vector<16xf32>
        %mul3A_430 = arith.constant 2.000000e-01 : f32
        %mul3A_431 = vector.broadcast %mul3A_430 : f32 to vector<16xf32>
        %mul3A_432 = arith.mulf %add3A_426, %mul3A_431 : vector<16xf32>
        %select_n3A_433 = arith.select %gt3A_429, %add3A_426, %mul3A_432 : vector<16xi1>, vector<16xf32>
        %exp3A_434 = math.exp %select_n3A_433 : vector<16xf32>
        %swap3A_435 = arith.index_cast %scan3A_419 : i32 to index
        %swap3A_436 = arith.constant 0 : index
        %swap3A_437 = tpu.vector_load %arg20[%swap3A_435, %swap3A_436] {strides = array<i32>} : memref<80x16xf32, #tpu.memory_space<vmem>>, vector<16xf32>,
        tpu.vector_store %arg20[%swap3A_435, %swap3A_436], %exp3A_434 {strides = array<i32>} : memref<80x16xf32, #tpu.memory_space<vmem>>, vector<16xf32>,
        %broadcast_in_dim3A_438 = vector.broadcast %scan3A_419 : i32 to vector<16xi32>
        %get3A_439 = arith.index_cast %scan3A_419 : i32 to index
        %get3A_440 = arith.constant 0 : index
        %get3A_441 = tpu.vector_load %arg17[%get3A_439, %get3A_440] {strides = array<i32>} : memref<80x64xbf16, #tpu.memory_space<vmem>>, vector<32xbf16>,
        %unpack3A_442 = tpu.unpack_subelements %get3A_441, 0 {pack_format = #tpu.pack_format<interleaved>} : vector<32xbf16> -> vector<16xf32>
        %unpack3A_443 = tpu.unpack_subelements %get3A_441, 1 {pack_format = #tpu.pack_format<interleaved>} : vector<32xbf16> -> vector<16xf32>
        %gather3A_444 = tpu.vector_load_idx %arg20[%broadcast_in_dim3A_438, %add3A_9] : memref<80x16xf32, #tpu.memory_space<vmem>>[vector<16xi32>, vector<16xi32>], vector<16xf32>,
        %mul3A_445 = arith.mulf %unpack3A_442, %gather3A_444 : vector<16xf32>
        %swap3A_446 = arith.index_cast %scan3A_419 : i32 to index
        %swap3A_447 = arith.constant 0 : index
        %swap3A_448 = tpu.vector_load %arg21[%swap3A_446, %swap3A_447] {strides = array<i32>} : memref<80x64xf32, #tpu.memory_space<vmem>>, vector<16xf32>,
        tpu.vector_store %arg21[%swap3A_446, %swap3A_447], %mul3A_445 {strides = array<i32>} : memref<80x64xf32, #tpu.memory_space<vmem>>, vector<16xf32>,
        %mul3A_449 = arith.mulf %unpack3A_443, %gather3A_444 : vector<16xf32>
        %swap3A_450 = arith.index_cast %scan3A_419 : i32 to index
        %swap3A_451 = arith.constant 16 : index
        %swap3A_452 = tpu.vector_load %arg21[%swap3A_450, %swap3A_451] {strides = array<i32>} : memref<80x64xf32, #tpu.memory_space<vmem>>, vector<16xf32>,
        tpu.vector_store %arg21[%swap3A_450, %swap3A_451], %mul3A_449 {strides = array<i32>} : memref<80x64xf32, #tpu.memory_space<vmem>>, vector<16xf32>,
        %get3A_453 = arith.index_cast %scan3A_419 : i32 to index
        %get3A_454 = arith.constant 32 : index
        %get3A_455 = tpu.vector_load %arg17[%get3A_453, %get3A_454] {strides = array<i32>} : memref<80x64xbf16, #tpu.memory_space<vmem>>, vector<32xbf16>,
        %unpack3A_456 = tpu.unpack_subelements %get3A_455, 0 {pack_format = #tpu.pack_format<interleaved>} : vector<32xbf16> -> vector<16xf32>
        %unpack3A_457 = tpu.unpack_subelements %get3A_455, 1 {pack_format = #tpu.pack_format<interleaved>} : vector<32xbf16> -> vector<16xf32>
        %gather3A_458 = tpu.vector_load_idx %arg20[%broadcast_in_dim3A_438, %add3A_15] : memref<80x16xf32, #tpu.memory_space<vmem>>[vector<16xi32>, vector<16xi32>], vector<16xf32>,
        %mul3A_459 = arith.mulf %unpack3A_456, %gather3A_458 : vector<16xf32>
        %swap3A_460 = arith.index_cast %scan3A_419 : i32 to index
        %swap3A_461 = arith.constant 32 : index
        %swap3A_462 = tpu.vector_load %arg21[%swap3A_460, %swap3A_461] {strides = array<i32>} : memref<80x64xf32, #tpu.memory_space<vmem>>, vector<16xf32>,
        tpu.vector_store %arg21[%swap3A_460, %swap3A_461], %mul3A_459 {strides = array<i32>} : memref<80x64xf32, #tpu.memory_space<vmem>>, vector<16xf32>,
        %mul3A_463 = arith.mulf %unpack3A_457, %gather3A_458 : vector<16xf32>
        %swap3A_464 = arith.index_cast %scan3A_419 : i32 to index
        %swap3A_465 = arith.constant 48 : index
        %swap3A_466 = tpu.vector_load %arg21[%swap3A_464, %swap3A_465] {strides = array<i32>} : memref<80x64xf32, #tpu.memory_space<vmem>>, vector<16xf32>,
        tpu.vector_store %arg21[%swap3A_464, %swap3A_465], %mul3A_463 {strides = array<i32>} : memref<80x64xf32, #tpu.memory_space<vmem>>, vector<16xf32>,
        %scan3A_467 = arith.constant 5 : i32
        %scan3A_468 = arith.addi %scan3A_230, %scan3A_467 : i32
        %get3A_469 = arith.index_cast %scan3A_468 : i32 to index
        %get3A_470 = arith.constant 0 : index
        %get3A_471 = tpu.vector_load %arg15[%get3A_469, %get3A_470] {strides = array<i32>} : memref<80x16xf32, #tpu.memory_space<vmem>>, vector<16xf32>,
        %get3A_472 = arith.index_cast %scan3A_468 : i32 to index
        %get3A_473 = arith.constant 0 : index
        %get3A_474 = tpu.vector_load %arg16[%get3A_472, %get3A_473] {strides = array<i32>} : memref<80x16xf32, #tpu.memory_space<vmem>>, vector<16xf32>,
        %add3A_475 = arith.addf %get3A_471, %get3A_474 : vector<16xf32>
        %gt3A_476 = arith.constant 0.000000e+00 : f32
        %gt3A_477 = vector.broadcast %gt3A_476 : f32 to vector<16xf32>
        %gt3A_478 = arith.cmpf ogt, %add3A_475, %gt3A_477 : vector<16xf32>
        %mul3A_479 = arith.constant 2.000000e-01 : f32
        %mul3A_480 = vector.broadcast %mul3A_479 : f32 to vector<16xf32>
        %mul3A_481 = arith.mulf %add3A_475, %mul3A_480 : vector<16xf32>
        %select_n3A_482 = arith.select %gt3A_478, %add3A_475, %mul3A_481 : vector<16xi1>, vector<16xf32>
        %exp3A_483 = math.exp %select_n3A_482 : vector<16xf32>
        %swap3A_484 = arith.index_cast %scan3A_468 : i32 to index
        %swap3A_485 = arith.constant 0 : index
        %swap3A_486 = tpu.vector_load %arg20[%swap3A_484, %swap3A_485] {strides = array<i32>} : memref<80x16xf32, #tpu.memory_space<vmem>>, vector<16xf32>,
        tpu.vector_store %arg20[%swap3A_484, %swap3A_485], %exp3A_483 {strides = array<i32>} : memref<80x16xf32, #tpu.memory_space<vmem>>, vector<16xf32>,
        %broadcast_in_dim3A_487 = vector.broadcast %scan3A_468 : i32 to vector<16xi32>
        %get3A_488 = arith.index_cast %scan3A_468 : i32 to index
        %get3A_489 = arith.constant 0 : index
        %get3A_490 = tpu.vector_load %arg17[%get3A_488, %get3A_489] {strides = array<i32>} : memref<80x64xbf16, #tpu.memory_space<vmem>>, vector<32xbf16>,
        %unpack3A_491 = tpu.unpack_subelements %get3A_490, 0 {pack_format = #tpu.pack_format<interleaved>} : vector<32xbf16> -> vector<16xf32>
        %unpack3A_492 = tpu.unpack_subelements %get3A_490, 1 {pack_format = #tpu.pack_format<interleaved>} : vector<32xbf16> -> vector<16xf32>
        %gather3A_493 = tpu.vector_load_idx %arg20[%broadcast_in_dim3A_487, %add3A_9] : memref<80x16xf32, #tpu.memory_space<vmem>>[vector<16xi32>, vector<16xi32>], vector<16xf32>,
        %mul3A_494 = arith.mulf %unpack3A_491, %gather3A_493 : vector<16xf32>
        %swap3A_495 = arith.index_cast %scan3A_468 : i32 to index
        %swap3A_496 = arith.constant 0 : index
        %swap3A_497 = tpu.vector_load %arg21[%swap3A_495, %swap3A_496] {strides = array<i32>} : memref<80x64xf32, #tpu.memory_space<vmem>>, vector<16xf32>,
        tpu.vector_store %arg21[%swap3A_495, %swap3A_496], %mul3A_494 {strides = array<i32>} : memref<80x64xf32, #tpu.memory_space<vmem>>, vector<16xf32>,
        %mul3A_498 = arith.mulf %unpack3A_492, %gather3A_493 : vector<16xf32>
        %swap3A_499 = arith.index_cast %scan3A_468 : i32 to index
        %swap3A_500 = arith.constant 16 : index
        %swap3A_501 = tpu.vector_load %arg21[%swap3A_499, %swap3A_500] {strides = array<i32>} : memref<80x64xf32, #tpu.memory_space<vmem>>, vector<16xf32>,
        tpu.vector_store %arg21[%swap3A_499, %swap3A_500], %mul3A_498 {strides = array<i32>} : memref<80x64xf32, #tpu.memory_space<vmem>>, vector<16xf32>,
        %get3A_502 = arith.index_cast %scan3A_468 : i32 to index
        %get3A_503 = arith.constant 32 : index
        %get3A_504 = tpu.vector_load %arg17[%get3A_502, %get3A_503] {strides = array<i32>} : memref<80x64xbf16, #tpu.memory_space<vmem>>, vector<32xbf16>,
        %unpack3A_505 = tpu.unpack_subelements %get3A_504, 0 {pack_format = #tpu.pack_format<interleaved>} : vector<32xbf16> -> vector<16xf32>
        %unpack3A_506 = tpu.unpack_subelements %get3A_504, 1 {pack_format = #tpu.pack_format<interleaved>} : vector<32xbf16> -> vector<16xf32>
        %gather3A_507 = tpu.vector_load_idx %arg20[%broadcast_in_dim3A_487, %add3A_15] : memref<80x16xf32, #tpu.memory_space<vmem>>[vector<16xi32>, vector<16xi32>], vector<16xf32>,
        %mul3A_508 = arith.mulf %unpack3A_505, %gather3A_507 : vector<16xf32>
        %swap3A_509 = arith.index_cast %scan3A_468 : i32 to index
        %swap3A_510 = arith.constant 32 : index
        %swap3A_511 = tpu.vector_load %arg21[%swap3A_509, %swap3A_510] {strides = array<i32>} : memref<80x64xf32, #tpu.memory_space<vmem>>, vector<16xf32>,
        tpu.vector_store %arg21[%swap3A_509, %swap3A_510], %mul3A_508 {strides = array<i32>} : memref<80x64xf32, #tpu.memory_space<vmem>>, vector<16xf32>,
        %mul3A_512 = arith.mulf %unpack3A_506, %gather3A_507 : vector<16xf32>
        %swap3A_513 = arith.index_cast %scan3A_468 : i32 to index
        %swap3A_514 = arith.constant 48 : index
        %swap3A_515 = tpu.vector_load %arg21[%swap3A_513, %swap3A_514] {strides = array<i32>} : memref<80x64xf32, #tpu.memory_space<vmem>>, vector<16xf32>,
        tpu.vector_store %arg21[%swap3A_513, %swap3A_514], %mul3A_512 {strides = array<i32>} : memref<80x64xf32, #tpu.memory_space<vmem>>, vector<16xf32>,
        %scan3A_516 = arith.constant 6 : i32
        %scan3A_517 = arith.addi %scan3A_230, %scan3A_516 : i32
        %get3A_518 = arith.index_cast %scan3A_517 : i32 to index
        %get3A_519 = arith.constant 0 : index
        %get3A_520 = tpu.vector_load %arg15[%get3A_518, %get3A_519] {strides = array<i32>} : memref<80x16xf32, #tpu.memory_space<vmem>>, vector<16xf32>,
        %get3A_521 = arith.index_cast %scan3A_517 : i32 to index
        %get3A_522 = arith.constant 0 : index
        %get3A_523 = tpu.vector_load %arg16[%get3A_521, %get3A_522] {strides = array<i32>} : memref<80x16xf32, #tpu.memory_space<vmem>>, vector<16xf32>,
        %add3A_524 = arith.addf %get3A_520, %get3A_523 : vector<16xf32>
        %gt3A_525 = arith.constant 0.000000e+00 : f32
        %gt3A_526 = vector.broadcast %gt3A_525 : f32 to vector<16xf32>
        %gt3A_527 = arith.cmpf ogt, %add3A_524, %gt3A_526 : vector<16xf32>
        %mul3A_528 = arith.constant 2.000000e-01 : f32
        %mul3A_529 = vector.broadcast %mul3A_528 : f32 to vector<16xf32>
        %mul3A_530 = arith.mulf %add3A_524, %mul3A_529 : vector<16xf32>
        %select_n3A_531 = arith.select %gt3A_527, %add3A_524, %mul3A_530 : vector<16xi1>, vector<16xf32>
        %exp3A_532 = math.exp %select_n3A_531 : vector<16xf32>
        %swap3A_533 = arith.index_cast %scan3A_517 : i32 to index
        %swap3A_534 = arith.constant 0 : index
        %swap3A_535 = tpu.vector_load %arg20[%swap3A_533, %swap3A_534] {strides = array<i32>} : memref<80x16xf32, #tpu.memory_space<vmem>>, vector<16xf32>,
        tpu.vector_store %arg20[%swap3A_533, %swap3A_534], %exp3A_532 {strides = array<i32>} : memref<80x16xf32, #tpu.memory_space<vmem>>, vector<16xf32>,
        %broadcast_in_dim3A_536 = vector.broadcast %scan3A_517 : i32 to vector<16xi32>
        %get3A_537 = arith.index_cast %scan3A_517 : i32 to index
        %get3A_538 = arith.constant 0 : index
        %get3A_539 = tpu.vector_load %arg17[%get3A_537, %get3A_538] {strides = array<i32>} : memref<80x64xbf16, #tpu.memory_space<vmem>>, vector<32xbf16>,
        %unpack3A_540 = tpu.unpack_subelements %get3A_539, 0 {pack_format = #tpu.pack_format<interleaved>} : vector<32xbf16> -> vector<16xf32>
        %unpack3A_541 = tpu.unpack_subelements %get3A_539, 1 {pack_format = #tpu.pack_format<interleaved>} : vector<32xbf16> -> vector<16xf32>
        %gather3A_542 = tpu.vector_load_idx %arg20[%broadcast_in_dim3A_536, %add3A_9] : memref<80x16xf32, #tpu.memory_space<vmem>>[vector<16xi32>, vector<16xi32>], vector<16xf32>,
        %mul3A_543 = arith.mulf %unpack3A_540, %gather3A_542 : vector<16xf32>
        %swap3A_544 = arith.index_cast %scan3A_517 : i32 to index
        %swap3A_545 = arith.constant 0 : index
        %swap3A_546 = tpu.vector_load %arg21[%swap3A_544, %swap3A_545] {strides = array<i32>} : memref<80x64xf32, #tpu.memory_space<vmem>>, vector<16xf32>,
        tpu.vector_store %arg21[%swap3A_544, %swap3A_545], %mul3A_543 {strides = array<i32>} : memref<80x64xf32, #tpu.memory_space<vmem>>, vector<16xf32>,
        %mul3A_547 = arith.mulf %unpack3A_541, %gather3A_542 : vector<16xf32>
        %swap3A_548 = arith.index_cast %scan3A_517 : i32 to index
        %swap3A_549 = arith.constant 16 : index
        %swap3A_550 = tpu.vector_load %arg21[%swap3A_548, %swap3A_549] {strides = array<i32>} : memref<80x64xf32, #tpu.memory_space<vmem>>, vector<16xf32>,
        tpu.vector_store %arg21[%swap3A_548, %swap3A_549], %mul3A_547 {strides = array<i32>} : memref<80x64xf32, #tpu.memory_space<vmem>>, vector<16xf32>,
        %get3A_551 = arith.index_cast %scan3A_517 : i32 to index
        %get3A_552 = arith.constant 32 : index
        %get3A_553 = tpu.vector_load %arg17[%get3A_551, %get3A_552] {strides = array<i32>} : memref<80x64xbf16, #tpu.memory_space<vmem>>, vector<32xbf16>,
        %unpack3A_554 = tpu.unpack_subelements %get3A_553, 0 {pack_format = #tpu.pack_format<interleaved>} : vector<32xbf16> -> vector<16xf32>
        %unpack3A_555 = tpu.unpack_subelements %get3A_553, 1 {pack_format = #tpu.pack_format<interleaved>} : vector<32xbf16> -> vector<16xf32>
        %gather3A_556 = tpu.vector_load_idx %arg20[%broadcast_in_dim3A_536, %add3A_15] : memref<80x16xf32, #tpu.memory_space<vmem>>[vector<16xi32>, vector<16xi32>], vector<16xf32>,
        %mul3A_557 = arith.mulf %unpack3A_554, %gather3A_556 : vector<16xf32>
        %swap3A_558 = arith.index_cast %scan3A_517 : i32 to index
        %swap3A_559 = arith.constant 32 : index
        %swap3A_560 = tpu.vector_load %arg21[%swap3A_558, %swap3A_559] {strides = array<i32>} : memref<80x64xf32, #tpu.memory_space<vmem>>, vector<16xf32>,
        tpu.vector_store %arg21[%swap3A_558, %swap3A_559], %mul3A_557 {strides = array<i32>} : memref<80x64xf32, #tpu.memory_space<vmem>>, vector<16xf32>,
        %mul3A_561 = arith.mulf %unpack3A_555, %gather3A_556 : vector<16xf32>
        %swap3A_562 = arith.index_cast %scan3A_517 : i32 to index
        %swap3A_563 = arith.constant 48 : index
        %swap3A_564 = tpu.vector_load %arg21[%swap3A_562, %swap3A_563] {strides = array<i32>} : memref<80x64xf32, #tpu.memory_space<vmem>>, vector<16xf32>,
        tpu.vector_store %arg21[%swap3A_562, %swap3A_563], %mul3A_561 {strides = array<i32>} : memref<80x64xf32, #tpu.memory_space<vmem>>, vector<16xf32>,
        %scan3A_565 = arith.constant 7 : i32
        %scan3A_566 = arith.addi %scan3A_230, %scan3A_565 : i32
        %get3A_567 = arith.index_cast %scan3A_566 : i32 to index
        %get3A_568 = arith.constant 0 : index
        %get3A_569 = tpu.vector_load %arg15[%get3A_567, %get3A_568] {strides = array<i32>} : memref<80x16xf32, #tpu.memory_space<vmem>>, vector<16xf32>,
        %get3A_570 = arith.index_cast %scan3A_566 : i32 to index
        %get3A_571 = arith.constant 0 : index
        %get3A_572 = tpu.vector_load %arg16[%get3A_570, %get3A_571] {strides = array<i32>} : memref<80x16xf32, #tpu.memory_space<vmem>>, vector<16xf32>,
        %add3A_573 = arith.addf %get3A_569, %get3A_572 : vector<16xf32>
        %gt3A_574 = arith.constant 0.000000e+00 : f32
        %gt3A_575 = vector.broadcast %gt3A_574 : f32 to vector<16xf32>
        %gt3A_576 = arith.cmpf ogt, %add3A_573, %gt3A_575 : vector<16xf32>
        %mul3A_577 = arith.constant 2.000000e-01 : f32
        %mul3A_578 = vector.broadcast %mul3A_577 : f32 to vector<16xf32>
        %mul3A_579 = arith.mulf %add3A_573, %mul3A_578 : vector<16xf32>
        %select_n3A_580 = arith.select %gt3A_576, %add3A_573, %mul3A_579 : vector<16xi1>, vector<16xf32>
        %exp3A_581 = math.exp %select_n3A_580 : vector<16xf32>
        %swap3A_582 = arith.index_cast %scan3A_566 : i32 to index
        %swap3A_583 = arith.constant 0 : index
        %swap3A_584 = tpu.vector_load %arg20[%swap3A_582, %swap3A_583] {strides = array<i32>} : memref<80x16xf32, #tpu.memory_space<vmem>>, vector<16xf32>,
        tpu.vector_store %arg20[%swap3A_582, %swap3A_583], %exp3A_581 {strides = array<i32>} : memref<80x16xf32, #tpu.memory_space<vmem>>, vector<16xf32>,
        %broadcast_in_dim3A_585 = vector.broadcast %scan3A_566 : i32 to vector<16xi32>
        %get3A_586 = arith.index_cast %scan3A_566 : i32 to index
        %get3A_587 = arith.constant 0 : index
        %get3A_588 = tpu.vector_load %arg17[%get3A_586, %get3A_587] {strides = array<i32>} : memref<80x64xbf16, #tpu.memory_space<vmem>>, vector<32xbf16>,
        %unpack3A_589 = tpu.unpack_subelements %get3A_588, 0 {pack_format = #tpu.pack_format<interleaved>} : vector<32xbf16> -> vector<16xf32>
        %unpack3A_590 = tpu.unpack_subelements %get3A_588, 1 {pack_format = #tpu.pack_format<interleaved>} : vector<32xbf16> -> vector<16xf32>
        %gather3A_591 = tpu.vector_load_idx %arg20[%broadcast_in_dim3A_585, %add3A_9] : memref<80x16xf32, #tpu.memory_space<vmem>>[vector<16xi32>, vector<16xi32>], vector<16xf32>,
        %mul3A_592 = arith.mulf %unpack3A_589, %gather3A_591 : vector<16xf32>
        %swap3A_593 = arith.index_cast %scan3A_566 : i32 to index
        %swap3A_594 = arith.constant 0 : index
        %swap3A_595 = tpu.vector_load %arg21[%swap3A_593, %swap3A_594] {strides = array<i32>} : memref<80x64xf32, #tpu.memory_space<vmem>>, vector<16xf32>,
        tpu.vector_store %arg21[%swap3A_593, %swap3A_594], %mul3A_592 {strides = array<i32>} : memref<80x64xf32, #tpu.memory_space<vmem>>, vector<16xf32>,
        %mul3A_596 = arith.mulf %unpack3A_590, %gather3A_591 : vector<16xf32>
        %swap3A_597 = arith.index_cast %scan3A_566 : i32 to index
        %swap3A_598 = arith.constant 16 : index
        %swap3A_599 = tpu.vector_load %arg21[%swap3A_597, %swap3A_598] {strides = array<i32>} : memref<80x64xf32, #tpu.memory_space<vmem>>, vector<16xf32>,
        tpu.vector_store %arg21[%swap3A_597, %swap3A_598], %mul3A_596 {strides = array<i32>} : memref<80x64xf32, #tpu.memory_space<vmem>>, vector<16xf32>,
        %get3A_600 = arith.index_cast %scan3A_566 : i32 to index
        %get3A_601 = arith.constant 32 : index
        %get3A_602 = tpu.vector_load %arg17[%get3A_600, %get3A_601] {strides = array<i32>} : memref<80x64xbf16, #tpu.memory_space<vmem>>, vector<32xbf16>,
        %unpack3A_603 = tpu.unpack_subelements %get3A_602, 0 {pack_format = #tpu.pack_format<interleaved>} : vector<32xbf16> -> vector<16xf32>
        %unpack3A_604 = tpu.unpack_subelements %get3A_602, 1 {pack_format = #tpu.pack_format<interleaved>} : vector<32xbf16> -> vector<16xf32>
        %gather3A_605 = tpu.vector_load_idx %arg20[%broadcast_in_dim3A_585, %add3A_15] : memref<80x16xf32, #tpu.memory_space<vmem>>[vector<16xi32>, vector<16xi32>], vector<16xf32>,
        %mul3A_606 = arith.mulf %unpack3A_603, %gather3A_605 : vector<16xf32>
        %swap3A_607 = arith.index_cast %scan3A_566 : i32 to index
        %swap3A_608 = arith.constant 32 : index
        %swap3A_609 = tpu.vector_load %arg21[%swap3A_607, %swap3A_608] {strides = array<i32>} : memref<80x64xf32, #tpu.memory_space<vmem>>, vector<16xf32>,
        tpu.vector_store %arg21[%swap3A_607, %swap3A_608], %mul3A_606 {strides = array<i32>} : memref<80x64xf32, #tpu.memory_space<vmem>>, vector<16xf32>,
        %mul3A_610 = arith.mulf %unpack3A_604, %gather3A_605 : vector<16xf32>
        %swap3A_611 = arith.index_cast %scan3A_566 : i32 to index
        %swap3A_612 = arith.constant 48 : index
        %swap3A_613 = tpu.vector_load %arg21[%swap3A_611, %swap3A_612] {strides = array<i32>} : memref<80x64xf32, #tpu.memory_space<vmem>>, vector<16xf32>,
        tpu.vector_store %arg21[%swap3A_611, %swap3A_612], %mul3A_610 {strides = array<i32>} : memref<80x64xf32, #tpu.memory_space<vmem>>, vector<16xf32>,
      }
      %scan3A_225 = arith.constant 80 : i32
      %mul3A_226 = arith.constant 80 : i32
      %mul3A_227 = arith.muli %add3A_219, %mul3A_226 : i32
      %add3A_228 = arith.addi %mul3A_4, %mul3A_227 : i32
      %multiple_of3A_229 = tpu.assume_multiple %add3A_228, 8 : i32
      "tpu.region"() ({
        %run_scoped3A_230 = tpu.sem_alloc : memref<!tpu.dma_semaphore, #tpu.memory_space<semaphore_mem>>
        %dma_start3A_231 = arith.constant 0 : i32
        %dma_start3A_232 = tpu.memref_slice %arg7[%multiple_of3A_229, %dma_start3A_231] : memref<320000x16xf32, #tpu.memory_space<hbm>> -> memref<80x16xf32, #tpu.memory_space<hbm>>
        %dma_start3A_233 = arith.constant 0 : i32
        %dma_start3A_234 = tpu.memref_slice %arg7[%multiple_of3A_229, %dma_start3A_233] : memref<320000x16xf32, #tpu.memory_space<hbm>> -> memref<80x16xf32, #tpu.memory_space<hbm>>
        tpu.enqueue_dma source(%arg20 : memref<80x16xf32, #tpu.memory_space<vmem>>) target(%dma_start3A_234 : memref<80x16xf32, #tpu.memory_space<hbm>>) target_semaphore(%run_scoped3A_230 : memref<!tpu.dma_semaphore, #tpu.memory_space<semaphore_mem>>)
        %dma_wait3A_235 = arith.constant 0 : i32
        %dma_wait3A_236 = tpu.memref_slice %arg7[%multiple_of3A_229, %dma_wait3A_235] : memref<320000x16xf32, #tpu.memory_space<hbm>> -> memref<80x16xf32, #tpu.memory_space<hbm>>
        %dma_wait3A_237 = arith.constant 0 : i32
        %dma_wait3A_238 = tpu.memref_slice %arg7[%multiple_of3A_229, %dma_wait3A_237] : memref<320000x16xf32, #tpu.memory_space<hbm>> -> memref<80x16xf32, #tpu.memory_space<hbm>>
        tpu.wait_dma2 semaphore(%run_scoped3A_230 : memref<!tpu.dma_semaphore, #tpu.memory_space<semaphore_mem>>) src(%arg20 : memref<80x16xf32, #tpu.memory_space<vmem>>) dst(%dma_wait3A_238 : memref<80x16xf32, #tpu.memory_space<hbm>>)
        tpu.yield
      }) : () -> ()
      "tpu.region"() ({
        %run_scoped3A_230 = tpu.sem_alloc : memref<!tpu.dma_semaphore, #tpu.memory_space<semaphore_mem>>
        %dma_start3A_231 = arith.constant 0 : i32
        %dma_start3A_232 = tpu.memref_slice %arg11[%add3A_219, %dma_start3A_231] : memref<125x80xi32, #tpu.memory_space<vmem>> -> memref<1x80xi32, #tpu.memory_space<vmem>>
        %dma_start3A_233 = tpu.memref_squeeze %dma_start3A_232 : memref<1x80xi32, #tpu.memory_space<vmem>> -> memref<80xi32, #tpu.memory_space<vmem>>
        %dma_start3A_234 = arith.constant 0 : i32
        %dma_start3A_235 = arith.constant 0 : i32
        %dma_start3A_236 = tpu.memref_slice %arg22[%dma_start3A_234, %dma_start3A_235] : memref<10112x16xf32, #tpu.memory_space<vmem_shared>> -> memref<10112x16xf32, #tpu.memory_space<vmem_shared>>
        tpu.enqueue_indirect_dma source(%arg20 : memref<80x16xf32, #tpu.memory_space<vmem>>) target(%dma_start3A_236 : memref<10112x16xf32, #tpu.memory_space<vmem_shared>>) offsets(%dma_start3A_233 : memref<80xi32, #tpu.memory_space<vmem>>) semaphore(%run_scoped3A_230 : memref<!tpu.dma_semaphore, #tpu.memory_space<semaphore_mem>>) {add = true}
        %dma_wait3A_237 = arith.constant 0 : i32
        %dma_wait3A_238 = tpu.memref_slice %arg11[%add3A_219, %dma_wait3A_237] : memref<125x80xi32, #tpu.memory_space<vmem>> -> memref<1x80xi32, #tpu.memory_space<vmem>>
        %dma_wait3A_239 = tpu.memref_squeeze %dma_wait3A_238 : memref<1x80xi32, #tpu.memory_space<vmem>> -> memref<80xi32, #tpu.memory_space<vmem>>
        %dma_wait3A_240 = arith.constant 0 : i32
        %dma_wait3A_241 = arith.constant 0 : i32
        %dma_wait3A_242 = tpu.memref_slice %arg22[%dma_wait3A_240, %dma_wait3A_241] : memref<10112x16xf32, #tpu.memory_space<vmem_shared>> -> memref<10112x16xf32, #tpu.memory_space<vmem_shared>>
        tpu.wait_indirect_dma semaphore(%run_scoped3A_230 : memref<!tpu.dma_semaphore, #tpu.memory_space<semaphore_mem>>) src(%arg20 : memref<80x16xf32, #tpu.memory_space<vmem>>) dst(%dma_wait3A_242 : memref<10112x16xf32, #tpu.memory_space<vmem_shared>>)
        tpu.yield
      }) : () -> ()
      "tpu.region"() ({
        %run_scoped3A_230 = tpu.sem_alloc : memref<!tpu.dma_semaphore, #tpu.memory_space<semaphore_mem>>
        %dma_start3A_231 = arith.constant 0 : i32
        %dma_start3A_232 = tpu.memref_slice %arg11[%add3A_219, %dma_start3A_231] : memref<125x80xi32, #tpu.memory_space<vmem>> -> memref<1x80xi32, #tpu.memory_space<vmem>>
        %dma_start3A_233 = tpu.memref_squeeze %dma_start3A_232 : memref<1x80xi32, #tpu.memory_space<vmem>> -> memref<80xi32, #tpu.memory_space<vmem>>
        %dma_start3A_234 = arith.constant 0 : i32
        %dma_start3A_235 = arith.constant 0 : i32
        %dma_start3A_236 = tpu.memref_slice %arg23[%dma_start3A_234, %dma_start3A_235] : memref<10112x64xf32, #tpu.memory_space<vmem_shared>> -> memref<10112x64xf32, #tpu.memory_space<vmem_shared>>
        tpu.enqueue_indirect_dma source(%arg21 : memref<80x64xf32, #tpu.memory_space<vmem>>) target(%dma_start3A_236 : memref<10112x64xf32, #tpu.memory_space<vmem_shared>>) offsets(%dma_start3A_233 : memref<80xi32, #tpu.memory_space<vmem>>) semaphore(%run_scoped3A_230 : memref<!tpu.dma_semaphore, #tpu.memory_space<semaphore_mem>>) {add = true}
        %dma_wait3A_237 = arith.constant 0 : i32
        %dma_wait3A_238 = tpu.memref_slice %arg11[%add3A_219, %dma_wait3A_237] : memref<125x80xi32, #tpu.memory_space<vmem>> -> memref<1x80xi32, #tpu.memory_space<vmem>>
        %dma_wait3A_239 = tpu.memref_squeeze %dma_wait3A_238 : memref<1x80xi32, #tpu.memory_space<vmem>> -> memref<80xi32, #tpu.memory_space<vmem>>
        %dma_wait3A_240 = arith.constant 0 : i32
        %dma_wait3A_241 = arith.constant 0 : i32
        %dma_wait3A_242 = tpu.memref_slice %arg23[%dma_wait3A_240, %dma_wait3A_241] : memref<10112x64xf32, #tpu.memory_space<vmem_shared>> -> memref<10112x64xf32, #tpu.memory_space<vmem_shared>>
        tpu.wait_indirect_dma semaphore(%run_scoped3A_230 : memref<!tpu.dma_semaphore, #tpu.memory_space<semaphore_mem>>) src(%arg21 : memref<80x64xf32, #tpu.memory_space<vmem>>) dst(%dma_wait3A_242 : memref<10112x64xf32, #tpu.memory_space<vmem_shared>>)
        tpu.yield
      }) : () -> ()
    }
    %scan3A_71 = arith.constant 62 : i32
    %dma_wait3A = arith.constant 124 : i32
    %dma_wait3A_72 = arith.constant 0 : i32
    %dma_wait3A_73 = tpu.memref_slice %arg10[%dma_wait3A, %dma_wait3A_72] : memref<125x80xi32, #tpu.memory_space<vmem>> -> memref<1x80xi32, #tpu.memory_space<vmem>>
    %dma_wait3A_74 = tpu.memref_squeeze %dma_wait3A_73 : memref<1x80xi32, #tpu.memory_space<vmem>> -> memref<80xi32, #tpu.memory_space<vmem>>
    %dma_wait3A_75 = arith.constant 0 : i32
    %dma_wait3A_76 = arith.constant 0 : i32
    %dma_wait3A_77 = tpu.memref_slice %arg4[%dma_wait3A_75, %dma_wait3A_76] : memref<10000x16xf32, #tpu.memory_space<hbm>> -> memref<10000x16xf32, #tpu.memory_space<hbm>>
    tpu.wait_indirect_dma semaphore(%arg24 : memref<!tpu.dma_semaphore, #tpu.memory_space<semaphore_mem>>) src(%dma_wait3A_77 : memref<10000x16xf32, #tpu.memory_space<hbm>>) dst(%arg12 : memref<80x16xf32, #tpu.memory_space<vmem>>)
    %dma_wait3A_78 = arith.constant 124 : i32
    %dma_wait3A_79 = arith.constant 0 : i32
    %dma_wait3A_80 = tpu.memref_slice %arg11[%dma_wait3A_78, %dma_wait3A_79] : memref<125x80xi32, #tpu.memory_space<vmem>> -> memref<1x80xi32, #tpu.memory_space<vmem>>
    %dma_wait3A_81 = tpu.memref_squeeze %dma_wait3A_80 : memref<1x80xi32, #tpu.memory_space<vmem>> -> memref<80xi32, #tpu.memory_space<vmem>>
    %dma_wait3A_82 = arith.constant 0 : i32
    %dma_wait3A_83 = arith.constant 0 : i32
    %dma_wait3A_84 = tpu.memref_slice %arg5[%dma_wait3A_82, %dma_wait3A_83] : memref<10000x16xf32, #tpu.memory_space<hbm>> -> memref<10000x16xf32, #tpu.memory_space<hbm>>
    tpu.wait_indirect_dma semaphore(%arg25 : memref<!tpu.dma_semaphore, #tpu.memory_space<semaphore_mem>>) src(%dma_wait3A_84 : memref<10000x16xf32, #tpu.memory_space<hbm>>) dst(%arg13 : memref<80x16xf32, #tpu.memory_space<vmem>>)
    %dma_wait3A_85 = arith.constant 124 : i32
    %dma_wait3A_86 = arith.constant 0 : i32
    %dma_wait3A_87 = tpu.memref_slice %arg10[%dma_wait3A_85, %dma_wait3A_86] : memref<125x80xi32, #tpu.memory_space<vmem>> -> memref<1x80xi32, #tpu.memory_space<vmem>>
    %dma_wait3A_88 = tpu.memref_squeeze %dma_wait3A_87 : memref<1x80xi32, #tpu.memory_space<vmem>> -> memref<80xi32, #tpu.memory_space<vmem>>
    %dma_wait3A_89 = arith.constant 0 : i32
    %dma_wait3A_90 = arith.constant 0 : i32
    %dma_wait3A_91 = tpu.memref_slice %arg6[%dma_wait3A_89, %dma_wait3A_90] : memref<10000x64xbf16, #tpu.memory_space<hbm>> -> memref<10000x64xbf16, #tpu.memory_space<hbm>>
    tpu.wait_indirect_dma semaphore(%arg26 : memref<!tpu.dma_semaphore, #tpu.memory_space<semaphore_mem>>) src(%dma_wait3A_91 : memref<10000x64xbf16, #tpu.memory_space<hbm>>) dst(%arg14 : memref<80x64xbf16, #tpu.memory_space<vmem>>)
    %scan3A_92 = arith.constant 0 : i32
    %scan3A_93 = arith.constant 0 : i32
    %scan3A_94 = arith.constant 80 : i32
    %scan3A_95 = arith.addi %scan3A_93, %scan3A_94 : i32
    %scan3A_96 = arith.constant 8 : i32
    scf.for %scan3A_127 = %scan3A_93 to %scan3A_95 step %scan3A_96  : i32 {
      %get3A = arith.index_cast %scan3A_127 : i32 to index
      %get3A_128 = arith.constant 0 : index
      %get3A_129 = tpu.vector_load %arg12[%get3A, %get3A_128] {strides = array<i32>} : memref<80x16xf32, #tpu.memory_space<vmem>>, vector<16xf32>,
      %get3A_130 = arith.index_cast %scan3A_127 : i32 to index
      %get3A_131 = arith.constant 0 : index
      %get3A_132 = tpu.vector_load %arg13[%get3A_130, %get3A_131] {strides = array<i32>} : memref<80x16xf32, #tpu.memory_space<vmem>>, vector<16xf32>,
      %add3A_133 = arith.addf %get3A_129, %get3A_132 : vector<16xf32>
      %gt3A = arith.constant 0.000000e+00 : f32
      %gt3A_134 = vector.broadcast %gt3A : f32 to vector<16xf32>
      %gt3A_135 = arith.cmpf ogt, %add3A_133, %gt3A_134 : vector<16xf32>
      %mul3A_136 = arith.constant 2.000000e-01 : f32
      %mul3A_137 = vector.broadcast %mul3A_136 : f32 to vector<16xf32>
      %mul3A_138 = arith.mulf %add3A_133, %mul3A_137 : vector<16xf32>
      %select_n3A = arith.select %gt3A_135, %add3A_133, %mul3A_138 : vector<16xi1>, vector<16xf32>
      %exp3A = math.exp %select_n3A : vector<16xf32>
      %swap3A = arith.index_cast %scan3A_127 : i32 to index
      %swap3A_139 = arith.constant 0 : index
      %swap3A_140 = tpu.vector_load %arg18[%swap3A, %swap3A_139] {strides = array<i32>} : memref<80x16xf32, #tpu.memory_space<vmem>>, vector<16xf32>,
      tpu.vector_store %arg18[%swap3A, %swap3A_139], %exp3A {strides = array<i32>} : memref<80x16xf32, #tpu.memory_space<vmem>>, vector<16xf32>,
      %broadcast_in_dim3A_141 = vector.broadcast %scan3A_127 : i32 to vector<16xi32>
      %get3A_142 = arith.index_cast %scan3A_127 : i32 to index
      %get3A_143 = arith.constant 0 : index
      %get3A_144 = tpu.vector_load %arg14[%get3A_142, %get3A_143] {strides = array<i32>} : memref<80x64xbf16, #tpu.memory_space<vmem>>, vector<32xbf16>,
      %unpack3A = tpu.unpack_subelements %get3A_144, 0 {pack_format = #tpu.pack_format<interleaved>} : vector<32xbf16> -> vector<16xf32>
      %unpack3A_145 = tpu.unpack_subelements %get3A_144, 1 {pack_format = #tpu.pack_format<interleaved>} : vector<32xbf16> -> vector<16xf32>
      %gather3A = tpu.vector_load_idx %arg18[%broadcast_in_dim3A_141, %add3A_9] : memref<80x16xf32, #tpu.memory_space<vmem>>[vector<16xi32>, vector<16xi32>], vector<16xf32>,
      %mul3A_146 = arith.mulf %unpack3A, %gather3A : vector<16xf32>
      %swap3A_147 = arith.index_cast %scan3A_127 : i32 to index
      %swap3A_148 = arith.constant 0 : index
      %swap3A_149 = tpu.vector_load %arg19[%swap3A_147, %swap3A_148] {strides = array<i32>} : memref<80x64xf32, #tpu.memory_space<vmem>>, vector<16xf32>,
      tpu.vector_store %arg19[%swap3A_147, %swap3A_148], %mul3A_146 {strides = array<i32>} : memref<80x64xf32, #tpu.memory_space<vmem>>, vector<16xf32>,
      %mul3A_150 = arith.mulf %unpack3A_145, %gather3A : vector<16xf32>
      %swap3A_151 = arith.index_cast %scan3A_127 : i32 to index
      %swap3A_152 = arith.constant 16 : index
      %swap3A_153 = tpu.vector_load %arg19[%swap3A_151, %swap3A_152] {strides = array<i32>} : memref<80x64xf32, #tpu.memory_space<vmem>>, vector<16xf32>,
      tpu.vector_store %arg19[%swap3A_151, %swap3A_152], %mul3A_150 {strides = array<i32>} : memref<80x64xf32, #tpu.memory_space<vmem>>, vector<16xf32>,
      %get3A_154 = arith.index_cast %scan3A_127 : i32 to index
      %get3A_155 = arith.constant 32 : index
      %get3A_156 = tpu.vector_load %arg14[%get3A_154, %get3A_155] {strides = array<i32>} : memref<80x64xbf16, #tpu.memory_space<vmem>>, vector<32xbf16>,
      %unpack3A_157 = tpu.unpack_subelements %get3A_156, 0 {pack_format = #tpu.pack_format<interleaved>} : vector<32xbf16> -> vector<16xf32>
      %unpack3A_158 = tpu.unpack_subelements %get3A_156, 1 {pack_format = #tpu.pack_format<interleaved>} : vector<32xbf16> -> vector<16xf32>
      %gather3A_159 = tpu.vector_load_idx %arg18[%broadcast_in_dim3A_141, %add3A_15] : memref<80x16xf32, #tpu.memory_space<vmem>>[vector<16xi32>, vector<16xi32>], vector<16xf32>,
      %mul3A_160 = arith.mulf %unpack3A_157, %gather3A_159 : vector<16xf32>
      %swap3A_161 = arith.index_cast %scan3A_127 : i32 to index
      %swap3A_162 = arith.constant 32 : index
      %swap3A_163 = tpu.vector_load %arg19[%swap3A_161, %swap3A_162] {strides = array<i32>} : memref<80x64xf32, #tpu.memory_space<vmem>>, vector<16xf32>,
      tpu.vector_store %arg19[%swap3A_161, %swap3A_162], %mul3A_160 {strides = array<i32>} : memref<80x64xf32, #tpu.memory_space<vmem>>, vector<16xf32>,
      %mul3A_164 = arith.mulf %unpack3A_158, %gather3A_159 : vector<16xf32>
      %swap3A_165 = arith.index_cast %scan3A_127 : i32 to index
      %swap3A_166 = arith.constant 48 : index
      %swap3A_167 = tpu.vector_load %arg19[%swap3A_165, %swap3A_166] {strides = array<i32>} : memref<80x64xf32, #tpu.memory_space<vmem>>, vector<16xf32>,
      tpu.vector_store %arg19[%swap3A_165, %swap3A_166], %mul3A_164 {strides = array<i32>} : memref<80x64xf32, #tpu.memory_space<vmem>>, vector<16xf32>,
      %scan3A_168 = arith.constant 1 : i32
      %scan3A_169 = arith.addi %scan3A_127, %scan3A_168 : i32
      %get3A_170 = arith.index_cast %scan3A_169 : i32 to index
      %get3A_171 = arith.constant 0 : index
      %get3A_172 = tpu.vector_load %arg12[%get3A_170, %get3A_171] {strides = array<i32>} : memref<80x16xf32, #tpu.memory_space<vmem>>, vector<16xf32>,
      %get3A_173 = arith.index_cast %scan3A_169 : i32 to index
      %get3A_174 = arith.constant 0 : index
      %get3A_175 = tpu.vector_load %arg13[%get3A_173, %get3A_174] {strides = array<i32>} : memref<80x16xf32, #tpu.memory_space<vmem>>, vector<16xf32>,
      %add3A_176 = arith.addf %get3A_172, %get3A_175 : vector<16xf32>
      %gt3A_177 = arith.constant 0.000000e+00 : f32
      %gt3A_178 = vector.broadcast %gt3A_177 : f32 to vector<16xf32>
      %gt3A_179 = arith.cmpf ogt, %add3A_176, %gt3A_178 : vector<16xf32>
      %mul3A_180 = arith.constant 2.000000e-01 : f32
      %mul3A_181 = vector.broadcast %mul3A_180 : f32 to vector<16xf32>
      %mul3A_182 = arith.mulf %add3A_176, %mul3A_181 : vector<16xf32>
      %select_n3A_183 = arith.select %gt3A_179, %add3A_176, %mul3A_182 : vector<16xi1>, vector<16xf32>
      %exp3A_184 = math.exp %select_n3A_183 : vector<16xf32>
      %swap3A_185 = arith.index_cast %scan3A_169 : i32 to index
      %swap3A_186 = arith.constant 0 : index
      %swap3A_187 = tpu.vector_load %arg18[%swap3A_185, %swap3A_186] {strides = array<i32>} : memref<80x16xf32, #tpu.memory_space<vmem>>, vector<16xf32>,
      tpu.vector_store %arg18[%swap3A_185, %swap3A_186], %exp3A_184 {strides = array<i32>} : memref<80x16xf32, #tpu.memory_space<vmem>>, vector<16xf32>,
      %broadcast_in_dim3A_188 = vector.broadcast %scan3A_169 : i32 to vector<16xi32>
      %get3A_189 = arith.index_cast %scan3A_169 : i32 to index
      %get3A_190 = arith.constant 0 : index
      %get3A_191 = tpu.vector_load %arg14[%get3A_189, %get3A_190] {strides = array<i32>} : memref<80x64xbf16, #tpu.memory_space<vmem>>, vector<32xbf16>,
      %unpack3A_192 = tpu.unpack_subelements %get3A_191, 0 {pack_format = #tpu.pack_format<interleaved>} : vector<32xbf16> -> vector<16xf32>
      %unpack3A_193 = tpu.unpack_subelements %get3A_191, 1 {pack_format = #tpu.pack_format<interleaved>} : vector<32xbf16> -> vector<16xf32>
      %gather3A_194 = tpu.vector_load_idx %arg18[%broadcast_in_dim3A_188, %add3A_9] : memref<80x16xf32, #tpu.memory_space<vmem>>[vector<16xi32>, vector<16xi32>], vector<16xf32>,
      %mul3A_195 = arith.mulf %unpack3A_192, %gather3A_194 : vector<16xf32>
      %swap3A_196 = arith.index_cast %scan3A_169 : i32 to index
      %swap3A_197 = arith.constant 0 : index
      %swap3A_198 = tpu.vector_load %arg19[%swap3A_196, %swap3A_197] {strides = array<i32>} : memref<80x64xf32, #tpu.memory_space<vmem>>, vector<16xf32>,
      tpu.vector_store %arg19[%swap3A_196, %swap3A_197], %mul3A_195 {strides = array<i32>} : memref<80x64xf32, #tpu.memory_space<vmem>>, vector<16xf32>,
      %mul3A_199 = arith.mulf %unpack3A_193, %gather3A_194 : vector<16xf32>
      %swap3A_200 = arith.index_cast %scan3A_169 : i32 to index
      %swap3A_201 = arith.constant 16 : index
      %swap3A_202 = tpu.vector_load %arg19[%swap3A_200, %swap3A_201] {strides = array<i32>} : memref<80x64xf32, #tpu.memory_space<vmem>>, vector<16xf32>,
      tpu.vector_store %arg19[%swap3A_200, %swap3A_201], %mul3A_199 {strides = array<i32>} : memref<80x64xf32, #tpu.memory_space<vmem>>, vector<16xf32>,
      %get3A_203 = arith.index_cast %scan3A_169 : i32 to index
      %get3A_204 = arith.constant 32 : index
      %get3A_205 = tpu.vector_load %arg14[%get3A_203, %get3A_204] {strides = array<i32>} : memref<80x64xbf16, #tpu.memory_space<vmem>>, vector<32xbf16>,
      %unpack3A_206 = tpu.unpack_subelements %get3A_205, 0 {pack_format = #tpu.pack_format<interleaved>} : vector<32xbf16> -> vector<16xf32>
      %unpack3A_207 = tpu.unpack_subelements %get3A_205, 1 {pack_format = #tpu.pack_format<interleaved>} : vector<32xbf16> -> vector<16xf32>
      %gather3A_208 = tpu.vector_load_idx %arg18[%broadcast_in_dim3A_188, %add3A_15] : memref<80x16xf32, #tpu.memory_space<vmem>>[vector<16xi32>, vector<16xi32>], vector<16xf32>,
      %mul3A_209 = arith.mulf %unpack3A_206, %gather3A_208 : vector<16xf32>
      %swap3A_210 = arith.index_cast %scan3A_169 : i32 to index
      %swap3A_211 = arith.constant 32 : index
      %swap3A_212 = tpu.vector_load %arg19[%swap3A_210, %swap3A_211] {strides = array<i32>} : memref<80x64xf32, #tpu.memory_space<vmem>>, vector<16xf32>,
      tpu.vector_store %arg19[%swap3A_210, %swap3A_211], %mul3A_209 {strides = array<i32>} : memref<80x64xf32, #tpu.memory_space<vmem>>, vector<16xf32>,
      %mul3A_213 = arith.mulf %unpack3A_207, %gather3A_208 : vector<16xf32>
      %swap3A_214 = arith.index_cast %scan3A_169 : i32 to index
      %swap3A_215 = arith.constant 48 : index
      %swap3A_216 = tpu.vector_load %arg19[%swap3A_214, %swap3A_215] {strides = array<i32>} : memref<80x64xf32, #tpu.memory_space<vmem>>, vector<16xf32>,
      tpu.vector_store %arg19[%swap3A_214, %swap3A_215], %mul3A_213 {strides = array<i32>} : memref<80x64xf32, #tpu.memory_space<vmem>>, vector<16xf32>,
      %scan3A_217 = arith.constant 2 : i32
      %scan3A_218 = arith.addi %scan3A_127, %scan3A_217 : i32
      %get3A_219 = arith.index_cast %scan3A_218 : i32 to index
      %get3A_220 = arith.constant 0 : index
      %get3A_221 = tpu.vector_load %arg12[%get3A_219, %get3A_220] {strides = array<i32>} : memref<80x16xf32, #tpu.memory_space<vmem>>, vector<16xf32>,
      %get3A_222 = arith.index_cast %scan3A_218 : i32 to index
      %get3A_223 = arith.constant 0 : index
      %get3A_224 = tpu.vector_load %arg13[%get3A_222, %get3A_223] {strides = array<i32>} : memref<80x16xf32, #tpu.memory_space<vmem>>, vector<16xf32>,
      %add3A_225 = arith.addf %get3A_221, %get3A_224 : vector<16xf32>
      %gt3A_226 = arith.constant 0.000000e+00 : f32
      %gt3A_227 = vector.broadcast %gt3A_226 : f32 to vector<16xf32>
      %gt3A_228 = arith.cmpf ogt, %add3A_225, %gt3A_227 : vector<16xf32>
      %mul3A_229 = arith.constant 2.000000e-01 : f32
      %mul3A_230 = vector.broadcast %mul3A_229 : f32 to vector<16xf32>
      %mul3A_231 = arith.mulf %add3A_225, %mul3A_230 : vector<16xf32>
      %select_n3A_232 = arith.select %gt3A_228, %add3A_225, %mul3A_231 : vector<16xi1>, vector<16xf32>
      %exp3A_233 = math.exp %select_n3A_232 : vector<16xf32>
      %swap3A_234 = arith.index_cast %scan3A_218 : i32 to index
      %swap3A_235 = arith.constant 0 : index
      %swap3A_236 = tpu.vector_load %arg18[%swap3A_234, %swap3A_235] {strides = array<i32>} : memref<80x16xf32, #tpu.memory_space<vmem>>, vector<16xf32>,
      tpu.vector_store %arg18[%swap3A_234, %swap3A_235], %exp3A_233 {strides = array<i32>} : memref<80x16xf32, #tpu.memory_space<vmem>>, vector<16xf32>,
      %broadcast_in_dim3A_237 = vector.broadcast %scan3A_218 : i32 to vector<16xi32>
      %get3A_238 = arith.index_cast %scan3A_218 : i32 to index
      %get3A_239 = arith.constant 0 : index
      %get3A_240 = tpu.vector_load %arg14[%get3A_238, %get3A_239] {strides = array<i32>} : memref<80x64xbf16, #tpu.memory_space<vmem>>, vector<32xbf16>,
      %unpack3A_241 = tpu.unpack_subelements %get3A_240, 0 {pack_format = #tpu.pack_format<interleaved>} : vector<32xbf16> -> vector<16xf32>
      %unpack3A_242 = tpu.unpack_subelements %get3A_240, 1 {pack_format = #tpu.pack_format<interleaved>} : vector<32xbf16> -> vector<16xf32>
      %gather3A_243 = tpu.vector_load_idx %arg18[%broadcast_in_dim3A_237, %add3A_9] : memref<80x16xf32, #tpu.memory_space<vmem>>[vector<16xi32>, vector<16xi32>], vector<16xf32>,
      %mul3A_244 = arith.mulf %unpack3A_241, %gather3A_243 : vector<16xf32>
      %swap3A_245 = arith.index_cast %scan3A_218 : i32 to index
      %swap3A_246 = arith.constant 0 : index
      %swap3A_247 = tpu.vector_load %arg19[%swap3A_245, %swap3A_246] {strides = array<i32>} : memref<80x64xf32, #tpu.memory_space<vmem>>, vector<16xf32>,
      tpu.vector_store %arg19[%swap3A_245, %swap3A_246], %mul3A_244 {strides = array<i32>} : memref<80x64xf32, #tpu.memory_space<vmem>>, vector<16xf32>,
      %mul3A_248 = arith.mulf %unpack3A_242, %gather3A_243 : vector<16xf32>
      %swap3A_249 = arith.index_cast %scan3A_218 : i32 to index
      %swap3A_250 = arith.constant 16 : index
      %swap3A_251 = tpu.vector_load %arg19[%swap3A_249, %swap3A_250] {strides = array<i32>} : memref<80x64xf32, #tpu.memory_space<vmem>>, vector<16xf32>,
      tpu.vector_store %arg19[%swap3A_249, %swap3A_250], %mul3A_248 {strides = array<i32>} : memref<80x64xf32, #tpu.memory_space<vmem>>, vector<16xf32>,
      %get3A_252 = arith.index_cast %scan3A_218 : i32 to index
      %get3A_253 = arith.constant 32 : index
      %get3A_254 = tpu.vector_load %arg14[%get3A_252, %get3A_253] {strides = array<i32>} : memref<80x64xbf16, #tpu.memory_space<vmem>>, vector<32xbf16>,
      %unpack3A_255 = tpu.unpack_subelements %get3A_254, 0 {pack_format = #tpu.pack_format<interleaved>} : vector<32xbf16> -> vector<16xf32>
      %unpack3A_256 = tpu.unpack_subelements %get3A_254, 1 {pack_format = #tpu.pack_format<interleaved>} : vector<32xbf16> -> vector<16xf32>
      %gather3A_257 = tpu.vector_load_idx %arg18[%broadcast_in_dim3A_237, %add3A_15] : memref<80x16xf32, #tpu.memory_space<vmem>>[vector<16xi32>, vector<16xi32>], vector<16xf32>,
      %mul3A_258 = arith.mulf %unpack3A_255, %gather3A_257 : vector<16xf32>
      %swap3A_259 = arith.index_cast %scan3A_218 : i32 to index
      %swap3A_260 = arith.constant 32 : index
      %swap3A_261 = tpu.vector_load %arg19[%swap3A_259, %swap3A_260] {strides = array<i32>} : memref<80x64xf32, #tpu.memory_space<vmem>>, vector<16xf32>,
      tpu.vector_store %arg19[%swap3A_259, %swap3A_260], %mul3A_258 {strides = array<i32>} : memref<80x64xf32, #tpu.memory_space<vmem>>, vector<16xf32>,
      %mul3A_262 = arith.mulf %unpack3A_256, %gather3A_257 : vector<16xf32>
      %swap3A_263 = arith.index_cast %scan3A_218 : i32 to index
      %swap3A_264 = arith.constant 48 : index
      %swap3A_265 = tpu.vector_load %arg19[%swap3A_263, %swap3A_264] {strides = array<i32>} : memref<80x64xf32, #tpu.memory_space<vmem>>, vector<16xf32>,
      tpu.vector_store %arg19[%swap3A_263, %swap3A_264], %mul3A_262 {strides = array<i32>} : memref<80x64xf32, #tpu.memory_space<vmem>>, vector<16xf32>,
      %scan3A_266 = arith.constant 3 : i32
      %scan3A_267 = arith.addi %scan3A_127, %scan3A_266 : i32
      %get3A_268 = arith.index_cast %scan3A_267 : i32 to index
      %get3A_269 = arith.constant 0 : index
      %get3A_270 = tpu.vector_load %arg12[%get3A_268, %get3A_269] {strides = array<i32>} : memref<80x16xf32, #tpu.memory_space<vmem>>, vector<16xf32>,
      %get3A_271 = arith.index_cast %scan3A_267 : i32 to index
      %get3A_272 = arith.constant 0 : index
      %get3A_273 = tpu.vector_load %arg13[%get3A_271, %get3A_272] {strides = array<i32>} : memref<80x16xf32, #tpu.memory_space<vmem>>, vector<16xf32>,
      %add3A_274 = arith.addf %get3A_270, %get3A_273 : vector<16xf32>
      %gt3A_275 = arith.constant 0.000000e+00 : f32
      %gt3A_276 = vector.broadcast %gt3A_275 : f32 to vector<16xf32>
      %gt3A_277 = arith.cmpf ogt, %add3A_274, %gt3A_276 : vector<16xf32>
      %mul3A_278 = arith.constant 2.000000e-01 : f32
      %mul3A_279 = vector.broadcast %mul3A_278 : f32 to vector<16xf32>
      %mul3A_280 = arith.mulf %add3A_274, %mul3A_279 : vector<16xf32>
      %select_n3A_281 = arith.select %gt3A_277, %add3A_274, %mul3A_280 : vector<16xi1>, vector<16xf32>
      %exp3A_282 = math.exp %select_n3A_281 : vector<16xf32>
      %swap3A_283 = arith.index_cast %scan3A_267 : i32 to index
      %swap3A_284 = arith.constant 0 : index
      %swap3A_285 = tpu.vector_load %arg18[%swap3A_283, %swap3A_284] {strides = array<i32>} : memref<80x16xf32, #tpu.memory_space<vmem>>, vector<16xf32>,
      tpu.vector_store %arg18[%swap3A_283, %swap3A_284], %exp3A_282 {strides = array<i32>} : memref<80x16xf32, #tpu.memory_space<vmem>>, vector<16xf32>,
      %broadcast_in_dim3A_286 = vector.broadcast %scan3A_267 : i32 to vector<16xi32>
      %get3A_287 = arith.index_cast %scan3A_267 : i32 to index
      %get3A_288 = arith.constant 0 : index
      %get3A_289 = tpu.vector_load %arg14[%get3A_287, %get3A_288] {strides = array<i32>} : memref<80x64xbf16, #tpu.memory_space<vmem>>, vector<32xbf16>,
      %unpack3A_290 = tpu.unpack_subelements %get3A_289, 0 {pack_format = #tpu.pack_format<interleaved>} : vector<32xbf16> -> vector<16xf32>
      %unpack3A_291 = tpu.unpack_subelements %get3A_289, 1 {pack_format = #tpu.pack_format<interleaved>} : vector<32xbf16> -> vector<16xf32>
      %gather3A_292 = tpu.vector_load_idx %arg18[%broadcast_in_dim3A_286, %add3A_9] : memref<80x16xf32, #tpu.memory_space<vmem>>[vector<16xi32>, vector<16xi32>], vector<16xf32>,
      %mul3A_293 = arith.mulf %unpack3A_290, %gather3A_292 : vector<16xf32>
      %swap3A_294 = arith.index_cast %scan3A_267 : i32 to index
      %swap3A_295 = arith.constant 0 : index
      %swap3A_296 = tpu.vector_load %arg19[%swap3A_294, %swap3A_295] {strides = array<i32>} : memref<80x64xf32, #tpu.memory_space<vmem>>, vector<16xf32>,
      tpu.vector_store %arg19[%swap3A_294, %swap3A_295], %mul3A_293 {strides = array<i32>} : memref<80x64xf32, #tpu.memory_space<vmem>>, vector<16xf32>,
      %mul3A_297 = arith.mulf %unpack3A_291, %gather3A_292 : vector<16xf32>
      %swap3A_298 = arith.index_cast %scan3A_267 : i32 to index
      %swap3A_299 = arith.constant 16 : index
      %swap3A_300 = tpu.vector_load %arg19[%swap3A_298, %swap3A_299] {strides = array<i32>} : memref<80x64xf32, #tpu.memory_space<vmem>>, vector<16xf32>,
      tpu.vector_store %arg19[%swap3A_298, %swap3A_299], %mul3A_297 {strides = array<i32>} : memref<80x64xf32, #tpu.memory_space<vmem>>, vector<16xf32>,
      %get3A_301 = arith.index_cast %scan3A_267 : i32 to index
      %get3A_302 = arith.constant 32 : index
      %get3A_303 = tpu.vector_load %arg14[%get3A_301, %get3A_302] {strides = array<i32>} : memref<80x64xbf16, #tpu.memory_space<vmem>>, vector<32xbf16>,
      %unpack3A_304 = tpu.unpack_subelements %get3A_303, 0 {pack_format = #tpu.pack_format<interleaved>} : vector<32xbf16> -> vector<16xf32>
      %unpack3A_305 = tpu.unpack_subelements %get3A_303, 1 {pack_format = #tpu.pack_format<interleaved>} : vector<32xbf16> -> vector<16xf32>
      %gather3A_306 = tpu.vector_load_idx %arg18[%broadcast_in_dim3A_286, %add3A_15] : memref<80x16xf32, #tpu.memory_space<vmem>>[vector<16xi32>, vector<16xi32>], vector<16xf32>,
      %mul3A_307 = arith.mulf %unpack3A_304, %gather3A_306 : vector<16xf32>
      %swap3A_308 = arith.index_cast %scan3A_267 : i32 to index
      %swap3A_309 = arith.constant 32 : index
      %swap3A_310 = tpu.vector_load %arg19[%swap3A_308, %swap3A_309] {strides = array<i32>} : memref<80x64xf32, #tpu.memory_space<vmem>>, vector<16xf32>,
      tpu.vector_store %arg19[%swap3A_308, %swap3A_309], %mul3A_307 {strides = array<i32>} : memref<80x64xf32, #tpu.memory_space<vmem>>, vector<16xf32>,
      %mul3A_311 = arith.mulf %unpack3A_305, %gather3A_306 : vector<16xf32>
      %swap3A_312 = arith.index_cast %scan3A_267 : i32 to index
      %swap3A_313 = arith.constant 48 : index
      %swap3A_314 = tpu.vector_load %arg19[%swap3A_312, %swap3A_313] {strides = array<i32>} : memref<80x64xf32, #tpu.memory_space<vmem>>, vector<16xf32>,
      tpu.vector_store %arg19[%swap3A_312, %swap3A_313], %mul3A_311 {strides = array<i32>} : memref<80x64xf32, #tpu.memory_space<vmem>>, vector<16xf32>,
      %scan3A_315 = arith.constant 4 : i32
      %scan3A_316 = arith.addi %scan3A_127, %scan3A_315 : i32
      %get3A_317 = arith.index_cast %scan3A_316 : i32 to index
      %get3A_318 = arith.constant 0 : index
      %get3A_319 = tpu.vector_load %arg12[%get3A_317, %get3A_318] {strides = array<i32>} : memref<80x16xf32, #tpu.memory_space<vmem>>, vector<16xf32>,
      %get3A_320 = arith.index_cast %scan3A_316 : i32 to index
      %get3A_321 = arith.constant 0 : index
      %get3A_322 = tpu.vector_load %arg13[%get3A_320, %get3A_321] {strides = array<i32>} : memref<80x16xf32, #tpu.memory_space<vmem>>, vector<16xf32>,
      %add3A_323 = arith.addf %get3A_319, %get3A_322 : vector<16xf32>
      %gt3A_324 = arith.constant 0.000000e+00 : f32
      %gt3A_325 = vector.broadcast %gt3A_324 : f32 to vector<16xf32>
      %gt3A_326 = arith.cmpf ogt, %add3A_323, %gt3A_325 : vector<16xf32>
      %mul3A_327 = arith.constant 2.000000e-01 : f32
      %mul3A_328 = vector.broadcast %mul3A_327 : f32 to vector<16xf32>
      %mul3A_329 = arith.mulf %add3A_323, %mul3A_328 : vector<16xf32>
      %select_n3A_330 = arith.select %gt3A_326, %add3A_323, %mul3A_329 : vector<16xi1>, vector<16xf32>
      %exp3A_331 = math.exp %select_n3A_330 : vector<16xf32>
      %swap3A_332 = arith.index_cast %scan3A_316 : i32 to index
      %swap3A_333 = arith.constant 0 : index
      %swap3A_334 = tpu.vector_load %arg18[%swap3A_332, %swap3A_333] {strides = array<i32>} : memref<80x16xf32, #tpu.memory_space<vmem>>, vector<16xf32>,
      tpu.vector_store %arg18[%swap3A_332, %swap3A_333], %exp3A_331 {strides = array<i32>} : memref<80x16xf32, #tpu.memory_space<vmem>>, vector<16xf32>,
      %broadcast_in_dim3A_335 = vector.broadcast %scan3A_316 : i32 to vector<16xi32>
      %get3A_336 = arith.index_cast %scan3A_316 : i32 to index
      %get3A_337 = arith.constant 0 : index
      %get3A_338 = tpu.vector_load %arg14[%get3A_336, %get3A_337] {strides = array<i32>} : memref<80x64xbf16, #tpu.memory_space<vmem>>, vector<32xbf16>,
      %unpack3A_339 = tpu.unpack_subelements %get3A_338, 0 {pack_format = #tpu.pack_format<interleaved>} : vector<32xbf16> -> vector<16xf32>
      %unpack3A_340 = tpu.unpack_subelements %get3A_338, 1 {pack_format = #tpu.pack_format<interleaved>} : vector<32xbf16> -> vector<16xf32>
      %gather3A_341 = tpu.vector_load_idx %arg18[%broadcast_in_dim3A_335, %add3A_9] : memref<80x16xf32, #tpu.memory_space<vmem>>[vector<16xi32>, vector<16xi32>], vector<16xf32>,
      %mul3A_342 = arith.mulf %unpack3A_339, %gather3A_341 : vector<16xf32>
      %swap3A_343 = arith.index_cast %scan3A_316 : i32 to index
      %swap3A_344 = arith.constant 0 : index
      %swap3A_345 = tpu.vector_load %arg19[%swap3A_343, %swap3A_344] {strides = array<i32>} : memref<80x64xf32, #tpu.memory_space<vmem>>, vector<16xf32>,
      tpu.vector_store %arg19[%swap3A_343, %swap3A_344], %mul3A_342 {strides = array<i32>} : memref<80x64xf32, #tpu.memory_space<vmem>>, vector<16xf32>,
      %mul3A_346 = arith.mulf %unpack3A_340, %gather3A_341 : vector<16xf32>
      %swap3A_347 = arith.index_cast %scan3A_316 : i32 to index
      %swap3A_348 = arith.constant 16 : index
      %swap3A_349 = tpu.vector_load %arg19[%swap3A_347, %swap3A_348] {strides = array<i32>} : memref<80x64xf32, #tpu.memory_space<vmem>>, vector<16xf32>,
      tpu.vector_store %arg19[%swap3A_347, %swap3A_348], %mul3A_346 {strides = array<i32>} : memref<80x64xf32, #tpu.memory_space<vmem>>, vector<16xf32>,
      %get3A_350 = arith.index_cast %scan3A_316 : i32 to index
      %get3A_351 = arith.constant 32 : index
      %get3A_352 = tpu.vector_load %arg14[%get3A_350, %get3A_351] {strides = array<i32>} : memref<80x64xbf16, #tpu.memory_space<vmem>>, vector<32xbf16>,
      %unpack3A_353 = tpu.unpack_subelements %get3A_352, 0 {pack_format = #tpu.pack_format<interleaved>} : vector<32xbf16> -> vector<16xf32>
      %unpack3A_354 = tpu.unpack_subelements %get3A_352, 1 {pack_format = #tpu.pack_format<interleaved>} : vector<32xbf16> -> vector<16xf32>
      %gather3A_355 = tpu.vector_load_idx %arg18[%broadcast_in_dim3A_335, %add3A_15] : memref<80x16xf32, #tpu.memory_space<vmem>>[vector<16xi32>, vector<16xi32>], vector<16xf32>,
      %mul3A_356 = arith.mulf %unpack3A_353, %gather3A_355 : vector<16xf32>
      %swap3A_357 = arith.index_cast %scan3A_316 : i32 to index
      %swap3A_358 = arith.constant 32 : index
      %swap3A_359 = tpu.vector_load %arg19[%swap3A_357, %swap3A_358] {strides = array<i32>} : memref<80x64xf32, #tpu.memory_space<vmem>>, vector<16xf32>,
      tpu.vector_store %arg19[%swap3A_357, %swap3A_358], %mul3A_356 {strides = array<i32>} : memref<80x64xf32, #tpu.memory_space<vmem>>, vector<16xf32>,
      %mul3A_360 = arith.mulf %unpack3A_354, %gather3A_355 : vector<16xf32>
      %swap3A_361 = arith.index_cast %scan3A_316 : i32 to index
      %swap3A_362 = arith.constant 48 : index
      %swap3A_363 = tpu.vector_load %arg19[%swap3A_361, %swap3A_362] {strides = array<i32>} : memref<80x64xf32, #tpu.memory_space<vmem>>, vector<16xf32>,
      tpu.vector_store %arg19[%swap3A_361, %swap3A_362], %mul3A_360 {strides = array<i32>} : memref<80x64xf32, #tpu.memory_space<vmem>>, vector<16xf32>,
      %scan3A_364 = arith.constant 5 : i32
      %scan3A_365 = arith.addi %scan3A_127, %scan3A_364 : i32
      %get3A_366 = arith.index_cast %scan3A_365 : i32 to index
      %get3A_367 = arith.constant 0 : index
      %get3A_368 = tpu.vector_load %arg12[%get3A_366, %get3A_367] {strides = array<i32>} : memref<80x16xf32, #tpu.memory_space<vmem>>, vector<16xf32>,
      %get3A_369 = arith.index_cast %scan3A_365 : i32 to index
      %get3A_370 = arith.constant 0 : index
      %get3A_371 = tpu.vector_load %arg13[%get3A_369, %get3A_370] {strides = array<i32>} : memref<80x16xf32, #tpu.memory_space<vmem>>, vector<16xf32>,
      %add3A_372 = arith.addf %get3A_368, %get3A_371 : vector<16xf32>
      %gt3A_373 = arith.constant 0.000000e+00 : f32
      %gt3A_374 = vector.broadcast %gt3A_373 : f32 to vector<16xf32>
      %gt3A_375 = arith.cmpf ogt, %add3A_372, %gt3A_374 : vector<16xf32>
      %mul3A_376 = arith.constant 2.000000e-01 : f32
      %mul3A_377 = vector.broadcast %mul3A_376 : f32 to vector<16xf32>
      %mul3A_378 = arith.mulf %add3A_372, %mul3A_377 : vector<16xf32>
      %select_n3A_379 = arith.select %gt3A_375, %add3A_372, %mul3A_378 : vector<16xi1>, vector<16xf32>
      %exp3A_380 = math.exp %select_n3A_379 : vector<16xf32>
      %swap3A_381 = arith.index_cast %scan3A_365 : i32 to index
      %swap3A_382 = arith.constant 0 : index
      %swap3A_383 = tpu.vector_load %arg18[%swap3A_381, %swap3A_382] {strides = array<i32>} : memref<80x16xf32, #tpu.memory_space<vmem>>, vector<16xf32>,
      tpu.vector_store %arg18[%swap3A_381, %swap3A_382], %exp3A_380 {strides = array<i32>} : memref<80x16xf32, #tpu.memory_space<vmem>>, vector<16xf32>,
      %broadcast_in_dim3A_384 = vector.broadcast %scan3A_365 : i32 to vector<16xi32>
      %get3A_385 = arith.index_cast %scan3A_365 : i32 to index
      %get3A_386 = arith.constant 0 : index
      %get3A_387 = tpu.vector_load %arg14[%get3A_385, %get3A_386] {strides = array<i32>} : memref<80x64xbf16, #tpu.memory_space<vmem>>, vector<32xbf16>,
      %unpack3A_388 = tpu.unpack_subelements %get3A_387, 0 {pack_format = #tpu.pack_format<interleaved>} : vector<32xbf16> -> vector<16xf32>
      %unpack3A_389 = tpu.unpack_subelements %get3A_387, 1 {pack_format = #tpu.pack_format<interleaved>} : vector<32xbf16> -> vector<16xf32>
      %gather3A_390 = tpu.vector_load_idx %arg18[%broadcast_in_dim3A_384, %add3A_9] : memref<80x16xf32, #tpu.memory_space<vmem>>[vector<16xi32>, vector<16xi32>], vector<16xf32>,
      %mul3A_391 = arith.mulf %unpack3A_388, %gather3A_390 : vector<16xf32>
      %swap3A_392 = arith.index_cast %scan3A_365 : i32 to index
      %swap3A_393 = arith.constant 0 : index
      %swap3A_394 = tpu.vector_load %arg19[%swap3A_392, %swap3A_393] {strides = array<i32>} : memref<80x64xf32, #tpu.memory_space<vmem>>, vector<16xf32>,
      tpu.vector_store %arg19[%swap3A_392, %swap3A_393], %mul3A_391 {strides = array<i32>} : memref<80x64xf32, #tpu.memory_space<vmem>>, vector<16xf32>,
      %mul3A_395 = arith.mulf %unpack3A_389, %gather3A_390 : vector<16xf32>
      %swap3A_396 = arith.index_cast %scan3A_365 : i32 to index
      %swap3A_397 = arith.constant 16 : index
      %swap3A_398 = tpu.vector_load %arg19[%swap3A_396, %swap3A_397] {strides = array<i32>} : memref<80x64xf32, #tpu.memory_space<vmem>>, vector<16xf32>,
      tpu.vector_store %arg19[%swap3A_396, %swap3A_397], %mul3A_395 {strides = array<i32>} : memref<80x64xf32, #tpu.memory_space<vmem>>, vector<16xf32>,
      %get3A_399 = arith.index_cast %scan3A_365 : i32 to index
      %get3A_400 = arith.constant 32 : index
      %get3A_401 = tpu.vector_load %arg14[%get3A_399, %get3A_400] {strides = array<i32>} : memref<80x64xbf16, #tpu.memory_space<vmem>>, vector<32xbf16>,
      %unpack3A_402 = tpu.unpack_subelements %get3A_401, 0 {pack_format = #tpu.pack_format<interleaved>} : vector<32xbf16> -> vector<16xf32>
      %unpack3A_403 = tpu.unpack_subelements %get3A_401, 1 {pack_format = #tpu.pack_format<interleaved>} : vector<32xbf16> -> vector<16xf32>
      %gather3A_404 = tpu.vector_load_idx %arg18[%broadcast_in_dim3A_384, %add3A_15] : memref<80x16xf32, #tpu.memory_space<vmem>>[vector<16xi32>, vector<16xi32>], vector<16xf32>,
      %mul3A_405 = arith.mulf %unpack3A_402, %gather3A_404 : vector<16xf32>
      %swap3A_406 = arith.index_cast %scan3A_365 : i32 to index
      %swap3A_407 = arith.constant 32 : index
      %swap3A_408 = tpu.vector_load %arg19[%swap3A_406, %swap3A_407] {strides = array<i32>} : memref<80x64xf32, #tpu.memory_space<vmem>>, vector<16xf32>,
      tpu.vector_store %arg19[%swap3A_406, %swap3A_407], %mul3A_405 {strides = array<i32>} : memref<80x64xf32, #tpu.memory_space<vmem>>, vector<16xf32>,
      %mul3A_409 = arith.mulf %unpack3A_403, %gather3A_404 : vector<16xf32>
      %swap3A_410 = arith.index_cast %scan3A_365 : i32 to index
      %swap3A_411 = arith.constant 48 : index
      %swap3A_412 = tpu.vector_load %arg19[%swap3A_410, %swap3A_411] {strides = array<i32>} : memref<80x64xf32, #tpu.memory_space<vmem>>, vector<16xf32>,
      tpu.vector_store %arg19[%swap3A_410, %swap3A_411], %mul3A_409 {strides = array<i32>} : memref<80x64xf32, #tpu.memory_space<vmem>>, vector<16xf32>,
      %scan3A_413 = arith.constant 6 : i32
      %scan3A_414 = arith.addi %scan3A_127, %scan3A_413 : i32
      %get3A_415 = arith.index_cast %scan3A_414 : i32 to index
      %get3A_416 = arith.constant 0 : index
      %get3A_417 = tpu.vector_load %arg12[%get3A_415, %get3A_416] {strides = array<i32>} : memref<80x16xf32, #tpu.memory_space<vmem>>, vector<16xf32>,
      %get3A_418 = arith.index_cast %scan3A_414 : i32 to index
      %get3A_419 = arith.constant 0 : index
      %get3A_420 = tpu.vector_load %arg13[%get3A_418, %get3A_419] {strides = array<i32>} : memref<80x16xf32, #tpu.memory_space<vmem>>, vector<16xf32>,
      %add3A_421 = arith.addf %get3A_417, %get3A_420 : vector<16xf32>
      %gt3A_422 = arith.constant 0.000000e+00 : f32
      %gt3A_423 = vector.broadcast %gt3A_422 : f32 to vector<16xf32>
      %gt3A_424 = arith.cmpf ogt, %add3A_421, %gt3A_423 : vector<16xf32>
      %mul3A_425 = arith.constant 2.000000e-01 : f32
      %mul3A_426 = vector.broadcast %mul3A_425 : f32 to vector<16xf32>
      %mul3A_427 = arith.mulf %add3A_421, %mul3A_426 : vector<16xf32>
      %select_n3A_428 = arith.select %gt3A_424, %add3A_421, %mul3A_427 : vector<16xi1>, vector<16xf32>
      %exp3A_429 = math.exp %select_n3A_428 : vector<16xf32>
      %swap3A_430 = arith.index_cast %scan3A_414 : i32 to index
      %swap3A_431 = arith.constant 0 : index
      %swap3A_432 = tpu.vector_load %arg18[%swap3A_430, %swap3A_431] {strides = array<i32>} : memref<80x16xf32, #tpu.memory_space<vmem>>, vector<16xf32>,
      tpu.vector_store %arg18[%swap3A_430, %swap3A_431], %exp3A_429 {strides = array<i32>} : memref<80x16xf32, #tpu.memory_space<vmem>>, vector<16xf32>,
      %broadcast_in_dim3A_433 = vector.broadcast %scan3A_414 : i32 to vector<16xi32>
      %get3A_434 = arith.index_cast %scan3A_414 : i32 to index
      %get3A_435 = arith.constant 0 : index
      %get3A_436 = tpu.vector_load %arg14[%get3A_434, %get3A_435] {strides = array<i32>} : memref<80x64xbf16, #tpu.memory_space<vmem>>, vector<32xbf16>,
      %unpack3A_437 = tpu.unpack_subelements %get3A_436, 0 {pack_format = #tpu.pack_format<interleaved>} : vector<32xbf16> -> vector<16xf32>
      %unpack3A_438 = tpu.unpack_subelements %get3A_436, 1 {pack_format = #tpu.pack_format<interleaved>} : vector<32xbf16> -> vector<16xf32>
      %gather3A_439 = tpu.vector_load_idx %arg18[%broadcast_in_dim3A_433, %add3A_9] : memref<80x16xf32, #tpu.memory_space<vmem>>[vector<16xi32>, vector<16xi32>], vector<16xf32>,
      %mul3A_440 = arith.mulf %unpack3A_437, %gather3A_439 : vector<16xf32>
      %swap3A_441 = arith.index_cast %scan3A_414 : i32 to index
      %swap3A_442 = arith.constant 0 : index
      %swap3A_443 = tpu.vector_load %arg19[%swap3A_441, %swap3A_442] {strides = array<i32>} : memref<80x64xf32, #tpu.memory_space<vmem>>, vector<16xf32>,
      tpu.vector_store %arg19[%swap3A_441, %swap3A_442], %mul3A_440 {strides = array<i32>} : memref<80x64xf32, #tpu.memory_space<vmem>>, vector<16xf32>,
      %mul3A_444 = arith.mulf %unpack3A_438, %gather3A_439 : vector<16xf32>
      %swap3A_445 = arith.index_cast %scan3A_414 : i32 to index
      %swap3A_446 = arith.constant 16 : index
      %swap3A_447 = tpu.vector_load %arg19[%swap3A_445, %swap3A_446] {strides = array<i32>} : memref<80x64xf32, #tpu.memory_space<vmem>>, vector<16xf32>,
      tpu.vector_store %arg19[%swap3A_445, %swap3A_446], %mul3A_444 {strides = array<i32>} : memref<80x64xf32, #tpu.memory_space<vmem>>, vector<16xf32>,
      %get3A_448 = arith.index_cast %scan3A_414 : i32 to index
      %get3A_449 = arith.constant 32 : index
      %get3A_450 = tpu.vector_load %arg14[%get3A_448, %get3A_449] {strides = array<i32>} : memref<80x64xbf16, #tpu.memory_space<vmem>>, vector<32xbf16>,
      %unpack3A_451 = tpu.unpack_subelements %get3A_450, 0 {pack_format = #tpu.pack_format<interleaved>} : vector<32xbf16> -> vector<16xf32>
      %unpack3A_452 = tpu.unpack_subelements %get3A_450, 1 {pack_format = #tpu.pack_format<interleaved>} : vector<32xbf16> -> vector<16xf32>
      %gather3A_453 = tpu.vector_load_idx %arg18[%broadcast_in_dim3A_433, %add3A_15] : memref<80x16xf32, #tpu.memory_space<vmem>>[vector<16xi32>, vector<16xi32>], vector<16xf32>,
      %mul3A_454 = arith.mulf %unpack3A_451, %gather3A_453 : vector<16xf32>
      %swap3A_455 = arith.index_cast %scan3A_414 : i32 to index
      %swap3A_456 = arith.constant 32 : index
      %swap3A_457 = tpu.vector_load %arg19[%swap3A_455, %swap3A_456] {strides = array<i32>} : memref<80x64xf32, #tpu.memory_space<vmem>>, vector<16xf32>,
      tpu.vector_store %arg19[%swap3A_455, %swap3A_456], %mul3A_454 {strides = array<i32>} : memref<80x64xf32, #tpu.memory_space<vmem>>, vector<16xf32>,
      %mul3A_458 = arith.mulf %unpack3A_452, %gather3A_453 : vector<16xf32>
      %swap3A_459 = arith.index_cast %scan3A_414 : i32 to index
      %swap3A_460 = arith.constant 48 : index
      %swap3A_461 = tpu.vector_load %arg19[%swap3A_459, %swap3A_460] {strides = array<i32>} : memref<80x64xf32, #tpu.memory_space<vmem>>, vector<16xf32>,
      tpu.vector_store %arg19[%swap3A_459, %swap3A_460], %mul3A_458 {strides = array<i32>} : memref<80x64xf32, #tpu.memory_space<vmem>>, vector<16xf32>,
      %scan3A_462 = arith.constant 7 : i32
      %scan3A_463 = arith.addi %scan3A_127, %scan3A_462 : i32
      %get3A_464 = arith.index_cast %scan3A_463 : i32 to index
      %get3A_465 = arith.constant 0 : index
      %get3A_466 = tpu.vector_load %arg12[%get3A_464, %get3A_465] {strides = array<i32>} : memref<80x16xf32, #tpu.memory_space<vmem>>, vector<16xf32>,
      %get3A_467 = arith.index_cast %scan3A_463 : i32 to index
      %get3A_468 = arith.constant 0 : index
      %get3A_469 = tpu.vector_load %arg13[%get3A_467, %get3A_468] {strides = array<i32>} : memref<80x16xf32, #tpu.memory_space<vmem>>, vector<16xf32>,
      %add3A_470 = arith.addf %get3A_466, %get3A_469 : vector<16xf32>
      %gt3A_471 = arith.constant 0.000000e+00 : f32
      %gt3A_472 = vector.broadcast %gt3A_471 : f32 to vector<16xf32>
      %gt3A_473 = arith.cmpf ogt, %add3A_470, %gt3A_472 : vector<16xf32>
      %mul3A_474 = arith.constant 2.000000e-01 : f32
      %mul3A_475 = vector.broadcast %mul3A_474 : f32 to vector<16xf32>
      %mul3A_476 = arith.mulf %add3A_470, %mul3A_475 : vector<16xf32>
      %select_n3A_477 = arith.select %gt3A_473, %add3A_470, %mul3A_476 : vector<16xi1>, vector<16xf32>
      %exp3A_478 = math.exp %select_n3A_477 : vector<16xf32>
      %swap3A_479 = arith.index_cast %scan3A_463 : i32 to index
      %swap3A_480 = arith.constant 0 : index
      %swap3A_481 = tpu.vector_load %arg18[%swap3A_479, %swap3A_480] {strides = array<i32>} : memref<80x16xf32, #tpu.memory_space<vmem>>, vector<16xf32>,
      tpu.vector_store %arg18[%swap3A_479, %swap3A_480], %exp3A_478 {strides = array<i32>} : memref<80x16xf32, #tpu.memory_space<vmem>>, vector<16xf32>,
      %broadcast_in_dim3A_482 = vector.broadcast %scan3A_463 : i32 to vector<16xi32>
      %get3A_483 = arith.index_cast %scan3A_463 : i32 to index
      %get3A_484 = arith.constant 0 : index
      %get3A_485 = tpu.vector_load %arg14[%get3A_483, %get3A_484] {strides = array<i32>} : memref<80x64xbf16, #tpu.memory_space<vmem>>, vector<32xbf16>,
      %unpack3A_486 = tpu.unpack_subelements %get3A_485, 0 {pack_format = #tpu.pack_format<interleaved>} : vector<32xbf16> -> vector<16xf32>
      %unpack3A_487 = tpu.unpack_subelements %get3A_485, 1 {pack_format = #tpu.pack_format<interleaved>} : vector<32xbf16> -> vector<16xf32>
      %gather3A_488 = tpu.vector_load_idx %arg18[%broadcast_in_dim3A_482, %add3A_9] : memref<80x16xf32, #tpu.memory_space<vmem>>[vector<16xi32>, vector<16xi32>], vector<16xf32>,
      %mul3A_489 = arith.mulf %unpack3A_486, %gather3A_488 : vector<16xf32>
      %swap3A_490 = arith.index_cast %scan3A_463 : i32 to index
      %swap3A_491 = arith.constant 0 : index
      %swap3A_492 = tpu.vector_load %arg19[%swap3A_490, %swap3A_491] {strides = array<i32>} : memref<80x64xf32, #tpu.memory_space<vmem>>, vector<16xf32>,
      tpu.vector_store %arg19[%swap3A_490, %swap3A_491], %mul3A_489 {strides = array<i32>} : memref<80x64xf32, #tpu.memory_space<vmem>>, vector<16xf32>,
      %mul3A_493 = arith.mulf %unpack3A_487, %gather3A_488 : vector<16xf32>
      %swap3A_494 = arith.index_cast %scan3A_463 : i32 to index
      %swap3A_495 = arith.constant 16 : index
      %swap3A_496 = tpu.vector_load %arg19[%swap3A_494, %swap3A_495] {strides = array<i32>} : memref<80x64xf32, #tpu.memory_space<vmem>>, vector<16xf32>,
      tpu.vector_store %arg19[%swap3A_494, %swap3A_495], %mul3A_493 {strides = array<i32>} : memref<80x64xf32, #tpu.memory_space<vmem>>, vector<16xf32>,
      %get3A_497 = arith.index_cast %scan3A_463 : i32 to index
      %get3A_498 = arith.constant 32 : index
      %get3A_499 = tpu.vector_load %arg14[%get3A_497, %get3A_498] {strides = array<i32>} : memref<80x64xbf16, #tpu.memory_space<vmem>>, vector<32xbf16>,
      %unpack3A_500 = tpu.unpack_subelements %get3A_499, 0 {pack_format = #tpu.pack_format<interleaved>} : vector<32xbf16> -> vector<16xf32>
      %unpack3A_501 = tpu.unpack_subelements %get3A_499, 1 {pack_format = #tpu.pack_format<interleaved>} : vector<32xbf16> -> vector<16xf32>
      %gather3A_502 = tpu.vector_load_idx %arg18[%broadcast_in_dim3A_482, %add3A_15] : memref<80x16xf32, #tpu.memory_space<vmem>>[vector<16xi32>, vector<16xi32>], vector<16xf32>,
      %mul3A_503 = arith.mulf %unpack3A_500, %gather3A_502 : vector<16xf32>
      %swap3A_504 = arith.index_cast %scan3A_463 : i32 to index
      %swap3A_505 = arith.constant 32 : index
      %swap3A_506 = tpu.vector_load %arg19[%swap3A_504, %swap3A_505] {strides = array<i32>} : memref<80x64xf32, #tpu.memory_space<vmem>>, vector<16xf32>,
      tpu.vector_store %arg19[%swap3A_504, %swap3A_505], %mul3A_503 {strides = array<i32>} : memref<80x64xf32, #tpu.memory_space<vmem>>, vector<16xf32>,
      %mul3A_507 = arith.mulf %unpack3A_501, %gather3A_502 : vector<16xf32>
      %swap3A_508 = arith.index_cast %scan3A_463 : i32 to index
      %swap3A_509 = arith.constant 48 : index
      %swap3A_510 = tpu.vector_load %arg19[%swap3A_508, %swap3A_509] {strides = array<i32>} : memref<80x64xf32, #tpu.memory_space<vmem>>, vector<16xf32>,
      tpu.vector_store %arg19[%swap3A_508, %swap3A_509], %mul3A_507 {strides = array<i32>} : memref<80x64xf32, #tpu.memory_space<vmem>>, vector<16xf32>,
    }
    %scan3A_97 = arith.constant 80 : i32
    %add3A_98 = arith.constant 9920 : i32
    %add3A_99 = arith.addi %mul3A_4, %add3A_98 : i32
    %multiple_of3A_100 = tpu.assume_multiple %add3A_99, 8 : i32
    "tpu.region"() ({
      %run_scoped3A_127 = tpu.sem_alloc : memref<!tpu.dma_semaphore, #tpu.memory_space<semaphore_mem>>
      %dma_start3A_128 = arith.constant 0 : i32
      %dma_start3A_129 = tpu.memref_slice %arg7[%multiple_of3A_100, %dma_start3A_128] : memref<320000x16xf32, #tpu.memory_space<hbm>> -> memref<80x16xf32, #tpu.memory_space<hbm>>
      %dma_start3A_130 = arith.constant 0 : i32
      %dma_start3A_131 = tpu.memref_slice %arg7[%multiple_of3A_100, %dma_start3A_130] : memref<320000x16xf32, #tpu.memory_space<hbm>> -> memref<80x16xf32, #tpu.memory_space<hbm>>
      tpu.enqueue_dma source(%arg18 : memref<80x16xf32, #tpu.memory_space<vmem>>) target(%dma_start3A_131 : memref<80x16xf32, #tpu.memory_space<hbm>>) target_semaphore(%run_scoped3A_127 : memref<!tpu.dma_semaphore, #tpu.memory_space<semaphore_mem>>)
      %dma_wait3A_132 = arith.constant 0 : i32
      %dma_wait3A_133 = tpu.memref_slice %arg7[%multiple_of3A_100, %dma_wait3A_132] : memref<320000x16xf32, #tpu.memory_space<hbm>> -> memref<80x16xf32, #tpu.memory_space<hbm>>
      %dma_wait3A_134 = arith.constant 0 : i32
      %dma_wait3A_135 = tpu.memref_slice %arg7[%multiple_of3A_100, %dma_wait3A_134] : memref<320000x16xf32, #tpu.memory_space<hbm>> -> memref<80x16xf32, #tpu.memory_space<hbm>>
      tpu.wait_dma2 semaphore(%run_scoped3A_127 : memref<!tpu.dma_semaphore, #tpu.memory_space<semaphore_mem>>) src(%arg18 : memref<80x16xf32, #tpu.memory_space<vmem>>) dst(%dma_wait3A_135 : memref<80x16xf32, #tpu.memory_space<hbm>>)
      tpu.yield
    }) : () -> ()
    %run_scoped3A = arith.constant 124 : i32
    "tpu.region"() ({
      %run_scoped3A_127 = tpu.sem_alloc : memref<!tpu.dma_semaphore, #tpu.memory_space<semaphore_mem>>
      %dma_start3A_128 = arith.constant 0 : i32
      %dma_start3A_129 = tpu.memref_slice %arg11[%run_scoped3A, %dma_start3A_128] : memref<125x80xi32, #tpu.memory_space<vmem>> -> memref<1x80xi32, #tpu.memory_space<vmem>>
      %dma_start3A_130 = tpu.memref_squeeze %dma_start3A_129 : memref<1x80xi32, #tpu.memory_space<vmem>> -> memref<80xi32, #tpu.memory_space<vmem>>
      %dma_start3A_131 = arith.constant 0 : i32
      %dma_start3A_132 = arith.constant 0 : i32
      %dma_start3A_133 = tpu.memref_slice %arg22[%dma_start3A_131, %dma_start3A_132] : memref<10112x16xf32, #tpu.memory_space<vmem_shared>> -> memref<10112x16xf32, #tpu.memory_space<vmem_shared>>
      tpu.enqueue_indirect_dma source(%arg18 : memref<80x16xf32, #tpu.memory_space<vmem>>) target(%dma_start3A_133 : memref<10112x16xf32, #tpu.memory_space<vmem_shared>>) offsets(%dma_start3A_130 : memref<80xi32, #tpu.memory_space<vmem>>) semaphore(%run_scoped3A_127 : memref<!tpu.dma_semaphore, #tpu.memory_space<semaphore_mem>>) {add = true}
      %dma_wait3A_134 = arith.constant 0 : i32
      %dma_wait3A_135 = tpu.memref_slice %arg11[%run_scoped3A, %dma_wait3A_134] : memref<125x80xi32, #tpu.memory_space<vmem>> -> memref<1x80xi32, #tpu.memory_space<vmem>>
      %dma_wait3A_136 = tpu.memref_squeeze %dma_wait3A_135 : memref<1x80xi32, #tpu.memory_space<vmem>> -> memref<80xi32, #tpu.memory_space<vmem>>
      %dma_wait3A_137 = arith.constant 0 : i32
      %dma_wait3A_138 = arith.constant 0 : i32
      %dma_wait3A_139 = tpu.memref_slice %arg22[%dma_wait3A_137, %dma_wait3A_138] : memref<10112x16xf32, #tpu.memory_space<vmem_shared>> -> memref<10112x16xf32, #tpu.memory_space<vmem_shared>>
      tpu.wait_indirect_dma semaphore(%run_scoped3A_127 : memref<!tpu.dma_semaphore, #tpu.memory_space<semaphore_mem>>) src(%arg18 : memref<80x16xf32, #tpu.memory_space<vmem>>) dst(%dma_wait3A_139 : memref<10112x16xf32, #tpu.memory_space<vmem_shared>>)
      tpu.yield
    }) : () -> ()
    %run_scoped3A_101 = arith.constant 124 : i32
    "tpu.region"() ({
      %run_scoped3A_127 = tpu.sem_alloc : memref<!tpu.dma_semaphore, #tpu.memory_space<semaphore_mem>>
      %dma_start3A_128 = arith.constant 0 : i32
      %dma_start3A_129 = tpu.memref_slice %arg11[%run_scoped3A_101, %dma_start3A_128] : memref<125x80xi32, #tpu.memory_space<vmem>> -> memref<1x80xi32, #tpu.memory_space<vmem>>
      %dma_start3A_130 = tpu.memref_squeeze %dma_start3A_129 : memref<1x80xi32, #tpu.memory_space<vmem>> -> memref<80xi32, #tpu.memory_space<vmem>>
      %dma_start3A_131 = arith.constant 0 : i32
      %dma_start3A_132 = arith.constant 0 : i32
      %dma_start3A_133 = tpu.memref_slice %arg23[%dma_start3A_131, %dma_start3A_132] : memref<10112x64xf32, #tpu.memory_space<vmem_shared>> -> memref<10112x64xf32, #tpu.memory_space<vmem_shared>>
      tpu.enqueue_indirect_dma source(%arg19 : memref<80x64xf32, #tpu.memory_space<vmem>>) target(%dma_start3A_133 : memref<10112x64xf32, #tpu.memory_space<vmem_shared>>) offsets(%dma_start3A_130 : memref<80xi32, #tpu.memory_space<vmem>>) semaphore(%run_scoped3A_127 : memref<!tpu.dma_semaphore, #tpu.memory_space<semaphore_mem>>) {add = true}
      %dma_wait3A_134 = arith.constant 0 : i32
      %dma_wait3A_135 = tpu.memref_slice %arg11[%run_scoped3A_101, %dma_wait3A_134] : memref<125x80xi32, #tpu.memory_space<vmem>> -> memref<1x80xi32, #tpu.memory_space<vmem>>
      %dma_wait3A_136 = tpu.memref_squeeze %dma_wait3A_135 : memref<1x80xi32, #tpu.memory_space<vmem>> -> memref<80xi32, #tpu.memory_space<vmem>>
      %dma_wait3A_137 = arith.constant 0 : i32
      %dma_wait3A_138 = arith.constant 0 : i32
      %dma_wait3A_139 = tpu.memref_slice %arg23[%dma_wait3A_137, %dma_wait3A_138] : memref<10112x64xf32, #tpu.memory_space<vmem_shared>> -> memref<10112x64xf32, #tpu.memory_space<vmem_shared>>
      tpu.wait_indirect_dma semaphore(%run_scoped3A_127 : memref<!tpu.dma_semaphore, #tpu.memory_space<semaphore_mem>>) src(%arg19 : memref<80x64xf32, #tpu.memory_space<vmem>>) dst(%dma_wait3A_139 : memref<10112x64xf32, #tpu.memory_space<vmem_shared>>)
      tpu.yield
    }) : () -> ()
    %barrier3A_102 = arith.constant 0 : index
    tpu.barrier barrier_id(%barrier3A_102)
    %add3A_103 = arith.constant 0 : i32
    %add3A_104 = arith.addi %multiple_of3A, %add3A_103 : i32
    %multiple_of3A_105 = tpu.assume_multiple %add3A_104, 8 : i32
    "tpu.region"() ({
      %run_scoped3A_127 = tpu.sem_alloc : memref<!tpu.dma_semaphore, #tpu.memory_space<semaphore_mem>>
      %dma_start3A_128 = arith.constant 0 : i32
      %dma_start3A_129 = arith.constant 0 : i32
      %dma_start3A_130 = tpu.memref_slice %arg8[%arg0, %dma_start3A_128, %dma_start3A_129] : memref<2x10112x16xf32, #tpu.memory_space<hbm>> -> memref<1x10112x16xf32, #tpu.memory_space<hbm>>
      %dma_start3A_131 = tpu.memref_squeeze %dma_start3A_130 : memref<1x10112x16xf32, #tpu.memory_space<hbm>> -> memref<10112x16xf32, #tpu.memory_space<hbm>>
      %dma_start3A_132 = arith.constant 0 : i32
      %dma_start3A_133 = tpu.memref_slice %dma_start3A_131[%multiple_of3A_105, %dma_start3A_132] : memref<10112x16xf32, #tpu.memory_space<hbm>> -> memref<80x16xf32, #tpu.memory_space<hbm>>
      %dma_start3A_134 = arith.constant 0 : i32
      %dma_start3A_135 = tpu.memref_slice %arg22[%multiple_of3A_105, %dma_start3A_134] : memref<10112x16xf32, #tpu.memory_space<vmem_shared>> -> memref<80x16xf32, #tpu.memory_space<vmem_shared>>
      tpu.enqueue_dma source(%dma_start3A_135 : memref<80x16xf32, #tpu.memory_space<vmem_shared>>) target(%dma_start3A_133 : memref<80x16xf32, #tpu.memory_space<hbm>>) target_semaphore(%run_scoped3A_127 : memref<!tpu.dma_semaphore, #tpu.memory_space<semaphore_mem>>)
      %dma_wait3A_136 = arith.constant 0 : i32
      %dma_wait3A_137 = arith.constant 0 : i32
      %dma_wait3A_138 = tpu.memref_slice %arg8[%arg0, %dma_wait3A_136, %dma_wait3A_137] : memref<2x10112x16xf32, #tpu.memory_space<hbm>> -> memref<1x10112x16xf32, #tpu.memory_space<hbm>>
      %dma_wait3A_139 = tpu.memref_squeeze %dma_wait3A_138 : memref<1x10112x16xf32, #tpu.memory_space<hbm>> -> memref<10112x16xf32, #tpu.memory_space<hbm>>
      %dma_wait3A_140 = arith.constant 0 : i32
      %dma_wait3A_141 = tpu.memref_slice %dma_wait3A_139[%multiple_of3A_105, %dma_wait3A_140] : memref<10112x16xf32, #tpu.memory_space<hbm>> -> memref<80x16xf32, #tpu.memory_space<hbm>>
      %dma_wait3A_142 = arith.constant 0 : i32
      %dma_wait3A_143 = tpu.memref_slice %arg22[%multiple_of3A_105, %dma_wait3A_142] : memref<10112x16xf32, #tpu.memory_space<vmem_shared>> -> memref<80x16xf32, #tpu.memory_space<vmem_shared>>
      tpu.wait_dma2 semaphore(%run_scoped3A_127 : memref<!tpu.dma_semaphore, #tpu.memory_space<semaphore_mem>>) src(%dma_wait3A_143 : memref<80x16xf32, #tpu.memory_space<vmem_shared>>) dst(%dma_wait3A_141 : memref<80x16xf32, #tpu.memory_space<hbm>>)
      tpu.yield
    }) : () -> ()
    "tpu.region"() ({
      %run_scoped3A_127 = tpu.sem_alloc : memref<!tpu.dma_semaphore, #tpu.memory_space<semaphore_mem>>
      %dma_start3A_128 = arith.constant 0 : i32
      %dma_start3A_129 = arith.constant 0 : i32
      %dma_start3A_130 = tpu.memref_slice %arg9[%arg0, %dma_start3A_128, %dma_start3A_129] : memref<2x10112x64xf32, #tpu.memory_space<hbm>> -> memref<1x10112x64xf32, #tpu.memory_space<hbm>>
      %dma_start3A_131 = tpu.memref_squeeze %dma_start3A_130 : memref<1x10112x64xf32, #tpu.memory_space<hbm>> -> memref<10112x64xf32, #tpu.memory_space<hbm>>
      %dma_start3A_132 = arith.constant 0 : i32
      %dma_start3A_133 = tpu.memref_slice %dma_start3A_131[%multiple_of3A_105, %dma_start3A_132] : memref<10112x64xf32, #tpu.memory_space<hbm>> -> memref<80x64xf32, #tpu.memory_space<hbm>>
      %dma_start3A_134 = arith.constant 0 : i32
      %dma_start3A_135 = tpu.memref_slice %arg23[%multiple_of3A_105, %dma_start3A_134] : memref<10112x64xf32, #tpu.memory_space<vmem_shared>> -> memref<80x64xf32, #tpu.memory_space<vmem_shared>>
      tpu.enqueue_dma source(%dma_start3A_135 : memref<80x64xf32, #tpu.memory_space<vmem_shared>>) target(%dma_start3A_133 : memref<80x64xf32, #tpu.memory_space<hbm>>) target_semaphore(%run_scoped3A_127 : memref<!tpu.dma_semaphore, #tpu.memory_space<semaphore_mem>>)
      %dma_wait3A_136 = arith.constant 0 : i32
      %dma_wait3A_137 = arith.constant 0 : i32
      %dma_wait3A_138 = tpu.memref_slice %arg9[%arg0, %dma_wait3A_136, %dma_wait3A_137] : memref<2x10112x64xf32, #tpu.memory_space<hbm>> -> memref<1x10112x64xf32, #tpu.memory_space<hbm>>
      %dma_wait3A_139 = tpu.memref_squeeze %dma_wait3A_138 : memref<1x10112x64xf32, #tpu.memory_space<hbm>> -> memref<10112x64xf32, #tpu.memory_space<hbm>>
      %dma_wait3A_140 = arith.constant 0 : i32
      %dma_wait3A_141 = tpu.memref_slice %dma_wait3A_139[%multiple_of3A_105, %dma_wait3A_140] : memref<10112x64xf32, #tpu.memory_space<hbm>> -> memref<80x64xf32, #tpu.memory_space<hbm>>
      %dma_wait3A_142 = arith.constant 0 : i32
      %dma_wait3A_143 = tpu.memref_slice %arg23[%multiple_of3A_105, %dma_wait3A_142] : memref<10112x64xf32, #tpu.memory_space<vmem_shared>> -> memref<80x64xf32, #tpu.memory_space<vmem_shared>>
      tpu.wait_dma2 semaphore(%run_scoped3A_127 : memref<!tpu.dma_semaphore, #tpu.memory_space<semaphore_mem>>) src(%dma_wait3A_143 : memref<80x64xf32, #tpu.memory_space<vmem_shared>>) dst(%dma_wait3A_141 : memref<80x64xf32, #tpu.memory_space<hbm>>)
      tpu.yield
    }) : () -> ()
    %add3A_106 = arith.constant 80 : i32
    %add3A_107 = arith.addi %multiple_of3A, %add3A_106 : i32
    %multiple_of3A_108 = tpu.assume_multiple %add3A_107, 8 : i32
    "tpu.region"() ({
      %run_scoped3A_127 = tpu.sem_alloc : memref<!tpu.dma_semaphore, #tpu.memory_space<semaphore_mem>>
      %dma_start3A_128 = arith.constant 0 : i32
      %dma_start3A_129 = arith.constant 0 : i32
      %dma_start3A_130 = tpu.memref_slice %arg8[%arg0, %dma_start3A_128, %dma_start3A_129] : memref<2x10112x16xf32, #tpu.memory_space<hbm>> -> memref<1x10112x16xf32, #tpu.memory_space<hbm>>
      %dma_start3A_131 = tpu.memref_squeeze %dma_start3A_130 : memref<1x10112x16xf32, #tpu.memory_space<hbm>> -> memref<10112x16xf32, #tpu.memory_space<hbm>>
      %dma_start3A_132 = arith.constant 0 : i32
      %dma_start3A_133 = tpu.memref_slice %dma_start3A_131[%multiple_of3A_108, %dma_start3A_132] : memref<10112x16xf32, #tpu.memory_space<hbm>> -> memref<80x16xf32, #tpu.memory_space<hbm>>
      %dma_start3A_134 = arith.constant 0 : i32
      %dma_start3A_135 = tpu.memref_slice %arg22[%multiple_of3A_108, %dma_start3A_134] : memref<10112x16xf32, #tpu.memory_space<vmem_shared>> -> memref<80x16xf32, #tpu.memory_space<vmem_shared>>
      tpu.enqueue_dma source(%dma_start3A_135 : memref<80x16xf32, #tpu.memory_space<vmem_shared>>) target(%dma_start3A_133 : memref<80x16xf32, #tpu.memory_space<hbm>>) target_semaphore(%run_scoped3A_127 : memref<!tpu.dma_semaphore, #tpu.memory_space<semaphore_mem>>)
      %dma_wait3A_136 = arith.constant 0 : i32
      %dma_wait3A_137 = arith.constant 0 : i32
      %dma_wait3A_138 = tpu.memref_slice %arg8[%arg0, %dma_wait3A_136, %dma_wait3A_137] : memref<2x10112x16xf32, #tpu.memory_space<hbm>> -> memref<1x10112x16xf32, #tpu.memory_space<hbm>>
      %dma_wait3A_139 = tpu.memref_squeeze %dma_wait3A_138 : memref<1x10112x16xf32, #tpu.memory_space<hbm>> -> memref<10112x16xf32, #tpu.memory_space<hbm>>
      %dma_wait3A_140 = arith.constant 0 : i32
      %dma_wait3A_141 = tpu.memref_slice %dma_wait3A_139[%multiple_of3A_108, %dma_wait3A_140] : memref<10112x16xf32, #tpu.memory_space<hbm>> -> memref<80x16xf32, #tpu.memory_space<hbm>>
      %dma_wait3A_142 = arith.constant 0 : i32
      %dma_wait3A_143 = tpu.memref_slice %arg22[%multiple_of3A_108, %dma_wait3A_142] : memref<10112x16xf32, #tpu.memory_space<vmem_shared>> -> memref<80x16xf32, #tpu.memory_space<vmem_shared>>
      tpu.wait_dma2 semaphore(%run_scoped3A_127 : memref<!tpu.dma_semaphore, #tpu.memory_space<semaphore_mem>>) src(%dma_wait3A_143 : memref<80x16xf32, #tpu.memory_space<vmem_shared>>) dst(%dma_wait3A_141 : memref<80x16xf32, #tpu.memory_space<hbm>>)
      tpu.yield
    }) : () -> ()
    "tpu.region"() ({
      %run_scoped3A_127 = tpu.sem_alloc : memref<!tpu.dma_semaphore, #tpu.memory_space<semaphore_mem>>
      %dma_start3A_128 = arith.constant 0 : i32
      %dma_start3A_129 = arith.constant 0 : i32
      %dma_start3A_130 = tpu.memref_slice %arg9[%arg0, %dma_start3A_128, %dma_start3A_129] : memref<2x10112x64xf32, #tpu.memory_space<hbm>> -> memref<1x10112x64xf32, #tpu.memory_space<hbm>>
      %dma_start3A_131 = tpu.memref_squeeze %dma_start3A_130 : memref<1x10112x64xf32, #tpu.memory_space<hbm>> -> memref<10112x64xf32, #tpu.memory_space<hbm>>
      %dma_start3A_132 = arith.constant 0 : i32
      %dma_start3A_133 = tpu.memref_slice %dma_start3A_131[%multiple_of3A_108, %dma_start3A_132] : memref<10112x64xf32, #tpu.memory_space<hbm>> -> memref<80x64xf32, #tpu.memory_space<hbm>>
      %dma_start3A_134 = arith.constant 0 : i32
      %dma_start3A_135 = tpu.memref_slice %arg23[%multiple_of3A_108, %dma_start3A_134] : memref<10112x64xf32, #tpu.memory_space<vmem_shared>> -> memref<80x64xf32, #tpu.memory_space<vmem_shared>>
      tpu.enqueue_dma source(%dma_start3A_135 : memref<80x64xf32, #tpu.memory_space<vmem_shared>>) target(%dma_start3A_133 : memref<80x64xf32, #tpu.memory_space<hbm>>) target_semaphore(%run_scoped3A_127 : memref<!tpu.dma_semaphore, #tpu.memory_space<semaphore_mem>>)
      %dma_wait3A_136 = arith.constant 0 : i32
      %dma_wait3A_137 = arith.constant 0 : i32
      %dma_wait3A_138 = tpu.memref_slice %arg9[%arg0, %dma_wait3A_136, %dma_wait3A_137] : memref<2x10112x64xf32, #tpu.memory_space<hbm>> -> memref<1x10112x64xf32, #tpu.memory_space<hbm>>
      %dma_wait3A_139 = tpu.memref_squeeze %dma_wait3A_138 : memref<1x10112x64xf32, #tpu.memory_space<hbm>> -> memref<10112x64xf32, #tpu.memory_space<hbm>>
      %dma_wait3A_140 = arith.constant 0 : i32
      %dma_wait3A_141 = tpu.memref_slice %dma_wait3A_139[%multiple_of3A_108, %dma_wait3A_140] : memref<10112x64xf32, #tpu.memory_space<hbm>> -> memref<80x64xf32, #tpu.memory_space<hbm>>
      %dma_wait3A_142 = arith.constant 0 : i32
      %dma_wait3A_143 = tpu.memref_slice %arg23[%multiple_of3A_108, %dma_wait3A_142] : memref<10112x64xf32, #tpu.memory_space<vmem_shared>> -> memref<80x64xf32, #tpu.memory_space<vmem_shared>>
      tpu.wait_dma2 semaphore(%run_scoped3A_127 : memref<!tpu.dma_semaphore, #tpu.memory_space<semaphore_mem>>) src(%dma_wait3A_143 : memref<80x64xf32, #tpu.memory_space<vmem_shared>>) dst(%dma_wait3A_141 : memref<80x64xf32, #tpu.memory_space<hbm>>)
      tpu.yield
    }) : () -> ()
    %add3A_109 = arith.constant 160 : i32
    %add3A_110 = arith.addi %multiple_of3A, %add3A_109 : i32
    %multiple_of3A_111 = tpu.assume_multiple %add3A_110, 8 : i32
    "tpu.region"() ({
      %run_scoped3A_127 = tpu.sem_alloc : memref<!tpu.dma_semaphore, #tpu.memory_space<semaphore_mem>>
      %dma_start3A_128 = arith.constant 0 : i32
      %dma_start3A_129 = arith.constant 0 : i32
      %dma_start3A_130 = tpu.memref_slice %arg8[%arg0, %dma_start3A_128, %dma_start3A_129] : memref<2x10112x16xf32, #tpu.memory_space<hbm>> -> memref<1x10112x16xf32, #tpu.memory_space<hbm>>
      %dma_start3A_131 = tpu.memref_squeeze %dma_start3A_130 : memref<1x10112x16xf32, #tpu.memory_space<hbm>> -> memref<10112x16xf32, #tpu.memory_space<hbm>>
      %dma_start3A_132 = arith.constant 0 : i32
      %dma_start3A_133 = tpu.memref_slice %dma_start3A_131[%multiple_of3A_111, %dma_start3A_132] : memref<10112x16xf32, #tpu.memory_space<hbm>> -> memref<80x16xf32, #tpu.memory_space<hbm>>
      %dma_start3A_134 = arith.constant 0 : i32
      %dma_start3A_135 = tpu.memref_slice %arg22[%multiple_of3A_111, %dma_start3A_134] : memref<10112x16xf32, #tpu.memory_space<vmem_shared>> -> memref<80x16xf32, #tpu.memory_space<vmem_shared>>
      tpu.enqueue_dma source(%dma_start3A_135 : memref<80x16xf32, #tpu.memory_space<vmem_shared>>) target(%dma_start3A_133 : memref<80x16xf32, #tpu.memory_space<hbm>>) target_semaphore(%run_scoped3A_127 : memref<!tpu.dma_semaphore, #tpu.memory_space<semaphore_mem>>)
      %dma_wait3A_136 = arith.constant 0 : i32
      %dma_wait3A_137 = arith.constant 0 : i32
      %dma_wait3A_138 = tpu.memref_slice %arg8[%arg0, %dma_wait3A_136, %dma_wait3A_137] : memref<2x10112x16xf32, #tpu.memory_space<hbm>> -> memref<1x10112x16xf32, #tpu.memory_space<hbm>>
      %dma_wait3A_139 = tpu.memref_squeeze %dma_wait3A_138 : memref<1x10112x16xf32, #tpu.memory_space<hbm>> -> memref<10112x16xf32, #tpu.memory_space<hbm>>
      %dma_wait3A_140 = arith.constant 0 : i32
      %dma_wait3A_141 = tpu.memref_slice %dma_wait3A_139[%multiple_of3A_111, %dma_wait3A_140] : memref<10112x16xf32, #tpu.memory_space<hbm>> -> memref<80x16xf32, #tpu.memory_space<hbm>>
      %dma_wait3A_142 = arith.constant 0 : i32
      %dma_wait3A_143 = tpu.memref_slice %arg22[%multiple_of3A_111, %dma_wait3A_142] : memref<10112x16xf32, #tpu.memory_space<vmem_shared>> -> memref<80x16xf32, #tpu.memory_space<vmem_shared>>
      tpu.wait_dma2 semaphore(%run_scoped3A_127 : memref<!tpu.dma_semaphore, #tpu.memory_space<semaphore_mem>>) src(%dma_wait3A_143 : memref<80x16xf32, #tpu.memory_space<vmem_shared>>) dst(%dma_wait3A_141 : memref<80x16xf32, #tpu.memory_space<hbm>>)
      tpu.yield
    }) : () -> ()
    "tpu.region"() ({
      %run_scoped3A_127 = tpu.sem_alloc : memref<!tpu.dma_semaphore, #tpu.memory_space<semaphore_mem>>
      %dma_start3A_128 = arith.constant 0 : i32
      %dma_start3A_129 = arith.constant 0 : i32
      %dma_start3A_130 = tpu.memref_slice %arg9[%arg0, %dma_start3A_128, %dma_start3A_129] : memref<2x10112x64xf32, #tpu.memory_space<hbm>> -> memref<1x10112x64xf32, #tpu.memory_space<hbm>>
      %dma_start3A_131 = tpu.memref_squeeze %dma_start3A_130 : memref<1x10112x64xf32, #tpu.memory_space<hbm>> -> memref<10112x64xf32, #tpu.memory_space<hbm>>
      %dma_start3A_132 = arith.constant 0 : i32
      %dma_start3A_133 = tpu.memref_slice %dma_start3A_131[%multiple_of3A_111, %dma_start3A_132] : memref<10112x64xf32, #tpu.memory_space<hbm>> -> memref<80x64xf32, #tpu.memory_space<hbm>>
      %dma_start3A_134 = arith.constant 0 : i32
      %dma_start3A_135 = tpu.memref_slice %arg23[%multiple_of3A_111, %dma_start3A_134] : memref<10112x64xf32, #tpu.memory_space<vmem_shared>> -> memref<80x64xf32, #tpu.memory_space<vmem_shared>>
      tpu.enqueue_dma source(%dma_start3A_135 : memref<80x64xf32, #tpu.memory_space<vmem_shared>>) target(%dma_start3A_133 : memref<80x64xf32, #tpu.memory_space<hbm>>) target_semaphore(%run_scoped3A_127 : memref<!tpu.dma_semaphore, #tpu.memory_space<semaphore_mem>>)
      %dma_wait3A_136 = arith.constant 0 : i32
      %dma_wait3A_137 = arith.constant 0 : i32
      %dma_wait3A_138 = tpu.memref_slice %arg9[%arg0, %dma_wait3A_136, %dma_wait3A_137] : memref<2x10112x64xf32, #tpu.memory_space<hbm>> -> memref<1x10112x64xf32, #tpu.memory_space<hbm>>
      %dma_wait3A_139 = tpu.memref_squeeze %dma_wait3A_138 : memref<1x10112x64xf32, #tpu.memory_space<hbm>> -> memref<10112x64xf32, #tpu.memory_space<hbm>>
      %dma_wait3A_140 = arith.constant 0 : i32
      %dma_wait3A_141 = tpu.memref_slice %dma_wait3A_139[%multiple_of3A_111, %dma_wait3A_140] : memref<10112x64xf32, #tpu.memory_space<hbm>> -> memref<80x64xf32, #tpu.memory_space<hbm>>
      %dma_wait3A_142 = arith.constant 0 : i32
      %dma_wait3A_143 = tpu.memref_slice %arg23[%multiple_of3A_111, %dma_wait3A_142] : memref<10112x64xf32, #tpu.memory_space<vmem_shared>> -> memref<80x64xf32, #tpu.memory_space<vmem_shared>>
      tpu.wait_dma2 semaphore(%run_scoped3A_127 : memref<!tpu.dma_semaphore, #tpu.memory_space<semaphore_mem>>) src(%dma_wait3A_143 : memref<80x64xf32, #tpu.memory_space<vmem_shared>>) dst(%dma_wait3A_141 : memref<80x64xf32, #tpu.memory_space<hbm>>)
      tpu.yield
    }) : () -> ()
    %add3A_112 = arith.constant 240 : i32
    %add3A_113 = arith.addi %multiple_of3A, %add3A_112 : i32
    %multiple_of3A_114 = tpu.assume_multiple %add3A_113, 8 : i32
    "tpu.region"() ({
      %run_scoped3A_127 = tpu.sem_alloc : memref<!tpu.dma_semaphore, #tpu.memory_space<semaphore_mem>>
      %dma_start3A_128 = arith.constant 0 : i32
      %dma_start3A_129 = arith.constant 0 : i32
      %dma_start3A_130 = tpu.memref_slice %arg8[%arg0, %dma_start3A_128, %dma_start3A_129] : memref<2x10112x16xf32, #tpu.memory_space<hbm>> -> memref<1x10112x16xf32, #tpu.memory_space<hbm>>
      %dma_start3A_131 = tpu.memref_squeeze %dma_start3A_130 : memref<1x10112x16xf32, #tpu.memory_space<hbm>> -> memref<10112x16xf32, #tpu.memory_space<hbm>>
      %dma_start3A_132 = arith.constant 0 : i32
      %dma_start3A_133 = tpu.memref_slice %dma_start3A_131[%multiple_of3A_114, %dma_start3A_132] : memref<10112x16xf32, #tpu.memory_space<hbm>> -> memref<80x16xf32, #tpu.memory_space<hbm>>
      %dma_start3A_134 = arith.constant 0 : i32
      %dma_start3A_135 = tpu.memref_slice %arg22[%multiple_of3A_114, %dma_start3A_134] : memref<10112x16xf32, #tpu.memory_space<vmem_shared>> -> memref<80x16xf32, #tpu.memory_space<vmem_shared>>
      tpu.enqueue_dma source(%dma_start3A_135 : memref<80x16xf32, #tpu.memory_space<vmem_shared>>) target(%dma_start3A_133 : memref<80x16xf32, #tpu.memory_space<hbm>>) target_semaphore(%run_scoped3A_127 : memref<!tpu.dma_semaphore, #tpu.memory_space<semaphore_mem>>)
      %dma_wait3A_136 = arith.constant 0 : i32
      %dma_wait3A_137 = arith.constant 0 : i32
      %dma_wait3A_138 = tpu.memref_slice %arg8[%arg0, %dma_wait3A_136, %dma_wait3A_137] : memref<2x10112x16xf32, #tpu.memory_space<hbm>> -> memref<1x10112x16xf32, #tpu.memory_space<hbm>>
      %dma_wait3A_139 = tpu.memref_squeeze %dma_wait3A_138 : memref<1x10112x16xf32, #tpu.memory_space<hbm>> -> memref<10112x16xf32, #tpu.memory_space<hbm>>
      %dma_wait3A_140 = arith.constant 0 : i32
      %dma_wait3A_141 = tpu.memref_slice %dma_wait3A_139[%multiple_of3A_114, %dma_wait3A_140] : memref<10112x16xf32, #tpu.memory_space<hbm>> -> memref<80x16xf32, #tpu.memory_space<hbm>>
      %dma_wait3A_142 = arith.constant 0 : i32
      %dma_wait3A_143 = tpu.memref_slice %arg22[%multiple_of3A_114, %dma_wait3A_142] : memref<10112x16xf32, #tpu.memory_space<vmem_shared>> -> memref<80x16xf32, #tpu.memory_space<vmem_shared>>
      tpu.wait_dma2 semaphore(%run_scoped3A_127 : memref<!tpu.dma_semaphore, #tpu.memory_space<semaphore_mem>>) src(%dma_wait3A_143 : memref<80x16xf32, #tpu.memory_space<vmem_shared>>) dst(%dma_wait3A_141 : memref<80x16xf32, #tpu.memory_space<hbm>>)
      tpu.yield
    }) : () -> ()
    "tpu.region"() ({
      %run_scoped3A_127 = tpu.sem_alloc : memref<!tpu.dma_semaphore, #tpu.memory_space<semaphore_mem>>
      %dma_start3A_128 = arith.constant 0 : i32
      %dma_start3A_129 = arith.constant 0 : i32
      %dma_start3A_130 = tpu.memref_slice %arg9[%arg0, %dma_start3A_128, %dma_start3A_129] : memref<2x10112x64xf32, #tpu.memory_space<hbm>> -> memref<1x10112x64xf32, #tpu.memory_space<hbm>>
      %dma_start3A_131 = tpu.memref_squeeze %dma_start3A_130 : memref<1x10112x64xf32, #tpu.memory_space<hbm>> -> memref<10112x64xf32, #tpu.memory_space<hbm>>
      %dma_start3A_132 = arith.constant 0 : i32
      %dma_start3A_133 = tpu.memref_slice %dma_start3A_131[%multiple_of3A_114, %dma_start3A_132] : memref<10112x64xf32, #tpu.memory_space<hbm>> -> memref<80x64xf32, #tpu.memory_space<hbm>>
      %dma_start3A_134 = arith.constant 0 : i32
      %dma_start3A_135 = tpu.memref_slice %arg23[%multiple_of3A_114, %dma_start3A_134] : memref<10112x64xf32, #tpu.memory_space<vmem_shared>> -> memref<80x64xf32, #tpu.memory_space<vmem_shared>>
      tpu.enqueue_dma source(%dma_start3A_135 : memref<80x64xf32, #tpu.memory_space<vmem_shared>>) target(%dma_start3A_133 : memref<80x64xf32, #tpu.memory_space<hbm>>) target_semaphore(%run_scoped3A_127 : memref<!tpu.dma_semaphore, #tpu.memory_space<semaphore_mem>>)
      %dma_wait3A_136 = arith.constant 0 : i32
      %dma_wait3A_137 = arith.constant 0 : i32
      %dma_wait3A_138 = tpu.memref_slice %arg9[%arg0, %dma_wait3A_136, %dma_wait3A_137] : memref<2x10112x64xf32, #tpu.memory_space<hbm>> -> memref<1x10112x64xf32, #tpu.memory_space<hbm>>
      %dma_wait3A_139 = tpu.memref_squeeze %dma_wait3A_138 : memref<1x10112x64xf32, #tpu.memory_space<hbm>> -> memref<10112x64xf32, #tpu.memory_space<hbm>>
      %dma_wait3A_140 = arith.constant 0 : i32
      %dma_wait3A_141 = tpu.memref_slice %dma_wait3A_139[%multiple_of3A_114, %dma_wait3A_140] : memref<10112x64xf32, #tpu.memory_space<hbm>> -> memref<80x64xf32, #tpu.memory_space<hbm>>
      %dma_wait3A_142 = arith.constant 0 : i32
      %dma_wait3A_143 = tpu.memref_slice %arg23[%multiple_of3A_114, %dma_wait3A_142] : memref<10112x64xf32, #tpu.memory_space<vmem_shared>> -> memref<80x64xf32, #tpu.memory_space<vmem_shared>>
      tpu.wait_dma2 semaphore(%run_scoped3A_127 : memref<!tpu.dma_semaphore, #tpu.memory_space<semaphore_mem>>) src(%dma_wait3A_143 : memref<80x64xf32, #tpu.memory_space<vmem_shared>>) dst(%dma_wait3A_141 : memref<80x64xf32, #tpu.memory_space<hbm>>)
      tpu.yield
    }) : () -> ()
    %add3A_115 = arith.constant 320 : i32
    %add3A_116 = arith.addi %multiple_of3A, %add3A_115 : i32
    %multiple_of3A_117 = tpu.assume_multiple %add3A_116, 8 : i32
    "tpu.region"() ({
      %run_scoped3A_127 = tpu.sem_alloc : memref<!tpu.dma_semaphore, #tpu.memory_space<semaphore_mem>>
      %dma_start3A_128 = arith.constant 0 : i32
      %dma_start3A_129 = arith.constant 0 : i32
      %dma_start3A_130 = tpu.memref_slice %arg8[%arg0, %dma_start3A_128, %dma_start3A_129] : memref<2x10112x16xf32, #tpu.memory_space<hbm>> -> memref<1x10112x16xf32, #tpu.memory_space<hbm>>
      %dma_start3A_131 = tpu.memref_squeeze %dma_start3A_130 : memref<1x10112x16xf32, #tpu.memory_space<hbm>> -> memref<10112x16xf32, #tpu.memory_space<hbm>>
      %dma_start3A_132 = arith.constant 0 : i32
      %dma_start3A_133 = tpu.memref_slice %dma_start3A_131[%multiple_of3A_117, %dma_start3A_132] : memref<10112x16xf32, #tpu.memory_space<hbm>> -> memref<80x16xf32, #tpu.memory_space<hbm>>
      %dma_start3A_134 = arith.constant 0 : i32
      %dma_start3A_135 = tpu.memref_slice %arg22[%multiple_of3A_117, %dma_start3A_134] : memref<10112x16xf32, #tpu.memory_space<vmem_shared>> -> memref<80x16xf32, #tpu.memory_space<vmem_shared>>
      tpu.enqueue_dma source(%dma_start3A_135 : memref<80x16xf32, #tpu.memory_space<vmem_shared>>) target(%dma_start3A_133 : memref<80x16xf32, #tpu.memory_space<hbm>>) target_semaphore(%run_scoped3A_127 : memref<!tpu.dma_semaphore, #tpu.memory_space<semaphore_mem>>)
      %dma_wait3A_136 = arith.constant 0 : i32
      %dma_wait3A_137 = arith.constant 0 : i32
      %dma_wait3A_138 = tpu.memref_slice %arg8[%arg0, %dma_wait3A_136, %dma_wait3A_137] : memref<2x10112x16xf32, #tpu.memory_space<hbm>> -> memref<1x10112x16xf32, #tpu.memory_space<hbm>>
      %dma_wait3A_139 = tpu.memref_squeeze %dma_wait3A_138 : memref<1x10112x16xf32, #tpu.memory_space<hbm>> -> memref<10112x16xf32, #tpu.memory_space<hbm>>
      %dma_wait3A_140 = arith.constant 0 : i32
      %dma_wait3A_141 = tpu.memref_slice %dma_wait3A_139[%multiple_of3A_117, %dma_wait3A_140] : memref<10112x16xf32, #tpu.memory_space<hbm>> -> memref<80x16xf32, #tpu.memory_space<hbm>>
      %dma_wait3A_142 = arith.constant 0 : i32
      %dma_wait3A_143 = tpu.memref_slice %arg22[%multiple_of3A_117, %dma_wait3A_142] : memref<10112x16xf32, #tpu.memory_space<vmem_shared>> -> memref<80x16xf32, #tpu.memory_space<vmem_shared>>
      tpu.wait_dma2 semaphore(%run_scoped3A_127 : memref<!tpu.dma_semaphore, #tpu.memory_space<semaphore_mem>>) src(%dma_wait3A_143 : memref<80x16xf32, #tpu.memory_space<vmem_shared>>) dst(%dma_wait3A_141 : memref<80x16xf32, #tpu.memory_space<hbm>>)
      tpu.yield
    }) : () -> ()
    "tpu.region"() ({
      %run_scoped3A_127 = tpu.sem_alloc : memref<!tpu.dma_semaphore, #tpu.memory_space<semaphore_mem>>
      %dma_start3A_128 = arith.constant 0 : i32
      %dma_start3A_129 = arith.constant 0 : i32
      %dma_start3A_130 = tpu.memref_slice %arg9[%arg0, %dma_start3A_128, %dma_start3A_129] : memref<2x10112x64xf32, #tpu.memory_space<hbm>> -> memref<1x10112x64xf32, #tpu.memory_space<hbm>>
      %dma_start3A_131 = tpu.memref_squeeze %dma_start3A_130 : memref<1x10112x64xf32, #tpu.memory_space<hbm>> -> memref<10112x64xf32, #tpu.memory_space<hbm>>
      %dma_start3A_132 = arith.constant 0 : i32
      %dma_start3A_133 = tpu.memref_slice %dma_start3A_131[%multiple_of3A_117, %dma_start3A_132] : memref<10112x64xf32, #tpu.memory_space<hbm>> -> memref<80x64xf32, #tpu.memory_space<hbm>>
      %dma_start3A_134 = arith.constant 0 : i32
      %dma_start3A_135 = tpu.memref_slice %arg23[%multiple_of3A_117, %dma_start3A_134] : memref<10112x64xf32, #tpu.memory_space<vmem_shared>> -> memref<80x64xf32, #tpu.memory_space<vmem_shared>>
      tpu.enqueue_dma source(%dma_start3A_135 : memref<80x64xf32, #tpu.memory_space<vmem_shared>>) target(%dma_start3A_133 : memref<80x64xf32, #tpu.memory_space<hbm>>) target_semaphore(%run_scoped3A_127 : memref<!tpu.dma_semaphore, #tpu.memory_space<semaphore_mem>>)
      %dma_wait3A_136 = arith.constant 0 : i32
      %dma_wait3A_137 = arith.constant 0 : i32
      %dma_wait3A_138 = tpu.memref_slice %arg9[%arg0, %dma_wait3A_136, %dma_wait3A_137] : memref<2x10112x64xf32, #tpu.memory_space<hbm>> -> memref<1x10112x64xf32, #tpu.memory_space<hbm>>
      %dma_wait3A_139 = tpu.memref_squeeze %dma_wait3A_138 : memref<1x10112x64xf32, #tpu.memory_space<hbm>> -> memref<10112x64xf32, #tpu.memory_space<hbm>>
      %dma_wait3A_140 = arith.constant 0 : i32
      %dma_wait3A_141 = tpu.memref_slice %dma_wait3A_139[%multiple_of3A_117, %dma_wait3A_140] : memref<10112x64xf32, #tpu.memory_space<hbm>> -> memref<80x64xf32, #tpu.memory_space<hbm>>
      %dma_wait3A_142 = arith.constant 0 : i32
      %dma_wait3A_143 = tpu.memref_slice %arg23[%multiple_of3A_117, %dma_wait3A_142] : memref<10112x64xf32, #tpu.memory_space<vmem_shared>> -> memref<80x64xf32, #tpu.memory_space<vmem_shared>>
      tpu.wait_dma2 semaphore(%run_scoped3A_127 : memref<!tpu.dma_semaphore, #tpu.memory_space<semaphore_mem>>) src(%dma_wait3A_143 : memref<80x64xf32, #tpu.memory_space<vmem_shared>>) dst(%dma_wait3A_141 : memref<80x64xf32, #tpu.memory_space<hbm>>)
      tpu.yield
    }) : () -> ()
    %add3A_118 = arith.constant 400 : i32
    %add3A_119 = arith.addi %multiple_of3A, %add3A_118 : i32
    %multiple_of3A_120 = tpu.assume_multiple %add3A_119, 8 : i32
    "tpu.region"() ({
      %run_scoped3A_127 = tpu.sem_alloc : memref<!tpu.dma_semaphore, #tpu.memory_space<semaphore_mem>>
      %dma_start3A_128 = arith.constant 0 : i32
      %dma_start3A_129 = arith.constant 0 : i32
      %dma_start3A_130 = tpu.memref_slice %arg8[%arg0, %dma_start3A_128, %dma_start3A_129] : memref<2x10112x16xf32, #tpu.memory_space<hbm>> -> memref<1x10112x16xf32, #tpu.memory_space<hbm>>
      %dma_start3A_131 = tpu.memref_squeeze %dma_start3A_130 : memref<1x10112x16xf32, #tpu.memory_space<hbm>> -> memref<10112x16xf32, #tpu.memory_space<hbm>>
      %dma_start3A_132 = arith.constant 0 : i32
      %dma_start3A_133 = tpu.memref_slice %dma_start3A_131[%multiple_of3A_120, %dma_start3A_132] : memref<10112x16xf32, #tpu.memory_space<hbm>> -> memref<80x16xf32, #tpu.memory_space<hbm>>
      %dma_start3A_134 = arith.constant 0 : i32
      %dma_start3A_135 = tpu.memref_slice %arg22[%multiple_of3A_120, %dma_start3A_134] : memref<10112x16xf32, #tpu.memory_space<vmem_shared>> -> memref<80x16xf32, #tpu.memory_space<vmem_shared>>
      tpu.enqueue_dma source(%dma_start3A_135 : memref<80x16xf32, #tpu.memory_space<vmem_shared>>) target(%dma_start3A_133 : memref<80x16xf32, #tpu.memory_space<hbm>>) target_semaphore(%run_scoped3A_127 : memref<!tpu.dma_semaphore, #tpu.memory_space<semaphore_mem>>)
      %dma_wait3A_136 = arith.constant 0 : i32
      %dma_wait3A_137 = arith.constant 0 : i32
      %dma_wait3A_138 = tpu.memref_slice %arg8[%arg0, %dma_wait3A_136, %dma_wait3A_137] : memref<2x10112x16xf32, #tpu.memory_space<hbm>> -> memref<1x10112x16xf32, #tpu.memory_space<hbm>>
      %dma_wait3A_139 = tpu.memref_squeeze %dma_wait3A_138 : memref<1x10112x16xf32, #tpu.memory_space<hbm>> -> memref<10112x16xf32, #tpu.memory_space<hbm>>
      %dma_wait3A_140 = arith.constant 0 : i32
      %dma_wait3A_141 = tpu.memref_slice %dma_wait3A_139[%multiple_of3A_120, %dma_wait3A_140] : memref<10112x16xf32, #tpu.memory_space<hbm>> -> memref<80x16xf32, #tpu.memory_space<hbm>>
      %dma_wait3A_142 = arith.constant 0 : i32
      %dma_wait3A_143 = tpu.memref_slice %arg22[%multiple_of3A_120, %dma_wait3A_142] : memref<10112x16xf32, #tpu.memory_space<vmem_shared>> -> memref<80x16xf32, #tpu.memory_space<vmem_shared>>
      tpu.wait_dma2 semaphore(%run_scoped3A_127 : memref<!tpu.dma_semaphore, #tpu.memory_space<semaphore_mem>>) src(%dma_wait3A_143 : memref<80x16xf32, #tpu.memory_space<vmem_shared>>) dst(%dma_wait3A_141 : memref<80x16xf32, #tpu.memory_space<hbm>>)
      tpu.yield
    }) : () -> ()
    "tpu.region"() ({
      %run_scoped3A_127 = tpu.sem_alloc : memref<!tpu.dma_semaphore, #tpu.memory_space<semaphore_mem>>
      %dma_start3A_128 = arith.constant 0 : i32
      %dma_start3A_129 = arith.constant 0 : i32
      %dma_start3A_130 = tpu.memref_slice %arg9[%arg0, %dma_start3A_128, %dma_start3A_129] : memref<2x10112x64xf32, #tpu.memory_space<hbm>> -> memref<1x10112x64xf32, #tpu.memory_space<hbm>>
      %dma_start3A_131 = tpu.memref_squeeze %dma_start3A_130 : memref<1x10112x64xf32, #tpu.memory_space<hbm>> -> memref<10112x64xf32, #tpu.memory_space<hbm>>
      %dma_start3A_132 = arith.constant 0 : i32
      %dma_start3A_133 = tpu.memref_slice %dma_start3A_131[%multiple_of3A_120, %dma_start3A_132] : memref<10112x64xf32, #tpu.memory_space<hbm>> -> memref<80x64xf32, #tpu.memory_space<hbm>>
      %dma_start3A_134 = arith.constant 0 : i32
      %dma_start3A_135 = tpu.memref_slice %arg23[%multiple_of3A_120, %dma_start3A_134] : memref<10112x64xf32, #tpu.memory_space<vmem_shared>> -> memref<80x64xf32, #tpu.memory_space<vmem_shared>>
      tpu.enqueue_dma source(%dma_start3A_135 : memref<80x64xf32, #tpu.memory_space<vmem_shared>>) target(%dma_start3A_133 : memref<80x64xf32, #tpu.memory_space<hbm>>) target_semaphore(%run_scoped3A_127 : memref<!tpu.dma_semaphore, #tpu.memory_space<semaphore_mem>>)
      %dma_wait3A_136 = arith.constant 0 : i32
      %dma_wait3A_137 = arith.constant 0 : i32
      %dma_wait3A_138 = tpu.memref_slice %arg9[%arg0, %dma_wait3A_136, %dma_wait3A_137] : memref<2x10112x64xf32, #tpu.memory_space<hbm>> -> memref<1x10112x64xf32, #tpu.memory_space<hbm>>
      %dma_wait3A_139 = tpu.memref_squeeze %dma_wait3A_138 : memref<1x10112x64xf32, #tpu.memory_space<hbm>> -> memref<10112x64xf32, #tpu.memory_space<hbm>>
      %dma_wait3A_140 = arith.constant 0 : i32
      %dma_wait3A_141 = tpu.memref_slice %dma_wait3A_139[%multiple_of3A_120, %dma_wait3A_140] : memref<10112x64xf32, #tpu.memory_space<hbm>> -> memref<80x64xf32, #tpu.memory_space<hbm>>
      %dma_wait3A_142 = arith.constant 0 : i32
      %dma_wait3A_143 = tpu.memref_slice %arg23[%multiple_of3A_120, %dma_wait3A_142] : memref<10112x64xf32, #tpu.memory_space<vmem_shared>> -> memref<80x64xf32, #tpu.memory_space<vmem_shared>>
      tpu.wait_dma2 semaphore(%run_scoped3A_127 : memref<!tpu.dma_semaphore, #tpu.memory_space<semaphore_mem>>) src(%dma_wait3A_143 : memref<80x64xf32, #tpu.memory_space<vmem_shared>>) dst(%dma_wait3A_141 : memref<80x64xf32, #tpu.memory_space<hbm>>)
      tpu.yield
    }) : () -> ()
    %add3A_121 = arith.constant 480 : i32
    %add3A_122 = arith.addi %multiple_of3A, %add3A_121 : i32
    %multiple_of3A_123 = tpu.assume_multiple %add3A_122, 8 : i32
    "tpu.region"() ({
      %run_scoped3A_127 = tpu.sem_alloc : memref<!tpu.dma_semaphore, #tpu.memory_space<semaphore_mem>>
      %dma_start3A_128 = arith.constant 0 : i32
      %dma_start3A_129 = arith.constant 0 : i32
      %dma_start3A_130 = tpu.memref_slice %arg8[%arg0, %dma_start3A_128, %dma_start3A_129] : memref<2x10112x16xf32, #tpu.memory_space<hbm>> -> memref<1x10112x16xf32, #tpu.memory_space<hbm>>
      %dma_start3A_131 = tpu.memref_squeeze %dma_start3A_130 : memref<1x10112x16xf32, #tpu.memory_space<hbm>> -> memref<10112x16xf32, #tpu.memory_space<hbm>>
      %dma_start3A_132 = arith.constant 0 : i32
      %dma_start3A_133 = tpu.memref_slice %dma_start3A_131[%multiple_of3A_123, %dma_start3A_132] : memref<10112x16xf32, #tpu.memory_space<hbm>> -> memref<80x16xf32, #tpu.memory_space<hbm>>
      %dma_start3A_134 = arith.constant 0 : i32
      %dma_start3A_135 = tpu.memref_slice %arg22[%multiple_of3A_123, %dma_start3A_134] : memref<10112x16xf32, #tpu.memory_space<vmem_shared>> -> memref<80x16xf32, #tpu.memory_space<vmem_shared>>
      tpu.enqueue_dma source(%dma_start3A_135 : memref<80x16xf32, #tpu.memory_space<vmem_shared>>) target(%dma_start3A_133 : memref<80x16xf32, #tpu.memory_space<hbm>>) target_semaphore(%run_scoped3A_127 : memref<!tpu.dma_semaphore, #tpu.memory_space<semaphore_mem>>)
      %dma_wait3A_136 = arith.constant 0 : i32
      %dma_wait3A_137 = arith.constant 0 : i32
      %dma_wait3A_138 = tpu.memref_slice %arg8[%arg0, %dma_wait3A_136, %dma_wait3A_137] : memref<2x10112x16xf32, #tpu.memory_space<hbm>> -> memref<1x10112x16xf32, #tpu.memory_space<hbm>>
      %dma_wait3A_139 = tpu.memref_squeeze %dma_wait3A_138 : memref<1x10112x16xf32, #tpu.memory_space<hbm>> -> memref<10112x16xf32, #tpu.memory_space<hbm>>
      %dma_wait3A_140 = arith.constant 0 : i32
      %dma_wait3A_141 = tpu.memref_slice %dma_wait3A_139[%multiple_of3A_123, %dma_wait3A_140] : memref<10112x16xf32, #tpu.memory_space<hbm>> -> memref<80x16xf32, #tpu.memory_space<hbm>>
      %dma_wait3A_142 = arith.constant 0 : i32
      %dma_wait3A_143 = tpu.memref_slice %arg22[%multiple_of3A_123, %dma_wait3A_142] : memref<10112x16xf32, #tpu.memory_space<vmem_shared>> -> memref<80x16xf32, #tpu.memory_space<vmem_shared>>
      tpu.wait_dma2 semaphore(%run_scoped3A_127 : memref<!tpu.dma_semaphore, #tpu.memory_space<semaphore_mem>>) src(%dma_wait3A_143 : memref<80x16xf32, #tpu.memory_space<vmem_shared>>) dst(%dma_wait3A_141 : memref<80x16xf32, #tpu.memory_space<hbm>>)
      tpu.yield
    }) : () -> ()
    "tpu.region"() ({
      %run_scoped3A_127 = tpu.sem_alloc : memref<!tpu.dma_semaphore, #tpu.memory_space<semaphore_mem>>
      %dma_start3A_128 = arith.constant 0 : i32
      %dma_start3A_129 = arith.constant 0 : i32
      %dma_start3A_130 = tpu.memref_slice %arg9[%arg0, %dma_start3A_128, %dma_start3A_129] : memref<2x10112x64xf32, #tpu.memory_space<hbm>> -> memref<1x10112x64xf32, #tpu.memory_space<hbm>>
      %dma_start3A_131 = tpu.memref_squeeze %dma_start3A_130 : memref<1x10112x64xf32, #tpu.memory_space<hbm>> -> memref<10112x64xf32, #tpu.memory_space<hbm>>
      %dma_start3A_132 = arith.constant 0 : i32
      %dma_start3A_133 = tpu.memref_slice %dma_start3A_131[%multiple_of3A_123, %dma_start3A_132] : memref<10112x64xf32, #tpu.memory_space<hbm>> -> memref<80x64xf32, #tpu.memory_space<hbm>>
      %dma_start3A_134 = arith.constant 0 : i32
      %dma_start3A_135 = tpu.memref_slice %arg23[%multiple_of3A_123, %dma_start3A_134] : memref<10112x64xf32, #tpu.memory_space<vmem_shared>> -> memref<80x64xf32, #tpu.memory_space<vmem_shared>>
      tpu.enqueue_dma source(%dma_start3A_135 : memref<80x64xf32, #tpu.memory_space<vmem_shared>>) target(%dma_start3A_133 : memref<80x64xf32, #tpu.memory_space<hbm>>) target_semaphore(%run_scoped3A_127 : memref<!tpu.dma_semaphore, #tpu.memory_space<semaphore_mem>>)
      %dma_wait3A_136 = arith.constant 0 : i32
      %dma_wait3A_137 = arith.constant 0 : i32
      %dma_wait3A_138 = tpu.memref_slice %arg9[%arg0, %dma_wait3A_136, %dma_wait3A_137] : memref<2x10112x64xf32, #tpu.memory_space<hbm>> -> memref<1x10112x64xf32, #tpu.memory_space<hbm>>
      %dma_wait3A_139 = tpu.memref_squeeze %dma_wait3A_138 : memref<1x10112x64xf32, #tpu.memory_space<hbm>> -> memref<10112x64xf32, #tpu.memory_space<hbm>>
      %dma_wait3A_140 = arith.constant 0 : i32
      %dma_wait3A_141 = tpu.memref_slice %dma_wait3A_139[%multiple_of3A_123, %dma_wait3A_140] : memref<10112x64xf32, #tpu.memory_space<hbm>> -> memref<80x64xf32, #tpu.memory_space<hbm>>
      %dma_wait3A_142 = arith.constant 0 : i32
      %dma_wait3A_143 = tpu.memref_slice %arg23[%multiple_of3A_123, %dma_wait3A_142] : memref<10112x64xf32, #tpu.memory_space<vmem_shared>> -> memref<80x64xf32, #tpu.memory_space<vmem_shared>>
      tpu.wait_dma2 semaphore(%run_scoped3A_127 : memref<!tpu.dma_semaphore, #tpu.memory_space<semaphore_mem>>) src(%dma_wait3A_143 : memref<80x64xf32, #tpu.memory_space<vmem_shared>>) dst(%dma_wait3A_141 : memref<80x64xf32, #tpu.memory_space<hbm>>)
      tpu.yield
    }) : () -> ()
    %add3A_124 = arith.constant 560 : i32
    %add3A_125 = arith.addi %multiple_of3A, %add3A_124 : i32
    %multiple_of3A_126 = tpu.assume_multiple %add3A_125, 8 : i32
    "tpu.region"() ({
      %run_scoped3A_127 = tpu.sem_alloc : memref<!tpu.dma_semaphore, #tpu.memory_space<semaphore_mem>>
      %dma_start3A_128 = arith.constant 0 : i32
      %dma_start3A_129 = arith.constant 0 : i32
      %dma_start3A_130 = tpu.memref_slice %arg8[%arg0, %dma_start3A_128, %dma_start3A_129] : memref<2x10112x16xf32, #tpu.memory_space<hbm>> -> memref<1x10112x16xf32, #tpu.memory_space<hbm>>
      %dma_start3A_131 = tpu.memref_squeeze %dma_start3A_130 : memref<1x10112x16xf32, #tpu.memory_space<hbm>> -> memref<10112x16xf32, #tpu.memory_space<hbm>>
      %dma_start3A_132 = arith.constant 0 : i32
      %dma_start3A_133 = tpu.memref_slice %dma_start3A_131[%multiple_of3A_126, %dma_start3A_132] : memref<10112x16xf32, #tpu.memory_space<hbm>> -> memref<72x16xf32, #tpu.memory_space<hbm>>
      %dma_start3A_134 = arith.constant 0 : i32
      %dma_start3A_135 = tpu.memref_slice %arg22[%multiple_of3A_126, %dma_start3A_134] : memref<10112x16xf32, #tpu.memory_space<vmem_shared>> -> memref<72x16xf32, #tpu.memory_space<vmem_shared>>
      tpu.enqueue_dma source(%dma_start3A_135 : memref<72x16xf32, #tpu.memory_space<vmem_shared>>) target(%dma_start3A_133 : memref<72x16xf32, #tpu.memory_space<hbm>>) target_semaphore(%run_scoped3A_127 : memref<!tpu.dma_semaphore, #tpu.memory_space<semaphore_mem>>)
      %dma_wait3A_136 = arith.constant 0 : i32
      %dma_wait3A_137 = arith.constant 0 : i32
      %dma_wait3A_138 = tpu.memref_slice %arg8[%arg0, %dma_wait3A_136, %dma_wait3A_137] : memref<2x10112x16xf32, #tpu.memory_space<hbm>> -> memref<1x10112x16xf32, #tpu.memory_space<hbm>>
      %dma_wait3A_139 = tpu.memref_squeeze %dma_wait3A_138 : memref<1x10112x16xf32, #tpu.memory_space<hbm>> -> memref<10112x16xf32, #tpu.memory_space<hbm>>
      %dma_wait3A_140 = arith.constant 0 : i32
      %dma_wait3A_141 = tpu.memref_slice %dma_wait3A_139[%multiple_of3A_126, %dma_wait3A_140] : memref<10112x16xf32, #tpu.memory_space<hbm>> -> memref<72x16xf32, #tpu.memory_space<hbm>>
      %dma_wait3A_142 = arith.constant 0 : i32
      %dma_wait3A_143 = tpu.memref_slice %arg22[%multiple_of3A_126, %dma_wait3A_142] : memref<10112x16xf32, #tpu.memory_space<vmem_shared>> -> memref<72x16xf32, #tpu.memory_space<vmem_shared>>
      tpu.wait_dma2 semaphore(%run_scoped3A_127 : memref<!tpu.dma_semaphore, #tpu.memory_space<semaphore_mem>>) src(%dma_wait3A_143 : memref<72x16xf32, #tpu.memory_space<vmem_shared>>) dst(%dma_wait3A_141 : memref<72x16xf32, #tpu.memory_space<hbm>>)
      tpu.yield
    }) : () -> ()
    "tpu.region"() ({
      %run_scoped3A_127 = tpu.sem_alloc : memref<!tpu.dma_semaphore, #tpu.memory_space<semaphore_mem>>
      %dma_start3A_128 = arith.constant 0 : i32
      %dma_start3A_129 = arith.constant 0 : i32
      %dma_start3A_130 = tpu.memref_slice %arg9[%arg0, %dma_start3A_128, %dma_start3A_129] : memref<2x10112x64xf32, #tpu.memory_space<hbm>> -> memref<1x10112x64xf32, #tpu.memory_space<hbm>>
      %dma_start3A_131 = tpu.memref_squeeze %dma_start3A_130 : memref<1x10112x64xf32, #tpu.memory_space<hbm>> -> memref<10112x64xf32, #tpu.memory_space<hbm>>
      %dma_start3A_132 = arith.constant 0 : i32
      %dma_start3A_133 = tpu.memref_slice %dma_start3A_131[%multiple_of3A_126, %dma_start3A_132] : memref<10112x64xf32, #tpu.memory_space<hbm>> -> memref<72x64xf32, #tpu.memory_space<hbm>>
      %dma_start3A_134 = arith.constant 0 : i32
      %dma_start3A_135 = tpu.memref_slice %arg23[%multiple_of3A_126, %dma_start3A_134] : memref<10112x64xf32, #tpu.memory_space<vmem_shared>> -> memref<72x64xf32, #tpu.memory_space<vmem_shared>>
      tpu.enqueue_dma source(%dma_start3A_135 : memref<72x64xf32, #tpu.memory_space<vmem_shared>>) target(%dma_start3A_133 : memref<72x64xf32, #tpu.memory_space<hbm>>) target_semaphore(%run_scoped3A_127 : memref<!tpu.dma_semaphore, #tpu.memory_space<semaphore_mem>>)
      %dma_wait3A_136 = arith.constant 0 : i32
      %dma_wait3A_137 = arith.constant 0 : i32
      %dma_wait3A_138 = tpu.memref_slice %arg9[%arg0, %dma_wait3A_136, %dma_wait3A_137] : memref<2x10112x64xf32, #tpu.memory_space<hbm>> -> memref<1x10112x64xf32, #tpu.memory_space<hbm>>
      %dma_wait3A_139 = tpu.memref_squeeze %dma_wait3A_138 : memref<1x10112x64xf32, #tpu.memory_space<hbm>> -> memref<10112x64xf32, #tpu.memory_space<hbm>>
      %dma_wait3A_140 = arith.constant 0 : i32
      %dma_wait3A_141 = tpu.memref_slice %dma_wait3A_139[%multiple_of3A_126, %dma_wait3A_140] : memref<10112x64xf32, #tpu.memory_space<hbm>> -> memref<72x64xf32, #tpu.memory_space<hbm>>
      %dma_wait3A_142 = arith.constant 0 : i32
      %dma_wait3A_143 = tpu.memref_slice %arg23[%multiple_of3A_126, %dma_wait3A_142] : memref<10112x64xf32, #tpu.memory_space<vmem_shared>> -> memref<72x64xf32, #tpu.memory_space<vmem_shared>>
      tpu.wait_dma2 semaphore(%run_scoped3A_127 : memref<!tpu.dma_semaphore, #tpu.memory_space<semaphore_mem>>) src(%dma_wait3A_143 : memref<72x64xf32, #tpu.memory_space<vmem_shared>>) dst(%dma_wait3A_141 : memref<72x64xf32, #tpu.memory_space<hbm>>)
      tpu.yield
    }) : () -> ()
    return
  }
}

module attributes {stable_mosaic.version = 14 : i64} {
  func.func @_tc_pre_body(%arg0: i32, %arg1: memref<400x128xf32, #tpu.memory_space<vmem>>, %arg2: memref<128x64xf32, #tpu.memory_space<vmem>>, %arg3: memref<64x32xf32, #tpu.memory_space<vmem>>, %arg4: memref<400x16xf32, #tpu.memory_space<vmem>>, %arg5: memref<400x16xf32, #tpu.memory_space<vmem>>, %arg6: memref<400x64xbf16, #tpu.memory_space<vmem>>) attributes {dimension_semantics = [#tpu.dimension_semantics<arbitrary>], iteration_bounds = array<i64: 25>, scalar_prefetch = 0 : i64, scratch_operands = 0 : i64, tpu.core_type = #tpu.core_type<tc>, window_params = [{transform_indices = @transform_0, window_bounds = array<i64: 400, 128>}, {pipeline_mode = #tpu.pipeline_mode<synchronous>, transform_indices = @transform_1, window_bounds = array<i64: 128, 64>}, {pipeline_mode = #tpu.pipeline_mode<synchronous>, transform_indices = @transform_2, window_bounds = array<i64: 64, 32>}, {transform_indices = @transform_3, window_bounds = array<i64: 400, 16>}, {transform_indices = @transform_4, window_bounds = array<i64: 400, 16>}, {transform_indices = @transform_5, window_bounds = array<i64: 400, 64>}]} {
    %get3A = arith.constant 0 : index
    %get3A_0 = arith.constant 0 : index
    %get3A_1 = vector.load %arg1[%get3A, %get3A_0] : memref<400x128xf32, #tpu.memory_space<vmem>>, vector<400x128xf32>
    %get3A_2 = arith.constant 0 : index
    %get3A_3 = arith.constant 0 : index
    %get3A_4 = vector.load %arg2[%get3A_2, %get3A_3] : memref<128x64xf32, #tpu.memory_space<vmem>>, vector<128x64xf32>
    %dot_general3A = arith.constant dense<0.000000e+00> : vector<400x64xf32>
    %dot_general3A_5 = tpu.matmul %get3A_1, %get3A_4, %dot_general3A {dimension_numbers = #tpu.dot_dimension_numbers<[1], [0], [0], [1], [0, 0, 1, 1], [], []>, transpose_lhs_hint = false} : vector<400x128xf32>, vector<128x64xf32>, vector<400x64xf32> -> vector<400x64xf32>
    %get3A_6 = arith.constant 0 : index
    %get3A_7 = arith.constant 0 : index
    %get3A_8 = vector.load %arg3[%get3A_6, %get3A_7] : memref<64x32xf32, #tpu.memory_space<vmem>>, vector<64x32xf32>
    %dot_general3A_9 = arith.constant dense<0.000000e+00> : vector<400x32xf32>
    %dot_general3A_10 = tpu.matmul %dot_general3A_5, %get3A_8, %dot_general3A_9 {dimension_numbers = #tpu.dot_dimension_numbers<[1], [0], [0], [1], [0, 0, 1, 1], [], []>, transpose_lhs_hint = false} : vector<400x64xf32>, vector<64x32xf32>, vector<400x32xf32> -> vector<400x32xf32>
    %slice3A = vector.extract_strided_slice %dot_general3A_10 {offsets = [0, 0], sizes = [400, 16], strides = [1, 1]} : vector<400x32xf32> to vector<400x16xf32>
    %swap3A = arith.constant 0 : index
    %swap3A_11 = arith.constant 0 : index
    %swap3A_12 = vector.load %arg4[%swap3A, %swap3A_11] : memref<400x16xf32, #tpu.memory_space<vmem>>, vector<400x16xf32>
    tpu.vector_store %arg4[%swap3A, %swap3A_11], %slice3A {strides = array<i32>} : memref<400x16xf32, #tpu.memory_space<vmem>>, vector<400x16xf32>,
    %slice3A_13 = vector.extract_strided_slice %dot_general3A_10 {offsets = [0, 16], sizes = [400, 16], strides = [1, 1]} : vector<400x32xf32> to vector<400x16xf32>
    %swap3A_14 = arith.constant 0 : index
    %swap3A_15 = arith.constant 0 : index
    %swap3A_16 = vector.load %arg5[%swap3A_14, %swap3A_15] : memref<400x16xf32, #tpu.memory_space<vmem>>, vector<400x16xf32>
    tpu.vector_store %arg5[%swap3A_14, %swap3A_15], %slice3A_13 {strides = array<i32>} : memref<400x16xf32, #tpu.memory_space<vmem>>, vector<400x16xf32>,
    %convert_element_type3A = arith.truncf %dot_general3A_5 : vector<400x64xf32> to vector<400x64xbf16>
    %swap3A_17 = arith.constant 0 : index
    %swap3A_18 = arith.constant 0 : index
    %swap3A_19 = vector.load %arg6[%swap3A_17, %swap3A_18] : memref<400x64xbf16, #tpu.memory_space<vmem>>, vector<400x64xbf16>
    tpu.vector_store %arg6[%swap3A_17, %swap3A_18], %convert_element_type3A {strides = array<i32>} : memref<400x64xbf16, #tpu.memory_space<vmem>>, vector<400x64xbf16>,
    return
  }
  func.func @transform_0(%arg0: i32) -> (i32, i32) {
    %c0_i32 = arith.constant 0 : i32
    %c0_i32_0 = arith.constant 0 : i32
    return %arg0, %c0_i32 : i32, i32
  }
  func.func @transform_1(%arg0: i32) -> (i32, i32) {
    %c0_i32 = arith.constant 0 : i32
    %c0_i32_0 = arith.constant 0 : i32
    %c0_i32_1 = arith.constant 0 : i32
    return %c0_i32, %c0_i32_0 : i32, i32
  }
  func.func @transform_2(%arg0: i32) -> (i32, i32) {
    %c0_i32 = arith.constant 0 : i32
    %c0_i32_0 = arith.constant 0 : i32
    %c0_i32_1 = arith.constant 0 : i32
    return %c0_i32, %c0_i32_0 : i32, i32
  }
  func.func @transform_3(%arg0: i32) -> (i32, i32) {
    %c0_i32 = arith.constant 0 : i32
    %c0_i32_0 = arith.constant 0 : i32
    return %arg0, %c0_i32 : i32, i32
  }
  func.func @transform_4(%arg0: i32) -> (i32, i32) {
    %c0_i32 = arith.constant 0 : i32
    %c0_i32_0 = arith.constant 0 : i32
    return %arg0, %c0_i32 : i32, i32
  }
  func.func @transform_5(%arg0: i32) -> (i32, i32) {
    %c0_i32 = arith.constant 0 : i32
    %c0_i32_0 = arith.constant 0 : i32
    return %arg0, %c0_i32 : i32, i32
  }
}

module attributes {stable_mosaic.version = 14 : i64} {
  func.func @_tc_post_body(%arg0: i32, %arg1: memref<2x400x16xf32, #tpu.memory_space<vmem>>, %arg2: memref<2x400x64xf32, #tpu.memory_space<vmem>>, %arg3: memref<1x8xf32, #tpu.memory_space<vmem>>, %arg4: memref<8x16xf32, #tpu.memory_space<vmem>>, %arg5: memref<1x16xf32, #tpu.memory_space<vmem>>, %arg6: memref<16x64xf32, #tpu.memory_space<vmem>>, %arg7: memref<64x8xf32, #tpu.memory_space<vmem>>, %arg8: memref<400x16xf32, #tpu.memory_space<vmem>>, %arg9: memref<400x16xf32, #tpu.memory_space<vmem>>) attributes {dimension_semantics = [#tpu.dimension_semantics<arbitrary>], iteration_bounds = array<i64: 25>, scalar_prefetch = 0 : i64, scratch_operands = 0 : i64, tpu.core_type = #tpu.core_type<tc>, window_params = [{transform_indices = @transform_0, window_bounds = array<i64: 2, 400, 16>}, {transform_indices = @transform_1, window_bounds = array<i64: 2, 400, 64>}, {pipeline_mode = #tpu.pipeline_mode<synchronous>, transform_indices = @transform_2, window_bounds = array<i64: 1, 8>}, {pipeline_mode = #tpu.pipeline_mode<synchronous>, transform_indices = @transform_3, window_bounds = array<i64: 8, 16>}, {pipeline_mode = #tpu.pipeline_mode<synchronous>, transform_indices = @transform_4, window_bounds = array<i64: 1, 16>}, {pipeline_mode = #tpu.pipeline_mode<synchronous>, transform_indices = @transform_5, window_bounds = array<i64: 16, 64>}, {pipeline_mode = #tpu.pipeline_mode<synchronous>, transform_indices = @transform_6, window_bounds = array<i64: 64, 8>}, {transform_indices = @transform_7, window_bounds = array<i64: 400, 16>}, {transform_indices = @transform_8, window_bounds = array<i64: 400, 16>}]} {
    %get3A = arith.constant 0 : index
    %get3A_0 = arith.constant 0 : index
    %get3A_1 = arith.constant 0 : index
    %get3A_2 = vector.load %arg1[%get3A, %get3A_0, %get3A_1] : memref<2x400x16xf32, #tpu.memory_space<vmem>>, vector<1x400x16xf32>
    %get3A_3 = vector.shape_cast %get3A_2 : vector<1x400x16xf32> to vector<400x16xf32>
    %get3A_4 = arith.constant 1 : index
    %get3A_5 = arith.constant 0 : index
    %get3A_6 = arith.constant 0 : index
    %get3A_7 = vector.load %arg1[%get3A_4, %get3A_5, %get3A_6] : memref<2x400x16xf32, #tpu.memory_space<vmem>>, vector<1x400x16xf32>
    %get3A_8 = vector.shape_cast %get3A_7 : vector<1x400x16xf32> to vector<400x16xf32>
    %add3A = arith.addf %get3A_3, %get3A_8 : vector<400x16xf32>
    %get3A_9 = arith.constant 0 : index
    %get3A_10 = arith.constant 0 : index
    %get3A_11 = arith.constant 0 : index
    %get3A_12 = vector.load %arg2[%get3A_9, %get3A_10, %get3A_11] : memref<2x400x64xf32, #tpu.memory_space<vmem>>, vector<1x400x64xf32>
    %get3A_13 = vector.shape_cast %get3A_12 : vector<1x400x64xf32> to vector<400x64xf32>
    %get3A_14 = arith.constant 1 : index
    %get3A_15 = arith.constant 0 : index
    %get3A_16 = arith.constant 0 : index
    %get3A_17 = vector.load %arg2[%get3A_14, %get3A_15, %get3A_16] : memref<2x400x64xf32, #tpu.memory_space<vmem>>, vector<1x400x64xf32>
    %get3A_18 = vector.shape_cast %get3A_17 : vector<1x400x64xf32> to vector<400x64xf32>
    %add3A_19 = arith.addf %get3A_13, %get3A_18 : vector<400x64xf32>
    %add3A_20 = arith.constant 1.000000e-16 : f32
    %add3A_21 = vector.broadcast %add3A_20 : f32 to vector<400x16xf32>
    %add3A_22 = arith.addf %add3A, %add3A_21 : vector<400x16xf32>
    %div3A = arith.constant 1.000000e+00 : f32
    %div3A_23 = vector.broadcast %div3A : f32 to vector<400x16xf32>
    %div3A_24 = arith.divf %div3A_23, %add3A_22 : vector<400x16xf32>
    %swap3A = arith.constant 0 : index
    %swap3A_25 = arith.constant 0 : index
    %swap3A_26 = vector.load %arg9[%swap3A, %swap3A_25] : memref<400x16xf32, #tpu.memory_space<vmem>>, vector<400x16xf32>
    tpu.vector_store %arg9[%swap3A, %swap3A_25], %div3A_24 {strides = array<i32>} : memref<400x16xf32, #tpu.memory_space<vmem>>, vector<400x16xf32>,
    %get3A_27 = arith.constant 0 : index
    %get3A_28 = arith.constant 0 : index
    %get3A_29 = vector.load %arg6[%get3A_27, %get3A_28] : memref<16x64xf32, #tpu.memory_space<vmem>>, vector<16x64xf32>
    %dot_general3A = arith.constant dense<0.000000e+00> : vector<400x64xf32>
    %dot_general3A_30 = tpu.matmul %add3A, %get3A_29, %dot_general3A {dimension_numbers = #tpu.dot_dimension_numbers<[1], [0], [0], [1], [0, 0, 1, 1], [], []>, transpose_lhs_hint = false} : vector<400x16xf32>, vector<16x64xf32>, vector<400x64xf32> -> vector<400x64xf32>
    %add3A_31 = arith.constant 1.000000e-16 : f32
    %add3A_32 = vector.broadcast %add3A_31 : f32 to vector<400x64xf32>
    %add3A_33 = arith.addf %dot_general3A_30, %add3A_32 : vector<400x64xf32>
    %div3A_34 = arith.divf %add3A_19, %add3A_33 : vector<400x64xf32>
    %get3A_35 = arith.constant 0 : index
    %get3A_36 = arith.constant 0 : index
    %get3A_37 = vector.load %arg7[%get3A_35, %get3A_36] : memref<64x8xf32, #tpu.memory_space<vmem>>, vector<64x8xf32>
    %dot_general3A_38 = arith.constant dense<0.000000e+00> : vector<400x8xf32>
    %dot_general3A_39 = tpu.matmul %div3A_34, %get3A_37, %dot_general3A_38 {dimension_numbers = #tpu.dot_dimension_numbers<[1], [0], [0], [1], [0, 0, 1, 1], [], []>, transpose_lhs_hint = false} : vector<400x64xf32>, vector<64x8xf32>, vector<400x8xf32> -> vector<400x8xf32>
    %get3A_40 = arith.constant 0 : index
    %get3A_41 = arith.constant 0 : index
    %get3A_42 = vector.load %arg3[%get3A_40, %get3A_41] : memref<1x8xf32, #tpu.memory_space<vmem>>, vector<1x8xf32>
    %add3A_43 = vector.broadcast %get3A_42 : vector<1x8xf32> to vector<400x8xf32>
    %add3A_44 = arith.addf %dot_general3A_39, %add3A_43 : vector<400x8xf32>
    %gt3A = arith.constant 0.000000e+00 : f32
    %gt3A_45 = vector.broadcast %gt3A : f32 to vector<400x8xf32>
    %gt3A_46 = arith.cmpf ogt, %add3A_44, %gt3A_45 : vector<400x8xf32>
    %exp3A = math.exp %add3A_44 : vector<400x8xf32>
    %sub3A = arith.constant 1.000000e+00 : f32
    %sub3A_47 = vector.broadcast %sub3A : f32 to vector<400x8xf32>
    %sub3A_48 = arith.subf %exp3A, %sub3A_47 : vector<400x8xf32>
    %select_n3A = arith.select %gt3A_46, %add3A_44, %sub3A_48 : vector<400x8xi1>, vector<400x8xf32>
    %get3A_49 = arith.constant 0 : index
    %get3A_50 = arith.constant 0 : index
    %get3A_51 = vector.load %arg4[%get3A_49, %get3A_50] : memref<8x16xf32, #tpu.memory_space<vmem>>, vector<8x16xf32>
    %dot_general3A_52 = arith.constant dense<0.000000e+00> : vector<400x16xf32>
    %dot_general3A_53 = tpu.matmul %select_n3A, %get3A_51, %dot_general3A_52 {dimension_numbers = #tpu.dot_dimension_numbers<[1], [0], [0], [1], [0, 0, 1, 1], [], []>, transpose_lhs_hint = false} : vector<400x8xf32>, vector<8x16xf32>, vector<400x16xf32> -> vector<400x16xf32>
    %get3A_54 = arith.constant 0 : index
    %get3A_55 = arith.constant 0 : index
    %get3A_56 = vector.load %arg5[%get3A_54, %get3A_55] : memref<1x16xf32, #tpu.memory_space<vmem>>, vector<1x16xf32>
    %add3A_57 = vector.broadcast %get3A_56 : vector<1x16xf32> to vector<400x16xf32>
    %add3A_58 = arith.addf %dot_general3A_53, %add3A_57 : vector<400x16xf32>
    %gt3A_59 = arith.constant 0.000000e+00 : f32
    %gt3A_60 = vector.broadcast %gt3A_59 : f32 to vector<400x16xf32>
    %gt3A_61 = arith.cmpf ogt, %add3A_58, %gt3A_60 : vector<400x16xf32>
    %exp3A_62 = math.exp %add3A_58 : vector<400x16xf32>
    %sub3A_63 = arith.constant 1.000000e+00 : f32
    %sub3A_64 = vector.broadcast %sub3A_63 : f32 to vector<400x16xf32>
    %sub3A_65 = arith.subf %exp3A_62, %sub3A_64 : vector<400x16xf32>
    %select_n3A_66 = arith.select %gt3A_61, %add3A_58, %sub3A_65 : vector<400x16xi1>, vector<400x16xf32>
    %swap3A_67 = arith.constant 0 : index
    %swap3A_68 = arith.constant 0 : index
    %swap3A_69 = vector.load %arg8[%swap3A_67, %swap3A_68] : memref<400x16xf32, #tpu.memory_space<vmem>>, vector<400x16xf32>
    tpu.vector_store %arg8[%swap3A_67, %swap3A_68], %select_n3A_66 {strides = array<i32>} : memref<400x16xf32, #tpu.memory_space<vmem>>, vector<400x16xf32>,
    return
  }
  func.func @transform_0(%arg0: i32) -> (i32, i32, i32) {
    %c0_i32 = arith.constant 0 : i32
    %c0_i32_0 = arith.constant 0 : i32
    %c0_i32_1 = arith.constant 0 : i32
    return %c0_i32, %arg0, %c0_i32_0 : i32, i32, i32
  }
  func.func @transform_1(%arg0: i32) -> (i32, i32, i32) {
    %c0_i32 = arith.constant 0 : i32
    %c0_i32_0 = arith.constant 0 : i32
    %c0_i32_1 = arith.constant 0 : i32
    return %c0_i32, %arg0, %c0_i32_0 : i32, i32, i32
  }
  func.func @transform_2(%arg0: i32) -> (i32, i32) {
    %c0_i32 = arith.constant 0 : i32
    %c0_i32_0 = arith.constant 0 : i32
    %c0_i32_1 = arith.constant 0 : i32
    return %c0_i32, %c0_i32_0 : i32, i32
  }
  func.func @transform_3(%arg0: i32) -> (i32, i32) {
    %c0_i32 = arith.constant 0 : i32
    %c0_i32_0 = arith.constant 0 : i32
    %c0_i32_1 = arith.constant 0 : i32
    return %c0_i32, %c0_i32_0 : i32, i32
  }
  func.func @transform_4(%arg0: i32) -> (i32, i32) {
    %c0_i32 = arith.constant 0 : i32
    %c0_i32_0 = arith.constant 0 : i32
    %c0_i32_1 = arith.constant 0 : i32
    return %c0_i32, %c0_i32_0 : i32, i32
  }
  func.func @transform_5(%arg0: i32) -> (i32, i32) {
    %c0_i32 = arith.constant 0 : i32
    %c0_i32_0 = arith.constant 0 : i32
    %c0_i32_1 = arith.constant 0 : i32
    return %c0_i32, %c0_i32_0 : i32, i32
  }
  func.func @transform_6(%arg0: i32) -> (i32, i32) {
    %c0_i32 = arith.constant 0 : i32
    %c0_i32_0 = arith.constant 0 : i32
    %c0_i32_1 = arith.constant 0 : i32
    return %c0_i32, %c0_i32_0 : i32, i32
  }
  func.func @transform_7(%arg0: i32) -> (i32, i32) {
    %c0_i32 = arith.constant 0 : i32
    %c0_i32_0 = arith.constant 0 : i32
    return %arg0, %c0_i32 : i32, i32
  }
  func.func @transform_8(%arg0: i32) -> (i32, i32) {
    %c0_i32 = arith.constant 0 : i32
    %c0_i32_0 = arith.constant 0 : i32
    return %arg0, %c0_i32 : i32, i32
  }
}

</mosaic_0001>

<sc_bundles>
// kernel: kernel.6.cloned.1.call-start
scs
__scs_entry_jumppad:
0x0: {  	(pc) =	sbr.rel $0x88, $3  }
0x1: {  	(tag) =	ssettag $0x0;
	lr =	simm.s32 $0x1  }
0x2: {  	[smem:$0x3F99] =	sst lr;
	_ =	strace $0xD0000000  }
0x3: {  	_ = 	snop  }
0x4: {  	_ = 	snop  }
0x5: {  	_ = 	snop  }
0x6: {  	_ = 	snop  }
0x7: {  	_ = 	snop  }
__scs_overlays_trampoline_lowered:
0x8: {  	[smem:$0x3FA8] =	sst s0  }
0x9: {  	[smem:$0x3FA9] =	sst s1  }
0xa: {  	[smem:$0x3FAA] =	sst s2  }
0xb: {  	[smem:$0x3FAB] =	sst s3  }
0xc: {  	[smem:$0x3FAC] =	sst s4  }
0xd: {  	[smem:$0x3FAD] =	sst s5  }
0xe: {  	[smem:$0x3FAE] =	sst s6  }
0xf: {  	[smem:$0x3FAF] =	sst s7  }
0x10: {  	[smem:$0x3FB0] =	sst s8  }
0x11: {  	[smem:$0x3FB1] =	sst s9;
	s0 =	simm.s32 @!p0 $0x0  }
0x12: {  	s1 =	sld [smem:$0x3F97];
	s0 =	simm.s32 @p0 $0x1  }
0x13: {  	[smem:$0x3FB2] =	sst s0;
	s0 =	simm.s32 @!p1 $0x0  }
0x14: {  	s2 =	sld [smem:$0x3F96];
	s0 =	simm.s32 @p1 $0x1  }
0x15: {  	[smem:$0x3FB3] =	sst s0;
	s0 =	simm.s32 @!p2 $0x0  }
0x16: {  	s3 =	sld [smem:$0x3FDB];
	s0 =	simm.s32 @p2 $0x1  }
0x17: {  	s4 =	simm.s32 $0x1BF5;
	[smem:$0x3FB5] =	sst s0  }
0x18: {  	s0 =	sld [smem:$0x3F98];
	_ =	swait.ge [sflag:s4], $0x0  }
0x19: {  	s7 =	sld [smem:$0x3F99]  }
0x1a: {  	s8 =	sadd.s32 $0xFFFFE003, lr  }
0x1b: {  	s9 =	sadd.s32 $0xFFFFFEF7, lr;
	s5 =	simm.s32 $0xFFFFFFFF;
	p2 =	slt.u32 s8, $0xFFFFF086  }
0x1c: {  	p1 =	slt.u32 s9, $0xF7A;
	s5 =	simm.s32 @!p2 $0x0  }
0x1d: {  	s5 =	simm.s32 @p1 $0x1;
	p0 =	seq.s32 s7, s2  }
0x1e: {  	s7 =	smul.u32 @!p0 $0xF7A, s2;
	p2 =	seq.s32 @!p0 s5, $0x0  }
0x1f: {  	s9 =	smul.u32 $0xF7A, s1;
	s8 =	simm.s32 @!p0 $0x1BF5;
	p2 =	por !p2, p0  }
0x20: {  	[sflag:s8] =	ssyncset.s32 @!p0 $0xFFFFF086;
	s6 =	sadd.s32 @!p0 s3, s7;
	s7 =	simm.s32 @!p0 $0x108  }
0x21: {  	s3 =	sadd.s32 s3, s9;
	s6 =	sadd.s32 @!p0 $0x88, s6;
	s7 =	simm.s32 @p2 $0x1082  }
0x22: {  	[simem:s7], [sflag:s8] =	dma.local @!p0 [hbm:s6], $0xF7A  }
0x23: {  	s9 =	sor.u32 $0xD0000000, s2;
	s6 =	simm.s32 $0x108;
	_ =	swait.ge @!p0 [sflag:s8], $0x0  }
0x24: {  	s3 =	sadd.s32 $0x88, s3;
	s6 =	simm.s32 @!p1 $0x1082;
	[sflag:s4] =	ssyncset.s32 $0xFFFFF086  }
0x25: {  	[simem:s6], [sflag:s4] =	dma.local [hbm:s3], $0xF7A  }
0x26: {  	[smem:$0x3F99] =	sst s1;
	(tag) =	ssettag s2;
	_ =	strace s9  }
0x27: {  	s1 =	sld [smem:$0x3FA9]  }
0x28: {  	s2 =	sld [smem:$0x3FAA]  }
0x29: {  	s4 =	sld [smem:$0x3FAC]  }
0x2a: {  	p0 =	seq.s32 s5, $0x0;
	s5 =	sld [smem:$0x3FAD]  }
0x2b: {  	s6 =	sld [smem:$0x3FAE]  }
0x2c: {  	s7 =	sld [smem:$0x3FAF]  }
0x2d: {  	s3 =	simm.s32 $0x108;
	s8 =	sld [smem:$0x3FB0]  }
0x2e: {  	s3 =	simm.s32 @!p0 $0x1082;
	s9 =	sld [smem:$0x3FB1]  }
0x2f: {  	lr =	sadd.s32 s0, s3;
	s0 =	sld [smem:$0x3FA8]  }
0x30: {  	s3 =	sld [smem:$0x3FAB]  }
0x31: {  	[smem:$0x3FB4] =	sst s10  }
0x32: {  	s10 =	sld [smem:$0x3FB2];
	_ =	sdelay $0x3  }
0x33: {  	p0 =	seq.s32 s10, $0x1;
	s10 =	sld [smem:$0x3FB4];
	_ =	sdelay $0x3  }
0x34: {  	[smem:$0x3FB4] =	sst s10  }
0x35: {  	s10 =	sld [smem:$0x3FB3];
	_ =	sdelay $0x3  }
0x36: {  	p1 =	seq.s32 s10, $0x1;
	s10 =	sld [smem:$0x3FB4];
	_ =	sdelay $0x3  }
0x37: {  	[smem:$0x3FB4] =	sst s10  }
0x38: {  	s10 =	sld [smem:$0x3FB5]  }
0x39: {  	_ = 	snop;
	(pc) =	sbr.ind lr, $3  }
0x3a: {  	_ = 	snop  }
0x3b: {  	_ = 	snop  }
0x3c: {  	p2 =	seq.s32 s10, $0x1;
	s10 =	sld [smem:$0x3FB4]  }
0x3d: {  	_ =	shalt  }
0x3e: {  	_ =	shalt  }
0x3f: {  	_ =	shalt  }
0x40: {  	_ =	shalt  }
0x41: {  	_ =	shalt  }
0x42: {  	_ =	shalt  }
0x43: {  	_ =	shalt  }
0x44: {  	_ =	shalt  }
0x45: {  	_ =	shalt  }
0x46: {  	_ =	shalt  }
0x47: {  	_ =	shalt  }
0x48: {  	_ =	shalt  }
0x49: {  	_ =	shalt  }
0x4a: {  	_ =	shalt  }
0x4b: {  	_ =	shalt  }
0x4c: {  	_ =	shalt  }
0x4d: {  	_ =	shalt  }
0x4e: {  	_ =	shalt  }
0x4f: {  	_ =	shalt  }
0x50: {  	_ =	shalt  }
0x51: {  	_ =	shalt  }
0x52: {  	_ =	shalt  }
0x53: {  	_ =	shalt  }
0x54: {  	_ =	shalt  }
0x55: {  	_ =	shalt  }
0x56: {  	_ =	shalt  }
0x57: {  	_ =	shalt  }
0x58: {  	_ =	shalt  }
0x59: {  	_ =	shalt  }
0x5a: {  	_ =	shalt  }
0x5b: {  	_ =	shalt  }
0x5c: {  	_ =	shalt  }
0x5d: {  	_ =	shalt  }
0x5e: {  	_ =	shalt  }
0x5f: {  	_ =	shalt  }
0x60: {  	_ =	shalt  }
0x61: {  	_ =	shalt  }
0x62: {  	_ =	shalt  }
0x63: {  	_ =	shalt  }
0x64: {  	_ =	shalt  }
0x65: {  	_ =	shalt  }
0x66: {  	_ =	shalt  }
0x67: {  	_ =	shalt  }
0x68: {  	_ =	shalt  }
0x69: {  	_ =	shalt  }
0x6a: {  	_ =	shalt  }
0x6b: {  	_ =	shalt  }
0x6c: {  	_ =	shalt  }
0x6d: {  	_ =	shalt  }
0x6e: {  	_ =	shalt  }
0x6f: {  	_ =	shalt  }
0x70: {  	_ =	shalt  }
0x71: {  	_ =	shalt  }
0x72: {  	_ =	shalt  }
0x73: {  	_ =	shalt  }
0x74: {  	_ =	shalt  }
0x75: {  	_ =	shalt  }
0x76: {  	_ =	shalt  }
0x77: {  	_ =	shalt  }
0x78: {  	_ =	shalt  }
0x79: {  	_ =	shalt  }
0x7a: {  	_ =	shalt  }
0x7b: {  	_ =	shalt  }
0x7c: {  	_ =	shalt  }
0x7d: {  	_ =	shalt  }
0x7e: {  	_ =	shalt  }
0x7f: {  	_ =	shalt  }
0x80: {  	_ =	shalt  }
0x81: {  	_ =	shalt  }
0x82: {  	_ =	shalt  }
0x83: {  	_ =	shalt  }
0x84: {  	_ =	shalt  }
0x85: {  	_ =	shalt  }
0x86: {  	_ =	shalt  }
0x87: {  	_ =	shalt  }
.Lfunc_end0:
.L_simem_size_0:
called_computation_lowered:
.L_overlay_start_0:
0x88: {  	s2 =	sld [smem:$0x3FD9]  }
0x89: {  	s3 =	sld [smem:$0x3FFE];
	_ =	sdelay $0x1  }
0x8a: {  	s1 =	srdreg.scid  }
0x8b: {  	s0 =	sand.u32 $0x1, s1  }
0x8c: {  	s14 =	sshll.u32 s0, $0xA;
	s2 =	sadd.s32 s3, s2  }
0x8d: {  	s2 =	sadd.s32 s2, s14  }
0x8e: {  	[smem:$0x3FC0] =	sst s2  }
0x8f: {  	_ = 	snop  }
0x90: {  	s2 =	sld [smem:$0x3FD0];
	_ =	sdelay $0x2  }
0x91: {  	s15 =	simm.s32 $0xA;
	s4 =	simm.s32 $0x10  }
0x92: {  	[smem:s4], [sflag:s15] =	dma.local [hbm:s2], $0x1  }
0x93: {  	_ =	swait.eq [sflag:s15], $0x1  }
0x94: {  	s16 =	sld [smem:$0x10];
	[sflag:s15] =	ssyncset.done $0x0  }
0x95: {  	s17 =	sld [smem:$0x11];
	[sflag:s15] =	ssyncadd.s32 $0xFFFFFFFF  }
0x96: {  	s18 =	sld [smem:$0x12];
	(tm) =	ssettm $0x1  }
0x97: {  	s5 =	sld [smem:$0x3FFB];
	_ =	sdelay $0x3  }
0x98: {  	_ =	strace s5  }
0x99: {  	s5 =	sld [smem:$0x3FFC];
	_ =	sdelay $0x3  }
0x9a: {  	_ =	strace s5  }
0x9b: {  	s5 =	sld [smem:$0x3FFD];
	_ =	sdelay $0x3  }
0x9c: {  	_ =	strace s5  }
0x9d: {  	_ =	strace $0x8FFFFFFF  }
0x9e: {  	s19 =	sld [smem:$0x3FDB];
	_ =	sdelay $0x1  }
0x9f: {  	s6 =	simm.s32 $_scs_section_size  }
0xa0: {  	s7 =	simm.s32 $_size__tile_overlayer_lowered;
	s8 =	simm.s32 $_tile_overlayer_lowered  }
0xa1: {  	s22 =	simm.s32 $0x1BFF;
	s21 =	sshll.u32 s8, $0x1;
	s5 =	sadd.s32 s6, s19  }
0xa2: {  	s9 =	simm.s32 $0x0;
	s20 =	sshll.u32 s7, $0x1;
	s7 =	sadd.s32 s21, s5  }
0xa3: {  	[timem:s9], [sflag:s22] =	dma.local [hbm:s7], s20  }
0xa4: {  	_ =	swait.ge [sflag:s22], s20  }
0xa5: {  	s6 =	ssub.s32 $0x0, s20;
	[sflag:s22] =	ssyncset.done $0x0  }
0xa6: {  	[sflag:s22] =	ssyncadd.s32 s6;
	_ =	sdelay $0x1  }
0xa7: {  	s23 =	simm.s32 $0x1B8B  }
0xa8: {  	_ =	swait.ge [sflag:s23], $0x1  }
0xa9: {  	[sflag:s23] =	ssyncset.done $0x0  }
0xaa: {  	s25 =	simm.s32 $0x1B8E;
	s24 =	sld [smem:$0x3FFE];
	[sflag:s23] =	ssyncadd.s32 $0xFFFFFFFF  }
0xab: {  	s26 =	simm.s32 $execute0_lowered;
	[smem:$0x3FD2] =	sst s25  }
0xac: {  	s7 =	sshll.u32 s26, $0x1;
	_ =	strace $0x80000046;
	[dreg:$0x1] =	wrdreg $0xFFFFFFFF  }
0xad: {  	s28 =	simm.s32 $_size_execute0_lowered;
	s5 =	sadd.s32 s5, s7;
	[dreg:$0x0] =	wrdreg $0x0  }
0xae: {  	s7 =	sshll.u32 s28, $0x1;
	[dreg:$0x2] =	wrdreg s5  }
0xaf: {  	[dreg:$0x3] =	wrdreg s7  }
0xb0: {  	[dreg:$0x4] =	wrdreg $0xC0  }
0xb1: {  	_ =	task [dreg:s9], $0x5FFFF  }
0xb2: {  	[dreg:$0x1] =	wrdreg $0xFFFFFFFF  }
0xb3: {  	[dreg:$0x0] =	wrdreg $0x60  }
0xb4: {  	[dreg:$0x2] =	wrdreg s24  }
0xb5: {  	[dreg:$0x3] =	wrdreg s16  }
0xb6: {  	[dreg:$0x4] =	wrdreg s17  }
0xb7: {  	[dreg:$0x5] =	wrdreg s18  }
0xb8: {  	[dreg:$0x6] =	wrdreg $0xCFA00  }
0xb9: {  	[dreg:$0x7] =	wrdreg $0xA8200  }
0xba: {  	[dreg:$0x8] =	wrdreg $0x9  }
0xbb: {  	_ =	task.clear_ibuf [dreg:s9], $0x9FFFF;
	_ =	strace $0x90000046  }
0xbc: {  	s29 =	simm.s32 $0x9;
	_ =	strace $0x80000048  }
0xbd: {  	_ =	swait.ge [sflag:s29], $0x1  }
0xbe: {  	[sflag:s29] =	ssyncadd.s32 $0xFFFFFFFF  }
0xbf: {  	_ =	strace $0x90000048  }
0xc0: {  	_ =	sfence  }
0xc1: {  	s30 =	sld [smem:$0x0];
	_ =	sdelay $0x2  }
0xc2: {  	s31 =	sshll.u32 s1, $0xD;
	s1 =	sshrl.u32 s1, $0x2  }
0xc3: {  	s3 =	sand.u32 $0x4000, s31;
	s1 =	sadd.s32 s1, s30  }
0xc4: {  	s0 =	sor.u32 s3, s0;
	s1 =	sshll.u32 s1, $0x11  }
0xc5: {  	s0 =	sor.u32 s1, s0  }
0xc6: {  	s0 =	sadd.s32 $0x8F2B, s0  }
0xc7: {  	[sflag:s0] =	ssyncadd.remote.s32 $0x1  }
0xc8: {  	_ =	sfence.sel $0xFFFF  }
0xc9: {  	[dreg:$0x0] =	wrdreg $0xFFFFFFFF;
	(pc) =	sbr.abs _section_cstart, $3  }
0xca: {  	[dreg:$0x1] =	wrdreg $0xFFFFFFFF  }
0xcb: {  	_ =	task.clear_ibuf [dreg:s9], $0x2FFFF;
	_ =	strace $0x9FFFFFFF  }
0xcc: {  	(tm) =	ssettm $0x7FFFFFFF  }
0xcd: {  	_ =	shalt  }
tec
execute0_lowered:
.L_overlay_start_1:
0x0: {  	(tag) =	ssettag $0x1  }
0x1: {  	s7 =	rddreg [dreg:$0x2];
	s4 =	stileid.u32  }
0x2: {  	s0 =	srdreg.scid;
	s9 =	smul.u32 $0x278, s4  }
0x3: {  	s8 =	rddreg [dreg:$0x3];
	s10 =	smul.u32 $0x9E00, s4  }
0x4: {  	s1 =	simm.s32 $0x0;
	s2 =	sand.u32 $0x1, s0;
	s11 =	smul.u32 $0x2780, s4  }
0x5: {  	[smem:$0x7FF] =	sst s1;
	s14 =	smul.u32 $0x4F00, s2  }
0x6: {  	s0 =	ssub.s32 $0x2, s2;
	s24 =	sshll.u32 s2, $0x4;
	s15 =	smul.u32 $0x13C00, s2  }
0x7: {  	s3 =	sshrl.u32 s0, $0x1;
	s1 =	sor.u32 s4, s24;
	s12 =	sadd.s32 $0x50, s9  }
0x8: {  	s13 =	sadd.s32 $0xA0, s9;
	s6 =	sadd.s32 $0xF0, s9;
	s4 =	sadd.s32 $0x140, s9  }
0x9: {  	s5 =	sadd.s32 $0x190, s9;
	s2 =	sadd.s32 $0x230, s9;
	s25 =	sshrl.u32 s11, $0x3  }
0xa: {  	s0 =	ssub.s32 s0, s3;
	s3 =	sadd.s32 $0x1E0, s9;
	s7 =	sadd.s32 s7, s14  }
0xb: {  	s8 =	sadd.s32 s8, s15;
	s26 =	sshll.u32 s12, $0x1;
	s9 =	sadd.s32 s25, s7  }
0xc: {  	s17 =	sshll.u32 s13, $0x1;
	s15 =	sadd.s32 s26, s7;
	[dreg:$0x7] =	wrdreg s9  }
0xd: {  	s19 =	sshll.u32 s6, $0x1;
	s17 =	sadd.s32 s17, s7;
	[dreg:$0x8] =	wrdreg s15  }
0xe: {  	s20 =	sshll.u32 s4, $0x1;
	s19 =	sadd.s32 s19, s7;
	[dreg:$0x9] =	wrdreg s17  }
0xf: {  	s21 =	sshll.u32 s5, $0x1;
	s20 =	sadd.s32 s20, s7;
	[dreg:$0xa] =	wrdreg s19  }
0x10: {  	s28 =	simm.s32 $0x2;
	s24 =	sadd.s32 s21, s7;
	[dreg:$0xb] =	wrdreg s20  }
0x11: {  	s29 =	simm.s32 $0x3;
	s16 =	sshll.u32 s12, $0x3;
	[dreg:$0xc] =	wrdreg s24  }
0x12: {  	s23 =	sshll.u32 s2, $0x1;
	s22 =	sshll.u32 s3, $0x1;
	s20 =	rddreg [dreg:$0x0]  }
0x13: {  	s21 =	sshll.u32 s4, $0x3;
	s17 =	sadd.s32 s16, s8;
	s16 =	rddreg [dreg:$0x1]  }
0x14: {  	s25 =	sadd.s32 s22, s7;
	s9 =	sadd.s32 s21, s8;
	s21 =	rddreg [dreg:$0x5]  }
0x15: {  	s14 =	sshrl.u32 s10, $0x3;
	s7 =	sadd.s32 s23, s7;
	[dreg:$0xd] =	wrdreg s25  }
0x16: {  	s18 =	sshll.u32 s13, $0x3;
	s15 =	sadd.s32 s14, s8;
	[dreg:$0xe] =	wrdreg s7  }
0x17: {  	s26 =	sshll.u32 s6, $0x3;
	s0 =	smax.u32 s0, $0x1;
	[dreg:$0xf] =	wrdreg s15  }
0x18: {  	s19 =	sadd.s32 s18, s8;
	s22 =	sshll.u32 s5, $0x3;
	[dreg:$0x10] =	wrdreg s17  }
0x19: {  	s24 =	sshll.u32 s3, $0x3;
	s14 =	sshll.u32 s13, $0x6;
	[dreg:$0x11] =	wrdreg s19  }
0x1a: {  	s7 =	sadd.s32 s26, s8;
	[dreg:$0x13] =	wrdreg s9;
	s23 =	sadd.s32 s22, s8  }
0x1b: {  	s17 =	rddreg [dreg:$0x4];
	s19 =	smul.u32 $0x2710, s1;
	s9 =	sadd.s32 s24, s8  }
0x1c: {  	s25 =	sshll.u32 s2, $0x3;
	s24 =	sadd.s32 $0x1A600, s20;
	s30 =	sadd.s32 s11, s21  }
0x1d: {  	s15 =	sshll.u32 s13, $0x4;
	s22 =	sshll.u32 s4, $0x6;
	[dreg:$0x12] =	wrdreg s7  }
0x1e: {  	s4 =	sshll.u32 s4, $0x4;
	s1 =	smul.u32 $0x27100, s1;
	[dreg:$0x14] =	wrdreg s23  }
0x1f: {  	[dreg:$0x15] =	wrdreg s9;
	s8 =	sadd.s32 s25, s8;
	s23 =	sadd.s32 $0x15600, s20  }
0x20: {  	s18 =	sadd.s32 s10, s17;
	s10 =	sadd.s32 s15, s21;
	s4 =	sadd.s32 s4, s21  }
0x21: {  	s15 =	sshll.u32 s3, $0x6;
	s3 =	sshll.u32 s3, $0x4;
	[dreg:$0x16] =	wrdreg s8  }
0x22: {  	s3 =	sadd.s32 s3, s21;
	_ =	strace $0x80000047;
	[smem:$0x7F3] =	sst s4  }
0x23: {  	s25 =	sadd.s32 $0x24400, s20;
	s9 =	sshll.u32 s12, $0x6;
	[smem:$0x7F7] =	sst s3  }
0x24: {  	s12 =	sshll.u32 s12, $0x4;
	s13 =	sadd.s32 s14, s17;
	[smem:$0x7FD] =	sst s0  }
0x25: {  	s26 =	sshrl.u32 s19, $0x3;
	s31 =	sadd.s32 s9, s17;
	[dreg:$0x17] =	wrdreg s18  }
0x26: {  	s12 =	sadd.s32 s12, s21;
	s9 =	sadd.s32 s22, s17;
	[dreg:$0x18] =	wrdreg s30  }
0x27: {  	s1 =	sshrl.u32 s1, $0x3;
	s8 =	sadd.s32 s26, s20;
	[dreg:$0x19] =	wrdreg s31  }
0x28: {  	s20 =	sshll.u32 s6, $0x6;
	s6 =	sshll.u32 s6, $0x4;
	[dreg:$0x1a] =	wrdreg s12  }
0x29: {  	s26 =	sshll.u32 s5, $0x6;
	s5 =	sshll.u32 s5, $0x4;
	[dreg:$0x1b] =	wrdreg s13  }
0x2a: {  	s4 =	sadd.s32 s15, s17;
	s1 =	sadd.s32 s25, s1;
	[dreg:$0x1c] =	wrdreg s10  }
0x2b: {  	s15 =	simm.s32 $0x7B20;
	s0 =	simm.s32 $0x4;
	[dreg:$0x1f] =	wrdreg s9  }
0x2c: {  	s7 =	sadd.s32 s20, s17;
	s6 =	sadd.s32 s6, s21;
	[smem:$0x7F6] =	sst s4  }
0x2d: {  	s11 =	sadd.s32 s26, s17;
	s14 =	sadd.s32 s5, s21;
	[dreg:$0x1e] =	wrdreg s6  }
0x2e: {  	s20 =	sshll.u32 s2, $0x6;
	s2 =	sshll.u32 s2, $0x4;
	[smem:$0x7F4] =	sst s11  }
0x2f: {  	s22 =	sadd.s32 $0x1A00, s8;
	s26 =	sadd.s32 $0xB800, s8;
	[smem:$0x7F5] =	sst s14  }
0x30: {  	s1 =	sadd.s32 $0x4D80, s1;
	s4 =	simm.s32 $0x8F20;
	[smem:$0x7FA] =	sst s22  }
0x31: {  	s5 =	simm.s32 $0x0;
	s3 =	sadd.s32 s20, s17;
	[smem:$0x7FB] =	sst s26  }
0x32: {  	s2 =	sadd.s32 s2, s21;
	[smem:$0x7FC] =	sst s1;
	s20 =	simm.s32 $0x7  }
0x33: {  	v0 =	vlaneseq.u32;
	s22 =	simm.s32 $0x7620;
	s11 =	simm.s32 $0x50;
	[dreg:$0x1d] =	wrdreg s7  }
0x34: {  	v0 =	vshrl.u32 v0, $0x2;
	s14 =	simm.s32 $0x5820;
	s26 =	simm.s32 $0x1;
	[smem:$0x7F8] =	sst s3  }
0x35: {  	v1 =	vimm.f32 $0.0e+00;
	v2 =	vor.u32 $0x4, v0;
	[smem:$0x7F9] =	sst s2;
	s2 =	simm.s32 $0x5;
	s3 =	simm.s32 $0x6  }
.LBB2_1:
0x36: {  	s8 =	simm.s32 $0x0  }
0x37: {  	s1 =	simm.s32 $0x7B40;
	[tilespmem:s8+$0x7620] =	vst v1  }
0x38: {  	[tilespmem:s1+$0xFFFFFFE0] =	vst v1  }
0x39: {  	[tilespmem:s1+$0xFFFFFFF0] =	vst v1  }
0x3a: {  	[tilespmem:s1+$0x0] =	vst v1  }
0x3b: {  	[smem:$0x7F2] =	sst s5;
	s5 =	simm.s32 $0x40;
	[tilespmem:s1+$0x10] =	vst v1  }
.LBB2_2:
0x3c: {  	s6 =	sshra.s32 s5, $0x2;
	p0 =	sne.s32 s5, $0x13C0  }
.Ltmp0:
0x3d: {  	s5 =	sadd.s32 $0x40, s5;
	s1 =	sadd.s32 $0x40, s1;
	[tilespmem:s6+$0x7620] =	vst v1;
	(pc) =	sbr.rel @p0 .LBB2_2-.Ltmp0, $4  }
0x3e: {  	[tilespmem:s1+$0xFFFFFFE0] =	vst v1  }
0x3f: {  	[tilespmem:s1+$0xFFFFFFF0] =	vst v1  }
0x40: {  	[tilespmem:s1+$0x0] =	vst v1  }
0x41: {  	[tilespmem:s1+$0x10] =	vst v1  }
0x42: {  	[spmem:s18] =	stream.linear.scatter [tilespmem:s15], [sflag:$0x7], $0x1400, $0x38;
	[tilespmem:$0x16DA0] =	vst v63  }
0x43: {  	_ =	swait.ge [sflag:s20], $0x1400  }
0x44: {  	[sflag:s20] =	ssyncset.done $0x0  }
0x45: {  	[sflag:s20] =	ssyncadd.s32 $0xFFFFEC00  }
0x46: {  	[spmem:s30] =	stream.linear.scatter [tilespmem:s22], [sflag:$0x7], $0x500, $0x38;
	[tilespmem:$0x16DA0] =	vst v63  }
0x47: {  	_ =	swait.ge [sflag:s20], $0x500  }
0x48: {  	[sflag:s20] =	ssyncset.done $0x0  }
0x49: {  	[sflag:s20] =	ssyncadd.s32 $0xFFFFFB00  }
0x4a: {  	[spmem:s31] =	stream.linear.scatter [tilespmem:s15], [sflag:$0x7], $0x1400, $0x38;
	[tilespmem:$0x16DA0] =	vst v63  }
0x4b: {  	_ =	swait.ge [sflag:s20], $0x1400  }
0x4c: {  	[sflag:s20] =	ssyncset.done $0x0  }
0x4d: {  	[sflag:s20] =	ssyncadd.s32 $0xFFFFEC00  }
0x4e: {  	[spmem:s12] =	stream.linear.scatter [tilespmem:s22], [sflag:$0x7], $0x500, $0x38;
	[tilespmem:$0x16DA0] =	vst v63  }
0x4f: {  	_ =	swait.ge [sflag:s20], $0x500  }
0x50: {  	[sflag:s20] =	ssyncset.done $0x0  }
0x51: {  	[sflag:s20] =	ssyncadd.s32 $0xFFFFFB00  }
0x52: {  	[spmem:s13] =	stream.linear.scatter [tilespmem:s15], [sflag:$0x7], $0x1400, $0x38;
	[tilespmem:$0x16DA0] =	vst v63  }
0x53: {  	_ =	swait.ge [sflag:s20], $0x1400  }
0x54: {  	[sflag:s20] =	ssyncset.done $0x0  }
0x55: {  	[sflag:s20] =	ssyncadd.s32 $0xFFFFEC00  }
0x56: {  	[spmem:s10] =	stream.linear.scatter [tilespmem:s22], [sflag:$0x7], $0x500, $0x38;
	[tilespmem:$0x16DA0] =	vst v63  }
0x57: {  	_ =	swait.ge [sflag:s20], $0x500  }
0x58: {  	[sflag:s20] =	ssyncset.done $0x0  }
0x59: {  	[sflag:s20] =	ssyncadd.s32 $0xFFFFFB00  }
0x5a: {  	[spmem:s7] =	stream.linear.scatter [tilespmem:s15], [sflag:$0x7], $0x1400, $0x38;
	[tilespmem:$0x16DA0] =	vst v63  }
0x5b: {  	_ =	swait.ge [sflag:s20], $0x1400  }
0x5c: {  	[sflag:s20] =	ssyncset.done $0x0  }
0x5d: {  	s1 =	rddreg [dreg:$0x1e];
	[sflag:s20] =	ssyncadd.s32 $0xFFFFEC00  }
0x5e: {  	[spmem:s1] =	stream.linear.scatter [tilespmem:s22], [sflag:$0x7], $0x500, $0x38;
	[tilespmem:$0x16DA0] =	vst v63  }
0x5f: {  	_ =	swait.ge [sflag:s20], $0x500  }
0x60: {  	[sflag:s20] =	ssyncset.done $0x0  }
0x61: {  	[sflag:s20] =	ssyncadd.s32 $0xFFFFFB00  }
0x62: {  	[spmem:s9] =	stream.linear.scatter [tilespmem:s15], [sflag:$0x7], $0x1400, $0x38;
	[tilespmem:$0x16DA0] =	vst v63  }
0x63: {  	_ =	swait.ge [sflag:s20], $0x1400  }
0x64: {  	s5 =	sld [smem:$0x7F3]  }
0x65: {  	[sflag:s20] =	ssyncset.done $0x0  }
0x66: {  	[sflag:s20] =	ssyncadd.s32 $0xFFFFEC00  }
0x67: {  	[spmem:s5] =	stream.linear.scatter [tilespmem:s22], [sflag:$0x7], $0x500, $0x38;
	[tilespmem:$0x16DA0] =	vst v63  }
0x68: {  	_ =	swait.ge [sflag:s20], $0x500  }
0x69: {  	s6 =	sld [smem:$0x7F4]  }
0x6a: {  	[sflag:s20] =	ssyncset.done $0x0  }
0x6b: {  	[sflag:s20] =	ssyncadd.s32 $0xFFFFFB00  }
0x6c: {  	[spmem:s6] =	stream.linear.scatter [tilespmem:s15], [sflag:$0x7], $0x1400, $0x38;
	[tilespmem:$0x16DA0] =	vst v63  }
0x6d: {  	_ =	swait.ge [sflag:s20], $0x1400  }
0x6e: {  	s7 =	sld [smem:$0x7F5]  }
0x6f: {  	[sflag:s20] =	ssyncset.done $0x0  }
0x70: {  	[sflag:s20] =	ssyncadd.s32 $0xFFFFEC00  }
0x71: {  	[spmem:s7] =	stream.linear.scatter [tilespmem:s22], [sflag:$0x7], $0x500, $0x38;
	[tilespmem:$0x16DA0] =	vst v63  }
0x72: {  	_ =	swait.ge [sflag:s20], $0x500  }
0x73: {  	s8 =	sld [smem:$0x7F6]  }
0x74: {  	[sflag:s20] =	ssyncset.done $0x0  }
0x75: {  	[sflag:s20] =	ssyncadd.s32 $0xFFFFFB00  }
0x76: {  	[spmem:s8] =	stream.linear.scatter [tilespmem:s15], [sflag:$0x7], $0x1400, $0x38;
	[tilespmem:$0x16DA0] =	vst v63  }
0x77: {  	_ =	swait.ge [sflag:s20], $0x1400  }
0x78: {  	s9 =	sld [smem:$0x7F7]  }
0x79: {  	[sflag:s20] =	ssyncset.done $0x0  }
0x7a: {  	[sflag:s20] =	ssyncadd.s32 $0xFFFFEC00  }
0x7b: {  	[spmem:s9] =	stream.linear.scatter [tilespmem:s22], [sflag:$0x7], $0x500, $0x38;
	[tilespmem:$0x16DA0] =	vst v63  }
0x7c: {  	_ =	swait.ge [sflag:s20], $0x500  }
0x7d: {  	s10 =	sld [smem:$0x7F8]  }
0x7e: {  	[sflag:s20] =	ssyncset.done $0x0  }
0x7f: {  	[sflag:s20] =	ssyncadd.s32 $0xFFFFFB00  }
0x80: {  	[spmem:s10] =	stream.linear.scatter [tilespmem:s15], [sflag:$0x7], $0x1200, $0x38;
	[tilespmem:$0x16DA0] =	vst v63  }
0x81: {  	_ =	swait.ge [sflag:s20], $0x1200  }
0x82: {  	s12 =	sld [smem:$0x7F9]  }
0x83: {  	[sflag:s20] =	ssyncset.done $0x0  }
0x84: {  	[sflag:s20] =	ssyncadd.s32 $0xFFFFEE00  }
0x85: {  	[spmem:s12] =	stream.linear.scatter [tilespmem:s22], [sflag:$0x7], $0x480, $0x38;
	[tilespmem:$0x16DA0] =	vst v63  }
0x86: {  	_ =	swait.ge [sflag:s20], $0x480  }
0x87: {  	[sflag:s20] =	ssyncset.done $0x0  }
0x88: {  	[sflag:s20] =	ssyncadd.s32 $0xFFFFFB80  }
0x89: {  	[bflag:$0x0] =	sbarrier.arrive $0xFFFF  }
0x8a: {  	s13 =	sld [smem:$0x7FA];
	_ =	sdelay $0x1  }
0x8b: {  	s7 =	simm.s32 $0x0  }
0x8c: {  	[tilespmem:s7], [sflag:$0x7] =	stream.linear.gather [hbm4b:s13+s7], $0x2710, $0x38;
	[tilespmem:$0x16DA0] =	vst v63  }
0x8d: {  	_ =	swait.ge [sflag:s20], $0x2710  }
0x8e: {  	s18 =	sld [smem:$0x7FB]  }
0x8f: {  	[sflag:s20] =	ssyncset.done $0x0  }
0x90: {  	s5 =	simm.s32 $0x2710;
	[sflag:s20] =	ssyncadd.s32 $0xFFFFD8F0  }
0x91: {  	[tilespmem:s5], [sflag:$0x7] =	stream.linear.gather [hbm4b:s18+s7], $0x2710, $0x38;
	[tilespmem:$0x16DA0] =	vst v63  }
0x92: {  	_ =	swait.ge [sflag:s20], $0x2710  }
0x93: {  	[sflag:s20] =	ssyncset.done $0x0  }
0x94: {  	s30 =	simm.s32 $0x4E20;
	[sflag:s20] =	ssyncadd.s32 $0xFFFFD8F0  }
0x95: {  	[tilespmem:s30], [sflag:$0x1] =	stream.indirect.gather [hbm4b:s16+s11], $0x10, s7, s11, $0xb8;
	[tilespmem:$0x16DA0] =	vst v63  }
0x96: {  	s31 =	simm.s32 $0x5320  }
0x97: {  	[tilespmem:s31], [sflag:$0x2] =	stream.indirect.gather [hbm4b:s23+s11], $0x10, s5, s11, $0xb8;
	[tilespmem:$0x16DA0] =	vst v63  }
0x98: {  	_ = 	snop  }
0x99: {  	[tilespmem:s14], [sflag:$0x3] =	stream.indirect.gather [hbm4b:s24+s11], $0x20, s7, s11, $0xb8;
	[tilespmem:$0x16DA0] =	vst v63  }
.LBB2_4:
0x9a: {  	_ =	swait.ge [sflag:s26], $0x500  }
0x9b: {  	[sflag:s26] =	ssyncset.done $0x0  }
0x9c: {  	[sflag:s26] =	ssyncadd.s32 $0xFFFFFB00  }
0x9d: {  	_ =	swait.ge [sflag:s28], $0x500  }
0x9e: {  	[sflag:s28] =	ssyncset.done $0x0  }
0x9f: {  	[sflag:s28] =	ssyncadd.s32 $0xFFFFFB00  }
0xa0: {  	s10 =	smul.u32 $0xA0, s7;
	_ =	swait.ge [sflag:s29], $0xA00  }
0xa1: {  	[sflag:s29] =	ssyncset.done $0x0  }
0xa2: {  	s1 =	simm.s32 $0x6220;
	s9 =	sadd.s32 $0x50, s10;
	[sflag:s29] =	ssyncadd.s32 $0xFFFFF600  }
0xa3: {  	[tilespmem:s1], [sflag:$0x4] =	stream.indirect.gather [hbm4b:s16+s11], $0x10, s9, s11, $0xb8;
	[tilespmem:$0x16DA0] =	vst v63  }
0xa4: {  	s13 =	simm.s32 $0x6720;
	s18 =	simm.s32 $0x6C20;
	s8 =	sadd.s32 $0x2760, s10  }
0xa5: {  	[tilespmem:s13], [sflag:$0x5] =	stream.indirect.gather [hbm4b:s23+s11], $0x10, s8, s11, $0xb8;
	[tilespmem:$0x16DA0] =	vst v63  }
0xa6: {  	s6 =	simm.s32 $0x58A0;
	s30 =	simm.s32 $0x7C20;
	s31 =	simm.s32 $0x5360  }
0xa7: {  	[tilespmem:s18], [sflag:$0x6] =	stream.indirect.gather [hbm4b:s24+s11], $0x20, s9, s11, $0xb8;
	[tilespmem:$0x16DA0] =	vst v63  }
0xa8: {  	s5 =	simm.s32 $0x0;
	s1 =	simm.s32 $0x7660;
	s18 =	simm.s32 $0x4E60  }
.LBB2_5:
0xa9: {  	v3 =	vld [tilespmem:s18+$0xFFFFFFC0]  }
0xaa: {  	v4 =	vld [tilespmem:s31+$0xFFFFFFC0];
	_ =	sdelay $0x4  }
0xab: {  	v3 =	vadd.f32 v4, v3;
	_ =	sdelay $0x1  }
0xac: {  	v4 =	vmul.f32 $2.000000030e-01, v3  }
0xad: {  	vm0 =	vgt.f32 v3, $0.0e+00  }
0xae: {  	v3 =	vsel vm0, v3, v4  }
0xaf: {  	v3 =	vmul.f32 $1.442695020e+00, v3;
	_ =	sdelay $0x1  }
0xb0: {  	(erf) = vpow2.f32 v3;
	_ =	sdelay $0x5  }
0xb1: {  	s12 =	sshll.u32 s5, $0x4  }
0xb2: {  	v3 =	vor.u32 s12, v0;
	_ =	sdelay $0x1  }
0xb3: {  	v19 =	vpop (erf)  }
0xb4: {  	[tilespmem:s1+$0xFFFFFFC0] =	vst v19  }
0xb5: {  	v4 =	vld [tilespmem:s6+$0xFFFFFF80]  }
0xb6: {  	v3 =	vld.idx.msk [tilespmem:v3+s22+$0x0], $0xffff;
	_ =	sdelay $0x3  }
0xb7: {  	v5 =	vunpack.i.l.bf16.f32 v4  }
0xb8: {  	v6 =	vor.u32 s12, v2;
	v4 =	vunpack.i.u.bf16.f32 v4;
	v5 =	vmul.f32 v3, v5  }
0xb9: {  	v3 =	vmul.f32 v3, v4  }
0xba: {  	[tilespmem:s30+$0xFFFFFF00] =	vst v5  }
0xbb: {  	[tilespmem:s30+$0xFFFFFF10] =	vst v3  }
0xbc: {  	v3 =	vld [tilespmem:s6+$0xFFFFFF90]  }
0xbd: {  	v20 =	vld.idx.msk [tilespmem:v6+s22+$0x0], $0xffff;
	_ =	sdelay $0x3  }
0xbe: {  	v21 =	vunpack.i.l.bf16.f32 v3  }
0xbf: {  	v3 =	vunpack.i.u.bf16.f32 v3;
	v5 =	vmul.f32 v20, v21  }
0xc0: {  	v3 =	vmul.f32 v20, v3  }
0xc1: {  	[tilespmem:s30+$0xFFFFFF20] =	vst v5  }
0xc2: {  	[tilespmem:s30+$0xFFFFFF30] =	vst v3  }
0xc3: {  	v3 =	vld [tilespmem:s18+$0xFFFFFFD0]  }
0xc4: {  	v22 =	vld [tilespmem:s31+$0xFFFFFFD0];
	_ =	sdelay $0x4  }
0xc5: {  	v3 =	vadd.f32 v22, v3;
	_ =	sdelay $0x1  }
0xc6: {  	v4 =	vmul.f32 $2.000000030e-01, v3  }
0xc7: {  	vm9 =	vgt.f32 v3, $0.0e+00  }
0xc8: {  	v3 =	vsel vm9, v3, v4  }
0xc9: {  	v3 =	vmul.f32 $1.442695020e+00, v3;
	_ =	sdelay $0x1  }
0xca: {  	(erf) = vpow2.f32 v3;
	_ =	sdelay $0x5  }
0xcb: {  	s13 =	sadd.s32 $0x10, s12  }
0xcc: {  	v3 =	vor.u32 s13, v0;
	_ =	sdelay $0x1  }
0xcd: {  	v23 =	vpop (erf)  }
0xce: {  	[tilespmem:s1+$0xFFFFFFD0] =	vst v23  }
0xcf: {  	v4 =	vld [tilespmem:s6+$0xFFFFFFA0]  }
0xd0: {  	v3 =	vld.idx.msk [tilespmem:v3+s22+$0x0], $0xffff;
	_ =	sdelay $0x3  }
0xd1: {  	v24 =	vunpack.i.l.bf16.f32 v4  }
0xd2: {  	v25 =	vor.u32 s13, v2;
	v4 =	vunpack.i.u.bf16.f32 v4;
	v5 =	vmul.f32 v3, v24  }
0xd3: {  	v3 =	vmul.f32 v3, v4  }
0xd4: {  	[tilespmem:s30+$0xFFFFFF40] =	vst v5  }
0xd5: {  	[tilespmem:s30+$0xFFFFFF50] =	vst v3  }
0xd6: {  	v3 =	vld [tilespmem:s6+$0xFFFFFFB0]  }
0xd7: {  	v26 =	vld.idx.msk [tilespmem:v25+s22+$0x0], $0xffff;
	_ =	sdelay $0x3  }
0xd8: {  	v27 =	vunpack.i.l.bf16.f32 v3  }
0xd9: {  	v3 =	vunpack.i.u.bf16.f32 v3;
	v5 =	vmul.f32 v26, v27  }
0xda: {  	v3 =	vmul.f32 v26, v3  }
0xdb: {  	[tilespmem:s30+$0xFFFFFF60] =	vst v5  }
0xdc: {  	[tilespmem:s30+$0xFFFFFF70] =	vst v3  }
0xdd: {  	v3 =	vld [tilespmem:s18+$0xFFFFFFE0]  }
0xde: {  	v28 =	vld [tilespmem:s31+$0xFFFFFFE0];
	_ =	sdelay $0x4  }
0xdf: {  	v3 =	vadd.f32 v28, v3;
	_ =	sdelay $0x1  }
0xe0: {  	v4 =	vmul.f32 $2.000000030e-01, v3  }
0xe1: {  	vm10 =	vgt.f32 v3, $0.0e+00  }
0xe2: {  	v3 =	vsel vm10, v3, v4  }
0xe3: {  	v3 =	vmul.f32 $1.442695020e+00, v3;
	_ =	sdelay $0x1  }
0xe4: {  	(erf) = vpow2.f32 v3;
	_ =	sdelay $0x5  }
0xe5: {  	s13 =	sadd.s32 $0x20, s12  }
0xe6: {  	v3 =	vor.u32 s13, v0;
	_ =	sdelay $0x1  }
0xe7: {  	v29 =	vpop (erf)  }
0xe8: {  	[tilespmem:s1+$0xFFFFFFE0] =	vst v29  }
0xe9: {  	v4 =	vld [tilespmem:s6+$0xFFFFFFC0]  }
0xea: {  	v3 =	vld.idx.msk [tilespmem:v3+s22+$0x0], $0xffff;
	_ =	sdelay $0x3  }
0xeb: {  	v30 =	vunpack.i.l.bf16.f32 v4  }
0xec: {  	v31 =	vor.u32 s13, v2;
	v4 =	vunpack.i.u.bf16.f32 v4;
	v5 =	vmul.f32 v3, v30  }
0xed: {  	v3 =	vmul.f32 v3, v4  }
0xee: {  	[tilespmem:s30+$0xFFFFFF80] =	vst v5  }
0xef: {  	[tilespmem:s30+$0xFFFFFF90] =	vst v3  }
0xf0: {  	v3 =	vld [tilespmem:s6+$0xFFFFFFD0]  }
0xf1: {  	v32 =	vld.idx.msk [tilespmem:v31+s22+$0x0], $0xffff;
	_ =	sdelay $0x3  }
0xf2: {  	v33 =	vunpack.i.l.bf16.f32 v3  }
0xf3: {  	v3 =	vunpack.i.u.bf16.f32 v3;
	v5 =	vmul.f32 v32, v33  }
0xf4: {  	v3 =	vmul.f32 v32, v3  }
0xf5: {  	[tilespmem:s30+$0xFFFFFFA0] =	vst v5  }
0xf6: {  	[tilespmem:s30+$0xFFFFFFB0] =	vst v3  }
0xf7: {  	v3 =	vld [tilespmem:s18+$0xFFFFFFF0]  }
0xf8: {  	v34 =	vld [tilespmem:s31+$0xFFFFFFF0];
	_ =	sdelay $0x4  }
0xf9: {  	v3 =	vadd.f32 v34, v3;
	_ =	sdelay $0x1  }
0xfa: {  	v4 =	vmul.f32 $2.000000030e-01, v3  }
0xfb: {  	vm11 =	vgt.f32 v3, $0.0e+00  }
0xfc: {  	v3 =	vsel vm11, v3, v4  }
0xfd: {  	v3 =	vmul.f32 $1.442695020e+00, v3;
	_ =	sdelay $0x1  }
0xfe: {  	(erf) = vpow2.f32 v3;
	_ =	sdelay $0x5  }
0xff: {  	s13 =	sadd.s32 $0x30, s12  }
0x100: {  	v3 =	vor.u32 s13, v0;
	_ =	sdelay $0x1  }
0x101: {  	v35 =	vpop (erf)  }
0x102: {  	[tilespmem:s1+$0xFFFFFFF0] =	vst v35  }
0x103: {  	v4 =	vld [tilespmem:s6+$0xFFFFFFE0]  }
0x104: {  	v3 =	vld.idx.msk [tilespmem:v3+s22+$0x0], $0xffff;
	_ =	sdelay $0x3  }
0x105: {  	v36 =	vunpack.i.l.bf16.f32 v4  }
0x106: {  	v37 =	vor.u32 s13, v2;
	v4 =	vunpack.i.u.bf16.f32 v4;
	v5 =	vmul.f32 v3, v36  }
0x107: {  	v3 =	vmul.f32 v3, v4  }
0x108: {  	[tilespmem:s30+$0xFFFFFFC0] =	vst v5  }
0x109: {  	[tilespmem:s30+$0xFFFFFFD0] =	vst v3  }
0x10a: {  	v3 =	vld [tilespmem:s6+$0xFFFFFFF0]  }
0x10b: {  	v38 =	vld.idx.msk [tilespmem:v37+s22+$0x0], $0xffff;
	_ =	sdelay $0x3  }
0x10c: {  	v39 =	vunpack.i.l.bf16.f32 v3  }
0x10d: {  	v3 =	vunpack.i.u.bf16.f32 v3;
	v5 =	vmul.f32 v38, v39  }
0x10e: {  	v3 =	vmul.f32 v38, v3  }
0x10f: {  	[tilespmem:s30+$0xFFFFFFE0] =	vst v5  }
0x110: {  	[tilespmem:s30+$0xFFFFFFF0] =	vst v3  }
0x111: {  	v3 =	vld [tilespmem:s18+$0x0]  }
0x112: {  	v40 =	vld [tilespmem:s31+$0x0];
	_ =	sdelay $0x4  }
0x113: {  	v3 =	vadd.f32 v40, v3;
	_ =	sdelay $0x1  }
0x114: {  	v4 =	vmul.f32 $2.000000030e-01, v3  }
0x115: {  	vm12 =	vgt.f32 v3, $0.0e+00  }
0x116: {  	v3 =	vsel vm12, v3, v4  }
0x117: {  	v3 =	vmul.f32 $1.442695020e+00, v3;
	_ =	sdelay $0x1  }
0x118: {  	(erf) = vpow2.f32 v3;
	_ =	sdelay $0x5  }
0x119: {  	s13 =	sadd.s32 $0x40, s12  }
0x11a: {  	v3 =	vor.u32 s13, v0;
	_ =	sdelay $0x1  }
0x11b: {  	v41 =	vpop (erf)  }
0x11c: {  	[tilespmem:s1+$0x0] =	vst v41  }
0x11d: {  	v4 =	vld [tilespmem:s6+$0x0]  }
0x11e: {  	v3 =	vld.idx.msk [tilespmem:v3+s22+$0x0], $0xffff;
	_ =	sdelay $0x3  }
0x11f: {  	v42 =	vunpack.i.l.bf16.f32 v4  }
0x120: {  	v43 =	vor.u32 s13, v2;
	v4 =	vunpack.i.u.bf16.f32 v4;
	v5 =	vmul.f32 v3, v42  }
0x121: {  	v3 =	vmul.f32 v3, v4  }
0x122: {  	[tilespmem:s30+$0x0] =	vst v5  }
0x123: {  	[tilespmem:s30+$0x10] =	vst v3  }
0x124: {  	v3 =	vld [tilespmem:s6+$0x10]  }
0x125: {  	v44 =	vld.idx.msk [tilespmem:v43+s22+$0x0], $0xffff;
	_ =	sdelay $0x3  }
0x126: {  	v45 =	vunpack.i.l.bf16.f32 v3  }
0x127: {  	v3 =	vunpack.i.u.bf16.f32 v3;
	v5 =	vmul.f32 v44, v45  }
0x128: {  	v3 =	vmul.f32 v44, v3  }
0x129: {  	[tilespmem:s30+$0x20] =	vst v5  }
0x12a: {  	[tilespmem:s30+$0x30] =	vst v3  }
0x12b: {  	v3 =	vld [tilespmem:s18+$0x10]  }
0x12c: {  	v46 =	vld [tilespmem:s31+$0x10];
	_ =	sdelay $0x4  }
0x12d: {  	v3 =	vadd.f32 v46, v3;
	_ =	sdelay $0x1  }
0x12e: {  	v4 =	vmul.f32 $2.000000030e-01, v3  }
0x12f: {  	vm13 =	vgt.f32 v3, $0.0e+00  }
0x130: {  	v3 =	vsel vm13, v3, v4  }
0x131: {  	v3 =	vmul.f32 $1.442695020e+00, v3;
	_ =	sdelay $0x1  }
0x132: {  	(erf) = vpow2.f32 v3;
	_ =	sdelay $0x5  }
0x133: {  	s13 =	sadd.s32 $0x50, s12  }
0x134: {  	v3 =	vor.u32 s13, v0;
	_ =	sdelay $0x1  }
0x135: {  	v47 =	vpop (erf)  }
0x136: {  	[tilespmem:s1+$0x10] =	vst v47  }
0x137: {  	v4 =	vld [tilespmem:s6+$0x20]  }
0x138: {  	v3 =	vld.idx.msk [tilespmem:v3+s22+$0x0], $0xffff;
	_ =	sdelay $0x3  }
0x139: {  	v48 =	vunpack.i.l.bf16.f32 v4  }
0x13a: {  	v49 =	vor.u32 s13, v2;
	v4 =	vunpack.i.u.bf16.f32 v4;
	v5 =	vmul.f32 v3, v48  }
0x13b: {  	v3 =	vmul.f32 v3, v4  }
0x13c: {  	[tilespmem:s30+$0x40] =	vst v5  }
0x13d: {  	[tilespmem:s30+$0x50] =	vst v3  }
0x13e: {  	v3 =	vld [tilespmem:s6+$0x30]  }
0x13f: {  	v50 =	vld.idx.msk [tilespmem:v49+s22+$0x0], $0xffff;
	_ =	sdelay $0x3  }
0x140: {  	v51 =	vunpack.i.l.bf16.f32 v3  }
0x141: {  	v3 =	vunpack.i.u.bf16.f32 v3;
	v5 =	vmul.f32 v50, v51  }
0x142: {  	v3 =	vmul.f32 v50, v3  }
0x143: {  	[tilespmem:s30+$0x60] =	vst v5  }
0x144: {  	[tilespmem:s30+$0x70] =	vst v3  }
0x145: {  	v3 =	vld [tilespmem:s18+$0x20]  }
0x146: {  	v52 =	vld [tilespmem:s31+$0x20];
	_ =	sdelay $0x4  }
0x147: {  	v3 =	vadd.f32 v52, v3;
	_ =	sdelay $0x1  }
0x148: {  	v4 =	vmul.f32 $2.000000030e-01, v3  }
0x149: {  	vm14 =	vgt.f32 v3, $0.0e+00  }
0x14a: {  	v3 =	vsel vm14, v3, v4  }
0x14b: {  	v3 =	vmul.f32 $1.442695020e+00, v3;
	_ =	sdelay $0x1  }
0x14c: {  	(erf) = vpow2.f32 v3;
	_ =	sdelay $0x5  }
0x14d: {  	s13 =	sadd.s32 $0x60, s12  }
0x14e: {  	v3 =	vor.u32 s13, v0;
	_ =	sdelay $0x1  }
0x14f: {  	v53 =	vpop (erf)  }
0x150: {  	[tilespmem:s1+$0x20] =	vst v53  }
0x151: {  	v4 =	vld [tilespmem:s6+$0x40]  }
0x152: {  	v3 =	vld.idx.msk [tilespmem:v3+s22+$0x0], $0xffff;
	_ =	sdelay $0x3  }
0x153: {  	v54 =	vunpack.i.l.bf16.f32 v4  }
0x154: {  	v55 =	vor.u32 s13, v2;
	v4 =	vunpack.i.u.bf16.f32 v4;
	v5 =	vmul.f32 v3, v54  }
0x155: {  	v3 =	vmul.f32 v3, v4  }
0x156: {  	[tilespmem:s30+$0x80] =	vst v5  }
0x157: {  	[tilespmem:s30+$0x90] =	vst v3  }
0x158: {  	v3 =	vld [tilespmem:s6+$0x50]  }
0x159: {  	v56 =	vld.idx.msk [tilespmem:v55+s22+$0x0], $0xffff;
	_ =	sdelay $0x3  }
0x15a: {  	v57 =	vunpack.i.l.bf16.f32 v3  }
0x15b: {  	v3 =	vunpack.i.u.bf16.f32 v3;
	v5 =	vmul.f32 v56, v57  }
0x15c: {  	v3 =	vmul.f32 v56, v3  }
0x15d: {  	[tilespmem:s30+$0xA0] =	vst v5  }
0x15e: {  	[tilespmem:s30+$0xB0] =	vst v3  }
0x15f: {  	v3 =	vld [tilespmem:s18+$0x30]  }
0x160: {  	v58 =	vld [tilespmem:s31+$0x30];
	_ =	sdelay $0x4  }
0x161: {  	v3 =	vadd.f32 v58, v3;
	_ =	sdelay $0x1  }
0x162: {  	v4 =	vmul.f32 $2.000000030e-01, v3  }
0x163: {  	vm15 =	vgt.f32 v3, $0.0e+00  }
0x164: {  	v3 =	vsel vm15, v3, v4  }
0x165: {  	v3 =	vmul.f32 $1.442695020e+00, v3;
	_ =	sdelay $0x1  }
0x166: {  	(erf) = vpow2.f32 v3;
	_ =	sdelay $0x5  }
0x167: {  	s12 =	sadd.s32 $0x70, s12  }
0x168: {  	v3 =	vor.u32 s12, v0;
	_ =	sdelay $0x1  }
0x169: {  	v59 =	vpop (erf)  }
0x16a: {  	[tilespmem:s1+$0x30] =	vst v59  }
0x16b: {  	v4 =	vld [tilespmem:s6+$0x60]  }
0x16c: {  	v3 =	vld.idx.msk [tilespmem:v3+s22+$0x0], $0xffff;
	_ =	sdelay $0x3  }
0x16d: {  	v60 =	vunpack.i.l.bf16.f32 v4  }
0x16e: {  	v61 =	vor.u32 s12, v2;
	v4 =	vunpack.i.u.bf16.f32 v4;
	v5 =	vmul.f32 v3, v60  }
0x16f: {  	v3 =	vmul.f32 v3, v4  }
0x170: {  	[tilespmem:s30+$0xC0] =	vst v5  }
0x171: {  	[tilespmem:s30+$0xD0] =	vst v3  }
0x172: {  	v3 =	vld [tilespmem:s6+$0x70]  }
0x173: {  	v62 =	vld.idx.msk [tilespmem:v61+s22+$0x0], $0xffff;
	_ =	sdelay $0x2  }
0x174: {  	p0 =	slt.u32 s5, $0x48  }
.Ltmp1:
0x175: {  	v63 =	vunpack.i.l.bf16.f32 v3;
	(pc) =	sbr.rel @p0 .LBB2_5-.Ltmp1, $4  }
0x176: {  	v3 =	vunpack.i.u.bf16.f32 v3;
	v5 =	vmul.f32 v62, v63  }
0x177: {  	v3 =	vmul.f32 v62, v3  }
0x178: {  	s5 =	sadd.s32 $0x8, s5;
	s31 =	sadd.s32 $0x80, s31;
	s18 =	sadd.s32 $0x80, s18;
	[tilespmem:s30+$0xE0] =	vst v5  }
0x179: {  	s1 =	sadd.s32 $0x80, s1;
	s6 =	sadd.s32 $0x100, s6;
	[tilespmem:s30+$0xF0] =	vst v3;
	s30 =	sadd.s32 $0x200, s30  }
0x17a: {  	s1 =	sadd.s32 s19, s10  }
0x17b: {  	s1 =	sshll.u32 s1, $0x1  }
0x17c: {  	s6 =	simm.s32 $0x0;
	s12 =	smul.u32 $0x280, s7;
	s1 =	sadd.s32 s25, s1  }
0x17d: {  	[hbm4b:s1+s6] =	stream.linear.scatter [tilespmem:s22], [sflag:$0x7], $0x500, $0x38;
	[tilespmem:$0x16DA0] =	vst v63  }
0x17e: {  	_ =	swait.ge [sflag:s20], $0x500  }
0x17f: {  	s1 =	sshra.s32 s12, $0x2;
	[sflag:s20] =	ssyncset.done $0x0  }
0x180: {  	s1 =	sadd.s32 $0x2710, s1;
	[sflag:s20] =	ssyncadd.s32 $0xFFFFFB00  }
0x181: {  	[spmem:s21] =	stream.indirect.scatter.add.f32 [tilespmem:s22], [sflag:$0x7], $0x10, s1, s11, $0xb8;
	[tilespmem:$0x16DA0] =	vst v63  }
0x182: {  	_ =	swait.ge [sflag:s20], $0x500  }
0x183: {  	[sflag:s20] =	ssyncset.done $0x0  }
0x184: {  	[sflag:s20] =	ssyncadd.s32 $0xFFFFFB00  }
0x185: {  	[spmem:s17] =	stream.indirect.scatter.add.f32 [tilespmem:s15], [sflag:$0x7], $0x40, s1, s11, $0xb8;
	[tilespmem:$0x16DA0] =	vst v63  }
0x186: {  	_ =	swait.ge [sflag:s20], $0x1400  }
0x187: {  	[sflag:s20] =	ssyncset.done $0x0  }
0x188: {  	[sflag:s20] =	ssyncadd.s32 $0xFFFFEC00  }
0x189: {  	_ =	swait.ge [sflag:s0], $0x500  }
0x18a: {  	[sflag:s0] =	ssyncset.done $0x0  }
0x18b: {  	[sflag:s0] =	ssyncadd.s32 $0xFFFFFB00  }
0x18c: {  	_ =	swait.ge [sflag:s2], $0x500  }
0x18d: {  	[sflag:s2] =	ssyncset.done $0x0  }
0x18e: {  	[sflag:s2] =	ssyncadd.s32 $0xFFFFFB00  }
0x18f: {  	_ =	swait.ge [sflag:s3], $0xA00  }
0x190: {  	s13 =	sadd.s32 $0xA0, s10;
	[sflag:s3] =	ssyncset.done $0x0  }
0x191: {  	s5 =	simm.s32 $0x4E20;
	s18 =	sadd.s32 $0x27B0, s10;
	[sflag:s3] =	ssyncadd.s32 $0xFFFFF600  }
0x192: {  	[tilespmem:s5], [sflag:$0x1] =	stream.indirect.gather [hbm4b:s16+s11], $0x10, s13, s11, $0xb8;
	[tilespmem:$0x16DA0] =	vst v63  }
0x193: {  	s31 =	simm.s32 $0x5320;
	s10 =	simm.s32 $0x8F60;
	s30 =	simm.s32 $0x9520  }
0x194: {  	[tilespmem:s31], [sflag:$0x2] =	stream.indirect.gather [hbm4b:s23+s11], $0x10, s18, s11, $0xb8;
	[tilespmem:$0x16DA0] =	vst v63  }
0x195: {  	s1 =	simm.s32 $0x6CA0;
	s5 =	simm.s32 $0x6260;
	s18 =	simm.s32 $0x6760  }
0x196: {  	[tilespmem:s14], [sflag:$0x3] =	stream.indirect.gather [hbm4b:s24+s11], $0x20, s13, s11, $0xb8;
	[tilespmem:$0x16DA0] =	vst v63  }
.LBB2_7:
0x197: {  	v3 =	vld [tilespmem:s5+$0xFFFFFFC0]  }
0x198: {  	v4 =	vld [tilespmem:s18+$0xFFFFFFC0];
	_ =	sdelay $0x4  }
0x199: {  	v3 =	vadd.f32 v4, v3;
	_ =	sdelay $0x1  }
0x19a: {  	v4 =	vmul.f32 $2.000000030e-01, v3  }
0x19b: {  	vm0 =	vgt.f32 v3, $0.0e+00  }
0x19c: {  	v3 =	vsel vm0, v3, v4  }
0x19d: {  	v3 =	vmul.f32 $1.442695020e+00, v3;
	_ =	sdelay $0x1  }
0x19e: {  	(erf) = vpow2.f32 v3;
	_ =	sdelay $0x5  }
0x19f: {  	s12 =	sshll.u32 s6, $0x4  }
0x1a0: {  	v3 =	vor.u32 s12, v0;
	_ =	sdelay $0x1  }
0x1a1: {  	v19 =	vpop (erf)  }
0x1a2: {  	[tilespmem:s10+$0xFFFFFFC0] =	vst v19  }
0x1a3: {  	v4 =	vld [tilespmem:s1+$0xFFFFFF80]  }
0x1a4: {  	v3 =	vld.idx.msk [tilespmem:v3+s4+$0x0], $0xffff;
	_ =	sdelay $0x3  }
0x1a5: {  	v5 =	vunpack.i.l.bf16.f32 v4  }
0x1a6: {  	v6 =	vor.u32 s12, v2;
	v4 =	vunpack.i.u.bf16.f32 v4;
	v5 =	vmul.f32 v3, v5  }
0x1a7: {  	v3 =	vmul.f32 v3, v4  }
0x1a8: {  	[tilespmem:s30+$0xFFFFFF00] =	vst v5  }
0x1a9: {  	[tilespmem:s30+$0xFFFFFF10] =	vst v3  }
0x1aa: {  	v3 =	vld [tilespmem:s1+$0xFFFFFF90]  }
0x1ab: {  	v20 =	vld.idx.msk [tilespmem:v6+s4+$0x0], $0xffff;
	_ =	sdelay $0x3  }
0x1ac: {  	v21 =	vunpack.i.l.bf16.f32 v3  }
0x1ad: {  	v3 =	vunpack.i.u.bf16.f32 v3;
	v5 =	vmul.f32 v20, v21  }
0x1ae: {  	v3 =	vmul.f32 v20, v3  }
0x1af: {  	[tilespmem:s30+$0xFFFFFF20] =	vst v5  }
0x1b0: {  	[tilespmem:s30+$0xFFFFFF30] =	vst v3  }
0x1b1: {  	v3 =	vld [tilespmem:s5+$0xFFFFFFD0]  }
0x1b2: {  	v22 =	vld [tilespmem:s18+$0xFFFFFFD0];
	_ =	sdelay $0x4  }
0x1b3: {  	v3 =	vadd.f32 v22, v3;
	_ =	sdelay $0x1  }
0x1b4: {  	v4 =	vmul.f32 $2.000000030e-01, v3  }
0x1b5: {  	vm9 =	vgt.f32 v3, $0.0e+00  }
0x1b6: {  	v3 =	vsel vm9, v3, v4  }
0x1b7: {  	v3 =	vmul.f32 $1.442695020e+00, v3;
	_ =	sdelay $0x1  }
0x1b8: {  	(erf) = vpow2.f32 v3;
	_ =	sdelay $0x5  }
0x1b9: {  	s13 =	sadd.s32 $0x10, s12  }
0x1ba: {  	v3 =	vor.u32 s13, v0;
	_ =	sdelay $0x1  }
0x1bb: {  	v23 =	vpop (erf)  }
0x1bc: {  	[tilespmem:s10+$0xFFFFFFD0] =	vst v23  }
0x1bd: {  	v4 =	vld [tilespmem:s1+$0xFFFFFFA0]  }
0x1be: {  	v3 =	vld.idx.msk [tilespmem:v3+s4+$0x0], $0xffff;
	_ =	sdelay $0x3  }
0x1bf: {  	v24 =	vunpack.i.l.bf16.f32 v4  }
0x1c0: {  	v25 =	vor.u32 s13, v2;
	v4 =	vunpack.i.u.bf16.f32 v4;
	v5 =	vmul.f32 v3, v24  }
0x1c1: {  	v3 =	vmul.f32 v3, v4  }
0x1c2: {  	[tilespmem:s30+$0xFFFFFF40] =	vst v5  }
0x1c3: {  	[tilespmem:s30+$0xFFFFFF50] =	vst v3  }
0x1c4: {  	v3 =	vld [tilespmem:s1+$0xFFFFFFB0]  }
0x1c5: {  	v26 =	vld.idx.msk [tilespmem:v25+s4+$0x0], $0xffff;
	_ =	sdelay $0x3  }
0x1c6: {  	v27 =	vunpack.i.l.bf16.f32 v3  }
0x1c7: {  	v3 =	vunpack.i.u.bf16.f32 v3;
	v5 =	vmul.f32 v26, v27  }
0x1c8: {  	v3 =	vmul.f32 v26, v3  }
0x1c9: {  	[tilespmem:s30+$0xFFFFFF60] =	vst v5  }
0x1ca: {  	[tilespmem:s30+$0xFFFFFF70] =	vst v3  }
0x1cb: {  	v3 =	vld [tilespmem:s5+$0xFFFFFFE0]  }
0x1cc: {  	v28 =	vld [tilespmem:s18+$0xFFFFFFE0];
	_ =	sdelay $0x4  }
0x1cd: {  	v3 =	vadd.f32 v28, v3;
	_ =	sdelay $0x1  }
0x1ce: {  	v4 =	vmul.f32 $2.000000030e-01, v3  }
0x1cf: {  	vm10 =	vgt.f32 v3, $0.0e+00  }
0x1d0: {  	v3 =	vsel vm10, v3, v4  }
0x1d1: {  	v3 =	vmul.f32 $1.442695020e+00, v3;
	_ =	sdelay $0x1  }
0x1d2: {  	(erf) = vpow2.f32 v3;
	_ =	sdelay $0x5  }
0x1d3: {  	s31 =	sadd.s32 $0x20, s12  }
0x1d4: {  	v3 =	vor.u32 s31, v0;
	_ =	sdelay $0x1  }
0x1d5: {  	v29 =	vpop (erf)  }
0x1d6: {  	[tilespmem:s10+$0xFFFFFFE0] =	vst v29  }
0x1d7: {  	v4 =	vld [tilespmem:s1+$0xFFFFFFC0]  }
0x1d8: {  	v3 =	vld.idx.msk [tilespmem:v3+s4+$0x0], $0xffff;
	_ =	sdelay $0x3  }
0x1d9: {  	v30 =	vunpack.i.l.bf16.f32 v4  }
0x1da: {  	v31 =	vor.u32 s31, v2;
	v4 =	vunpack.i.u.bf16.f32 v4;
	v5 =	vmul.f32 v3, v30  }
0x1db: {  	v3 =	vmul.f32 v3, v4  }
0x1dc: {  	[tilespmem:s30+$0xFFFFFF80] =	vst v5  }
0x1dd: {  	[tilespmem:s30+$0xFFFFFF90] =	vst v3  }
0x1de: {  	v3 =	vld [tilespmem:s1+$0xFFFFFFD0]  }
0x1df: {  	v32 =	vld.idx.msk [tilespmem:v31+s4+$0x0], $0xffff;
	_ =	sdelay $0x3  }
0x1e0: {  	v33 =	vunpack.i.l.bf16.f32 v3  }
0x1e1: {  	v3 =	vunpack.i.u.bf16.f32 v3;
	v5 =	vmul.f32 v32, v33  }
0x1e2: {  	v3 =	vmul.f32 v32, v3  }
0x1e3: {  	[tilespmem:s30+$0xFFFFFFA0] =	vst v5  }
0x1e4: {  	[tilespmem:s30+$0xFFFFFFB0] =	vst v3  }
0x1e5: {  	v3 =	vld [tilespmem:s5+$0xFFFFFFF0]  }
0x1e6: {  	v34 =	vld [tilespmem:s18+$0xFFFFFFF0];
	_ =	sdelay $0x4  }
0x1e7: {  	v3 =	vadd.f32 v34, v3;
	_ =	sdelay $0x1  }
0x1e8: {  	v4 =	vmul.f32 $2.000000030e-01, v3  }
0x1e9: {  	vm11 =	vgt.f32 v3, $0.0e+00  }
0x1ea: {  	v3 =	vsel vm11, v3, v4  }
0x1eb: {  	v3 =	vmul.f32 $1.442695020e+00, v3;
	_ =	sdelay $0x1  }
0x1ec: {  	(erf) = vpow2.f32 v3;
	_ =	sdelay $0x5  }
0x1ed: {  	s31 =	sadd.s32 $0x30, s12  }
0x1ee: {  	v3 =	vor.u32 s31, v0;
	_ =	sdelay $0x1  }
0x1ef: {  	v35 =	vpop (erf)  }
0x1f0: {  	[tilespmem:s10+$0xFFFFFFF0] =	vst v35  }
0x1f1: {  	v4 =	vld [tilespmem:s1+$0xFFFFFFE0]  }
0x1f2: {  	v3 =	vld.idx.msk [tilespmem:v3+s4+$0x0], $0xffff;
	_ =	sdelay $0x3  }
0x1f3: {  	v36 =	vunpack.i.l.bf16.f32 v4  }
0x1f4: {  	v37 =	vor.u32 s31, v2;
	v4 =	vunpack.i.u.bf16.f32 v4;
	v5 =	vmul.f32 v3, v36  }
0x1f5: {  	v3 =	vmul.f32 v3, v4  }
0x1f6: {  	[tilespmem:s30+$0xFFFFFFC0] =	vst v5  }
0x1f7: {  	[tilespmem:s30+$0xFFFFFFD0] =	vst v3  }
0x1f8: {  	v3 =	vld [tilespmem:s1+$0xFFFFFFF0]  }
0x1f9: {  	v38 =	vld.idx.msk [tilespmem:v37+s4+$0x0], $0xffff;
	_ =	sdelay $0x3  }
0x1fa: {  	v39 =	vunpack.i.l.bf16.f32 v3  }
0x1fb: {  	v3 =	vunpack.i.u.bf16.f32 v3;
	v5 =	vmul.f32 v38, v39  }
0x1fc: {  	v3 =	vmul.f32 v38, v3  }
0x1fd: {  	[tilespmem:s30+$0xFFFFFFE0] =	vst v5  }
0x1fe: {  	[tilespmem:s30+$0xFFFFFFF0] =	vst v3  }
0x1ff: {  	v3 =	vld [tilespmem:s5+$0x0]  }
0x200: {  	v40 =	vld [tilespmem:s18+$0x0];
	_ =	sdelay $0x4  }
0x201: {  	v3 =	vadd.f32 v40, v3;
	_ =	sdelay $0x1  }
0x202: {  	v4 =	vmul.f32 $2.000000030e-01, v3  }
0x203: {  	vm12 =	vgt.f32 v3, $0.0e+00  }
0x204: {  	v3 =	vsel vm12, v3, v4  }
0x205: {  	v3 =	vmul.f32 $1.442695020e+00, v3;
	_ =	sdelay $0x1  }
0x206: {  	(erf) = vpow2.f32 v3;
	_ =	sdelay $0x5  }
0x207: {  	s31 =	sadd.s32 $0x40, s12  }
0x208: {  	v3 =	vor.u32 s31, v0;
	_ =	sdelay $0x1  }
0x209: {  	v41 =	vpop (erf)  }
0x20a: {  	[tilespmem:s10+$0x0] =	vst v41  }
0x20b: {  	v4 =	vld [tilespmem:s1+$0x0]  }
0x20c: {  	v3 =	vld.idx.msk [tilespmem:v3+s4+$0x0], $0xffff;
	_ =	sdelay $0x3  }
0x20d: {  	v42 =	vunpack.i.l.bf16.f32 v4  }
0x20e: {  	v43 =	vor.u32 s31, v2;
	v4 =	vunpack.i.u.bf16.f32 v4;
	v5 =	vmul.f32 v3, v42  }
0x20f: {  	v3 =	vmul.f32 v3, v4  }
0x210: {  	[tilespmem:s30+$0x0] =	vst v5  }
0x211: {  	[tilespmem:s30+$0x10] =	vst v3  }
0x212: {  	v3 =	vld [tilespmem:s1+$0x10]  }
0x213: {  	v44 =	vld.idx.msk [tilespmem:v43+s4+$0x0], $0xffff;
	_ =	sdelay $0x3  }
0x214: {  	v45 =	vunpack.i.l.bf16.f32 v3  }
0x215: {  	v3 =	vunpack.i.u.bf16.f32 v3;
	v5 =	vmul.f32 v44, v45  }
0x216: {  	v3 =	vmul.f32 v44, v3  }
0x217: {  	[tilespmem:s30+$0x20] =	vst v5  }
0x218: {  	[tilespmem:s30+$0x30] =	vst v3  }
0x219: {  	v3 =	vld [tilespmem:s5+$0x10]  }
0x21a: {  	v46 =	vld [tilespmem:s18+$0x10];
	_ =	sdelay $0x4  }
0x21b: {  	v3 =	vadd.f32 v46, v3;
	_ =	sdelay $0x1  }
0x21c: {  	v4 =	vmul.f32 $2.000000030e-01, v3  }
0x21d: {  	vm13 =	vgt.f32 v3, $0.0e+00  }
0x21e: {  	v3 =	vsel vm13, v3, v4  }
0x21f: {  	v3 =	vmul.f32 $1.442695020e+00, v3;
	_ =	sdelay $0x1  }
0x220: {  	(erf) = vpow2.f32 v3;
	_ =	sdelay $0x5  }
0x221: {  	s31 =	sadd.s32 $0x50, s12  }
0x222: {  	v3 =	vor.u32 s31, v0;
	_ =	sdelay $0x1  }
0x223: {  	v47 =	vpop (erf)  }
0x224: {  	[tilespmem:s10+$0x10] =	vst v47  }
0x225: {  	v4 =	vld [tilespmem:s1+$0x20]  }
0x226: {  	v3 =	vld.idx.msk [tilespmem:v3+s4+$0x0], $0xffff;
	_ =	sdelay $0x3  }
0x227: {  	v48 =	vunpack.i.l.bf16.f32 v4  }
0x228: {  	v49 =	vor.u32 s31, v2;
	v4 =	vunpack.i.u.bf16.f32 v4;
	v5 =	vmul.f32 v3, v48  }
0x229: {  	v3 =	vmul.f32 v3, v4  }
0x22a: {  	[tilespmem:s30+$0x40] =	vst v5  }
0x22b: {  	[tilespmem:s30+$0x50] =	vst v3  }
0x22c: {  	v3 =	vld [tilespmem:s1+$0x30]  }
0x22d: {  	v50 =	vld.idx.msk [tilespmem:v49+s4+$0x0], $0xffff;
	_ =	sdelay $0x3  }
0x22e: {  	v51 =	vunpack.i.l.bf16.f32 v3  }
0x22f: {  	v3 =	vunpack.i.u.bf16.f32 v3;
	v5 =	vmul.f32 v50, v51  }
0x230: {  	v3 =	vmul.f32 v50, v3  }
0x231: {  	[tilespmem:s30+$0x60] =	vst v5  }
0x232: {  	[tilespmem:s30+$0x70] =	vst v3  }
0x233: {  	v3 =	vld [tilespmem:s5+$0x20]  }
0x234: {  	v52 =	vld [tilespmem:s18+$0x20];
	_ =	sdelay $0x4  }
0x235: {  	v3 =	vadd.f32 v52, v3;
	_ =	sdelay $0x1  }
0x236: {  	v4 =	vmul.f32 $2.000000030e-01, v3  }
0x237: {  	vm14 =	vgt.f32 v3, $0.0e+00  }
0x238: {  	v3 =	vsel vm14, v3, v4  }
0x239: {  	v3 =	vmul.f32 $1.442695020e+00, v3;
	_ =	sdelay $0x1  }
0x23a: {  	(erf) = vpow2.f32 v3;
	_ =	sdelay $0x5  }
0x23b: {  	s31 =	sadd.s32 $0x60, s12  }
0x23c: {  	v3 =	vor.u32 s31, v0;
	_ =	sdelay $0x1  }
0x23d: {  	v53 =	vpop (erf)  }
0x23e: {  	[tilespmem:s10+$0x20] =	vst v53  }
0x23f: {  	v4 =	vld [tilespmem:s1+$0x40]  }
0x240: {  	v3 =	vld.idx.msk [tilespmem:v3+s4+$0x0], $0xffff;
	_ =	sdelay $0x3  }
0x241: {  	v54 =	vunpack.i.l.bf16.f32 v4  }
0x242: {  	v55 =	vor.u32 s31, v2;
	v4 =	vunpack.i.u.bf16.f32 v4;
	v5 =	vmul.f32 v3, v54  }
0x243: {  	v3 =	vmul.f32 v3, v4  }
0x244: {  	[tilespmem:s30+$0x80] =	vst v5  }
0x245: {  	[tilespmem:s30+$0x90] =	vst v3  }
0x246: {  	v3 =	vld [tilespmem:s1+$0x50]  }
0x247: {  	v56 =	vld.idx.msk [tilespmem:v55+s4+$0x0], $0xffff;
	_ =	sdelay $0x3  }
0x248: {  	v57 =	vunpack.i.l.bf16.f32 v3  }
0x249: {  	v3 =	vunpack.i.u.bf16.f32 v3;
	v5 =	vmul.f32 v56, v57  }
0x24a: {  	v3 =	vmul.f32 v56, v3  }
0x24b: {  	[tilespmem:s30+$0xA0] =	vst v5  }
0x24c: {  	[tilespmem:s30+$0xB0] =	vst v3  }
0x24d: {  	v3 =	vld [tilespmem:s5+$0x30]  }
0x24e: {  	v58 =	vld [tilespmem:s18+$0x30];
	_ =	sdelay $0x4  }
0x24f: {  	v3 =	vadd.f32 v58, v3;
	_ =	sdelay $0x1  }
0x250: {  	v4 =	vmul.f32 $2.000000030e-01, v3  }
0x251: {  	vm15 =	vgt.f32 v3, $0.0e+00  }
0x252: {  	v3 =	vsel vm15, v3, v4  }
0x253: {  	v3 =	vmul.f32 $1.442695020e+00, v3;
	_ =	sdelay $0x1  }
0x254: {  	(erf) = vpow2.f32 v3;
	_ =	sdelay $0x5  }
0x255: {  	s12 =	sadd.s32 $0x70, s12  }
0x256: {  	v3 =	vor.u32 s12, v0;
	_ =	sdelay $0x1  }
0x257: {  	v59 =	vpop (erf)  }
0x258: {  	[tilespmem:s10+$0x30] =	vst v59  }
0x259: {  	v4 =	vld [tilespmem:s1+$0x60]  }
0x25a: {  	v3 =	vld.idx.msk [tilespmem:v3+s4+$0x0], $0xffff;
	_ =	sdelay $0x3  }
0x25b: {  	v60 =	vunpack.i.l.bf16.f32 v4  }
0x25c: {  	v61 =	vor.u32 s12, v2;
	v4 =	vunpack.i.u.bf16.f32 v4;
	v5 =	vmul.f32 v3, v60  }
0x25d: {  	v3 =	vmul.f32 v3, v4  }
0x25e: {  	[tilespmem:s30+$0xC0] =	vst v5  }
0x25f: {  	[tilespmem:s30+$0xD0] =	vst v3  }
0x260: {  	v3 =	vld [tilespmem:s1+$0x70]  }
0x261: {  	v62 =	vld.idx.msk [tilespmem:v61+s4+$0x0], $0xffff;
	_ =	sdelay $0x2  }
0x262: {  	p0 =	slt.u32 s6, $0x48  }
.Ltmp2:
0x263: {  	v63 =	vunpack.i.l.bf16.f32 v3;
	(pc) =	sbr.rel @p0 .LBB2_7-.Ltmp2, $4  }
0x264: {  	v3 =	vunpack.i.u.bf16.f32 v3;
	v5 =	vmul.f32 v62, v63  }
0x265: {  	v3 =	vmul.f32 v62, v3  }
0x266: {  	s6 =	sadd.s32 $0x8, s6;
	s18 =	sadd.s32 $0x80, s18;
	s5 =	sadd.s32 $0x80, s5;
	[tilespmem:s30+$0xE0] =	vst v5  }
0x267: {  	s10 =	sadd.s32 $0x80, s10;
	s1 =	sadd.s32 $0x100, s1;
	[tilespmem:s30+$0xF0] =	vst v3;
	s30 =	sadd.s32 $0x200, s30  }
0x268: {  	s1 =	sadd.s32 s19, s9  }
0x269: {  	s1 =	sshll.u32 s1, $0x1  }
0x26a: {  	s1 =	sand.u32 $0x1FFFFFE0, s1  }
0x26b: {  	s5 =	simm.s32 $0x0;
	s1 =	sadd.s32 s25, s1  }
0x26c: {  	[hbm4b:s1+s5] =	stream.linear.scatter [tilespmem:s4], [sflag:$0x7], $0x500, $0x38;
	[tilespmem:$0x16DA0] =	vst v63  }
0x26d: {  	_ =	swait.ge [sflag:s20], $0x500  }
0x26e: {  	[sflag:s20] =	ssyncset.done $0x0  }
0x26f: {  	[sflag:s20] =	ssyncadd.s32 $0xFFFFFB00  }
0x270: {  	[spmem:s21] =	stream.indirect.scatter.add.f32 [tilespmem:s4], [sflag:$0x7], $0x10, s8, s11, $0xb8;
	[tilespmem:$0x16DA0] =	vst v63  }
0x271: {  	s7 =	sadd.s32 $0x1, s7;
	_ =	swait.ge [sflag:s20], $0x500  }
0x272: {  	p0 =	sne.s32 s7, $0x3E;
	[sflag:s20] =	ssyncset.done $0x0  }
.Ltmp3:
0x273: {  	s31 =	simm.s32 $0x9420;
	[sflag:s20] =	ssyncadd.s32 $0xFFFFFB00;
	(pc) =	sbr.rel @p0 .LBB2_4-.Ltmp3, $4  }
0x274: {  	[spmem:s17] =	stream.indirect.scatter.add.f32 [tilespmem:s31], [sflag:$0x7], $0x40, s8, s11, $0xb8;
	[tilespmem:$0x16DA0] =	vst v63  }
0x275: {  	_ =	swait.ge [sflag:s20], $0x1400  }
0x276: {  	[sflag:s20] =	ssyncset.done $0x0  }
0x277: {  	[sflag:s20] =	ssyncadd.s32 $0xFFFFEC00  }
0x278: {  	_ =	swait.ge [sflag:s26], $0x500  }
0x279: {  	[sflag:s26] =	ssyncset.done $0x0  }
0x27a: {  	[sflag:s26] =	ssyncadd.s32 $0xFFFFFB00  }
0x27b: {  	_ =	swait.ge [sflag:s28], $0x500  }
0x27c: {  	[sflag:s28] =	ssyncset.done $0x0  }
0x27d: {  	[sflag:s28] =	ssyncadd.s32 $0xFFFFFB00  }
0x27e: {  	s6 =	simm.s32 $0x0;
	s1 =	simm.s32 $0x58A0;
	_ =	swait.ge [sflag:s29], $0xA00  }
0x27f: {  	s7 =	simm.s32 $0x7660;
	s8 =	simm.s32 $0x7C20;
	[sflag:s29] =	ssyncset.done $0x0  }
0x280: {  	s9 =	simm.s32 $0x5360;
	s5 =	simm.s32 $0x4E60;
	[sflag:s29] =	ssyncadd.s32 $0xFFFFF600  }
.LBB2_10:
0x281: {  	v3 =	vld [tilespmem:s5+$0xFFFFFFC0]  }
0x282: {  	v4 =	vld [tilespmem:s9+$0xFFFFFFC0];
	_ =	sdelay $0x4  }
0x283: {  	v3 =	vadd.f32 v4, v3;
	_ =	sdelay $0x1  }
0x284: {  	v4 =	vmul.f32 $2.000000030e-01, v3  }
0x285: {  	vm0 =	vgt.f32 v3, $0.0e+00  }
0x286: {  	v3 =	vsel vm0, v3, v4  }
0x287: {  	v3 =	vmul.f32 $1.442695020e+00, v3;
	_ =	sdelay $0x1  }
0x288: {  	(erf) = vpow2.f32 v3;
	_ =	sdelay $0x5  }
0x289: {  	s10 =	sshll.u32 s6, $0x4  }
0x28a: {  	v3 =	vor.u32 s10, v0;
	_ =	sdelay $0x1  }
0x28b: {  	v19 =	vpop (erf)  }
0x28c: {  	[tilespmem:s7+$0xFFFFFFC0] =	vst v19  }
0x28d: {  	v4 =	vld [tilespmem:s1+$0xFFFFFF80]  }
0x28e: {  	v3 =	vld.idx.msk [tilespmem:v3+s22+$0x0], $0xffff;
	_ =	sdelay $0x3  }
0x28f: {  	v5 =	vunpack.i.l.bf16.f32 v4  }
0x290: {  	v6 =	vor.u32 s10, v2;
	v4 =	vunpack.i.u.bf16.f32 v4;
	v5 =	vmul.f32 v3, v5  }
0x291: {  	v3 =	vmul.f32 v3, v4  }
0x292: {  	[tilespmem:s8+$0xFFFFFF00] =	vst v5  }
0x293: {  	[tilespmem:s8+$0xFFFFFF10] =	vst v3  }
0x294: {  	v3 =	vld [tilespmem:s1+$0xFFFFFF90]  }
0x295: {  	v20 =	vld.idx.msk [tilespmem:v6+s22+$0x0], $0xffff;
	_ =	sdelay $0x3  }
0x296: {  	v21 =	vunpack.i.l.bf16.f32 v3  }
0x297: {  	v3 =	vunpack.i.u.bf16.f32 v3;
	v5 =	vmul.f32 v20, v21  }
0x298: {  	v3 =	vmul.f32 v20, v3  }
0x299: {  	[tilespmem:s8+$0xFFFFFF20] =	vst v5  }
0x29a: {  	[tilespmem:s8+$0xFFFFFF30] =	vst v3  }
0x29b: {  	v3 =	vld [tilespmem:s5+$0xFFFFFFD0]  }
0x29c: {  	v22 =	vld [tilespmem:s9+$0xFFFFFFD0];
	_ =	sdelay $0x4  }
0x29d: {  	v3 =	vadd.f32 v22, v3;
	_ =	sdelay $0x1  }
0x29e: {  	v4 =	vmul.f32 $2.000000030e-01, v3  }
0x29f: {  	vm9 =	vgt.f32 v3, $0.0e+00  }
0x2a0: {  	v3 =	vsel vm9, v3, v4  }
0x2a1: {  	v3 =	vmul.f32 $1.442695020e+00, v3;
	_ =	sdelay $0x1  }
0x2a2: {  	(erf) = vpow2.f32 v3;
	_ =	sdelay $0x5  }
0x2a3: {  	s12 =	sadd.s32 $0x10, s10  }
0x2a4: {  	v3 =	vor.u32 s12, v0;
	_ =	sdelay $0x1  }
0x2a5: {  	v23 =	vpop (erf)  }
0x2a6: {  	[tilespmem:s7+$0xFFFFFFD0] =	vst v23  }
0x2a7: {  	v4 =	vld [tilespmem:s1+$0xFFFFFFA0]  }
0x2a8: {  	v3 =	vld.idx.msk [tilespmem:v3+s22+$0x0], $0xffff;
	_ =	sdelay $0x3  }
0x2a9: {  	v24 =	vunpack.i.l.bf16.f32 v4  }
0x2aa: {  	v25 =	vor.u32 s12, v2;
	v4 =	vunpack.i.u.bf16.f32 v4;
	v5 =	vmul.f32 v3, v24  }
0x2ab: {  	v3 =	vmul.f32 v3, v4  }
0x2ac: {  	[tilespmem:s8+$0xFFFFFF40] =	vst v5  }
0x2ad: {  	[tilespmem:s8+$0xFFFFFF50] =	vst v3  }
0x2ae: {  	v3 =	vld [tilespmem:s1+$0xFFFFFFB0]  }
0x2af: {  	v26 =	vld.idx.msk [tilespmem:v25+s22+$0x0], $0xffff;
	_ =	sdelay $0x3  }
0x2b0: {  	v27 =	vunpack.i.l.bf16.f32 v3  }
0x2b1: {  	v3 =	vunpack.i.u.bf16.f32 v3;
	v5 =	vmul.f32 v26, v27  }
0x2b2: {  	v3 =	vmul.f32 v26, v3  }
0x2b3: {  	[tilespmem:s8+$0xFFFFFF60] =	vst v5  }
0x2b4: {  	[tilespmem:s8+$0xFFFFFF70] =	vst v3  }
0x2b5: {  	v3 =	vld [tilespmem:s5+$0xFFFFFFE0]  }
0x2b6: {  	v28 =	vld [tilespmem:s9+$0xFFFFFFE0];
	_ =	sdelay $0x4  }
0x2b7: {  	v3 =	vadd.f32 v28, v3;
	_ =	sdelay $0x1  }
0x2b8: {  	v4 =	vmul.f32 $2.000000030e-01, v3  }
0x2b9: {  	vm10 =	vgt.f32 v3, $0.0e+00  }
0x2ba: {  	v3 =	vsel vm10, v3, v4  }
0x2bb: {  	v3 =	vmul.f32 $1.442695020e+00, v3;
	_ =	sdelay $0x1  }
0x2bc: {  	(erf) = vpow2.f32 v3;
	_ =	sdelay $0x5  }
0x2bd: {  	s31 =	sadd.s32 $0x20, s10  }
0x2be: {  	v3 =	vor.u32 s31, v0;
	_ =	sdelay $0x1  }
0x2bf: {  	v29 =	vpop (erf)  }
0x2c0: {  	[tilespmem:s7+$0xFFFFFFE0] =	vst v29  }
0x2c1: {  	v4 =	vld [tilespmem:s1+$0xFFFFFFC0]  }
0x2c2: {  	v3 =	vld.idx.msk [tilespmem:v3+s22+$0x0], $0xffff;
	_ =	sdelay $0x3  }
0x2c3: {  	v30 =	vunpack.i.l.bf16.f32 v4  }
0x2c4: {  	v31 =	vor.u32 s31, v2;
	v4 =	vunpack.i.u.bf16.f32 v4;
	v5 =	vmul.f32 v3, v30  }
0x2c5: {  	v3 =	vmul.f32 v3, v4  }
0x2c6: {  	[tilespmem:s8+$0xFFFFFF80] =	vst v5  }
0x2c7: {  	[tilespmem:s8+$0xFFFFFF90] =	vst v3  }
0x2c8: {  	v3 =	vld [tilespmem:s1+$0xFFFFFFD0]  }
0x2c9: {  	v32 =	vld.idx.msk [tilespmem:v31+s22+$0x0], $0xffff;
	_ =	sdelay $0x3  }
0x2ca: {  	v33 =	vunpack.i.l.bf16.f32 v3  }
0x2cb: {  	v3 =	vunpack.i.u.bf16.f32 v3;
	v5 =	vmul.f32 v32, v33  }
0x2cc: {  	v3 =	vmul.f32 v32, v3  }
0x2cd: {  	[tilespmem:s8+$0xFFFFFFA0] =	vst v5  }
0x2ce: {  	[tilespmem:s8+$0xFFFFFFB0] =	vst v3  }
0x2cf: {  	v3 =	vld [tilespmem:s5+$0xFFFFFFF0]  }
0x2d0: {  	v34 =	vld [tilespmem:s9+$0xFFFFFFF0];
	_ =	sdelay $0x4  }
0x2d1: {  	v3 =	vadd.f32 v34, v3;
	_ =	sdelay $0x1  }
0x2d2: {  	v4 =	vmul.f32 $2.000000030e-01, v3  }
0x2d3: {  	vm11 =	vgt.f32 v3, $0.0e+00  }
0x2d4: {  	v3 =	vsel vm11, v3, v4  }
0x2d5: {  	v3 =	vmul.f32 $1.442695020e+00, v3;
	_ =	sdelay $0x1  }
0x2d6: {  	(erf) = vpow2.f32 v3;
	_ =	sdelay $0x5  }
0x2d7: {  	s13 =	sadd.s32 $0x30, s10  }
0x2d8: {  	v3 =	vor.u32 s13, v0;
	_ =	sdelay $0x1  }
0x2d9: {  	v35 =	vpop (erf)  }
0x2da: {  	[tilespmem:s7+$0xFFFFFFF0] =	vst v35  }
0x2db: {  	v4 =	vld [tilespmem:s1+$0xFFFFFFE0]  }
0x2dc: {  	v3 =	vld.idx.msk [tilespmem:v3+s22+$0x0], $0xffff;
	_ =	sdelay $0x3  }
0x2dd: {  	v36 =	vunpack.i.l.bf16.f32 v4  }
0x2de: {  	v37 =	vor.u32 s13, v2;
	v4 =	vunpack.i.u.bf16.f32 v4;
	v5 =	vmul.f32 v3, v36  }
0x2df: {  	v3 =	vmul.f32 v3, v4  }
0x2e0: {  	[tilespmem:s8+$0xFFFFFFC0] =	vst v5  }
0x2e1: {  	[tilespmem:s8+$0xFFFFFFD0] =	vst v3  }
0x2e2: {  	v3 =	vld [tilespmem:s1+$0xFFFFFFF0]  }
0x2e3: {  	v38 =	vld.idx.msk [tilespmem:v37+s22+$0x0], $0xffff;
	_ =	sdelay $0x3  }
0x2e4: {  	v39 =	vunpack.i.l.bf16.f32 v3  }
0x2e5: {  	v3 =	vunpack.i.u.bf16.f32 v3;
	v5 =	vmul.f32 v38, v39  }
0x2e6: {  	v3 =	vmul.f32 v38, v3  }
0x2e7: {  	[tilespmem:s8+$0xFFFFFFE0] =	vst v5  }
0x2e8: {  	[tilespmem:s8+$0xFFFFFFF0] =	vst v3  }
0x2e9: {  	v3 =	vld [tilespmem:s5+$0x0]  }
0x2ea: {  	v40 =	vld [tilespmem:s9+$0x0];
	_ =	sdelay $0x4  }
0x2eb: {  	v3 =	vadd.f32 v40, v3;
	_ =	sdelay $0x1  }
0x2ec: {  	v4 =	vmul.f32 $2.000000030e-01, v3  }
0x2ed: {  	vm12 =	vgt.f32 v3, $0.0e+00  }
0x2ee: {  	v3 =	vsel vm12, v3, v4  }
0x2ef: {  	v3 =	vmul.f32 $1.442695020e+00, v3;
	_ =	sdelay $0x1  }
0x2f0: {  	(erf) = vpow2.f32 v3;
	_ =	sdelay $0x5  }
0x2f1: {  	s18 =	sadd.s32 $0x40, s10  }
0x2f2: {  	v3 =	vor.u32 s18, v0;
	_ =	sdelay $0x1  }
0x2f3: {  	v41 =	vpop (erf)  }
0x2f4: {  	[tilespmem:s7+$0x0] =	vst v41  }
0x2f5: {  	v4 =	vld [tilespmem:s1+$0x0]  }
0x2f6: {  	v3 =	vld.idx.msk [tilespmem:v3+s22+$0x0], $0xffff;
	_ =	sdelay $0x3  }
0x2f7: {  	v42 =	vunpack.i.l.bf16.f32 v4  }
0x2f8: {  	v43 =	vor.u32 s18, v2;
	v4 =	vunpack.i.u.bf16.f32 v4;
	v5 =	vmul.f32 v3, v42  }
0x2f9: {  	v3 =	vmul.f32 v3, v4  }
0x2fa: {  	[tilespmem:s8+$0x0] =	vst v5  }
0x2fb: {  	[tilespmem:s8+$0x10] =	vst v3  }
0x2fc: {  	v3 =	vld [tilespmem:s1+$0x10]  }
0x2fd: {  	v44 =	vld.idx.msk [tilespmem:v43+s22+$0x0], $0xffff;
	_ =	sdelay $0x3  }
0x2fe: {  	v45 =	vunpack.i.l.bf16.f32 v3  }
0x2ff: {  	v3 =	vunpack.i.u.bf16.f32 v3;
	v5 =	vmul.f32 v44, v45  }
0x300: {  	v3 =	vmul.f32 v44, v3  }
0x301: {  	[tilespmem:s8+$0x20] =	vst v5  }
0x302: {  	[tilespmem:s8+$0x30] =	vst v3  }
0x303: {  	v3 =	vld [tilespmem:s5+$0x10]  }
0x304: {  	v46 =	vld [tilespmem:s9+$0x10];
	_ =	sdelay $0x4  }
0x305: {  	v3 =	vadd.f32 v46, v3;
	_ =	sdelay $0x1  }
0x306: {  	v4 =	vmul.f32 $2.000000030e-01, v3  }
0x307: {  	vm13 =	vgt.f32 v3, $0.0e+00  }
0x308: {  	v3 =	vsel vm13, v3, v4  }
0x309: {  	v3 =	vmul.f32 $1.442695020e+00, v3;
	_ =	sdelay $0x1  }
0x30a: {  	(erf) = vpow2.f32 v3;
	_ =	sdelay $0x5  }
0x30b: {  	s30 =	sadd.s32 $0x50, s10  }
0x30c: {  	v3 =	vor.u32 s30, v0;
	_ =	sdelay $0x1  }
0x30d: {  	v47 =	vpop (erf)  }
0x30e: {  	[tilespmem:s7+$0x10] =	vst v47  }
0x30f: {  	v4 =	vld [tilespmem:s1+$0x20]  }
0x310: {  	v3 =	vld.idx.msk [tilespmem:v3+s22+$0x0], $0xffff;
	_ =	sdelay $0x3  }
0x311: {  	v48 =	vunpack.i.l.bf16.f32 v4  }
0x312: {  	v49 =	vor.u32 s30, v2;
	v4 =	vunpack.i.u.bf16.f32 v4;
	v5 =	vmul.f32 v3, v48  }
0x313: {  	v3 =	vmul.f32 v3, v4  }
0x314: {  	[tilespmem:s8+$0x40] =	vst v5  }
0x315: {  	[tilespmem:s8+$0x50] =	vst v3  }
0x316: {  	v3 =	vld [tilespmem:s1+$0x30]  }
0x317: {  	v50 =	vld.idx.msk [tilespmem:v49+s22+$0x0], $0xffff;
	_ =	sdelay $0x3  }
0x318: {  	v51 =	vunpack.i.l.bf16.f32 v3  }
0x319: {  	v3 =	vunpack.i.u.bf16.f32 v3;
	v5 =	vmul.f32 v50, v51  }
0x31a: {  	v3 =	vmul.f32 v50, v3  }
0x31b: {  	[tilespmem:s8+$0x60] =	vst v5  }
0x31c: {  	[tilespmem:s8+$0x70] =	vst v3  }
0x31d: {  	v3 =	vld [tilespmem:s5+$0x20]  }
0x31e: {  	v52 =	vld [tilespmem:s9+$0x20];
	_ =	sdelay $0x4  }
0x31f: {  	v3 =	vadd.f32 v52, v3;
	_ =	sdelay $0x1  }
0x320: {  	v4 =	vmul.f32 $2.000000030e-01, v3  }
0x321: {  	vm14 =	vgt.f32 v3, $0.0e+00  }
0x322: {  	v3 =	vsel vm14, v3, v4  }
0x323: {  	v3 =	vmul.f32 $1.442695020e+00, v3;
	_ =	sdelay $0x1  }
0x324: {  	(erf) = vpow2.f32 v3;
	_ =	sdelay $0x5  }
0x325: {  	s31 =	sadd.s32 $0x60, s10  }
0x326: {  	v3 =	vor.u32 s31, v0;
	_ =	sdelay $0x1  }
0x327: {  	v53 =	vpop (erf)  }
0x328: {  	[tilespmem:s7+$0x20] =	vst v53  }
0x329: {  	v4 =	vld [tilespmem:s1+$0x40]  }
0x32a: {  	v3 =	vld.idx.msk [tilespmem:v3+s22+$0x0], $0xffff;
	_ =	sdelay $0x3  }
0x32b: {  	v54 =	vunpack.i.l.bf16.f32 v4  }
0x32c: {  	v55 =	vor.u32 s31, v2;
	v4 =	vunpack.i.u.bf16.f32 v4;
	v5 =	vmul.f32 v3, v54  }
0x32d: {  	v3 =	vmul.f32 v3, v4  }
0x32e: {  	[tilespmem:s8+$0x80] =	vst v5  }
0x32f: {  	[tilespmem:s8+$0x90] =	vst v3  }
0x330: {  	v3 =	vld [tilespmem:s1+$0x50]  }
0x331: {  	v56 =	vld.idx.msk [tilespmem:v55+s22+$0x0], $0xffff;
	_ =	sdelay $0x3  }
0x332: {  	v57 =	vunpack.i.l.bf16.f32 v3  }
0x333: {  	v3 =	vunpack.i.u.bf16.f32 v3;
	v5 =	vmul.f32 v56, v57  }
0x334: {  	v3 =	vmul.f32 v56, v3  }
0x335: {  	[tilespmem:s8+$0xA0] =	vst v5  }
0x336: {  	[tilespmem:s8+$0xB0] =	vst v3  }
0x337: {  	v3 =	vld [tilespmem:s5+$0x30]  }
0x338: {  	v58 =	vld [tilespmem:s9+$0x30];
	_ =	sdelay $0x4  }
0x339: {  	v3 =	vadd.f32 v58, v3;
	_ =	sdelay $0x1  }
0x33a: {  	v4 =	vmul.f32 $2.000000030e-01, v3  }
0x33b: {  	vm15 =	vgt.f32 v3, $0.0e+00  }
0x33c: {  	v3 =	vsel vm15, v3, v4  }
0x33d: {  	v3 =	vmul.f32 $1.442695020e+00, v3;
	_ =	sdelay $0x1  }
0x33e: {  	(erf) = vpow2.f32 v3;
	_ =	sdelay $0x5  }
0x33f: {  	s10 =	sadd.s32 $0x70, s10  }
0x340: {  	v3 =	vor.u32 s10, v0;
	_ =	sdelay $0x1  }
0x341: {  	v59 =	vpop (erf)  }
0x342: {  	[tilespmem:s7+$0x30] =	vst v59  }
0x343: {  	v4 =	vld [tilespmem:s1+$0x60]  }
0x344: {  	v3 =	vld.idx.msk [tilespmem:v3+s22+$0x0], $0xffff;
	_ =	sdelay $0x3  }
0x345: {  	v60 =	vunpack.i.l.bf16.f32 v4  }
0x346: {  	v61 =	vor.u32 s10, v2;
	v4 =	vunpack.i.u.bf16.f32 v4;
	v5 =	vmul.f32 v3, v60  }
0x347: {  	v3 =	vmul.f32 v3, v4  }
0x348: {  	[tilespmem:s8+$0xC0] =	vst v5  }
0x349: {  	[tilespmem:s8+$0xD0] =	vst v3  }
0x34a: {  	v3 =	vld [tilespmem:s1+$0x70]  }
0x34b: {  	v62 =	vld.idx.msk [tilespmem:v61+s22+$0x0], $0xffff;
	_ =	sdelay $0x2  }
0x34c: {  	p0 =	slt.u32 s6, $0x48  }
.Ltmp4:
0x34d: {  	v63 =	vunpack.i.l.bf16.f32 v3;
	(pc) =	sbr.rel @p0 .LBB2_10-.Ltmp4, $4  }
0x34e: {  	v3 =	vunpack.i.u.bf16.f32 v3;
	v5 =	vmul.f32 v62, v63  }
0x34f: {  	v3 =	vmul.f32 v62, v3  }
0x350: {  	s6 =	sadd.s32 $0x8, s6;
	s9 =	sadd.s32 $0x80, s9;
	s5 =	sadd.s32 $0x80, s5;
	[tilespmem:s8+$0xE0] =	vst v5  }
0x351: {  	s7 =	sadd.s32 $0x80, s7;
	s1 =	sadd.s32 $0x100, s1;
	[tilespmem:s8+$0xF0] =	vst v3;
	s8 =	sadd.s32 $0x200, s8  }
0x352: {  	s5 =	sld [smem:$0x7FC];
	_ =	sdelay $0x1  }
0x353: {  	s1 =	simm.s32 $0x0  }
0x354: {  	[hbm4b:s5+s1] =	stream.linear.scatter [tilespmem:s22], [sflag:$0x7], $0x500, $0x38;
	[tilespmem:$0x16DA0] =	vst v63  }
0x355: {  	_ =	swait.ge [sflag:s20], $0x500  }
0x356: {  	[sflag:s20] =	ssyncset.done $0x0  }
0x357: {  	s12 =	simm.s32 $0x4DD0;
	[sflag:s20] =	ssyncadd.s32 $0xFFFFFB00  }
0x358: {  	[spmem:s21] =	stream.indirect.scatter.add.f32 [tilespmem:s22], [sflag:$0x7], $0x10, s12, s11, $0xb8;
	[tilespmem:$0x16DA0] =	vst v63  }
0x359: {  	_ =	swait.ge [sflag:s20], $0x500  }
0x35a: {  	[sflag:s20] =	ssyncset.done $0x0  }
0x35b: {  	[sflag:s20] =	ssyncadd.s32 $0xFFFFFB00  }
0x35c: {  	[spmem:s17] =	stream.indirect.scatter.add.f32 [tilespmem:s15], [sflag:$0x7], $0x40, s12, s11, $0xb8;
	[tilespmem:$0x16DA0] =	vst v63  }
0x35d: {  	_ =	swait.ge [sflag:s20], $0x1400  }
0x35e: {  	[sflag:s20] =	ssyncset.done $0x0  }
0x35f: {  	[sflag:s20] =	ssyncadd.s32 $0xFFFFEC00  }
0x360: {  	s13 =	stileid.u32;
	[bflag:$0x0] =	sbarrier.arrive $0xFFFF  }
0x361: {  	s1 =	sshll.u32 s13, $0x6;
	s30 =	rddreg [dreg:$0x18]  }
0x362: {  	s1 =	sor.u32 $0x1C07, s1;
	s6 =	rddreg [dreg:$0x7];
	s18 =	sshrl.u32 s30, $0x3  }
0x363: {  	[hbm:s6], [sflag:s1] =	dma.local [spmem:s18], $0xA0  }
0x364: {  	_ =	swait.ge [sflag:s20], $0xA0  }
0x365: {  	[sflag:s20] =	ssyncset.done $0x0;
	s18 =	rddreg [dreg:$0x17]  }
0x366: {  	s7 =	rddreg [dreg:$0xf];
	[sflag:s20] =	ssyncadd.s32 $0xFFFFFF60;
	s6 =	sshrl.u32 s18, $0x3  }
0x367: {  	[hbm:s7], [sflag:s1] =	dma.local [spmem:s6], $0x280  }
0x368: {  	_ =	swait.ge [sflag:s20], $0x280  }
0x369: {  	[sflag:s20] =	ssyncset.done $0x0;
	s12 =	rddreg [dreg:$0x1a]  }
0x36a: {  	s9 =	rddreg [dreg:$0x8];
	[sflag:s20] =	ssyncadd.s32 $0xFFFFFD80;
	s8 =	sshrl.u32 s12, $0x3  }
0x36b: {  	[hbm:s9], [sflag:s1] =	dma.local [spmem:s8], $0xA0  }
0x36c: {  	_ =	swait.ge [sflag:s20], $0xA0  }
0x36d: {  	[sflag:s20] =	ssyncset.done $0x0;
	s31 =	rddreg [dreg:$0x19]  }
0x36e: {  	s13 =	rddreg [dreg:$0x10];
	[sflag:s20] =	ssyncadd.s32 $0xFFFFFF60;
	s10 =	sshrl.u32 s31, $0x3  }
0x36f: {  	[hbm:s13], [sflag:s1] =	dma.local [spmem:s10], $0x280  }
0x370: {  	_ =	swait.ge [sflag:s20], $0x280  }
0x371: {  	[sflag:s20] =	ssyncset.done $0x0;
	s10 =	rddreg [dreg:$0x1c]  }
0x372: {  	s7 =	rddreg [dreg:$0x9];
	[sflag:s20] =	ssyncadd.s32 $0xFFFFFD80;
	s6 =	sshrl.u32 s10, $0x3  }
0x373: {  	[hbm:s7], [sflag:s1] =	dma.local [spmem:s6], $0xA0  }
0x374: {  	_ =	swait.ge [sflag:s20], $0xA0  }
0x375: {  	[sflag:s20] =	ssyncset.done $0x0;
	s13 =	rddreg [dreg:$0x1b]  }
0x376: {  	s9 =	rddreg [dreg:$0x11];
	[sflag:s20] =	ssyncadd.s32 $0xFFFFFF60;
	s8 =	sshrl.u32 s13, $0x3  }
0x377: {  	[hbm:s9], [sflag:s1] =	dma.local [spmem:s8], $0x280  }
0x378: {  	_ =	swait.ge [sflag:s20], $0x280  }
0x379: {  	[sflag:s20] =	ssyncset.done $0x0;
	s6 =	rddreg [dreg:$0x1e]  }
0x37a: {  	s7 =	rddreg [dreg:$0xa];
	[sflag:s20] =	ssyncadd.s32 $0xFFFFFD80;
	s5 =	sshrl.u32 s6, $0x3  }
0x37b: {  	[hbm:s7], [sflag:s1] =	dma.local [spmem:s5], $0xA0  }
0x37c: {  	_ =	swait.ge [sflag:s20], $0xA0  }
0x37d: {  	[sflag:s20] =	ssyncset.done $0x0;
	s7 =	rddreg [dreg:$0x1d]  }
0x37e: {  	s9 =	rddreg [dreg:$0x12];
	[sflag:s20] =	ssyncadd.s32 $0xFFFFFF60;
	s8 =	sshrl.u32 s7, $0x3  }
0x37f: {  	[hbm:s9], [sflag:s1] =	dma.local [spmem:s8], $0x280  }
0x380: {  	_ =	swait.ge [sflag:s20], $0x280  }
0x381: {  	s8 =	sld [smem:$0x7F3];
	_ =	sdelay $0x1  }
0x382: {  	[sflag:s20] =	ssyncset.done $0x0  }
0x383: {  	s9 =	rddreg [dreg:$0xb];
	[sflag:s20] =	ssyncadd.s32 $0xFFFFFD80;
	s5 =	sshrl.u32 s8, $0x3  }
0x384: {  	[hbm:s9], [sflag:s1] =	dma.local [spmem:s5], $0xA0  }
0x385: {  	_ =	swait.ge [sflag:s20], $0xA0  }
0x386: {  	[sflag:s20] =	ssyncset.done $0x0;
	s9 =	rddreg [dreg:$0x1f]  }
0x387: {  	s8 =	rddreg [dreg:$0x13];
	[sflag:s20] =	ssyncadd.s32 $0xFFFFFF60;
	s6 =	sshrl.u32 s9, $0x3  }
0x388: {  	[hbm:s8], [sflag:s1] =	dma.local [spmem:s6], $0x280  }
0x389: {  	_ =	swait.ge [sflag:s20], $0x280  }
0x38a: {  	s6 =	sld [smem:$0x7F5];
	_ =	sdelay $0x1  }
0x38b: {  	[sflag:s20] =	ssyncset.done $0x0  }
0x38c: {  	s8 =	rddreg [dreg:$0xc];
	[sflag:s20] =	ssyncadd.s32 $0xFFFFFD80;
	s5 =	sshrl.u32 s6, $0x3  }
0x38d: {  	[hbm:s8], [sflag:s1] =	dma.local [spmem:s5], $0xA0  }
0x38e: {  	_ =	swait.ge [sflag:s20], $0xA0  }
0x38f: {  	s6 =	sld [smem:$0x7F4];
	_ =	sdelay $0x1  }
0x390: {  	[sflag:s20] =	ssyncset.done $0x0  }
0x391: {  	s8 =	rddreg [dreg:$0x14];
	[sflag:s20] =	ssyncadd.s32 $0xFFFFFF60;
	s5 =	sshrl.u32 s6, $0x3  }
0x392: {  	[hbm:s8], [sflag:s1] =	dma.local [spmem:s5], $0x280  }
0x393: {  	_ =	swait.ge [sflag:s20], $0x280  }
0x394: {  	s6 =	sld [smem:$0x7F7];
	_ =	sdelay $0x1  }
0x395: {  	[sflag:s20] =	ssyncset.done $0x0  }
0x396: {  	s8 =	rddreg [dreg:$0xd];
	[sflag:s20] =	ssyncadd.s32 $0xFFFFFD80;
	s5 =	sshrl.u32 s6, $0x3  }
0x397: {  	[hbm:s8], [sflag:s1] =	dma.local [spmem:s5], $0xA0  }
0x398: {  	_ =	swait.ge [sflag:s20], $0xA0  }
0x399: {  	s6 =	sld [smem:$0x7F6];
	_ =	sdelay $0x1  }
0x39a: {  	[sflag:s20] =	ssyncset.done $0x0  }
0x39b: {  	s8 =	rddreg [dreg:$0x15];
	[sflag:s20] =	ssyncadd.s32 $0xFFFFFF60;
	s5 =	sshrl.u32 s6, $0x3  }
0x39c: {  	[hbm:s8], [sflag:s1] =	dma.local [spmem:s5], $0x280  }
0x39d: {  	_ =	swait.ge [sflag:s20], $0x280  }
0x39e: {  	s6 =	sld [smem:$0x7F9];
	_ =	sdelay $0x1  }
0x39f: {  	[sflag:s20] =	ssyncset.done $0x0  }
0x3a0: {  	s8 =	rddreg [dreg:$0xe];
	[sflag:s20] =	ssyncadd.s32 $0xFFFFFD80;
	s5 =	sshrl.u32 s6, $0x3  }
0x3a1: {  	[hbm:s8], [sflag:s1] =	dma.local [spmem:s5], $0x90  }
0x3a2: {  	_ =	swait.ge [sflag:s20], $0x90  }
0x3a3: {  	s6 =	sld [smem:$0x7F8];
	_ =	sdelay $0x1  }
0x3a4: {  	[sflag:s20] =	ssyncset.done $0x0  }
0x3a5: {  	s8 =	rddreg [dreg:$0x16];
	[sflag:s20] =	ssyncadd.s32 $0xFFFFFF70;
	s5 =	sshrl.u32 s6, $0x3  }
0x3a6: {  	[hbm:s8], [sflag:s1] =	dma.local [spmem:s5], $0x240  }
0x3a7: {  	_ =	swait.ge [sflag:s20], $0x240  }
0x3a8: {  	s6 =	sld [smem:$0x7F2]  }
0x3a9: {  	s8 =	sld [smem:$0x7FD];
	_ =	sdelay $0x1  }
0x3aa: {  	s5 =	sadd.s32 $0x1, s6  }
0x3ab: {  	p0 =	sne.s32 s5, s8  }
.Ltmp5:
0x3ac: {  	_ = 	snop;
	(pc) =	sbr.rel @p0 .LBB2_1-.Ltmp5, $3  }
0x3ad: {  	_ =	sdelay $0x1  }
0x3ae: {  	[sflag:s20] =	ssyncset.done $0x0  }
0x3af: {  	[sflag:s20] =	ssyncadd.s32 $0xFFFFFDC0  }
0x3b0: {  	_ =	sfence.sel $0x180000  }
0x3b1: {  	[bflag:$0x0] =	sbarrier.arrive $0xFFFF  }
0x3b2: {  	_ =	strace $0x90000047  }
0x3b3: {  	s0 =	stileid.u32;
	[bflag:$0x2] =	sbarrier.arrive $0xFFFF  }
0x3b4: {  	p0 =	sne.s32 s0, $0x0;
	s0 =	rddreg [dreg:$0x6]  }
0x3b5: {  	s0 =	sadd.s32 @!p0 $0x100000, s0  }
0x3b6: {  	[sflag:s0] =	ssyncadd.tile.s32 @!p0 $0x1;
	_ =	shalt  }
.Lfunc_end2:
_tile_overlayer_lowered:
.L_overlay_start_2:
0x3b7: {  	(tag) =	ssettag $0x2  }
0x3b8: {  	s0 =	rddreg [dreg:$0x0];
	s2 =	stileid.u32  }
0x3b9: {  	s1 =	rddreg [dreg:$0x1];
	p0 =	sne.s32 s2, $0x0  }
0x3ba: {  	s3 =	rddreg [dreg:$0x2];
	[bflag:$0x3] =	sbarrier.arrive $0xFFFF;
	s2 =	simm.s32 @!p0 $0x1C07  }
0x3bb: {  	[timem:s3], [sflag:s2] =	dma.local @!p0 [hbm:s0], s1  }
0x3bc: {  	s0 =	simm.s32 @!p0 $0x7  }
0x3bd: {  	_ =	swait.ge @!p0 [sflag:s0], s1  }
0x3be: {  	s1 =	ssub.s32 @!p0 $0x0, s1;
	[sflag:s0] =	ssyncset.done @!p0 $0x0  }
0x3bf: {  	[sflag:s0] =	ssyncadd.s32 @!p0 s1  }
0x3c0: {  	[bflag:$0x3] =	sbarrier.arrive $0xFFFF  }
0x3c1: {  	_ =	shalt  }

// kernel: kernel.9.cloned.1.call-start
scs
__scs_entry_jumppad:
0x0: {  	(pc) =	sbr.rel $0x88, $3  }
0x1: {  	(tag) =	ssettag $0x0;
	lr =	simm.s32 $0x1  }
0x2: {  	[smem:$0x3F99] =	sst lr;
	_ =	strace $0xD0000000  }
0x3: {  	_ = 	snop  }
0x4: {  	_ = 	snop  }
0x5: {  	_ = 	snop  }
0x6: {  	_ = 	snop  }
0x7: {  	_ = 	snop  }
__scs_overlays_trampoline_lowered:
0x8: {  	[smem:$0x3FA8] =	sst s0  }
0x9: {  	[smem:$0x3FA9] =	sst s1  }
0xa: {  	[smem:$0x3FAA] =	sst s2  }
0xb: {  	[smem:$0x3FAB] =	sst s3  }
0xc: {  	[smem:$0x3FAC] =	sst s4  }
0xd: {  	[smem:$0x3FAD] =	sst s5  }
0xe: {  	[smem:$0x3FAE] =	sst s6  }
0xf: {  	[smem:$0x3FAF] =	sst s7  }
0x10: {  	[smem:$0x3FB0] =	sst s8  }
0x11: {  	[smem:$0x3FB1] =	sst s9;
	s0 =	simm.s32 @!p0 $0x0  }
0x12: {  	s1 =	sld [smem:$0x3F97];
	s0 =	simm.s32 @p0 $0x1  }
0x13: {  	[smem:$0x3FB2] =	sst s0;
	s0 =	simm.s32 @!p1 $0x0  }
0x14: {  	s2 =	sld [smem:$0x3F96];
	s0 =	simm.s32 @p1 $0x1  }
0x15: {  	[smem:$0x3FB3] =	sst s0;
	s0 =	simm.s32 @!p2 $0x0  }
0x16: {  	s3 =	sld [smem:$0x3FDB];
	s0 =	simm.s32 @p2 $0x1  }
0x17: {  	s4 =	simm.s32 $0x1BF5;
	[smem:$0x3FB5] =	sst s0  }
0x18: {  	s0 =	sld [smem:$0x3F98];
	_ =	swait.ge [sflag:s4], $0x0  }
0x19: {  	s7 =	sld [smem:$0x3F99]  }
0x1a: {  	s8 =	sadd.s32 $0xFFFFE003, lr  }
0x1b: {  	s9 =	sadd.s32 $0xFFFFFEF7, lr;
	s5 =	simm.s32 $0xFFFFFFFF;
	p2 =	slt.u32 s8, $0xFFFFF086  }
0x1c: {  	p1 =	slt.u32 s9, $0xF7A;
	s5 =	simm.s32 @!p2 $0x0  }
0x1d: {  	s5 =	simm.s32 @p1 $0x1;
	p0 =	seq.s32 s7, s2  }
0x1e: {  	s7 =	smul.u32 @!p0 $0xF7A, s2;
	p2 =	seq.s32 @!p0 s5, $0x0  }
0x1f: {  	s9 =	smul.u32 $0xF7A, s1;
	s8 =	simm.s32 @!p0 $0x1BF5;
	p2 =	por !p2, p0  }
0x20: {  	[sflag:s8] =	ssyncset.s32 @!p0 $0xFFFFF086;
	s6 =	sadd.s32 @!p0 s3, s7;
	s7 =	simm.s32 @!p0 $0x108  }
0x21: {  	s3 =	sadd.s32 s3, s9;
	s6 =	sadd.s32 @!p0 $0x88, s6;
	s7 =	simm.s32 @p2 $0x1082  }
0x22: {  	[simem:s7], [sflag:s8] =	dma.local @!p0 [hbm:s6], $0xF7A  }
0x23: {  	s9 =	sor.u32 $0xD0000000, s2;
	s6 =	simm.s32 $0x108;
	_ =	swait.ge @!p0 [sflag:s8], $0x0  }
0x24: {  	s3 =	sadd.s32 $0x88, s3;
	s6 =	simm.s32 @!p1 $0x1082;
	[sflag:s4] =	ssyncset.s32 $0xFFFFF086  }
0x25: {  	[simem:s6], [sflag:s4] =	dma.local [hbm:s3], $0xF7A  }
0x26: {  	[smem:$0x3F99] =	sst s1;
	(tag) =	ssettag s2;
	_ =	strace s9  }
0x27: {  	s1 =	sld [smem:$0x3FA9]  }
0x28: {  	s2 =	sld [smem:$0x3FAA]  }
0x29: {  	s4 =	sld [smem:$0x3FAC]  }
0x2a: {  	p0 =	seq.s32 s5, $0x0;
	s5 =	sld [smem:$0x3FAD]  }
0x2b: {  	s6 =	sld [smem:$0x3FAE]  }
0x2c: {  	s7 =	sld [smem:$0x3FAF]  }
0x2d: {  	s3 =	simm.s32 $0x108;
	s8 =	sld [smem:$0x3FB0]  }
0x2e: {  	s3 =	simm.s32 @!p0 $0x1082;
	s9 =	sld [smem:$0x3FB1]  }
0x2f: {  	lr =	sadd.s32 s0, s3;
	s0 =	sld [smem:$0x3FA8]  }
0x30: {  	s3 =	sld [smem:$0x3FAB]  }
0x31: {  	[smem:$0x3FB4] =	sst s10  }
0x32: {  	s10 =	sld [smem:$0x3FB2];
	_ =	sdelay $0x3  }
0x33: {  	p0 =	seq.s32 s10, $0x1;
	s10 =	sld [smem:$0x3FB4];
	_ =	sdelay $0x3  }
0x34: {  	[smem:$0x3FB4] =	sst s10  }
0x35: {  	s10 =	sld [smem:$0x3FB3];
	_ =	sdelay $0x3  }
0x36: {  	p1 =	seq.s32 s10, $0x1;
	s10 =	sld [smem:$0x3FB4];
	_ =	sdelay $0x3  }
0x37: {  	[smem:$0x3FB4] =	sst s10  }
0x38: {  	s10 =	sld [smem:$0x3FB5]  }
0x39: {  	_ = 	snop;
	(pc) =	sbr.ind lr, $3  }
0x3a: {  	_ = 	snop  }
0x3b: {  	_ = 	snop  }
0x3c: {  	p2 =	seq.s32 s10, $0x1;
	s10 =	sld [smem:$0x3FB4]  }
0x3d: {  	_ =	shalt  }
0x3e: {  	_ =	shalt  }
0x3f: {  	_ =	shalt  }
0x40: {  	_ =	shalt  }
0x41: {  	_ =	shalt  }
0x42: {  	_ =	shalt  }
0x43: {  	_ =	shalt  }
0x44: {  	_ =	shalt  }
0x45: {  	_ =	shalt  }
0x46: {  	_ =	shalt  }
0x47: {  	_ =	shalt  }
0x48: {  	_ =	shalt  }
0x49: {  	_ =	shalt  }
0x4a: {  	_ =	shalt  }
0x4b: {  	_ =	shalt  }
0x4c: {  	_ =	shalt  }
0x4d: {  	_ =	shalt  }
0x4e: {  	_ =	shalt  }
0x4f: {  	_ =	shalt  }
0x50: {  	_ =	shalt  }
0x51: {  	_ =	shalt  }
0x52: {  	_ =	shalt  }
0x53: {  	_ =	shalt  }
0x54: {  	_ =	shalt  }
0x55: {  	_ =	shalt  }
0x56: {  	_ =	shalt  }
0x57: {  	_ =	shalt  }
0x58: {  	_ =	shalt  }
0x59: {  	_ =	shalt  }
0x5a: {  	_ =	shalt  }
0x5b: {  	_ =	shalt  }
0x5c: {  	_ =	shalt  }
0x5d: {  	_ =	shalt  }
0x5e: {  	_ =	shalt  }
0x5f: {  	_ =	shalt  }
0x60: {  	_ =	shalt  }
0x61: {  	_ =	shalt  }
0x62: {  	_ =	shalt  }
0x63: {  	_ =	shalt  }
0x64: {  	_ =	shalt  }
0x65: {  	_ =	shalt  }
0x66: {  	_ =	shalt  }
0x67: {  	_ =	shalt  }
0x68: {  	_ =	shalt  }
0x69: {  	_ =	shalt  }
0x6a: {  	_ =	shalt  }
0x6b: {  	_ =	shalt  }
0x6c: {  	_ =	shalt  }
0x6d: {  	_ =	shalt  }
0x6e: {  	_ =	shalt  }
0x6f: {  	_ =	shalt  }
0x70: {  	_ =	shalt  }
0x71: {  	_ =	shalt  }
0x72: {  	_ =	shalt  }
0x73: {  	_ =	shalt  }
0x74: {  	_ =	shalt  }
0x75: {  	_ =	shalt  }
0x76: {  	_ =	shalt  }
0x77: {  	_ =	shalt  }
0x78: {  	_ =	shalt  }
0x79: {  	_ =	shalt  }
0x7a: {  	_ =	shalt  }
0x7b: {  	_ =	shalt  }
0x7c: {  	_ =	shalt  }
0x7d: {  	_ =	shalt  }
0x7e: {  	_ =	shalt  }
0x7f: {  	_ =	shalt  }
0x80: {  	_ =	shalt  }
0x81: {  	_ =	shalt  }
0x82: {  	_ =	shalt  }
0x83: {  	_ =	shalt  }
0x84: {  	_ =	shalt  }
0x85: {  	_ =	shalt  }
0x86: {  	_ =	shalt  }
0x87: {  	_ =	shalt  }
.Lfunc_end0:
.L_simem_size_0:
called_computation.1_lowered:
.L_overlay_start_0:
0x88: {  	s2 =	sld [smem:$0x3FD9]  }
0x89: {  	s3 =	sld [smem:$0x3FFE];
	_ =	sdelay $0x1  }
0x8a: {  	s1 =	srdreg.scid  }
0x8b: {  	s0 =	sand.u32 $0x1, s1  }
0x8c: {  	s14 =	sshll.u32 s0, $0xA;
	s2 =	sadd.s32 s3, s2  }
0x8d: {  	s2 =	sadd.s32 s2, s14  }
0x8e: {  	[smem:$0x3FC0] =	sst s2  }
0x8f: {  	_ = 	snop  }
0x90: {  	s2 =	sld [smem:$0x3FD0];
	_ =	sdelay $0x2  }
0x91: {  	s15 =	simm.s32 $0xA;
	s4 =	simm.s32 $0x10  }
0x92: {  	[smem:s4], [sflag:s15] =	dma.local [hbm:s2], $0x1  }
0x93: {  	_ =	swait.eq [sflag:s15], $0x1  }
0x94: {  	[sflag:s15] =	ssyncset.done $0x0  }
0x95: {  	s16 =	sld [smem:$0x11];
	[sflag:s15] =	ssyncadd.s32 $0xFFFFFFFF  }
0x96: {  	s17 =	sld [smem:$0x12];
	(tm) =	ssettm $0x1  }
0x97: {  	s18 =	sld [smem:$0x3FFB];
	_ =	sdelay $0x3  }
0x98: {  	_ =	strace s18  }
0x99: {  	s4 =	sld [smem:$0x3FFC];
	_ =	sdelay $0x3  }
0x9a: {  	_ =	strace s4  }
0x9b: {  	s4 =	sld [smem:$0x3FFD];
	_ =	sdelay $0x3  }
0x9c: {  	_ =	strace s4  }
0x9d: {  	_ =	strace $0x8FFFFFFF  }
0x9e: {  	s19 =	sld [smem:$0x3FDB];
	_ =	sdelay $0x1  }
0x9f: {  	s5 =	simm.s32 $_scs_section_size  }
0xa0: {  	s6 =	simm.s32 $_size__tile_overlayer_lowered;
	s7 =	simm.s32 $_tile_overlayer_lowered  }
0xa1: {  	s22 =	simm.s32 $0x1BFF;
	s21 =	sshll.u32 s7, $0x1;
	s4 =	sadd.s32 s5, s19  }
0xa2: {  	s8 =	simm.s32 $0x0;
	s20 =	sshll.u32 s6, $0x1;
	s6 =	sadd.s32 s21, s4  }
0xa3: {  	[timem:s8], [sflag:s22] =	dma.local [hbm:s6], s20  }
0xa4: {  	_ =	swait.ge [sflag:s22], s20  }
0xa5: {  	s5 =	ssub.s32 $0x0, s20;
	[sflag:s22] =	ssyncset.done $0x0  }
0xa6: {  	[sflag:s22] =	ssyncadd.s32 s5;
	_ =	sdelay $0x1  }
0xa7: {  	s23 =	simm.s32 $0x1B8B  }
0xa8: {  	_ =	swait.ge [sflag:s23], $0x1  }
0xa9: {  	[sflag:s23] =	ssyncset.done $0x0  }
0xaa: {  	s25 =	simm.s32 $0x1B8E;
	s24 =	sld [smem:$0x3FFE];
	[sflag:s23] =	ssyncadd.s32 $0xFFFFFFFF  }
0xab: {  	s26 =	simm.s32 $execute0_lowered;
	[smem:$0x3FD2] =	sst s25  }
0xac: {  	s6 =	sshll.u32 s26, $0x1;
	_ =	strace $0x80000049;
	[dreg:$0x1] =	wrdreg $0xFFFFFFFF  }
0xad: {  	s28 =	simm.s32 $_size_execute0_lowered;
	s4 =	sadd.s32 s4, s6;
	[dreg:$0x0] =	wrdreg $0x0  }
0xae: {  	s6 =	sshll.u32 s28, $0x1;
	[dreg:$0x2] =	wrdreg s4  }
0xaf: {  	[dreg:$0x3] =	wrdreg s6  }
0xb0: {  	[dreg:$0x4] =	wrdreg $0xC0  }
0xb1: {  	_ =	task [dreg:s8], $0x5FFFF  }
0xb2: {  	[dreg:$0x1] =	wrdreg $0xFFFFFFFF  }
0xb3: {  	[dreg:$0x0] =	wrdreg $0x60  }
0xb4: {  	[dreg:$0x2] =	wrdreg s24  }
0xb5: {  	[dreg:$0x3] =	wrdreg s16  }
0xb6: {  	[dreg:$0x4] =	wrdreg s17  }
0xb7: {  	[dreg:$0x5] =	wrdreg $0x9  }
0xb8: {  	_ =	task.clear_ibuf [dreg:s8], $0x6FFFF;
	_ =	strace $0x90000049  }
0xb9: {  	s29 =	simm.s32 $0x9;
	_ =	strace $0x8000004B  }
0xba: {  	_ =	swait.ge [sflag:s29], $0x1  }
0xbb: {  	[sflag:s29] =	ssyncadd.s32 $0xFFFFFFFF  }
0xbc: {  	_ =	strace $0x9000004B  }
0xbd: {  	_ =	sfence  }
0xbe: {  	s30 =	sld [smem:$0x0];
	_ =	sdelay $0x2  }
0xbf: {  	s31 =	sshll.u32 s1, $0xD;
	s1 =	sshrl.u32 s1, $0x2  }
0xc0: {  	s3 =	sand.u32 $0x4000, s31;
	s1 =	sadd.s32 s1, s30  }
0xc1: {  	s0 =	sor.u32 s3, s0;
	s1 =	sshll.u32 s1, $0x11  }
0xc2: {  	s0 =	sor.u32 s1, s0  }
0xc3: {  	s0 =	sadd.s32 $0x8F2B, s0  }
0xc4: {  	[sflag:s0] =	ssyncadd.remote.s32 $0x1  }
0xc5: {  	_ =	sfence.sel $0xFFFF  }
0xc6: {  	[dreg:$0x0] =	wrdreg $0xFFFFFFFF;
	(pc) =	sbr.abs _section_cstart, $3  }
0xc7: {  	[dreg:$0x1] =	wrdreg $0xFFFFFFFF  }
0xc8: {  	_ =	task.clear_ibuf [dreg:s8], $0x2FFFF;
	_ =	strace $0x9FFFFFFF  }
0xc9: {  	(tm) =	ssettm $0x7FFFFFFF  }
tec
execute0_lowered:
.L_overlay_start_1:
0x0: {  	(tag) =	ssettag $0x1  }
0x1: {  	s6 =	rddreg [dreg:$0x0]  }
0x2: {  	s0 =	srdreg.scid;
	s2 =	rddreg [dreg:$0x1]  }
0x3: {  	s3 =	rddreg [dreg:$0x2];
	s4 =	simm.s32 $0x0;
	s12 =	simm.s32 $0x5  }
0x4: {  	s13 =	simm.s32 $0x2710;
	s14 =	simm.s32 $0x50;
	s15 =	simm.s32 $0x2C10  }
0x5: {  	s16 =	simm.s32 $0x1;
	s17 =	simm.s32 $0x2;
	s18 =	simm.s32 $0x3610  }
0x6: {  	s19 =	simm.s32 $0x3B10;
	s20 =	simm.s32 $0x3;
	s7 =	sand.u32 $0x1, s0  }
0x7: {  	s21 =	simm.s32 $0x4;
	s0 =	stileid.u32;
	s1 =	sshll.u32 s7, $0x4  }
0x8: {  	s22 =	simm.s32 $0x0;
	[smem:$0x7FF] =	sst s4;
	s8 =	sor.u32 s0, s1  }
0x9: {  	s7 =	ssub.s32 $0x2, s7;
	s1 =	rddreg [dreg:$0x3];
	s5 =	smul.u32 $0x2710, s8  }
0xa: {  	_ =	strace $0x8000004A;
	s11 =	sshrl.u32 s7, $0x1;
	s10 =	smul.u32 $0x13880, s8  }
0xb: {  	s8 =	smul.u32 $0x4E20, s8;
	s11 =	ssub.s32 s7, s11;
	s9 =	sshrl.u32 s5, $0x3  }
0xc: {  	s11 =	smax.u32 s11, $0x1;
	s10 =	sshrl.u32 s10, $0x3;
	s9 =	sadd.s32 s9, s6  }
0xd: {  	s6 =	sadd.s32 $0x24400, s6;
	s10 =	sadd.s32 s3, s10;
	s7 =	sadd.s32 $0xB800, s9  }
0xe: {  	s8 =	sadd.s32 s6, s8;
	s9 =	sadd.s32 s3, s5;
	s10 =	sadd.s32 $0x26C0, s10  }
.LBB2_1:
0xf: {  	[tilespmem:s4], [sflag:$0x5] =	stream.linear.gather [hbm4b:s7+s4], $0x2710, $0x38;
	[tilespmem:$0x4510] =	vst v63  }
0x10: {  	_ =	swait.ge [sflag:s12], $0x2710  }
0x11: {  	[sflag:s12] =	ssyncset.done $0x0  }
0x12: {  	[sflag:s12] =	ssyncadd.s32 $0xFFFFD8F0  }
0x13: {  	[tilespmem:s13], [sflag:$0x1] =	stream.linear.gather [hbm4b:s8+s4], $0x500, $0x38;
	[tilespmem:$0x4510] =	vst v63  }
0x14: {  	s23 =	simm.s32 $0x0  }
0x15: {  	[tilespmem:s15], [sflag:$0x2] =	stream.indirect.gather [hbm4b:s2+s14], $0x10, s4, s14, $0xb8;
	[tilespmem:$0x4510] =	vst v63  }
.LBB2_2:
0x16: {  	s25 =	smul.u32 $0xA0, s23  }
0x17: {  	_ =	swait.ge [sflag:s16], $0x500  }
0x18: {  	[sflag:s16] =	ssyncset.done $0x0;
	s26 =	sadd.s32 $0x50, s25  }
0x19: {  	[sflag:s16] =	ssyncadd.s32 $0xFFFFFB00;
	s24 =	sadd.s32 s5, s26  }
0x1a: {  	_ =	swait.ge [sflag:s17], $0x500;
	s28 =	sshll.u32 s24, $0x1  }
0x1b: {  	[sflag:s17] =	ssyncset.done $0x0;
	s28 =	sand.u32 $0x1FFFFFE0, s28  }
0x1c: {  	[sflag:s17] =	ssyncadd.s32 $0xFFFFFB00;
	s28 =	sadd.s32 s6, s28  }
0x1d: {  	[tilespmem:s18], [sflag:$0x3] =	stream.linear.gather [hbm4b:s28+s4], $0x500, $0x38;
	[tilespmem:$0x4510] =	vst v63  }
0x1e: {  	s29 =	simm.s32 $0x2750  }
0x1f: {  	[tilespmem:s19], [sflag:$0x4] =	stream.indirect.gather [hbm4b:s2+s14], $0x10, s26, s14, $0xb8;
	[tilespmem:$0x4510] =	vst v63  }
0x20: {  	s26 =	simm.s32 $0x2C50;
	v0 =	vld [tilespmem:s29+$0xFFFFFFC0]  }
0x21: {  	v1 =	vld [tilespmem:s26+$0xFFFFFFC0];
	_ =	sdelay $0x4  }
0x22: {  	v0 =	vmul.f32 v1, v0  }
0x23: {  	s28 =	simm.s32 $0x3150  }
0x24: {  	[tilespmem:s28+$0xFFFFFFC0] =	vst v0  }
0x25: {  	v0 =	vld [tilespmem:s26+$0xFFFFFFD0]  }
0x26: {  	v1 =	vld [tilespmem:s29+$0xFFFFFFD0];
	_ =	sdelay $0x4  }
0x27: {  	v0 =	vmul.f32 v0, v1;
	_ =	sdelay $0x1  }
0x28: {  	[tilespmem:s28+$0xFFFFFFD0] =	vst v0  }
0x29: {  	v0 =	vld [tilespmem:s29+$0xFFFFFFE0]  }
0x2a: {  	v1 =	vld [tilespmem:s26+$0xFFFFFFE0];
	_ =	sdelay $0x4  }
0x2b: {  	v0 =	vmul.f32 v1, v0;
	_ =	sdelay $0x1  }
0x2c: {  	[tilespmem:s28+$0xFFFFFFE0] =	vst v0  }
0x2d: {  	v0 =	vld [tilespmem:s29+$0xFFFFFFF0]  }
0x2e: {  	v1 =	vld [tilespmem:s26+$0xFFFFFFF0];
	_ =	sdelay $0x4  }
0x2f: {  	v0 =	vmul.f32 v1, v0;
	_ =	sdelay $0x1  }
0x30: {  	[tilespmem:s28+$0xFFFFFFF0] =	vst v0  }
0x31: {  	v0 =	vld [tilespmem:s29+$0x0]  }
0x32: {  	v1 =	vld [tilespmem:s26+$0x0];
	_ =	sdelay $0x4  }
0x33: {  	v0 =	vmul.f32 v1, v0;
	_ =	sdelay $0x1  }
0x34: {  	[tilespmem:s28+$0x0] =	vst v0  }
0x35: {  	v0 =	vld [tilespmem:s29+$0x10]  }
0x36: {  	v1 =	vld [tilespmem:s26+$0x10];
	_ =	sdelay $0x4  }
0x37: {  	v0 =	vmul.f32 v1, v0;
	_ =	sdelay $0x1  }
0x38: {  	[tilespmem:s28+$0x10] =	vst v0  }
0x39: {  	v0 =	vld [tilespmem:s29+$0x20]  }
0x3a: {  	v1 =	vld [tilespmem:s26+$0x20];
	_ =	sdelay $0x4  }
0x3b: {  	v0 =	vmul.f32 v1, v0;
	_ =	sdelay $0x1  }
0x3c: {  	[tilespmem:s28+$0x20] =	vst v0  }
0x3d: {  	s30 =	simm.s32 $0x0;
	s31 =	simm.s32 $0x27D0;
	v0 =	vld [tilespmem:s29+$0x30];
	s29 =	simm.s32 $0x3150  }
.LBB2_3:
0x3e: {  	s30 =	sadd.s32 $0x8, s30;
	v1 =	vld [tilespmem:s26+$0x30];
	s28 =	sadd.s32 $0x80, s28;
	s26 =	sadd.s32 $0x80, s26  }
0x3f: {  	p0 =	slt.u32 s30, $0x48;
	_ =	sdelay $0x3  }
0x40: {  	v0 =	vmul.f32 v1, v0;
	_ =	sdelay $0x1  }
0x41: {  	[tilespmem:s29+$0x30] =	vst v0;
	s29 =	smov.u32 s28  }
0x42: {  	v0 =	vld [tilespmem:s31+$0xFFFFFFC0]  }
0x43: {  	v1 =	vld [tilespmem:s26+$0xFFFFFFC0];
	_ =	sdelay $0x4  }
0x44: {  	v0 =	vmul.f32 v1, v0;
	_ =	sdelay $0x1  }
0x45: {  	[tilespmem:s28+$0xFFFFFFC0] =	vst v0  }
0x46: {  	v0 =	vld [tilespmem:s26+$0xFFFFFFD0]  }
0x47: {  	v1 =	vld [tilespmem:s31+$0xFFFFFFD0];
	_ =	sdelay $0x4  }
0x48: {  	v0 =	vmul.f32 v0, v1;
	_ =	sdelay $0x1  }
0x49: {  	[tilespmem:s28+$0xFFFFFFD0] =	vst v0  }
0x4a: {  	v0 =	vld [tilespmem:s31+$0xFFFFFFE0]  }
0x4b: {  	v1 =	vld [tilespmem:s26+$0xFFFFFFE0];
	_ =	sdelay $0x4  }
0x4c: {  	v0 =	vmul.f32 v1, v0;
	_ =	sdelay $0x1  }
0x4d: {  	[tilespmem:s28+$0xFFFFFFE0] =	vst v0  }
0x4e: {  	v0 =	vld [tilespmem:s31+$0xFFFFFFF0]  }
0x4f: {  	v1 =	vld [tilespmem:s26+$0xFFFFFFF0];
	_ =	sdelay $0x4  }
0x50: {  	v0 =	vmul.f32 v1, v0;
	_ =	sdelay $0x1  }
0x51: {  	[tilespmem:s28+$0xFFFFFFF0] =	vst v0  }
0x52: {  	v0 =	vld [tilespmem:s31+$0x0]  }
0x53: {  	v1 =	vld [tilespmem:s26+$0x0];
	_ =	sdelay $0x4  }
0x54: {  	v0 =	vmul.f32 v1, v0;
	_ =	sdelay $0x1  }
0x55: {  	[tilespmem:s28+$0x0] =	vst v0  }
0x56: {  	v0 =	vld [tilespmem:s31+$0x10]  }
0x57: {  	v1 =	vld [tilespmem:s26+$0x10];
	_ =	sdelay $0x4  }
0x58: {  	v0 =	vmul.f32 v1, v0;
	_ =	sdelay $0x1  }
0x59: {  	[tilespmem:s28+$0x10] =	vst v0  }
0x5a: {  	v0 =	vld [tilespmem:s31+$0x20]  }
0x5b: {  	v1 =	vld [tilespmem:s26+$0x20];
	_ =	sdelay $0x3  }
.Ltmp0:
0x5c: {  	(pc) =	sbr.rel @p0 .LBB2_3-.Ltmp0, $3  }
0x5d: {  	v0 =	vmul.f32 v1, v0;
	_ =	sdelay $0x1  }
0x5e: {  	[tilespmem:s28+$0x20] =	vst v0  }
0x5f: {  	v0 =	vld [tilespmem:s31+$0x30];
	s31 =	sadd.s32 $0x80, s31  }
0x60: {  	v1 =	vld [tilespmem:s26+$0x30];
	_ =	sdelay $0x4  }
0x61: {  	v0 =	vmul.f32 v1, v0  }
0x62: {  	s26 =	sadd.s32 s25, s9;
	s28 =	simm.s32 $0x3110  }
0x63: {  	s30 =	simm.s32 $0x3120;
	s31 =	sadd.s32 $0x0, s26;
	[tilespmem:s29+$0x30] =	vst v0;
	s29 =	simm.s32 $0x1  }
.LBB2_5:
0x64: {  	[hbm4b:s31+s4] =	stream.linear.scatter [tilespmem:s28], [sflag:$0x5], $0x8, $0x38;
	[tilespmem:$0x4510] =	vst v63  }
0x65: {  	s31 =	smov.u32 s29;
	s28 =	smov.u32 s30;
	p0 =	sne.s32 s29, $0x4F  }
.Ltmp1:
0x66: {  	s29 =	sadd.s32 $0x1, s29;
	(pc) =	sbr.rel @p0 .LBB2_5-.Ltmp1, $2  }
0x67: {  	_ =	sdelay $0x2  }
0x68: {  	s30 =	sadd.s32 $0x10, s30;
	s31 =	sadd.s32 s31, s26  }
0x69: {  	[hbm4b:s31+s4] =	stream.linear.scatter [tilespmem:s28], [sflag:$0x5], $0x8, $0x38;
	[tilespmem:$0x4510] =	vst v63  }
0x6a: {  	_ =	swait.ge [sflag:s12], $0x280  }
0x6b: {  	[sflag:s12] =	ssyncset.done $0x0  }
0x6c: {  	[sflag:s12] =	ssyncadd.s32 $0xFFFFFD80  }
0x6d: {  	_ =	swait.ge [sflag:s20], $0x500  }
0x6e: {  	s25 =	sadd.s32 $0xA0, s25;
	[sflag:s20] =	ssyncset.done $0x0  }
0x6f: {  	s26 =	sadd.s32 s5, s25;
	[sflag:s20] =	ssyncadd.s32 $0xFFFFFB00  }
0x70: {  	s26 =	sshll.u32 s26, $0x1;
	_ =	swait.ge [sflag:s21], $0x500  }
0x71: {  	s26 =	sand.u32 $0x1FFFFFE0, s26;
	[sflag:s21] =	ssyncset.done $0x0  }
0x72: {  	s26 =	sadd.s32 s6, s26;
	[sflag:s21] =	ssyncadd.s32 $0xFFFFFB00  }
0x73: {  	[tilespmem:s13], [sflag:$0x1] =	stream.linear.gather [hbm4b:s26+s4], $0x500, $0x38;
	[tilespmem:$0x4510] =	vst v63  }
0x74: {  	s28 =	simm.s32 $0x3650  }
0x75: {  	[tilespmem:s15], [sflag:$0x2] =	stream.indirect.gather [hbm4b:s2+s14], $0x10, s25, s14, $0xb8;
	[tilespmem:$0x4510] =	vst v63  }
0x76: {  	s25 =	simm.s32 $0x3B50;
	v0 =	vld [tilespmem:s28+$0xFFFFFFC0]  }
0x77: {  	v1 =	vld [tilespmem:s25+$0xFFFFFFC0];
	_ =	sdelay $0x4  }
0x78: {  	v0 =	vmul.f32 v1, v0  }
0x79: {  	s26 =	simm.s32 $0x4050  }
0x7a: {  	[tilespmem:s26+$0xFFFFFFC0] =	vst v0  }
0x7b: {  	v0 =	vld [tilespmem:s25+$0xFFFFFFD0]  }
0x7c: {  	v1 =	vld [tilespmem:s28+$0xFFFFFFD0];
	_ =	sdelay $0x4  }
0x7d: {  	v0 =	vmul.f32 v0, v1;
	_ =	sdelay $0x1  }
0x7e: {  	[tilespmem:s26+$0xFFFFFFD0] =	vst v0  }
0x7f: {  	v0 =	vld [tilespmem:s28+$0xFFFFFFE0]  }
0x80: {  	v1 =	vld [tilespmem:s25+$0xFFFFFFE0];
	_ =	sdelay $0x4  }
0x81: {  	v0 =	vmul.f32 v1, v0;
	_ =	sdelay $0x1  }
0x82: {  	[tilespmem:s26+$0xFFFFFFE0] =	vst v0  }
0x83: {  	v0 =	vld [tilespmem:s28+$0xFFFFFFF0]  }
0x84: {  	v1 =	vld [tilespmem:s25+$0xFFFFFFF0];
	_ =	sdelay $0x4  }
0x85: {  	v0 =	vmul.f32 v1, v0;
	_ =	sdelay $0x1  }
0x86: {  	[tilespmem:s26+$0xFFFFFFF0] =	vst v0  }
0x87: {  	v0 =	vld [tilespmem:s28+$0x0]  }
0x88: {  	v1 =	vld [tilespmem:s25+$0x0];
	_ =	sdelay $0x4  }
0x89: {  	v0 =	vmul.f32 v1, v0;
	_ =	sdelay $0x1  }
0x8a: {  	[tilespmem:s26+$0x0] =	vst v0  }
0x8b: {  	v0 =	vld [tilespmem:s28+$0x10]  }
0x8c: {  	v1 =	vld [tilespmem:s25+$0x10];
	_ =	sdelay $0x4  }
0x8d: {  	v0 =	vmul.f32 v1, v0;
	_ =	sdelay $0x1  }
0x8e: {  	[tilespmem:s26+$0x10] =	vst v0  }
0x8f: {  	v0 =	vld [tilespmem:s28+$0x20]  }
0x90: {  	v1 =	vld [tilespmem:s25+$0x20];
	_ =	sdelay $0x4  }
0x91: {  	v0 =	vmul.f32 v1, v0;
	_ =	sdelay $0x1  }
0x92: {  	[tilespmem:s26+$0x20] =	vst v0  }
0x93: {  	s29 =	simm.s32 $0x0;
	s30 =	simm.s32 $0x36D0;
	v0 =	vld [tilespmem:s28+$0x30];
	s28 =	simm.s32 $0x4050  }
.LBB2_7:
0x94: {  	s29 =	sadd.s32 $0x8, s29;
	v1 =	vld [tilespmem:s25+$0x30];
	s26 =	sadd.s32 $0x80, s26;
	s25 =	sadd.s32 $0x80, s25  }
0x95: {  	p0 =	slt.u32 s29, $0x48;
	_ =	sdelay $0x3  }
0x96: {  	v0 =	vmul.f32 v1, v0;
	_ =	sdelay $0x1  }
0x97: {  	[tilespmem:s28+$0x30] =	vst v0;
	s28 =	smov.u32 s26  }
0x98: {  	v0 =	vld [tilespmem:s30+$0xFFFFFFC0]  }
0x99: {  	v1 =	vld [tilespmem:s25+$0xFFFFFFC0];
	_ =	sdelay $0x4  }
0x9a: {  	v0 =	vmul.f32 v1, v0;
	_ =	sdelay $0x1  }
0x9b: {  	[tilespmem:s26+$0xFFFFFFC0] =	vst v0  }
0x9c: {  	v0 =	vld [tilespmem:s25+$0xFFFFFFD0]  }
0x9d: {  	v1 =	vld [tilespmem:s30+$0xFFFFFFD0];
	_ =	sdelay $0x4  }
0x9e: {  	v0 =	vmul.f32 v0, v1;
	_ =	sdelay $0x1  }
0x9f: {  	[tilespmem:s26+$0xFFFFFFD0] =	vst v0  }
0xa0: {  	v0 =	vld [tilespmem:s30+$0xFFFFFFE0]  }
0xa1: {  	v1 =	vld [tilespmem:s25+$0xFFFFFFE0];
	_ =	sdelay $0x4  }
0xa2: {  	v0 =	vmul.f32 v1, v0;
	_ =	sdelay $0x1  }
0xa3: {  	[tilespmem:s26+$0xFFFFFFE0] =	vst v0  }
0xa4: {  	v0 =	vld [tilespmem:s30+$0xFFFFFFF0]  }
0xa5: {  	v1 =	vld [tilespmem:s25+$0xFFFFFFF0];
	_ =	sdelay $0x4  }
0xa6: {  	v0 =	vmul.f32 v1, v0;
	_ =	sdelay $0x1  }
0xa7: {  	[tilespmem:s26+$0xFFFFFFF0] =	vst v0  }
0xa8: {  	v0 =	vld [tilespmem:s30+$0x0]  }
0xa9: {  	v1 =	vld [tilespmem:s25+$0x0];
	_ =	sdelay $0x4  }
0xaa: {  	v0 =	vmul.f32 v1, v0;
	_ =	sdelay $0x1  }
0xab: {  	[tilespmem:s26+$0x0] =	vst v0  }
0xac: {  	v0 =	vld [tilespmem:s30+$0x10]  }
0xad: {  	v1 =	vld [tilespmem:s25+$0x10];
	_ =	sdelay $0x4  }
0xae: {  	v0 =	vmul.f32 v1, v0;
	_ =	sdelay $0x1  }
0xaf: {  	[tilespmem:s26+$0x10] =	vst v0  }
0xb0: {  	v0 =	vld [tilespmem:s30+$0x20]  }
0xb1: {  	v1 =	vld [tilespmem:s25+$0x20];
	_ =	sdelay $0x3  }
.Ltmp2:
0xb2: {  	(pc) =	sbr.rel @p0 .LBB2_7-.Ltmp2, $3  }
0xb3: {  	v0 =	vmul.f32 v1, v0;
	_ =	sdelay $0x1  }
0xb4: {  	[tilespmem:s26+$0x20] =	vst v0  }
0xb5: {  	v0 =	vld [tilespmem:s30+$0x30];
	s30 =	sadd.s32 $0x80, s30  }
0xb6: {  	v1 =	vld [tilespmem:s25+$0x30];
	_ =	sdelay $0x4  }
0xb7: {  	v0 =	vmul.f32 v1, v0  }
0xb8: {  	s24 =	sadd.s32 s3, s24;
	s25 =	simm.s32 $0x4010  }
0xb9: {  	s26 =	simm.s32 $0x1;
	s29 =	sadd.s32 $0x0, s24;
	[tilespmem:s28+$0x30] =	vst v0;
	s28 =	simm.s32 $0x4020  }
.LBB2_9:
0xba: {  	[hbm4b:s29+s4] =	stream.linear.scatter [tilespmem:s25], [sflag:$0x5], $0x8, $0x38;
	[tilespmem:$0x4510] =	vst v63  }
0xbb: {  	s29 =	smov.u32 s26;
	s25 =	smov.u32 s28;
	p0 =	sne.s32 s26, $0x4F  }
.Ltmp3:
0xbc: {  	s26 =	sadd.s32 $0x1, s26;
	(pc) =	sbr.rel @p0 .LBB2_9-.Ltmp3, $2  }
0xbd: {  	_ =	sdelay $0x2  }
0xbe: {  	s28 =	sadd.s32 $0x10, s28;
	s29 =	sadd.s32 s29, s24  }
0xbf: {  	s23 =	sadd.s32 $0x1, s23  }
0xc0: {  	p0 =	sne.s32 s23, $0x3E  }
.Ltmp4:
0xc1: {  	_ = 	snop;
	(pc) =	sbr.rel @p0 .LBB2_2-.Ltmp4, $4  }
0xc2: {  	[hbm4b:s29+s4] =	stream.linear.scatter [tilespmem:s25], [sflag:$0x5], $0x8, $0x38;
	[tilespmem:$0x4510] =	vst v63  }
0xc3: {  	_ =	swait.ge [sflag:s12], $0x280  }
0xc4: {  	[sflag:s12] =	ssyncset.done $0x0  }
0xc5: {  	[sflag:s12] =	ssyncadd.s32 $0xFFFFFD80  }
0xc6: {  	_ =	swait.ge [sflag:s16], $0x500  }
0xc7: {  	[sflag:s16] =	ssyncset.done $0x0  }
0xc8: {  	[sflag:s16] =	ssyncadd.s32 $0xFFFFFB00  }
0xc9: {  	_ =	swait.ge [sflag:s17], $0x500  }
0xca: {  	[sflag:s17] =	ssyncset.done $0x0  }
0xcb: {  	s25 =	simm.s32 $0x2750;
	[sflag:s17] =	ssyncadd.s32 $0xFFFFFB00  }
0xcc: {  	s23 =	simm.s32 $0x2C50;
	v0 =	vld [tilespmem:s25+$0xFFFFFFC0]  }
0xcd: {  	v1 =	vld [tilespmem:s23+$0xFFFFFFC0];
	_ =	sdelay $0x4  }
0xce: {  	v0 =	vmul.f32 v1, v0  }
0xcf: {  	s24 =	simm.s32 $0x3150  }
0xd0: {  	[tilespmem:s24+$0xFFFFFFC0] =	vst v0  }
0xd1: {  	v0 =	vld [tilespmem:s23+$0xFFFFFFD0]  }
0xd2: {  	v1 =	vld [tilespmem:s25+$0xFFFFFFD0];
	_ =	sdelay $0x4  }
0xd3: {  	v0 =	vmul.f32 v0, v1;
	_ =	sdelay $0x1  }
0xd4: {  	[tilespmem:s24+$0xFFFFFFD0] =	vst v0  }
0xd5: {  	v0 =	vld [tilespmem:s25+$0xFFFFFFE0]  }
0xd6: {  	v1 =	vld [tilespmem:s23+$0xFFFFFFE0];
	_ =	sdelay $0x4  }
0xd7: {  	v0 =	vmul.f32 v1, v0;
	_ =	sdelay $0x1  }
0xd8: {  	[tilespmem:s24+$0xFFFFFFE0] =	vst v0  }
0xd9: {  	v0 =	vld [tilespmem:s25+$0xFFFFFFF0]  }
0xda: {  	v1 =	vld [tilespmem:s23+$0xFFFFFFF0];
	_ =	sdelay $0x4  }
0xdb: {  	v0 =	vmul.f32 v1, v0;
	_ =	sdelay $0x1  }
0xdc: {  	[tilespmem:s24+$0xFFFFFFF0] =	vst v0  }
0xdd: {  	v0 =	vld [tilespmem:s25+$0x0]  }
0xde: {  	v1 =	vld [tilespmem:s23+$0x0];
	_ =	sdelay $0x4  }
0xdf: {  	v0 =	vmul.f32 v1, v0;
	_ =	sdelay $0x1  }
0xe0: {  	[tilespmem:s24+$0x0] =	vst v0  }
0xe1: {  	v0 =	vld [tilespmem:s25+$0x10]  }
0xe2: {  	v1 =	vld [tilespmem:s23+$0x10];
	_ =	sdelay $0x4  }
0xe3: {  	v0 =	vmul.f32 v1, v0;
	_ =	sdelay $0x1  }
0xe4: {  	[tilespmem:s24+$0x10] =	vst v0  }
0xe5: {  	v0 =	vld [tilespmem:s25+$0x20]  }
0xe6: {  	v1 =	vld [tilespmem:s23+$0x20];
	_ =	sdelay $0x4  }
0xe7: {  	v0 =	vmul.f32 v1, v0;
	_ =	sdelay $0x1  }
0xe8: {  	[tilespmem:s24+$0x20] =	vst v0  }
0xe9: {  	s26 =	simm.s32 $0x0;
	s28 =	simm.s32 $0x27D0;
	v0 =	vld [tilespmem:s25+$0x30];
	s25 =	simm.s32 $0x3150  }
.LBB2_12:
0xea: {  	s26 =	sadd.s32 $0x8, s26;
	v1 =	vld [tilespmem:s23+$0x30];
	s24 =	sadd.s32 $0x80, s24;
	s23 =	sadd.s32 $0x80, s23  }
0xeb: {  	p0 =	slt.u32 s26, $0x48;
	_ =	sdelay $0x3  }
0xec: {  	v0 =	vmul.f32 v1, v0;
	_ =	sdelay $0x1  }
0xed: {  	[tilespmem:s25+$0x30] =	vst v0;
	s25 =	smov.u32 s24  }
0xee: {  	v0 =	vld [tilespmem:s28+$0xFFFFFFC0]  }
0xef: {  	v1 =	vld [tilespmem:s23+$0xFFFFFFC0];
	_ =	sdelay $0x4  }
0xf0: {  	v0 =	vmul.f32 v1, v0;
	_ =	sdelay $0x1  }
0xf1: {  	[tilespmem:s24+$0xFFFFFFC0] =	vst v0  }
0xf2: {  	v0 =	vld [tilespmem:s23+$0xFFFFFFD0]  }
0xf3: {  	v1 =	vld [tilespmem:s28+$0xFFFFFFD0];
	_ =	sdelay $0x4  }
0xf4: {  	v0 =	vmul.f32 v0, v1;
	_ =	sdelay $0x1  }
0xf5: {  	[tilespmem:s24+$0xFFFFFFD0] =	vst v0  }
0xf6: {  	v0 =	vld [tilespmem:s28+$0xFFFFFFE0]  }
0xf7: {  	v1 =	vld [tilespmem:s23+$0xFFFFFFE0];
	_ =	sdelay $0x4  }
0xf8: {  	v0 =	vmul.f32 v1, v0;
	_ =	sdelay $0x1  }
0xf9: {  	[tilespmem:s24+$0xFFFFFFE0] =	vst v0  }
0xfa: {  	v0 =	vld [tilespmem:s28+$0xFFFFFFF0]  }
0xfb: {  	v1 =	vld [tilespmem:s23+$0xFFFFFFF0];
	_ =	sdelay $0x4  }
0xfc: {  	v0 =	vmul.f32 v1, v0;
	_ =	sdelay $0x1  }
0xfd: {  	[tilespmem:s24+$0xFFFFFFF0] =	vst v0  }
0xfe: {  	v0 =	vld [tilespmem:s28+$0x0]  }
0xff: {  	v1 =	vld [tilespmem:s23+$0x0];
	_ =	sdelay $0x4  }
0x100: {  	v0 =	vmul.f32 v1, v0;
	_ =	sdelay $0x1  }
0x101: {  	[tilespmem:s24+$0x0] =	vst v0  }
0x102: {  	v0 =	vld [tilespmem:s28+$0x10]  }
0x103: {  	v1 =	vld [tilespmem:s23+$0x10];
	_ =	sdelay $0x4  }
0x104: {  	v0 =	vmul.f32 v1, v0;
	_ =	sdelay $0x1  }
0x105: {  	[tilespmem:s24+$0x10] =	vst v0  }
0x106: {  	v0 =	vld [tilespmem:s28+$0x20]  }
0x107: {  	v1 =	vld [tilespmem:s23+$0x20];
	_ =	sdelay $0x3  }
.Ltmp5:
0x108: {  	(pc) =	sbr.rel @p0 .LBB2_12-.Ltmp5, $3  }
0x109: {  	v0 =	vmul.f32 v1, v0;
	_ =	sdelay $0x1  }
0x10a: {  	[tilespmem:s24+$0x20] =	vst v0  }
0x10b: {  	v0 =	vld [tilespmem:s28+$0x30];
	s28 =	sadd.s32 $0x80, s28  }
0x10c: {  	v1 =	vld [tilespmem:s23+$0x30];
	_ =	sdelay $0x4  }
0x10d: {  	v0 =	vmul.f32 v1, v0  }
0x10e: {  	s23 =	simm.s32 $0x3110  }
0x10f: {  	s24 =	simm.s32 $0x1;
	s26 =	sadd.s32 $0x0, s10;
	[tilespmem:s25+$0x30] =	vst v0;
	s25 =	simm.s32 $0x3120  }
.LBB2_14:
0x110: {  	[hbm4b:s26+s4] =	stream.linear.scatter [tilespmem:s23], [sflag:$0x5], $0x8, $0x38;
	[tilespmem:$0x4510] =	vst v63  }
0x111: {  	s26 =	smov.u32 s24;
	s23 =	smov.u32 s25;
	p0 =	sne.s32 s24, $0x4F  }
.Ltmp6:
0x112: {  	s24 =	sadd.s32 $0x1, s24;
	(pc) =	sbr.rel @p0 .LBB2_14-.Ltmp6, $2  }
0x113: {  	_ =	sdelay $0x2  }
0x114: {  	s25 =	sadd.s32 $0x10, s25;
	s26 =	sadd.s32 s26, s10  }
0x115: {  	s22 =	sadd.s32 $0x1, s22  }
0x116: {  	p0 =	sne.s32 s22, s11  }
.Ltmp7:
0x117: {  	_ = 	snop;
	(pc) =	sbr.rel @p0 .LBB2_1-.Ltmp7, $4  }
0x118: {  	[hbm4b:s26+s4] =	stream.linear.scatter [tilespmem:s23], [sflag:$0x5], $0x8, $0x38;
	[tilespmem:$0x4510] =	vst v63  }
0x119: {  	_ =	swait.ge [sflag:s12], $0x280  }
0x11a: {  	[sflag:s12] =	ssyncset.done $0x0  }
0x11b: {  	[sflag:s12] =	ssyncadd.s32 $0xFFFFFD80  }
0x11c: {  	_ =	sfence.sel $0x180000  }
0x11d: {  	[bflag:$0x0] =	sbarrier.arrive $0xFFFF  }
0x11e: {  	p0 =	sne.s32 s0, $0x0;
	_ =	strace $0x9000004A  }
0x11f: {  	s0 =	sadd.s32 @!p0 $0x100000, s1;
	[bflag:$0x2] =	sbarrier.arrive $0xFFFF  }
0x120: {  	[sflag:s0] =	ssyncadd.tile.s32 @!p0 $0x1;
	_ =	shalt  }
.Lfunc_end2:
_tile_overlayer_lowered:
.L_overlay_start_2:
0x121: {  	(tag) =	ssettag $0x2  }
0x122: {  	s0 =	rddreg [dreg:$0x0];
	s2 =	stileid.u32  }
0x123: {  	s1 =	rddreg [dreg:$0x1];
	p0 =	sne.s32 s2, $0x0  }
0x124: {  	s3 =	rddreg [dreg:$0x2];
	[bflag:$0x3] =	sbarrier.arrive $0xFFFF;
	s2 =	simm.s32 @!p0 $0x1C05  }
0x125: {  	[timem:s3], [sflag:s2] =	dma.local @!p0 [hbm:s0], s1  }
0x126: {  	s0 =	simm.s32 @!p0 $0x5  }
0x127: {  	_ =	swait.ge @!p0 [sflag:s0], s1  }
0x128: {  	s1 =	ssub.s32 @!p0 $0x0, s1;
	[sflag:s0] =	ssyncset.done @!p0 $0x0  }
0x129: {  	[sflag:s0] =	ssyncadd.s32 @!p0 s1  }
0x12a: {  	[bflag:$0x3] =	sbarrier.arrive $0xFFFF  }
0x12b: {  	_ =	shalt  }

</sc_bundles>
